<compile_context>
chip_gen: v7x
topology: tpu7x:2x2x1
jax: 0.10.2.dev20260603
libtpu: 0.0.44.dev20260713+nightly
codegen_flags: <defaults>
</compile_context>

<pallas_src>
import functools

import jax
import jax.numpy as jnp
import numpy as np
from jax import lax
from jax.experimental import pallas as pl
from jax.experimental.pallas import tpu as pltpu
from jax.experimental.pallas import tpu_sc as plsc

_ND = 10000
_NP = 10240
_DF = 128
_H = 128
_E = 160000
_EP = 163840
_EW = 5120
_NC = 40
_CB = 128
_RPW = 640
_NB = 10
_BLK = 1024


def _make_pe():
    pos = np.arange(1, 3, dtype=np.float64)[:, None]
    ks = np.arange(0, _H, 2, dtype=np.float64)
    div = np.exp(ks * -np.log(100000.0) / _H)
    pe = np.zeros((2, _H), dtype=np.float64)
    pe[:, 0::2] = np.sin(pos * div)
    pe[:, 1::2] = np.cos(pos * div)
    return jnp.asarray(pe, dtype=jnp.float32)



def _seg_body(h_dev, h_usr, sidx, didx, zrows,
              out_sum,
              sidx_v, didx_v, rows_a, rows_b, acc_sh,
              gs_a, gs_b, ss_a, ss_b):
    cid = lax.axis_index("c")
    sid = lax.axis_index("s")
    wid = sid * 2 + cid

    for r, table in enumerate((h_usr, h_dev, h_dev)):
        pltpu.sync_copy(zrows, acc_sh.at[pl.ds(sid * _RPW, _RPW)])
        pltpu.sync_copy(sidx.at[r * 32 + wid], sidx_v)
        pltpu.sync_copy(didx.at[r * 32 + wid], didx_v)
        plsc.subcore_barrier()

        def fire(j, buf, gsem):
            return pltpu.async_copy(table.at[sidx_v.at[j]], buf, gsem)

        def scat(j, buf, ssem):
            return pltpu.async_copy(buf, acc_sh.at[didx_v.at[j]], ssem,
                                    add=True)

        def quad(i, carry):
            j = 4 * i
            ca = fire(j, rows_a, gs_a)
            cb = fire(j + 1, rows_b, gs_b)
            ca.wait()
            sa = scat(j, rows_a, ss_a)
            cb.wait()
            sb = scat(j + 1, rows_b, ss_b)
            sa.wait()
            ca = fire(j + 2, rows_a, gs_a)
            sb.wait()
            cb = fire(j + 3, rows_b, gs_b)
            ca.wait()
            sa = scat(j + 2, rows_a, ss_a)
            cb.wait()
            sb = scat(j + 3, rows_b, ss_b)
            sa.wait()
            sb.wait()
            return carry

        lax.fori_loop(0, _NC // 4, quad, 0)
        plsc.subcore_barrier()

        pltpu.sync_copy(acc_sh.at[pl.ds(sid * _RPW, _RPW)],
                        out_sum.at[r * 2 + cid, pl.ds(sid * _RPW, _RPW)])


@functools.cache
def _get_seg():
    return pl.kernel(
        _seg_body,
        out_type=jax.ShapeDtypeStruct((6, _NP, _H), jnp.float32),
        mesh=plsc.VectorSubcoreMesh(core_axis_name="c", subcore_axis_name="s"),
        scratch_types=[
            pltpu.VMEM((_NC, _CB), jnp.int32),
            pltpu.VMEM((_NC, _CB), jnp.int32),
            pltpu.VMEM((_CB, _H), jnp.float32),
            pltpu.VMEM((_CB, _H), jnp.float32),
            pltpu.VMEM_SHARED((_NP, _H), jnp.float32),
            pltpu.SemaphoreType.DMA,
            pltpu.SemaphoreType.DMA,
            pltpu.SemaphoreType.DMA,
            pltpu.SemaphoreType.DMA,
        ],
    )


def _cntw_body(didx, zrows, ones_rows,
               out_cnt,
               didx_v, ones_v, cnt_sh, ss_a, ss_b):
    cid = lax.axis_index("c")
    sid = lax.axis_index("s")
    wid = sid * 2 + cid

    pltpu.sync_copy(ones_rows, ones_v)
    for r in range(6):
        pltpu.sync_copy(zrows, cnt_sh.at[pl.ds(sid * _RPW, _RPW)])
        pltpu.sync_copy(didx.at[r * 32 + wid], didx_v)
        plsc.subcore_barrier()

        def pair(i, carry):
            ja = 2 * i
            s_a = pltpu.async_copy(ones_v, cnt_sh.at[didx_v.at[ja]], ss_a,
                                   add=True)
            s_b = pltpu.async_copy(ones_v, cnt_sh.at[didx_v.at[ja + 1]],
                                   ss_b, add=True)
            s_a.wait()
            s_b.wait()
            return carry

        lax.fori_loop(0, _NC // 2, pair, 0)
        plsc.subcore_barrier()

        pltpu.sync_copy(cnt_sh.at[pl.ds(sid * _RPW, _RPW)],
                        out_cnt.at[r * 2 + cid, pl.ds(sid * _RPW, _RPW)])


@functools.cache
def _get_cntw():
    return pl.kernel(
        _cntw_body,
        out_type=jax.ShapeDtypeStruct((12, _NP, _H), jnp.float32),
        mesh=plsc.VectorSubcoreMesh(core_axis_name="c", subcore_axis_name="s"),
        scratch_types=[
            pltpu.VMEM((_NC, _CB), jnp.int32),
            pltpu.VMEM((_CB, _H), jnp.float32),
            pltpu.VMEM_SHARED((_NP, _H), jnp.float32),
            pltpu.SemaphoreType.DMA,
            pltpu.SemaphoreType.DMA,
        ],
    )



def _proj_body(x_ref, w_ref, b_ref, o_ref):
    o_ref[...] = jnp.maximum(
        jnp.dot(x_ref[...], w_ref[...], preferred_element_type=jnp.float32)
        + b_ref[...], 0.0)


def _proj(x, w, b):
    return pl.pallas_call(
        _proj_body,
        grid=(_NB,),
        in_specs=[pl.BlockSpec((_BLK, _DF), lambda i: (i, 0)),
                  pl.BlockSpec((_DF, _H), lambda i: (0, 0)),
                  pl.BlockSpec((1, _H), lambda i: (0, 0))],
        out_specs=pl.BlockSpec((_BLK, _H), lambda i: (i, 0)),
        out_shape=jax.ShapeDtypeStruct((_NP, _H), jnp.float32),
    )(x, w, b)


def _dense_body(sum_ud, cnt_ud, sum_dd, cnt_dd, sum_du, cnt_du,
                h_dev, h_usr,
                wl_ud, bl_ud, wr_ud, wl_dd, bl_dd, wr_dd,
                wl_du, bl_du, wr_du, wa1, ba1, wa2, wd,
                ms_ud, ms_dd, ms_du, ws_ud, ws_dd, a_ud, a_dd):
    b = pl.program_id(0)
    ids = lax.broadcasted_iota(jnp.int32, (_BLK, 1), 0) + b * _BLK
    mask = (ids < _ND).astype(jnp.float32)

    def sage(s_ref, c_ref, wl, bl, wr, hd):
        s = s_ref[0] + s_ref[1]
        c = (c_ref[0, :, 0:1] + c_ref[1, :, 0:1]).astype(jnp.float32)
        mean = s / jnp.maximum(c, 1.0)
        return jnp.maximum(
            jnp.dot(mean, wl[...], preferred_element_type=jnp.float32)
            + bl[...]
            + jnp.dot(hd, wr[...], preferred_element_type=jnp.float32), 0.0)

    m_ud = sage(sum_ud, cnt_ud, wl_ud, bl_ud, wr_ud, h_dev[...])
    m_dd = sage(sum_dd, cnt_dd, wl_dd, bl_dd, wr_dd, h_dev[...])
    m_du = sage(sum_du, cnt_du, wl_du, bl_du, wr_du, h_usr[...])

    @pl.when(b == 0)
    def _():
        ms_ud[...] = jnp.zeros_like(ms_ud)
        ms_dd[...] = jnp.zeros_like(ms_dd)
        ms_du[...] = jnp.zeros_like(ms_du)
        ws_ud[...] = jnp.zeros_like(ws_ud)
        ws_dd[...] = jnp.zeros_like(ws_dd)

    ms_ud[...] += jnp.sum(m_ud * mask, axis=0, keepdims=True)
    ms_dd[...] += jnp.sum(m_dd * mask, axis=0, keepdims=True)
    ms_du[...] += jnp.sum(m_du * mask, axis=0, keepdims=True)

    def att(m):
        t = jnp.tanh(jnp.dot(m, wa1[...], preferred_element_type=jnp.float32)
                     + ba1[...])
        return jnp.dot(t, wa2[...], preferred_element_type=jnp.float32)

    ws_ud[...] += jnp.sum(att(m_ud) * mask).reshape(1, 1)
    ws_dd[...] += jnp.sum(att(m_dd) * mask).reshape(1, 1)
    a_ud[...] = jnp.dot(m_ud, wd[...], preferred_element_type=jnp.float32)
    a_dd[...] = jnp.dot(m_dd, wd[...], preferred_element_type=jnp.float32)


def _dense(sums6, cnt12, h_dev, h_usr, p, t):
    full = lambda shp: pl.BlockSpec(shp, lambda i: tuple(0 for _ in shp))
    rel = lambda rr: pl.BlockSpec((2, _BLK, _H),
                                  lambda i, rr=rr: (rr, i, 0))
    return pl.pallas_call(
        _dense_body,
        grid=(_NB,),
        in_specs=[
            rel(0), rel(3 * t + 0),
            rel(2), rel(3 * t + 2),
            rel(1), rel(3 * t + 1),
            pl.BlockSpec((_BLK, _H), lambda i: (i, 0)),
            pl.BlockSpec((_BLK, _H), lambda i: (i, 0)),
            full((_H, _H)), full((1, _H)), full((_H, _H)),
            full((_H, _H)), full((1, _H)), full((_H, _H)),
            full((_H, _H)), full((1, _H)), full((_H, _H)),
            full((_H, _H)), full((1, _H)), full((_H, 1)), full((_H, 1)),
        ],
        out_specs=[
            full((1, _H)), full((1, _H)), full((1, _H)),
            full((1, 1)), full((1, 1)),
            pl.BlockSpec((_BLK, 1), lambda i: (i, 0)),
            pl.BlockSpec((_BLK, 1), lambda i: (i, 0)),
        ],
        out_shape=[
            jax.ShapeDtypeStruct((1, _H), jnp.float32),
            jax.ShapeDtypeStruct((1, _H), jnp.float32),
            jax.ShapeDtypeStruct((1, _H), jnp.float32),
            jax.ShapeDtypeStruct((1, 1), jnp.float32),
            jax.ShapeDtypeStruct((1, 1), jnp.float32),
            jax.ShapeDtypeStruct((_NP, 1), jnp.float32),
            jax.ShapeDtypeStruct((_NP, 1), jnp.float32),
        ],
    )(sums6, cnt12, sums6, cnt12, sums6, cnt12, h_dev, h_usr,
      p['Wl_ud'], p['bl_ud'], p['Wr_ud'], p['Wl_dd'], p['bl_dd'], p['Wr_dd'],
      p['Wl_du'], p['bl_du'], p['Wr_du'], p['Wa1'], p['ba1'], p['wa2'],
      p['Wd'])


def _head_body(ms_ud0, ms_dd0, ms_du0, ws_ud0, ws_dd0,
               ms_ud1, ms_dd1, ms_du1, ws_ud1, ws_dd1,
               a_ud1, a_dd1, pe,
               wt, bt, wq, wk, wv, wf, bf, wc, bc, bd,
               snap_out, dl_out):
    inv_n = 1.0 / float(_ND)

    def beta(wu_ref, wd_ref):
        wu = wu_ref[0, 0] * inv_n
        wd = wd_ref[0, 0] * inv_n
        m = jnp.maximum(wu, wd)
        eu = jnp.exp(wu - m)
        ed = jnp.exp(wd - m)
        return eu / (eu + ed), ed / (eu + ed)

    bu0, bd0 = beta(ws_ud0, ws_dd0)
    bu1, bd1 = beta(ws_ud1, ws_dd1)

    dev0 = (bu0 * ms_ud0[...] + bd0 * ms_dd0[...]) * inv_n
    dev1 = (bu1 * ms_ud1[...] + bd1 * ms_dd1[...]) * inv_n
    e0 = jnp.concatenate([dev0, ms_du0[...] * inv_n], axis=1)
    e1 = jnp.concatenate([dev1, ms_du1[...] * inv_n], axis=1)
    seq = jnp.concatenate([e0, e1], axis=0)

    h = (jnp.dot(seq, wt[...], preferred_element_type=jnp.float32)
         + bt[...] + pe[...])
    q = jnp.dot(h, wq[...], preferred_element_type=jnp.float32)
    k = jnp.dot(h, wk[...], preferred_element_type=jnp.float32)
    v = jnp.dot(h, wv[...], preferred_element_type=jnp.float32)
    s = lax.dot_general(q, k, (((1,), (1,)), ((), ())),
                        preferred_element_type=jnp.float32)
    smax = jnp.max(s, axis=1, keepdims=True)
    es = jnp.exp(s - smax)
    score = es / jnp.sum(es, axis=1, keepdims=True)
    av = jnp.dot(score, v, preferred_element_type=jnp.float32)
    out = jnp.maximum(
        jnp.dot(av, wf[...], preferred_element_type=jnp.float32) + bf[...],
        0.0)
    snap = jnp.dot(out, wc[...], preferred_element_type=jnp.float32) + bc[...]
    snap_out[...] = snap[1:2, :]
    dl_out[...] = bu1 * a_ud1[...] + bd1 * a_dd1[...] + bd[...]


def _head(args):
    full_specs = [pl.BlockSpec(a.shape, lambda *_: tuple(0 for _ in a.shape))
                  for a in args]
    return pl.pallas_call(
        _head_body,
        in_specs=full_specs,
        out_specs=[pl.BlockSpec((1, 1), lambda *_: (0, 0)),
                   pl.BlockSpec((_NP, 1), lambda *_: (0, 0))],
        out_shape=[jax.ShapeDtypeStruct((1, 1), jnp.float32),
                   jax.ShapeDtypeStruct((_NP, 1), jnp.float32)],
    )(*args)



def _prep_edges(ei):
    src = jnp.concatenate([ei[0], jnp.zeros((_EP - _E,), jnp.int32)])
    dst = jnp.concatenate([ei[1], jnp.full((_EP - _E,), _ND + 100, jnp.int32)])
    return (src.reshape(32, _NC, _CB), dst.reshape(32, _NC, _CB))


def kernel(x_dev_0, x_usr_0, x_dev_1, x_usr_1, ei_ud_0, ei_du_0, ei_dd_0,
           ei_ud_1, ei_du_1, ei_dd_1, Wp_dev, bp_dev, Wp_usr, bp_usr,
           Wl_ud, bl_ud, Wr_ud, Wl_du, bl_du, Wr_du, Wl_dd, bl_dd, Wr_dd,
           Wa1, ba1, wa2, Wt, bt, Wq, Wk, Wv, Wf, bf, Wc, bc, Wd, bd):
    f32 = jnp.float32
    pad = lambda x: jnp.pad(x, ((0, _NP - _ND), (0, 0)))
    row = lambda v: v.reshape(1, -1).astype(f32)

    h_dev0 = _proj(pad(x_dev_0), Wp_dev, row(bp_dev))
    h_usr0 = _proj(pad(x_usr_0), Wp_usr, row(bp_usr))
    h_dev1 = _proj(pad(x_dev_1), Wp_dev, row(bp_dev))
    h_usr1 = _proj(pad(x_usr_1), Wp_usr, row(bp_usr))

    zrows = jnp.zeros((_RPW, _H), f32)
    ones_rows = jnp.ones((_CB, _H), f32)

    edges = [_prep_edges(e) for e in (ei_ud_0, ei_du_0, ei_dd_0,
                                      ei_ud_1, ei_du_1, ei_dd_1)]
    didx_all = jnp.stack([d for _, d in edges]).reshape(6 * 32, _NC, _CB)
    cnt12 = _get_cntw()(didx_all, zrows, ones_rows)
    sums6 = []
    for t, (h_dev, h_usr) in enumerate(((h_dev0, h_usr0), (h_dev1, h_usr1))):
        s3 = jnp.stack([edges[3 * t + r][0] for r in range(3)]
                       ).reshape(96, _NC, _CB)
        d3 = jnp.stack([edges[3 * t + r][1] for r in range(3)]
                       ).reshape(96, _NC, _CB)
        sums6.append(_get_seg()(h_dev, h_usr, s3, d3, zrows))

    p = {'Wl_ud': Wl_ud, 'bl_ud': row(bl_ud), 'Wr_ud': Wr_ud,
         'Wl_dd': Wl_dd, 'bl_dd': row(bl_dd), 'Wr_dd': Wr_dd,
         'Wl_du': Wl_du, 'bl_du': row(bl_du), 'Wr_du': Wr_du,
         'Wa1': Wa1, 'ba1': row(ba1), 'wa2': wa2, 'Wd': Wd}

    res = []
    for t, (h_dev, h_usr) in enumerate(((h_dev0, h_usr0), (h_dev1, h_usr1))):
        res.append(_dense(sums6[t], cnt12, h_dev, h_usr, p, t))

    (ms_ud0, ms_dd0, ms_du0, ws_ud0, ws_dd0, _, _) = res[0]
    (ms_ud1, ms_dd1, ms_du1, ws_ud1, ws_dd1, a_ud1, a_dd1) = res[1]

    snap, dl = _head([
        ms_ud0, ms_dd0, ms_du0, ws_ud0, ws_dd0,
        ms_ud1, ms_dd1, ms_du1, ws_ud1, ws_dd1,
        a_ud1, a_dd1, _make_pe(),
        Wt, row(bt), Wq, Wk, Wv, Wf, row(bf), Wc,
        bc.reshape(1, 1).astype(f32), bd.reshape(1, 1).astype(f32)])

    return (snap.reshape(1), dl[:_ND, 0])

# --- scband reference (transcript-rebuilt; emitter-appended) ---
"""Pipeline reference for scband-official-core-htgnn-56495999811605 (READ-ONLY COPY).

The authoritative reference and input builder live on the scoring server;
editing this copy changes nothing except your own understanding.
"""

import jax, jax.numpy as jnp
import numpy as np

ND = 10000
NU = 10000
DF = 128
H = 128
S = 2
E = 160000

def make_pe(d, L):
    pos = np.arange(1, L + 1, dtype=np.float64)[:, None]
    ks = np.arange(0, d, 2, dtype=np.float64)
    div = np.exp(ks * -np.log(100000.0) / d)
    pe = np.zeros((L, d), dtype=np.float64)
    pe[:, 0::2] = np.sin(pos * div)
    pe[:, 1::2] = np.cos(pos * div)
    return jnp.asarray(pe, dtype=jnp.float32)

PE = make_pe(H, S)

def setup_inputs():
    ks = jax.random.split(jax.random.key(0), 48)
    it = iter(range(48))
    def nrm(shape, scale=0.05):
        return jax.random.normal(ks[next(it)], shape, dtype=jnp.float32) * scale
    def ridx(n, hi):
        return jax.random.randint(ks[next(it)], (n,), 0, hi, dtype=jnp.int32)
    inp = {}
    inp['x_dev_0'] = nrm((ND, DF), 1.0)
    inp['x_usr_0'] = nrm((NU, DF), 1.0)
    inp['x_dev_1'] = nrm((ND, DF), 1.0)
    inp['x_usr_1'] = nrm((NU, DF), 1.0)
    inp['ei_ud_0'] = jnp.stack([ridx(E, NU), ridx(E, ND)])
    inp['ei_du_0'] = jnp.stack([ridx(E, ND), ridx(E, NU)])
    inp['ei_dd_0'] = jnp.stack([ridx(E, ND), ridx(E, ND)])
    inp['ei_ud_1'] = jnp.stack([ridx(E, NU), ridx(E, ND)])
    inp['ei_du_1'] = jnp.stack([ridx(E, ND), ridx(E, NU)])
    inp['ei_dd_1'] = jnp.stack([ridx(E, ND), ridx(E, ND)])
    inp['Wp_dev'] = nrm((DF, H)); inp['bp_dev'] = nrm((H,))
    inp['Wp_usr'] = nrm((DF, H)); inp['bp_usr'] = nrm((H,))
    for t in ['ud', 'du', 'dd']:
        inp['Wl_' + t] = nrm((H, H)); inp['bl_' + t] = nrm((H,)); inp['Wr_' + t] = nrm((H, H))
    inp['Wa1'] = nrm((H, H)); inp['ba1'] = nrm((H,)); inp['wa2'] = nrm((H, 1))
    inp['Wt'] = nrm((2 * H, H)); inp['bt'] = nrm((H,))
    inp['Wq'] = nrm((H, H)); inp['Wk'] = nrm((H, H)); inp['Wv'] = nrm((H, H))
    inp['Wf'] = nrm((H, H)); inp['bf'] = nrm((H,))
    inp['Wc'] = nrm((H, 1)); inp['bc'] = nrm((1,))
    inp['Wd'] = nrm((H, 1)); inp['bd'] = nrm((1,))
    return inp

def _sage(x_src, x_dst, ei, Wl, bl, Wr):
    msgs = jnp.take(x_src, ei[0], axis=0)
    ssum = jax.ops.segment_sum(msgs, ei[1], num_segments=x_dst.shape[0])
    cnt = jax.ops.segment_sum(jnp.ones((ei.shape[1],), x_src.dtype), ei[1], num_segments=x_dst.shape[0])
    mean = ssum / jnp.clip(cnt, 1.0)[:, None]
    return mean @ Wl + bl + x_dst @ Wr

def _rel_agg(h, Wa1, ba1, wa2):
    w = jnp.mean(jnp.tanh(h @ Wa1 + ba1) @ wa2, axis=0)
    beta = jax.nn.softmax(w, axis=0)
    return jnp.sum(beta[None, :, :] * h, axis=1)

def _snapshot(x_dev, x_usr, ei_ud, ei_du, ei_dd, p):
    h_dev = jax.nn.relu(x_dev @ p['Wp_dev'] + p['bp_dev'])
    h_usr = jax.nn.relu(x_usr @ p['Wp_usr'] + p['bp_usr'])
    m_ud = jax.nn.relu(_sage(h_usr, h_dev, ei_ud, p['Wl_ud'], p['bl_ud'], p['Wr_ud']))
    m_du = jax.nn.relu(_sage(h_dev, h_usr, ei_du, p['Wl_du'], p['bl_du'], p['Wr_du']))
    m_dd = jax.nn.relu(_sage(h_dev, h_dev, ei_dd, p['Wl_dd'], p['bl_dd'], p['Wr_dd']))
    out_dev = _rel_agg(jnp.stack([m_ud, m_dd], axis=1), p['Wa1'], p['ba1'], p['wa2'])
    out_usr = m_du
    pooled = jnp.concatenate([out_dev.mean(axis=0), out_usr.mean(axis=0)], axis=0)
    return pooled, out_dev

def reference(x_dev_0, x_usr_0, x_dev_1, x_usr_1, ei_ud_0, ei_du_0, ei_dd_0, ei_ud_1, ei_du_1, ei_dd_1, Wp_dev, bp_dev, Wp_usr, bp_usr, Wl_ud, bl_ud, Wr_ud, Wl_du, bl_du, Wr_du, Wl_dd, bl_dd, Wr_dd, Wa1, ba1, wa2, Wt, bt, Wq, Wk, Wv, Wf, bf, Wc, bc, Wd, bd):
    p = {'Wp_dev': Wp_dev, 'bp_dev': bp_dev, 'Wp_usr': Wp_usr, 'bp_usr': bp_usr,
         'Wl_ud': Wl_ud, 'bl_ud': bl_ud, 'Wr_ud': Wr_ud,
         'Wl_du': Wl_du, 'bl_du': bl_du, 'Wr_du': Wr_du,
         'Wl_dd': Wl_dd, 'bl_dd': bl_dd, 'Wr_dd': Wr_dd,
         'Wa1': Wa1, 'ba1': ba1, 'wa2': wa2}
    e0, _ = _snapshot(x_dev_0, x_usr_0, ei_ud_0, ei_du_0, ei_dd_0, p)
    e1, dev_last = _snapshot(x_dev_1, x_usr_1, ei_ud_1, ei_du_1, ei_dd_1, p)
    seq = jnp.stack([e0, e1], axis=0)[None]
    h = seq @ Wt + bt + PE[:S][None]
    q = h @ Wq
    k = h @ Wk
    v = h @ Wv
    score = jax.nn.softmax(q @ jnp.swapaxes(k, 1, 2), axis=-1)
    out = jax.nn.relu((score @ v) @ Wf + bf)
    snap_logit = (out[:, -1, :] @ Wc + bc).squeeze(-1)
    device_logit = (dev_last @ Wd + bd).squeeze(-1)
    return (snap_logit, device_logit)

if __name__ == "__main__":
    import jax
    _d = setup_inputs()
    print(jax.jit(kernel)(*tuple(_d.values())))

</pallas_src>

<mosaic_0001>
#map = affine_map<(d0, d1) -> (0, 0)>
#map1 = affine_map<(d0, d1) -> (0, 0, 0)>
module attributes {stable_mosaic.version = 14 : i64} {
  func.func @_seg_body(%arg0: i32, %arg1: i32, %arg2: memref<10240x128xf32, #tpu.memory_space<hbm>>, %arg3: memref<10240x128xf32, #tpu.memory_space<hbm>>, %arg4: memref<96x40x128xi32, #tpu.memory_space<hbm>>, %arg5: memref<96x40x128xi32, #tpu.memory_space<hbm>>, %arg6: memref<640x128xf32, #tpu.memory_space<hbm>>, %arg7: memref<6x10240x128xf32, #tpu.memory_space<hbm>>, %arg8: memref<40x128xi32, #tpu.memory_space<vmem>>, %arg9: memref<40x128xi32, #tpu.memory_space<vmem>>, %arg10: memref<128x128xf32, #tpu.memory_space<vmem>>, %arg11: memref<128x128xf32, #tpu.memory_space<vmem>>, %arg12: memref<10240x128xf32, #tpu.memory_space<vmem_shared>>, %arg13: memref<!tpu.dma_semaphore, #tpu.memory_space<semaphore_mem>>, %arg14: memref<!tpu.dma_semaphore, #tpu.memory_space<semaphore_mem>>, %arg15: memref<!tpu.dma_semaphore, #tpu.memory_space<semaphore_mem>>, %arg16: memref<!tpu.dma_semaphore, #tpu.memory_space<semaphore_mem>>) attributes {dimension_semantics = [#tpu.dimension_semantics<core_parallel>, #tpu.dimension_semantics<subcore_parallel>], iteration_bounds = array<i64: 2, 16>, scalar_prefetch = 0 : i64, scratch_operands = 9 : i64, tpu.core_type = #tpu.core_type<sc_vector_subcore>, window_params = [{transform_indices = #map}, {transform_indices = #map}, {transform_indices = #map1}, {transform_indices = #map1}, {transform_indices = #map}, {transform_indices = #map1}]} {
    %mul3A = arith.constant 2 : i32
    %mul3A_0 = arith.muli %arg1, %mul3A : i32
    %add3A = arith.addi %mul3A_0, %arg0 : i32
    %mul3A_1 = arith.constant 640 : i32
    %mul3A_2 = arith.muli %arg1, %mul3A_1 : i32
    "tpu.region"() ({
      %run_scoped3A = tpu.sem_alloc : memref<!tpu.dma_semaphore, #tpu.memory_space<semaphore_mem>>
      %dma_start3A = arith.constant 0 : i32
      %dma_start3A_59 = tpu.memref_slice %arg12[%mul3A_2, %dma_start3A] : memref<10240x128xf32, #tpu.memory_space<vmem_shared>> -> memref<640x128xf32, #tpu.memory_space<vmem_shared>>
      tpu.enqueue_dma source(%arg6 : memref<640x128xf32, #tpu.memory_space<hbm>>) target(%dma_start3A_59 : memref<640x128xf32, #tpu.memory_space<vmem_shared>>) target_semaphore(%run_scoped3A : memref<!tpu.dma_semaphore, #tpu.memory_space<semaphore_mem>>)
      %dma_wait3A = arith.constant 0 : i32
      %dma_wait3A_60 = tpu.memref_slice %arg12[%mul3A_2, %dma_wait3A] : memref<10240x128xf32, #tpu.memory_space<vmem_shared>> -> memref<640x128xf32, #tpu.memory_space<vmem_shared>>
      tpu.wait_dma2 semaphore(%run_scoped3A : memref<!tpu.dma_semaphore, #tpu.memory_space<semaphore_mem>>) src(%arg6 : memref<640x128xf32, #tpu.memory_space<hbm>>) dst(%dma_wait3A_60 : memref<640x128xf32, #tpu.memory_space<vmem_shared>>)
      tpu.yield
    }) : () -> ()
    %add3A_3 = arith.constant 0 : i32
    %add3A_4 = arith.addi %add3A_3, %add3A : i32
    "tpu.region"() ({
      %run_scoped3A = tpu.sem_alloc : memref<!tpu.dma_semaphore, #tpu.memory_space<semaphore_mem>>
      %dma_start3A = arith.constant 0 : i32
      %dma_start3A_59 = arith.constant 0 : i32
      %dma_start3A_60 = tpu.memref_slice %arg4[%add3A_4, %dma_start3A, %dma_start3A_59] : memref<96x40x128xi32, #tpu.memory_space<hbm>> -> memref<1x40x128xi32, #tpu.memory_space<hbm>>
      %dma_start3A_61 = tpu.memref_squeeze %dma_start3A_60 : memref<1x40x128xi32, #tpu.memory_space<hbm>> -> memref<40x128xi32, #tpu.memory_space<hbm>>
      %dma_start3A_62 = arith.constant 0 : i32
      %dma_start3A_63 = arith.constant 0 : i32
      %dma_start3A_64 = tpu.memref_slice %arg4[%add3A_4, %dma_start3A_62, %dma_start3A_63] : memref<96x40x128xi32, #tpu.memory_space<hbm>> -> memref<1x40x128xi32, #tpu.memory_space<hbm>>
      %dma_start3A_65 = tpu.memref_squeeze %dma_start3A_64 : memref<1x40x128xi32, #tpu.memory_space<hbm>> -> memref<40x128xi32, #tpu.memory_space<hbm>>
      tpu.enqueue_dma source(%dma_start3A_65 : memref<40x128xi32, #tpu.memory_space<hbm>>) target(%arg8 : memref<40x128xi32, #tpu.memory_space<vmem>>) target_semaphore(%run_scoped3A : memref<!tpu.dma_semaphore, #tpu.memory_space<semaphore_mem>>)
      %dma_wait3A = arith.constant 0 : i32
      %dma_wait3A_66 = arith.constant 0 : i32
      %dma_wait3A_67 = tpu.memref_slice %arg4[%add3A_4, %dma_wait3A, %dma_wait3A_66] : memref<96x40x128xi32, #tpu.memory_space<hbm>> -> memref<1x40x128xi32, #tpu.memory_space<hbm>>
      %dma_wait3A_68 = tpu.memref_squeeze %dma_wait3A_67 : memref<1x40x128xi32, #tpu.memory_space<hbm>> -> memref<40x128xi32, #tpu.memory_space<hbm>>
      %dma_wait3A_69 = arith.constant 0 : i32
      %dma_wait3A_70 = arith.constant 0 : i32
      %dma_wait3A_71 = tpu.memref_slice %arg4[%add3A_4, %dma_wait3A_69, %dma_wait3A_70] : memref<96x40x128xi32, #tpu.memory_space<hbm>> -> memref<1x40x128xi32, #tpu.memory_space<hbm>>
      %dma_wait3A_72 = tpu.memref_squeeze %dma_wait3A_71 : memref<1x40x128xi32, #tpu.memory_space<hbm>> -> memref<40x128xi32, #tpu.memory_space<hbm>>
      tpu.wait_dma2 semaphore(%run_scoped3A : memref<!tpu.dma_semaphore, #tpu.memory_space<semaphore_mem>>) src(%dma_wait3A_72 : memref<40x128xi32, #tpu.memory_space<hbm>>) dst(%arg8 : memref<40x128xi32, #tpu.memory_space<vmem>>)
      tpu.yield
    }) : () -> ()
    %add3A_5 = arith.constant 0 : i32
    %add3A_6 = arith.addi %add3A_5, %add3A : i32
    "tpu.region"() ({
      %run_scoped3A = tpu.sem_alloc : memref<!tpu.dma_semaphore, #tpu.memory_space<semaphore_mem>>
      %dma_start3A = arith.constant 0 : i32
      %dma_start3A_59 = arith.constant 0 : i32
      %dma_start3A_60 = tpu.memref_slice %arg5[%add3A_6, %dma_start3A, %dma_start3A_59] : memref<96x40x128xi32, #tpu.memory_space<hbm>> -> memref<1x40x128xi32, #tpu.memory_space<hbm>>
      %dma_start3A_61 = tpu.memref_squeeze %dma_start3A_60 : memref<1x40x128xi32, #tpu.memory_space<hbm>> -> memref<40x128xi32, #tpu.memory_space<hbm>>
      %dma_start3A_62 = arith.constant 0 : i32
      %dma_start3A_63 = arith.constant 0 : i32
      %dma_start3A_64 = tpu.memref_slice %arg5[%add3A_6, %dma_start3A_62, %dma_start3A_63] : memref<96x40x128xi32, #tpu.memory_space<hbm>> -> memref<1x40x128xi32, #tpu.memory_space<hbm>>
      %dma_start3A_65 = tpu.memref_squeeze %dma_start3A_64 : memref<1x40x128xi32, #tpu.memory_space<hbm>> -> memref<40x128xi32, #tpu.memory_space<hbm>>
      tpu.enqueue_dma source(%dma_start3A_65 : memref<40x128xi32, #tpu.memory_space<hbm>>) target(%arg9 : memref<40x128xi32, #tpu.memory_space<vmem>>) target_semaphore(%run_scoped3A : memref<!tpu.dma_semaphore, #tpu.memory_space<semaphore_mem>>)
      %dma_wait3A = arith.constant 0 : i32
      %dma_wait3A_66 = arith.constant 0 : i32
      %dma_wait3A_67 = tpu.memref_slice %arg5[%add3A_6, %dma_wait3A, %dma_wait3A_66] : memref<96x40x128xi32, #tpu.memory_space<hbm>> -> memref<1x40x128xi32, #tpu.memory_space<hbm>>
      %dma_wait3A_68 = tpu.memref_squeeze %dma_wait3A_67 : memref<1x40x128xi32, #tpu.memory_space<hbm>> -> memref<40x128xi32, #tpu.memory_space<hbm>>
      %dma_wait3A_69 = arith.constant 0 : i32
      %dma_wait3A_70 = arith.constant 0 : i32
      %dma_wait3A_71 = tpu.memref_slice %arg5[%add3A_6, %dma_wait3A_69, %dma_wait3A_70] : memref<96x40x128xi32, #tpu.memory_space<hbm>> -> memref<1x40x128xi32, #tpu.memory_space<hbm>>
      %dma_wait3A_72 = tpu.memref_squeeze %dma_wait3A_71 : memref<1x40x128xi32, #tpu.memory_space<hbm>> -> memref<40x128xi32, #tpu.memory_space<hbm>>
      tpu.wait_dma2 semaphore(%run_scoped3A : memref<!tpu.dma_semaphore, #tpu.memory_space<semaphore_mem>>) src(%dma_wait3A_72 : memref<40x128xi32, #tpu.memory_space<hbm>>) dst(%arg9 : memref<40x128xi32, #tpu.memory_space<vmem>>)
      tpu.yield
    }) : () -> ()
    %barrier3A = arith.constant 0 : index
    tpu.barrier barrier_id(%barrier3A)
    %scan3A = arith.constant 0 : i32
    %scan3A_7 = arith.constant 0 : i32
    %scan3A_8 = arith.constant 10 : i32
    %scan3A_9 = arith.addi %scan3A_7, %scan3A_8 : i32
    %scan3A_10 = arith.constant 1 : i32
    scf.for %scan3A_59 = %scan3A_7 to %scan3A_9 step %scan3A_10  : i32 {
      %mul3A_60 = arith.constant 4 : i32
      %mul3A_61 = arith.muli %mul3A_60, %scan3A_59 : i32
      %dma_start3A = arith.constant 0 : i32
      %dma_start3A_62 = tpu.memref_slice %arg8[%mul3A_61, %dma_start3A] : memref<40x128xi32, #tpu.memory_space<vmem>> -> memref<1x128xi32, #tpu.memory_space<vmem>>
      %dma_start3A_63 = tpu.memref_squeeze %dma_start3A_62 : memref<1x128xi32, #tpu.memory_space<vmem>> -> memref<128xi32, #tpu.memory_space<vmem>>
      %dma_start3A_64 = arith.constant 0 : i32
      %dma_start3A_65 = arith.constant 0 : i32
      %dma_start3A_66 = tpu.memref_slice %arg3[%dma_start3A_64, %dma_start3A_65] : memref<10240x128xf32, #tpu.memory_space<hbm>> -> memref<10240x128xf32, #tpu.memory_space<hbm>>
      tpu.enqueue_indirect_dma source(%dma_start3A_66 : memref<10240x128xf32, #tpu.memory_space<hbm>>) target(%arg10 : memref<128x128xf32, #tpu.memory_space<vmem>>) offsets(%dma_start3A_63 : memref<128xi32, #tpu.memory_space<vmem>>) semaphore(%arg13 : memref<!tpu.dma_semaphore, #tpu.memory_space<semaphore_mem>>)
      %add3A_67 = arith.constant 1 : i32
      %add3A_68 = arith.addi %mul3A_61, %add3A_67 : i32
      %dma_start3A_69 = arith.constant 0 : i32
      %dma_start3A_70 = tpu.memref_slice %arg8[%add3A_68, %dma_start3A_69] : memref<40x128xi32, #tpu.memory_space<vmem>> -> memref<1x128xi32, #tpu.memory_space<vmem>>
      %dma_start3A_71 = tpu.memref_squeeze %dma_start3A_70 : memref<1x128xi32, #tpu.memory_space<vmem>> -> memref<128xi32, #tpu.memory_space<vmem>>
      %dma_start3A_72 = arith.constant 0 : i32
      %dma_start3A_73 = arith.constant 0 : i32
      %dma_start3A_74 = tpu.memref_slice %arg3[%dma_start3A_72, %dma_start3A_73] : memref<10240x128xf32, #tpu.memory_space<hbm>> -> memref<10240x128xf32, #tpu.memory_space<hbm>>
      tpu.enqueue_indirect_dma source(%dma_start3A_74 : memref<10240x128xf32, #tpu.memory_space<hbm>>) target(%arg11 : memref<128x128xf32, #tpu.memory_space<vmem>>) offsets(%dma_start3A_71 : memref<128xi32, #tpu.memory_space<vmem>>) semaphore(%arg14 : memref<!tpu.dma_semaphore, #tpu.memory_space<semaphore_mem>>)
      %dma_wait3A = arith.constant 0 : i32
      %dma_wait3A_75 = tpu.memref_slice %arg8[%mul3A_61, %dma_wait3A] : memref<40x128xi32, #tpu.memory_space<vmem>> -> memref<1x128xi32, #tpu.memory_space<vmem>>
      %dma_wait3A_76 = tpu.memref_squeeze %dma_wait3A_75 : memref<1x128xi32, #tpu.memory_space<vmem>> -> memref<128xi32, #tpu.memory_space<vmem>>
      %dma_wait3A_77 = arith.constant 0 : i32
      %dma_wait3A_78 = arith.constant 0 : i32
      %dma_wait3A_79 = tpu.memref_slice %arg3[%dma_wait3A_77, %dma_wait3A_78] : memref<10240x128xf32, #tpu.memory_space<hbm>> -> memref<10240x128xf32, #tpu.memory_space<hbm>>
      tpu.wait_indirect_dma semaphore(%arg13 : memref<!tpu.dma_semaphore, #tpu.memory_space<semaphore_mem>>) src(%dma_wait3A_79 : memref<10240x128xf32, #tpu.memory_space<hbm>>) dst(%arg10 : memref<128x128xf32, #tpu.memory_space<vmem>>)
      %dma_start3A_80 = arith.constant 0 : i32
      %dma_start3A_81 = tpu.memref_slice %arg9[%mul3A_61, %dma_start3A_80] : memref<40x128xi32, #tpu.memory_space<vmem>> -> memref<1x128xi32, #tpu.memory_space<vmem>>
      %dma_start3A_82 = tpu.memref_squeeze %dma_start3A_81 : memref<1x128xi32, #tpu.memory_space<vmem>> -> memref<128xi32, #tpu.memory_space<vmem>>
      %dma_start3A_83 = arith.constant 0 : i32
      %dma_start3A_84 = arith.constant 0 : i32
      %dma_start3A_85 = tpu.memref_slice %arg12[%dma_start3A_83, %dma_start3A_84] : memref<10240x128xf32, #tpu.memory_space<vmem_shared>> -> memref<10240x128xf32, #tpu.memory_space<vmem_shared>>
      tpu.enqueue_indirect_dma source(%arg10 : memref<128x128xf32, #tpu.memory_space<vmem>>) target(%dma_start3A_85 : memref<10240x128xf32, #tpu.memory_space<vmem_shared>>) offsets(%dma_start3A_82 : memref<128xi32, #tpu.memory_space<vmem>>) semaphore(%arg15 : memref<!tpu.dma_semaphore, #tpu.memory_space<semaphore_mem>>) {add = true}
      %dma_wait3A_86 = arith.constant 0 : i32
      %dma_wait3A_87 = tpu.memref_slice %arg8[%add3A_68, %dma_wait3A_86] : memref<40x128xi32, #tpu.memory_space<vmem>> -> memref<1x128xi32, #tpu.memory_space<vmem>>
      %dma_wait3A_88 = tpu.memref_squeeze %dma_wait3A_87 : memref<1x128xi32, #tpu.memory_space<vmem>> -> memref<128xi32, #tpu.memory_space<vmem>>
      %dma_wait3A_89 = arith.constant 0 : i32
      %dma_wait3A_90 = arith.constant 0 : i32
      %dma_wait3A_91 = tpu.memref_slice %arg3[%dma_wait3A_89, %dma_wait3A_90] : memref<10240x128xf32, #tpu.memory_space<hbm>> -> memref<10240x128xf32, #tpu.memory_space<hbm>>
      tpu.wait_indirect_dma semaphore(%arg14 : memref<!tpu.dma_semaphore, #tpu.memory_space<semaphore_mem>>) src(%dma_wait3A_91 : memref<10240x128xf32, #tpu.memory_space<hbm>>) dst(%arg11 : memref<128x128xf32, #tpu.memory_space<vmem>>)
      %add3A_92 = arith.constant 1 : i32
      %add3A_93 = arith.addi %mul3A_61, %add3A_92 : i32
      %dma_start3A_94 = arith.constant 0 : i32
      %dma_start3A_95 = tpu.memref_slice %arg9[%add3A_93, %dma_start3A_94] : memref<40x128xi32, #tpu.memory_space<vmem>> -> memref<1x128xi32, #tpu.memory_space<vmem>>
      %dma_start3A_96 = tpu.memref_squeeze %dma_start3A_95 : memref<1x128xi32, #tpu.memory_space<vmem>> -> memref<128xi32, #tpu.memory_space<vmem>>
      %dma_start3A_97 = arith.constant 0 : i32
      %dma_start3A_98 = arith.constant 0 : i32
      %dma_start3A_99 = tpu.memref_slice %arg12[%dma_start3A_97, %dma_start3A_98] : memref<10240x128xf32, #tpu.memory_space<vmem_shared>> -> memref<10240x128xf32, #tpu.memory_space<vmem_shared>>
      tpu.enqueue_indirect_dma source(%arg11 : memref<128x128xf32, #tpu.memory_space<vmem>>) target(%dma_start3A_99 : memref<10240x128xf32, #tpu.memory_space<vmem_shared>>) offsets(%dma_start3A_96 : memref<128xi32, #tpu.memory_space<vmem>>) semaphore(%arg16 : memref<!tpu.dma_semaphore, #tpu.memory_space<semaphore_mem>>) {add = true}
      %dma_wait3A_100 = arith.constant 0 : i32
      %dma_wait3A_101 = tpu.memref_slice %arg9[%mul3A_61, %dma_wait3A_100] : memref<40x128xi32, #tpu.memory_space<vmem>> -> memref<1x128xi32, #tpu.memory_space<vmem>>
      %dma_wait3A_102 = tpu.memref_squeeze %dma_wait3A_101 : memref<1x128xi32, #tpu.memory_space<vmem>> -> memref<128xi32, #tpu.memory_space<vmem>>
      %dma_wait3A_103 = arith.constant 0 : i32
      %dma_wait3A_104 = arith.constant 0 : i32
      %dma_wait3A_105 = tpu.memref_slice %arg12[%dma_wait3A_103, %dma_wait3A_104] : memref<10240x128xf32, #tpu.memory_space<vmem_shared>> -> memref<10240x128xf32, #tpu.memory_space<vmem_shared>>
      tpu.wait_indirect_dma semaphore(%arg15 : memref<!tpu.dma_semaphore, #tpu.memory_space<semaphore_mem>>) src(%arg10 : memref<128x128xf32, #tpu.memory_space<vmem>>) dst(%dma_wait3A_105 : memref<10240x128xf32, #tpu.memory_space<vmem_shared>>)
      %add3A_106 = arith.constant 2 : i32
      %add3A_107 = arith.addi %mul3A_61, %add3A_106 : i32
      %dma_start3A_108 = arith.constant 0 : i32
      %dma_start3A_109 = tpu.memref_slice %arg8[%add3A_107, %dma_start3A_108] : memref<40x128xi32, #tpu.memory_space<vmem>> -> memref<1x128xi32, #tpu.memory_space<vmem>>
      %dma_start3A_110 = tpu.memref_squeeze %dma_start3A_109 : memref<1x128xi32, #tpu.memory_space<vmem>> -> memref<128xi32, #tpu.memory_space<vmem>>
      %dma_start3A_111 = arith.constant 0 : i32
      %dma_start3A_112 = arith.constant 0 : i32
      %dma_start3A_113 = tpu.memref_slice %arg3[%dma_start3A_111, %dma_start3A_112] : memref<10240x128xf32, #tpu.memory_space<hbm>> -> memref<10240x128xf32, #tpu.memory_space<hbm>>
      tpu.enqueue_indirect_dma source(%dma_start3A_113 : memref<10240x128xf32, #tpu.memory_space<hbm>>) target(%arg10 : memref<128x128xf32, #tpu.memory_space<vmem>>) offsets(%dma_start3A_110 : memref<128xi32, #tpu.memory_space<vmem>>) semaphore(%arg13 : memref<!tpu.dma_semaphore, #tpu.memory_space<semaphore_mem>>)
      %dma_wait3A_114 = arith.constant 0 : i32
      %dma_wait3A_115 = tpu.memref_slice %arg9[%add3A_93, %dma_wait3A_114] : memref<40x128xi32, #tpu.memory_space<vmem>> -> memref<1x128xi32, #tpu.memory_space<vmem>>
      %dma_wait3A_116 = tpu.memref_squeeze %dma_wait3A_115 : memref<1x128xi32, #tpu.memory_space<vmem>> -> memref<128xi32, #tpu.memory_space<vmem>>
      %dma_wait3A_117 = arith.constant 0 : i32
      %dma_wait3A_118 = arith.constant 0 : i32
      %dma_wait3A_119 = tpu.memref_slice %arg12[%dma_wait3A_117, %dma_wait3A_118] : memref<10240x128xf32, #tpu.memory_space<vmem_shared>> -> memref<10240x128xf32, #tpu.memory_space<vmem_shared>>
      tpu.wait_indirect_dma semaphore(%arg16 : memref<!tpu.dma_semaphore, #tpu.memory_space<semaphore_mem>>) src(%arg11 : memref<128x128xf32, #tpu.memory_space<vmem>>) dst(%dma_wait3A_119 : memref<10240x128xf32, #tpu.memory_space<vmem_shared>>)
      %add3A_120 = arith.constant 3 : i32
      %add3A_121 = arith.addi %mul3A_61, %add3A_120 : i32
      %dma_start3A_122 = arith.constant 0 : i32
      %dma_start3A_123 = tpu.memref_slice %arg8[%add3A_121, %dma_start3A_122] : memref<40x128xi32, #tpu.memory_space<vmem>> -> memref<1x128xi32, #tpu.memory_space<vmem>>
      %dma_start3A_124 = tpu.memref_squeeze %dma_start3A_123 : memref<1x128xi32, #tpu.memory_space<vmem>> -> memref<128xi32, #tpu.memory_space<vmem>>
      %dma_start3A_125 = arith.constant 0 : i32
      %dma_start3A_126 = arith.constant 0 : i32
      %dma_start3A_127 = tpu.memref_slice %arg3[%dma_start3A_125, %dma_start3A_126] : memref<10240x128xf32, #tpu.memory_space<hbm>> -> memref<10240x128xf32, #tpu.memory_space<hbm>>
      tpu.enqueue_indirect_dma source(%dma_start3A_127 : memref<10240x128xf32, #tpu.memory_space<hbm>>) target(%arg11 : memref<128x128xf32, #tpu.memory_space<vmem>>) offsets(%dma_start3A_124 : memref<128xi32, #tpu.memory_space<vmem>>) semaphore(%arg14 : memref<!tpu.dma_semaphore, #tpu.memory_space<semaphore_mem>>)
      %dma_wait3A_128 = arith.constant 0 : i32
      %dma_wait3A_129 = tpu.memref_slice %arg8[%add3A_107, %dma_wait3A_128] : memref<40x128xi32, #tpu.memory_space<vmem>> -> memref<1x128xi32, #tpu.memory_space<vmem>>
      %dma_wait3A_130 = tpu.memref_squeeze %dma_wait3A_129 : memref<1x128xi32, #tpu.memory_space<vmem>> -> memref<128xi32, #tpu.memory_space<vmem>>
      %dma_wait3A_131 = arith.constant 0 : i32
      %dma_wait3A_132 = arith.constant 0 : i32
      %dma_wait3A_133 = tpu.memref_slice %arg3[%dma_wait3A_131, %dma_wait3A_132] : memref<10240x128xf32, #tpu.memory_space<hbm>> -> memref<10240x128xf32, #tpu.memory_space<hbm>>
      tpu.wait_indirect_dma semaphore(%arg13 : memref<!tpu.dma_semaphore, #tpu.memory_space<semaphore_mem>>) src(%dma_wait3A_133 : memref<10240x128xf32, #tpu.memory_space<hbm>>) dst(%arg10 : memref<128x128xf32, #tpu.memory_space<vmem>>)
      %add3A_134 = arith.constant 2 : i32
      %add3A_135 = arith.addi %mul3A_61, %add3A_134 : i32
      %dma_start3A_136 = arith.constant 0 : i32
      %dma_start3A_137 = tpu.memref_slice %arg9[%add3A_135, %dma_start3A_136] : memref<40x128xi32, #tpu.memory_space<vmem>> -> memref<1x128xi32, #tpu.memory_space<vmem>>
      %dma_start3A_138 = tpu.memref_squeeze %dma_start3A_137 : memref<1x128xi32, #tpu.memory_space<vmem>> -> memref<128xi32, #tpu.memory_space<vmem>>
      %dma_start3A_139 = arith.constant 0 : i32
      %dma_start3A_140 = arith.constant 0 : i32
      %dma_start3A_141 = tpu.memref_slice %arg12[%dma_start3A_139, %dma_start3A_140] : memref<10240x128xf32, #tpu.memory_space<vmem_shared>> -> memref<10240x128xf32, #tpu.memory_space<vmem_shared>>
      tpu.enqueue_indirect_dma source(%arg10 : memref<128x128xf32, #tpu.memory_space<vmem>>) target(%dma_start3A_141 : memref<10240x128xf32, #tpu.memory_space<vmem_shared>>) offsets(%dma_start3A_138 : memref<128xi32, #tpu.memory_space<vmem>>) semaphore(%arg15 : memref<!tpu.dma_semaphore, #tpu.memory_space<semaphore_mem>>) {add = true}
      %dma_wait3A_142 = arith.constant 0 : i32
      %dma_wait3A_143 = tpu.memref_slice %arg8[%add3A_121, %dma_wait3A_142] : memref<40x128xi32, #tpu.memory_space<vmem>> -> memref<1x128xi32, #tpu.memory_space<vmem>>
      %dma_wait3A_144 = tpu.memref_squeeze %dma_wait3A_143 : memref<1x128xi32, #tpu.memory_space<vmem>> -> memref<128xi32, #tpu.memory_space<vmem>>
      %dma_wait3A_145 = arith.constant 0 : i32
      %dma_wait3A_146 = arith.constant 0 : i32
      %dma_wait3A_147 = tpu.memref_slice %arg3[%dma_wait3A_145, %dma_wait3A_146] : memref<10240x128xf32, #tpu.memory_space<hbm>> -> memref<10240x128xf32, #tpu.memory_space<hbm>>
      tpu.wait_indirect_dma semaphore(%arg14 : memref<!tpu.dma_semaphore, #tpu.memory_space<semaphore_mem>>) src(%dma_wait3A_147 : memref<10240x128xf32, #tpu.memory_space<hbm>>) dst(%arg11 : memref<128x128xf32, #tpu.memory_space<vmem>>)
      %add3A_148 = arith.constant 3 : i32
      %add3A_149 = arith.addi %mul3A_61, %add3A_148 : i32
      %dma_start3A_150 = arith.constant 0 : i32
      %dma_start3A_151 = tpu.memref_slice %arg9[%add3A_149, %dma_start3A_150] : memref<40x128xi32, #tpu.memory_space<vmem>> -> memref<1x128xi32, #tpu.memory_space<vmem>>
      %dma_start3A_152 = tpu.memref_squeeze %dma_start3A_151 : memref<1x128xi32, #tpu.memory_space<vmem>> -> memref<128xi32, #tpu.memory_space<vmem>>
      %dma_start3A_153 = arith.constant 0 : i32
      %dma_start3A_154 = arith.constant 0 : i32
      %dma_start3A_155 = tpu.memref_slice %arg12[%dma_start3A_153, %dma_start3A_154] : memref<10240x128xf32, #tpu.memory_space<vmem_shared>> -> memref<10240x128xf32, #tpu.memory_space<vmem_shared>>
      tpu.enqueue_indirect_dma source(%arg11 : memref<128x128xf32, #tpu.memory_space<vmem>>) target(%dma_start3A_155 : memref<10240x128xf32, #tpu.memory_space<vmem_shared>>) offsets(%dma_start3A_152 : memref<128xi32, #tpu.memory_space<vmem>>) semaphore(%arg16 : memref<!tpu.dma_semaphore, #tpu.memory_space<semaphore_mem>>) {add = true}
      %dma_wait3A_156 = arith.constant 0 : i32
      %dma_wait3A_157 = tpu.memref_slice %arg9[%add3A_135, %dma_wait3A_156] : memref<40x128xi32, #tpu.memory_space<vmem>> -> memref<1x128xi32, #tpu.memory_space<vmem>>
      %dma_wait3A_158 = tpu.memref_squeeze %dma_wait3A_157 : memref<1x128xi32, #tpu.memory_space<vmem>> -> memref<128xi32, #tpu.memory_space<vmem>>
      %dma_wait3A_159 = arith.constant 0 : i32
      %dma_wait3A_160 = arith.constant 0 : i32
      %dma_wait3A_161 = tpu.memref_slice %arg12[%dma_wait3A_159, %dma_wait3A_160] : memref<10240x128xf32, #tpu.memory_space<vmem_shared>> -> memref<10240x128xf32, #tpu.memory_space<vmem_shared>>
      tpu.wait_indirect_dma semaphore(%arg15 : memref<!tpu.dma_semaphore, #tpu.memory_space<semaphore_mem>>) src(%arg10 : memref<128x128xf32, #tpu.memory_space<vmem>>) dst(%dma_wait3A_161 : memref<10240x128xf32, #tpu.memory_space<vmem_shared>>)
      %dma_wait3A_162 = arith.constant 0 : i32
      %dma_wait3A_163 = tpu.memref_slice %arg9[%add3A_149, %dma_wait3A_162] : memref<40x128xi32, #tpu.memory_space<vmem>> -> memref<1x128xi32, #tpu.memory_space<vmem>>
      %dma_wait3A_164 = tpu.memref_squeeze %dma_wait3A_163 : memref<1x128xi32, #tpu.memory_space<vmem>> -> memref<128xi32, #tpu.memory_space<vmem>>
      %dma_wait3A_165 = arith.constant 0 : i32
      %dma_wait3A_166 = arith.constant 0 : i32
      %dma_wait3A_167 = tpu.memref_slice %arg12[%dma_wait3A_165, %dma_wait3A_166] : memref<10240x128xf32, #tpu.memory_space<vmem_shared>> -> memref<10240x128xf32, #tpu.memory_space<vmem_shared>>
      tpu.wait_indirect_dma semaphore(%arg16 : memref<!tpu.dma_semaphore, #tpu.memory_space<semaphore_mem>>) src(%arg11 : memref<128x128xf32, #tpu.memory_space<vmem>>) dst(%dma_wait3A_167 : memref<10240x128xf32, #tpu.memory_space<vmem_shared>>)
    }
    %scan3A_11 = arith.constant 10 : i32
    %barrier3A_12 = arith.constant 0 : index
    tpu.barrier barrier_id(%barrier3A_12)
    %mul3A_13 = arith.constant 640 : i32
    %mul3A_14 = arith.muli %arg1, %mul3A_13 : i32
    %add3A_15 = arith.constant 0 : i32
    %add3A_16 = arith.addi %add3A_15, %arg0 : i32
    %mul3A_17 = arith.constant 640 : i32
    %mul3A_18 = arith.muli %arg1, %mul3A_17 : i32
    "tpu.region"() ({
      %run_scoped3A = tpu.sem_alloc : memref<!tpu.dma_semaphore, #tpu.memory_space<semaphore_mem>>
      %dma_start3A = arith.constant 0 : i32
      %dma_start3A_59 = tpu.memref_slice %arg7[%add3A_16, %mul3A_18, %dma_start3A] : memref<6x10240x128xf32, #tpu.memory_space<hbm>> -> memref<1x640x128xf32, #tpu.memory_space<hbm>>
      %dma_start3A_60 = tpu.memref_squeeze %dma_start3A_59 : memref<1x640x128xf32, #tpu.memory_space<hbm>> -> memref<640x128xf32, #tpu.memory_space<hbm>>
      %dma_start3A_61 = arith.constant 0 : i32
      %dma_start3A_62 = tpu.memref_slice %arg12[%mul3A_14, %dma_start3A_61] : memref<10240x128xf32, #tpu.memory_space<vmem_shared>> -> memref<640x128xf32, #tpu.memory_space<vmem_shared>>
      tpu.enqueue_dma source(%dma_start3A_62 : memref<640x128xf32, #tpu.memory_space<vmem_shared>>) target(%dma_start3A_60 : memref<640x128xf32, #tpu.memory_space<hbm>>) target_semaphore(%run_scoped3A : memref<!tpu.dma_semaphore, #tpu.memory_space<semaphore_mem>>)
      %dma_wait3A = arith.constant 0 : i32
      %dma_wait3A_63 = tpu.memref_slice %arg7[%add3A_16, %mul3A_18, %dma_wait3A] : memref<6x10240x128xf32, #tpu.memory_space<hbm>> -> memref<1x640x128xf32, #tpu.memory_space<hbm>>
      %dma_wait3A_64 = tpu.memref_squeeze %dma_wait3A_63 : memref<1x640x128xf32, #tpu.memory_space<hbm>> -> memref<640x128xf32, #tpu.memory_space<hbm>>
      %dma_wait3A_65 = arith.constant 0 : i32
      %dma_wait3A_66 = tpu.memref_slice %arg12[%mul3A_14, %dma_wait3A_65] : memref<10240x128xf32, #tpu.memory_space<vmem_shared>> -> memref<640x128xf32, #tpu.memory_space<vmem_shared>>
      tpu.wait_dma2 semaphore(%run_scoped3A : memref<!tpu.dma_semaphore, #tpu.memory_space<semaphore_mem>>) src(%dma_wait3A_66 : memref<640x128xf32, #tpu.memory_space<vmem_shared>>) dst(%dma_wait3A_64 : memref<640x128xf32, #tpu.memory_space<hbm>>)
      tpu.yield
    }) : () -> ()
    %mul3A_19 = arith.constant 640 : i32
    %mul3A_20 = arith.muli %arg1, %mul3A_19 : i32
    "tpu.region"() ({
      %run_scoped3A = tpu.sem_alloc : memref<!tpu.dma_semaphore, #tpu.memory_space<semaphore_mem>>
      %dma_start3A = arith.constant 0 : i32
      %dma_start3A_59 = tpu.memref_slice %arg12[%mul3A_20, %dma_start3A] : memref<10240x128xf32, #tpu.memory_space<vmem_shared>> -> memref<640x128xf32, #tpu.memory_space<vmem_shared>>
      tpu.enqueue_dma source(%arg6 : memref<640x128xf32, #tpu.memory_space<hbm>>) target(%dma_start3A_59 : memref<640x128xf32, #tpu.memory_space<vmem_shared>>) target_semaphore(%run_scoped3A : memref<!tpu.dma_semaphore, #tpu.memory_space<semaphore_mem>>)
      %dma_wait3A = arith.constant 0 : i32
      %dma_wait3A_60 = tpu.memref_slice %arg12[%mul3A_20, %dma_wait3A] : memref<10240x128xf32, #tpu.memory_space<vmem_shared>> -> memref<640x128xf32, #tpu.memory_space<vmem_shared>>
      tpu.wait_dma2 semaphore(%run_scoped3A : memref<!tpu.dma_semaphore, #tpu.memory_space<semaphore_mem>>) src(%arg6 : memref<640x128xf32, #tpu.memory_space<hbm>>) dst(%dma_wait3A_60 : memref<640x128xf32, #tpu.memory_space<vmem_shared>>)
      tpu.yield
    }) : () -> ()
    %add3A_21 = arith.constant 32 : i32
    %add3A_22 = arith.addi %add3A_21, %add3A : i32
    "tpu.region"() ({
      %run_scoped3A = tpu.sem_alloc : memref<!tpu.dma_semaphore, #tpu.memory_space<semaphore_mem>>
      %dma_start3A = arith.constant 0 : i32
      %dma_start3A_59 = arith.constant 0 : i32
      %dma_start3A_60 = tpu.memref_slice %arg4[%add3A_22, %dma_start3A, %dma_start3A_59] : memref<96x40x128xi32, #tpu.memory_space<hbm>> -> memref<1x40x128xi32, #tpu.memory_space<hbm>>
      %dma_start3A_61 = tpu.memref_squeeze %dma_start3A_60 : memref<1x40x128xi32, #tpu.memory_space<hbm>> -> memref<40x128xi32, #tpu.memory_space<hbm>>
      %dma_start3A_62 = arith.constant 0 : i32
      %dma_start3A_63 = arith.constant 0 : i32
      %dma_start3A_64 = tpu.memref_slice %arg4[%add3A_22, %dma_start3A_62, %dma_start3A_63] : memref<96x40x128xi32, #tpu.memory_space<hbm>> -> memref<1x40x128xi32, #tpu.memory_space<hbm>>
      %dma_start3A_65 = tpu.memref_squeeze %dma_start3A_64 : memref<1x40x128xi32, #tpu.memory_space<hbm>> -> memref<40x128xi32, #tpu.memory_space<hbm>>
      tpu.enqueue_dma source(%dma_start3A_65 : memref<40x128xi32, #tpu.memory_space<hbm>>) target(%arg8 : memref<40x128xi32, #tpu.memory_space<vmem>>) target_semaphore(%run_scoped3A : memref<!tpu.dma_semaphore, #tpu.memory_space<semaphore_mem>>)
      %dma_wait3A = arith.constant 0 : i32
      %dma_wait3A_66 = arith.constant 0 : i32
      %dma_wait3A_67 = tpu.memref_slice %arg4[%add3A_22, %dma_wait3A, %dma_wait3A_66] : memref<96x40x128xi32, #tpu.memory_space<hbm>> -> memref<1x40x128xi32, #tpu.memory_space<hbm>>
      %dma_wait3A_68 = tpu.memref_squeeze %dma_wait3A_67 : memref<1x40x128xi32, #tpu.memory_space<hbm>> -> memref<40x128xi32, #tpu.memory_space<hbm>>
      %dma_wait3A_69 = arith.constant 0 : i32
      %dma_wait3A_70 = arith.constant 0 : i32
      %dma_wait3A_71 = tpu.memref_slice %arg4[%add3A_22, %dma_wait3A_69, %dma_wait3A_70] : memref<96x40x128xi32, #tpu.memory_space<hbm>> -> memref<1x40x128xi32, #tpu.memory_space<hbm>>
      %dma_wait3A_72 = tpu.memref_squeeze %dma_wait3A_71 : memref<1x40x128xi32, #tpu.memory_space<hbm>> -> memref<40x128xi32, #tpu.memory_space<hbm>>
      tpu.wait_dma2 semaphore(%run_scoped3A : memref<!tpu.dma_semaphore, #tpu.memory_space<semaphore_mem>>) src(%dma_wait3A_72 : memref<40x128xi32, #tpu.memory_space<hbm>>) dst(%arg8 : memref<40x128xi32, #tpu.memory_space<vmem>>)
      tpu.yield
    }) : () -> ()
    %add3A_23 = arith.constant 32 : i32
    %add3A_24 = arith.addi %add3A_23, %add3A : i32
    "tpu.region"() ({
      %run_scoped3A = tpu.sem_alloc : memref<!tpu.dma_semaphore, #tpu.memory_space<semaphore_mem>>
      %dma_start3A = arith.constant 0 : i32
      %dma_start3A_59 = arith.constant 0 : i32
      %dma_start3A_60 = tpu.memref_slice %arg5[%add3A_24, %dma_start3A, %dma_start3A_59] : memref<96x40x128xi32, #tpu.memory_space<hbm>> -> memref<1x40x128xi32, #tpu.memory_space<hbm>>
      %dma_start3A_61 = tpu.memref_squeeze %dma_start3A_60 : memref<1x40x128xi32, #tpu.memory_space<hbm>> -> memref<40x128xi32, #tpu.memory_space<hbm>>
      %dma_start3A_62 = arith.constant 0 : i32
      %dma_start3A_63 = arith.constant 0 : i32
      %dma_start3A_64 = tpu.memref_slice %arg5[%add3A_24, %dma_start3A_62, %dma_start3A_63] : memref<96x40x128xi32, #tpu.memory_space<hbm>> -> memref<1x40x128xi32, #tpu.memory_space<hbm>>
      %dma_start3A_65 = tpu.memref_squeeze %dma_start3A_64 : memref<1x40x128xi32, #tpu.memory_space<hbm>> -> memref<40x128xi32, #tpu.memory_space<hbm>>
      tpu.enqueue_dma source(%dma_start3A_65 : memref<40x128xi32, #tpu.memory_space<hbm>>) target(%arg9 : memref<40x128xi32, #tpu.memory_space<vmem>>) target_semaphore(%run_scoped3A : memref<!tpu.dma_semaphore, #tpu.memory_space<semaphore_mem>>)
      %dma_wait3A = arith.constant 0 : i32
      %dma_wait3A_66 = arith.constant 0 : i32
      %dma_wait3A_67 = tpu.memref_slice %arg5[%add3A_24, %dma_wait3A, %dma_wait3A_66] : memref<96x40x128xi32, #tpu.memory_space<hbm>> -> memref<1x40x128xi32, #tpu.memory_space<hbm>>
      %dma_wait3A_68 = tpu.memref_squeeze %dma_wait3A_67 : memref<1x40x128xi32, #tpu.memory_space<hbm>> -> memref<40x128xi32, #tpu.memory_space<hbm>>
      %dma_wait3A_69 = arith.constant 0 : i32
      %dma_wait3A_70 = arith.constant 0 : i32
      %dma_wait3A_71 = tpu.memref_slice %arg5[%add3A_24, %dma_wait3A_69, %dma_wait3A_70] : memref<96x40x128xi32, #tpu.memory_space<hbm>> -> memref<1x40x128xi32, #tpu.memory_space<hbm>>
      %dma_wait3A_72 = tpu.memref_squeeze %dma_wait3A_71 : memref<1x40x128xi32, #tpu.memory_space<hbm>> -> memref<40x128xi32, #tpu.memory_space<hbm>>
      tpu.wait_dma2 semaphore(%run_scoped3A : memref<!tpu.dma_semaphore, #tpu.memory_space<semaphore_mem>>) src(%dma_wait3A_72 : memref<40x128xi32, #tpu.memory_space<hbm>>) dst(%arg9 : memref<40x128xi32, #tpu.memory_space<vmem>>)
      tpu.yield
    }) : () -> ()
    %barrier3A_25 = arith.constant 0 : index
    tpu.barrier barrier_id(%barrier3A_25)
    %scan3A_26 = arith.constant 0 : i32
    %scan3A_27 = arith.constant 0 : i32
    %scan3A_28 = arith.constant 10 : i32
    %scan3A_29 = arith.addi %scan3A_27, %scan3A_28 : i32
    %scan3A_30 = arith.constant 1 : i32
    scf.for %scan3A_59 = %scan3A_27 to %scan3A_29 step %scan3A_30  : i32 {
      %mul3A_60 = arith.constant 4 : i32
      %mul3A_61 = arith.muli %mul3A_60, %scan3A_59 : i32
      %dma_start3A = arith.constant 0 : i32
      %dma_start3A_62 = tpu.memref_slice %arg8[%mul3A_61, %dma_start3A] : memref<40x128xi32, #tpu.memory_space<vmem>> -> memref<1x128xi32, #tpu.memory_space<vmem>>
      %dma_start3A_63 = tpu.memref_squeeze %dma_start3A_62 : memref<1x128xi32, #tpu.memory_space<vmem>> -> memref<128xi32, #tpu.memory_space<vmem>>
      %dma_start3A_64 = arith.constant 0 : i32
      %dma_start3A_65 = arith.constant 0 : i32
      %dma_start3A_66 = tpu.memref_slice %arg2[%dma_start3A_64, %dma_start3A_65] : memref<10240x128xf32, #tpu.memory_space<hbm>> -> memref<10240x128xf32, #tpu.memory_space<hbm>>
      tpu.enqueue_indirect_dma source(%dma_start3A_66 : memref<10240x128xf32, #tpu.memory_space<hbm>>) target(%arg10 : memref<128x128xf32, #tpu.memory_space<vmem>>) offsets(%dma_start3A_63 : memref<128xi32, #tpu.memory_space<vmem>>) semaphore(%arg13 : memref<!tpu.dma_semaphore, #tpu.memory_space<semaphore_mem>>)
      %add3A_67 = arith.constant 1 : i32
      %add3A_68 = arith.addi %mul3A_61, %add3A_67 : i32
      %dma_start3A_69 = arith.constant 0 : i32
      %dma_start3A_70 = tpu.memref_slice %arg8[%add3A_68, %dma_start3A_69] : memref<40x128xi32, #tpu.memory_space<vmem>> -> memref<1x128xi32, #tpu.memory_space<vmem>>
      %dma_start3A_71 = tpu.memref_squeeze %dma_start3A_70 : memref<1x128xi32, #tpu.memory_space<vmem>> -> memref<128xi32, #tpu.memory_space<vmem>>
      %dma_start3A_72 = arith.constant 0 : i32
      %dma_start3A_73 = arith.constant 0 : i32
      %dma_start3A_74 = tpu.memref_slice %arg2[%dma_start3A_72, %dma_start3A_73] : memref<10240x128xf32, #tpu.memory_space<hbm>> -> memref<10240x128xf32, #tpu.memory_space<hbm>>
      tpu.enqueue_indirect_dma source(%dma_start3A_74 : memref<10240x128xf32, #tpu.memory_space<hbm>>) target(%arg11 : memref<128x128xf32, #tpu.memory_space<vmem>>) offsets(%dma_start3A_71 : memref<128xi32, #tpu.memory_space<vmem>>) semaphore(%arg14 : memref<!tpu.dma_semaphore, #tpu.memory_space<semaphore_mem>>)
      %dma_wait3A = arith.constant 0 : i32
      %dma_wait3A_75 = tpu.memref_slice %arg8[%mul3A_61, %dma_wait3A] : memref<40x128xi32, #tpu.memory_space<vmem>> -> memref<1x128xi32, #tpu.memory_space<vmem>>
      %dma_wait3A_76 = tpu.memref_squeeze %dma_wait3A_75 : memref<1x128xi32, #tpu.memory_space<vmem>> -> memref<128xi32, #tpu.memory_space<vmem>>
      %dma_wait3A_77 = arith.constant 0 : i32
      %dma_wait3A_78 = arith.constant 0 : i32
      %dma_wait3A_79 = tpu.memref_slice %arg2[%dma_wait3A_77, %dma_wait3A_78] : memref<10240x128xf32, #tpu.memory_space<hbm>> -> memref<10240x128xf32, #tpu.memory_space<hbm>>
      tpu.wait_indirect_dma semaphore(%arg13 : memref<!tpu.dma_semaphore, #tpu.memory_space<semaphore_mem>>) src(%dma_wait3A_79 : memref<10240x128xf32, #tpu.memory_space<hbm>>) dst(%arg10 : memref<128x128xf32, #tpu.memory_space<vmem>>)
      %dma_start3A_80 = arith.constant 0 : i32
      %dma_start3A_81 = tpu.memref_slice %arg9[%mul3A_61, %dma_start3A_80] : memref<40x128xi32, #tpu.memory_space<vmem>> -> memref<1x128xi32, #tpu.memory_space<vmem>>
      %dma_start3A_82 = tpu.memref_squeeze %dma_start3A_81 : memref<1x128xi32, #tpu.memory_space<vmem>> -> memref<128xi32, #tpu.memory_space<vmem>>
      %dma_start3A_83 = arith.constant 0 : i32
      %dma_start3A_84 = arith.constant 0 : i32
      %dma_start3A_85 = tpu.memref_slice %arg12[%dma_start3A_83, %dma_start3A_84] : memref<10240x128xf32, #tpu.memory_space<vmem_shared>> -> memref<10240x128xf32, #tpu.memory_space<vmem_shared>>
      tpu.enqueue_indirect_dma source(%arg10 : memref<128x128xf32, #tpu.memory_space<vmem>>) target(%dma_start3A_85 : memref<10240x128xf32, #tpu.memory_space<vmem_shared>>) offsets(%dma_start3A_82 : memref<128xi32, #tpu.memory_space<vmem>>) semaphore(%arg15 : memref<!tpu.dma_semaphore, #tpu.memory_space<semaphore_mem>>) {add = true}
      %dma_wait3A_86 = arith.constant 0 : i32
      %dma_wait3A_87 = tpu.memref_slice %arg8[%add3A_68, %dma_wait3A_86] : memref<40x128xi32, #tpu.memory_space<vmem>> -> memref<1x128xi32, #tpu.memory_space<vmem>>
      %dma_wait3A_88 = tpu.memref_squeeze %dma_wait3A_87 : memref<1x128xi32, #tpu.memory_space<vmem>> -> memref<128xi32, #tpu.memory_space<vmem>>
      %dma_wait3A_89 = arith.constant 0 : i32
      %dma_wait3A_90 = arith.constant 0 : i32
      %dma_wait3A_91 = tpu.memref_slice %arg2[%dma_wait3A_89, %dma_wait3A_90] : memref<10240x128xf32, #tpu.memory_space<hbm>> -> memref<10240x128xf32, #tpu.memory_space<hbm>>
      tpu.wait_indirect_dma semaphore(%arg14 : memref<!tpu.dma_semaphore, #tpu.memory_space<semaphore_mem>>) src(%dma_wait3A_91 : memref<10240x128xf32, #tpu.memory_space<hbm>>) dst(%arg11 : memref<128x128xf32, #tpu.memory_space<vmem>>)
      %add3A_92 = arith.constant 1 : i32
      %add3A_93 = arith.addi %mul3A_61, %add3A_92 : i32
      %dma_start3A_94 = arith.constant 0 : i32
      %dma_start3A_95 = tpu.memref_slice %arg9[%add3A_93, %dma_start3A_94] : memref<40x128xi32, #tpu.memory_space<vmem>> -> memref<1x128xi32, #tpu.memory_space<vmem>>
      %dma_start3A_96 = tpu.memref_squeeze %dma_start3A_95 : memref<1x128xi32, #tpu.memory_space<vmem>> -> memref<128xi32, #tpu.memory_space<vmem>>
      %dma_start3A_97 = arith.constant 0 : i32
      %dma_start3A_98 = arith.constant 0 : i32
      %dma_start3A_99 = tpu.memref_slice %arg12[%dma_start3A_97, %dma_start3A_98] : memref<10240x128xf32, #tpu.memory_space<vmem_shared>> -> memref<10240x128xf32, #tpu.memory_space<vmem_shared>>
      tpu.enqueue_indirect_dma source(%arg11 : memref<128x128xf32, #tpu.memory_space<vmem>>) target(%dma_start3A_99 : memref<10240x128xf32, #tpu.memory_space<vmem_shared>>) offsets(%dma_start3A_96 : memref<128xi32, #tpu.memory_space<vmem>>) semaphore(%arg16 : memref<!tpu.dma_semaphore, #tpu.memory_space<semaphore_mem>>) {add = true}
      %dma_wait3A_100 = arith.constant 0 : i32
      %dma_wait3A_101 = tpu.memref_slice %arg9[%mul3A_61, %dma_wait3A_100] : memref<40x128xi32, #tpu.memory_space<vmem>> -> memref<1x128xi32, #tpu.memory_space<vmem>>
      %dma_wait3A_102 = tpu.memref_squeeze %dma_wait3A_101 : memref<1x128xi32, #tpu.memory_space<vmem>> -> memref<128xi32, #tpu.memory_space<vmem>>
      %dma_wait3A_103 = arith.constant 0 : i32
      %dma_wait3A_104 = arith.constant 0 : i32
      %dma_wait3A_105 = tpu.memref_slice %arg12[%dma_wait3A_103, %dma_wait3A_104] : memref<10240x128xf32, #tpu.memory_space<vmem_shared>> -> memref<10240x128xf32, #tpu.memory_space<vmem_shared>>
      tpu.wait_indirect_dma semaphore(%arg15 : memref<!tpu.dma_semaphore, #tpu.memory_space<semaphore_mem>>) src(%arg10 : memref<128x128xf32, #tpu.memory_space<vmem>>) dst(%dma_wait3A_105 : memref<10240x128xf32, #tpu.memory_space<vmem_shared>>)
      %add3A_106 = arith.constant 2 : i32
      %add3A_107 = arith.addi %mul3A_61, %add3A_106 : i32
      %dma_start3A_108 = arith.constant 0 : i32
      %dma_start3A_109 = tpu.memref_slice %arg8[%add3A_107, %dma_start3A_108] : memref<40x128xi32, #tpu.memory_space<vmem>> -> memref<1x128xi32, #tpu.memory_space<vmem>>
      %dma_start3A_110 = tpu.memref_squeeze %dma_start3A_109 : memref<1x128xi32, #tpu.memory_space<vmem>> -> memref<128xi32, #tpu.memory_space<vmem>>
      %dma_start3A_111 = arith.constant 0 : i32
      %dma_start3A_112 = arith.constant 0 : i32
      %dma_start3A_113 = tpu.memref_slice %arg2[%dma_start3A_111, %dma_start3A_112] : memref<10240x128xf32, #tpu.memory_space<hbm>> -> memref<10240x128xf32, #tpu.memory_space<hbm>>
      tpu.enqueue_indirect_dma source(%dma_start3A_113 : memref<10240x128xf32, #tpu.memory_space<hbm>>) target(%arg10 : memref<128x128xf32, #tpu.memory_space<vmem>>) offsets(%dma_start3A_110 : memref<128xi32, #tpu.memory_space<vmem>>) semaphore(%arg13 : memref<!tpu.dma_semaphore, #tpu.memory_space<semaphore_mem>>)
      %dma_wait3A_114 = arith.constant 0 : i32
      %dma_wait3A_115 = tpu.memref_slice %arg9[%add3A_93, %dma_wait3A_114] : memref<40x128xi32, #tpu.memory_space<vmem>> -> memref<1x128xi32, #tpu.memory_space<vmem>>
      %dma_wait3A_116 = tpu.memref_squeeze %dma_wait3A_115 : memref<1x128xi32, #tpu.memory_space<vmem>> -> memref<128xi32, #tpu.memory_space<vmem>>
      %dma_wait3A_117 = arith.constant 0 : i32
      %dma_wait3A_118 = arith.constant 0 : i32
      %dma_wait3A_119 = tpu.memref_slice %arg12[%dma_wait3A_117, %dma_wait3A_118] : memref<10240x128xf32, #tpu.memory_space<vmem_shared>> -> memref<10240x128xf32, #tpu.memory_space<vmem_shared>>
      tpu.wait_indirect_dma semaphore(%arg16 : memref<!tpu.dma_semaphore, #tpu.memory_space<semaphore_mem>>) src(%arg11 : memref<128x128xf32, #tpu.memory_space<vmem>>) dst(%dma_wait3A_119 : memref<10240x128xf32, #tpu.memory_space<vmem_shared>>)
      %add3A_120 = arith.constant 3 : i32
      %add3A_121 = arith.addi %mul3A_61, %add3A_120 : i32
      %dma_start3A_122 = arith.constant 0 : i32
      %dma_start3A_123 = tpu.memref_slice %arg8[%add3A_121, %dma_start3A_122] : memref<40x128xi32, #tpu.memory_space<vmem>> -> memref<1x128xi32, #tpu.memory_space<vmem>>
      %dma_start3A_124 = tpu.memref_squeeze %dma_start3A_123 : memref<1x128xi32, #tpu.memory_space<vmem>> -> memref<128xi32, #tpu.memory_space<vmem>>
      %dma_start3A_125 = arith.constant 0 : i32
      %dma_start3A_126 = arith.constant 0 : i32
      %dma_start3A_127 = tpu.memref_slice %arg2[%dma_start3A_125, %dma_start3A_126] : memref<10240x128xf32, #tpu.memory_space<hbm>> -> memref<10240x128xf32, #tpu.memory_space<hbm>>
      tpu.enqueue_indirect_dma source(%dma_start3A_127 : memref<10240x128xf32, #tpu.memory_space<hbm>>) target(%arg11 : memref<128x128xf32, #tpu.memory_space<vmem>>) offsets(%dma_start3A_124 : memref<128xi32, #tpu.memory_space<vmem>>) semaphore(%arg14 : memref<!tpu.dma_semaphore, #tpu.memory_space<semaphore_mem>>)
      %dma_wait3A_128 = arith.constant 0 : i32
      %dma_wait3A_129 = tpu.memref_slice %arg8[%add3A_107, %dma_wait3A_128] : memref<40x128xi32, #tpu.memory_space<vmem>> -> memref<1x128xi32, #tpu.memory_space<vmem>>
      %dma_wait3A_130 = tpu.memref_squeeze %dma_wait3A_129 : memref<1x128xi32, #tpu.memory_space<vmem>> -> memref<128xi32, #tpu.memory_space<vmem>>
      %dma_wait3A_131 = arith.constant 0 : i32
      %dma_wait3A_132 = arith.constant 0 : i32
      %dma_wait3A_133 = tpu.memref_slice %arg2[%dma_wait3A_131, %dma_wait3A_132] : memref<10240x128xf32, #tpu.memory_space<hbm>> -> memref<10240x128xf32, #tpu.memory_space<hbm>>
      tpu.wait_indirect_dma semaphore(%arg13 : memref<!tpu.dma_semaphore, #tpu.memory_space<semaphore_mem>>) src(%dma_wait3A_133 : memref<10240x128xf32, #tpu.memory_space<hbm>>) dst(%arg10 : memref<128x128xf32, #tpu.memory_space<vmem>>)
      %add3A_134 = arith.constant 2 : i32
      %add3A_135 = arith.addi %mul3A_61, %add3A_134 : i32
      %dma_start3A_136 = arith.constant 0 : i32
      %dma_start3A_137 = tpu.memref_slice %arg9[%add3A_135, %dma_start3A_136] : memref<40x128xi32, #tpu.memory_space<vmem>> -> memref<1x128xi32, #tpu.memory_space<vmem>>
      %dma_start3A_138 = tpu.memref_squeeze %dma_start3A_137 : memref<1x128xi32, #tpu.memory_space<vmem>> -> memref<128xi32, #tpu.memory_space<vmem>>
      %dma_start3A_139 = arith.constant 0 : i32
      %dma_start3A_140 = arith.constant 0 : i32
      %dma_start3A_141 = tpu.memref_slice %arg12[%dma_start3A_139, %dma_start3A_140] : memref<10240x128xf32, #tpu.memory_space<vmem_shared>> -> memref<10240x128xf32, #tpu.memory_space<vmem_shared>>
      tpu.enqueue_indirect_dma source(%arg10 : memref<128x128xf32, #tpu.memory_space<vmem>>) target(%dma_start3A_141 : memref<10240x128xf32, #tpu.memory_space<vmem_shared>>) offsets(%dma_start3A_138 : memref<128xi32, #tpu.memory_space<vmem>>) semaphore(%arg15 : memref<!tpu.dma_semaphore, #tpu.memory_space<semaphore_mem>>) {add = true}
      %dma_wait3A_142 = arith.constant 0 : i32
      %dma_wait3A_143 = tpu.memref_slice %arg8[%add3A_121, %dma_wait3A_142] : memref<40x128xi32, #tpu.memory_space<vmem>> -> memref<1x128xi32, #tpu.memory_space<vmem>>
      %dma_wait3A_144 = tpu.memref_squeeze %dma_wait3A_143 : memref<1x128xi32, #tpu.memory_space<vmem>> -> memref<128xi32, #tpu.memory_space<vmem>>
      %dma_wait3A_145 = arith.constant 0 : i32
      %dma_wait3A_146 = arith.constant 0 : i32
      %dma_wait3A_147 = tpu.memref_slice %arg2[%dma_wait3A_145, %dma_wait3A_146] : memref<10240x128xf32, #tpu.memory_space<hbm>> -> memref<10240x128xf32, #tpu.memory_space<hbm>>
      tpu.wait_indirect_dma semaphore(%arg14 : memref<!tpu.dma_semaphore, #tpu.memory_space<semaphore_mem>>) src(%dma_wait3A_147 : memref<10240x128xf32, #tpu.memory_space<hbm>>) dst(%arg11 : memref<128x128xf32, #tpu.memory_space<vmem>>)
      %add3A_148 = arith.constant 3 : i32
      %add3A_149 = arith.addi %mul3A_61, %add3A_148 : i32
      %dma_start3A_150 = arith.constant 0 : i32
      %dma_start3A_151 = tpu.memref_slice %arg9[%add3A_149, %dma_start3A_150] : memref<40x128xi32, #tpu.memory_space<vmem>> -> memref<1x128xi32, #tpu.memory_space<vmem>>
      %dma_start3A_152 = tpu.memref_squeeze %dma_start3A_151 : memref<1x128xi32, #tpu.memory_space<vmem>> -> memref<128xi32, #tpu.memory_space<vmem>>
      %dma_start3A_153 = arith.constant 0 : i32
      %dma_start3A_154 = arith.constant 0 : i32
      %dma_start3A_155 = tpu.memref_slice %arg12[%dma_start3A_153, %dma_start3A_154] : memref<10240x128xf32, #tpu.memory_space<vmem_shared>> -> memref<10240x128xf32, #tpu.memory_space<vmem_shared>>
      tpu.enqueue_indirect_dma source(%arg11 : memref<128x128xf32, #tpu.memory_space<vmem>>) target(%dma_start3A_155 : memref<10240x128xf32, #tpu.memory_space<vmem_shared>>) offsets(%dma_start3A_152 : memref<128xi32, #tpu.memory_space<vmem>>) semaphore(%arg16 : memref<!tpu.dma_semaphore, #tpu.memory_space<semaphore_mem>>) {add = true}
      %dma_wait3A_156 = arith.constant 0 : i32
      %dma_wait3A_157 = tpu.memref_slice %arg9[%add3A_135, %dma_wait3A_156] : memref<40x128xi32, #tpu.memory_space<vmem>> -> memref<1x128xi32, #tpu.memory_space<vmem>>
      %dma_wait3A_158 = tpu.memref_squeeze %dma_wait3A_157 : memref<1x128xi32, #tpu.memory_space<vmem>> -> memref<128xi32, #tpu.memory_space<vmem>>
      %dma_wait3A_159 = arith.constant 0 : i32
      %dma_wait3A_160 = arith.constant 0 : i32
      %dma_wait3A_161 = tpu.memref_slice %arg12[%dma_wait3A_159, %dma_wait3A_160] : memref<10240x128xf32, #tpu.memory_space<vmem_shared>> -> memref<10240x128xf32, #tpu.memory_space<vmem_shared>>
      tpu.wait_indirect_dma semaphore(%arg15 : memref<!tpu.dma_semaphore, #tpu.memory_space<semaphore_mem>>) src(%arg10 : memref<128x128xf32, #tpu.memory_space<vmem>>) dst(%dma_wait3A_161 : memref<10240x128xf32, #tpu.memory_space<vmem_shared>>)
      %dma_wait3A_162 = arith.constant 0 : i32
      %dma_wait3A_163 = tpu.memref_slice %arg9[%add3A_149, %dma_wait3A_162] : memref<40x128xi32, #tpu.memory_space<vmem>> -> memref<1x128xi32, #tpu.memory_space<vmem>>
      %dma_wait3A_164 = tpu.memref_squeeze %dma_wait3A_163 : memref<1x128xi32, #tpu.memory_space<vmem>> -> memref<128xi32, #tpu.memory_space<vmem>>
      %dma_wait3A_165 = arith.constant 0 : i32
      %dma_wait3A_166 = arith.constant 0 : i32
      %dma_wait3A_167 = tpu.memref_slice %arg12[%dma_wait3A_165, %dma_wait3A_166] : memref<10240x128xf32, #tpu.memory_space<vmem_shared>> -> memref<10240x128xf32, #tpu.memory_space<vmem_shared>>
      tpu.wait_indirect_dma semaphore(%arg16 : memref<!tpu.dma_semaphore, #tpu.memory_space<semaphore_mem>>) src(%arg11 : memref<128x128xf32, #tpu.memory_space<vmem>>) dst(%dma_wait3A_167 : memref<10240x128xf32, #tpu.memory_space<vmem_shared>>)
    }
    %scan3A_31 = arith.constant 10 : i32
    %barrier3A_32 = arith.constant 0 : index
    tpu.barrier barrier_id(%barrier3A_32)
    %mul3A_33 = arith.constant 640 : i32
    %mul3A_34 = arith.muli %arg1, %mul3A_33 : i32
    %add3A_35 = arith.constant 2 : i32
    %add3A_36 = arith.addi %add3A_35, %arg0 : i32
    %mul3A_37 = arith.constant 640 : i32
    %mul3A_38 = arith.muli %arg1, %mul3A_37 : i32
    "tpu.region"() ({
      %run_scoped3A = tpu.sem_alloc : memref<!tpu.dma_semaphore, #tpu.memory_space<semaphore_mem>>
      %dma_start3A = arith.constant 0 : i32
      %dma_start3A_59 = tpu.memref_slice %arg7[%add3A_36, %mul3A_38, %dma_start3A] : memref<6x10240x128xf32, #tpu.memory_space<hbm>> -> memref<1x640x128xf32, #tpu.memory_space<hbm>>
      %dma_start3A_60 = tpu.memref_squeeze %dma_start3A_59 : memref<1x640x128xf32, #tpu.memory_space<hbm>> -> memref<640x128xf32, #tpu.memory_space<hbm>>
      %dma_start3A_61 = arith.constant 0 : i32
      %dma_start3A_62 = tpu.memref_slice %arg12[%mul3A_34, %dma_start3A_61] : memref<10240x128xf32, #tpu.memory_space<vmem_shared>> -> memref<640x128xf32, #tpu.memory_space<vmem_shared>>
      tpu.enqueue_dma source(%dma_start3A_62 : memref<640x128xf32, #tpu.memory_space<vmem_shared>>) target(%dma_start3A_60 : memref<640x128xf32, #tpu.memory_space<hbm>>) target_semaphore(%run_scoped3A : memref<!tpu.dma_semaphore, #tpu.memory_space<semaphore_mem>>)
      %dma_wait3A = arith.constant 0 : i32
      %dma_wait3A_63 = tpu.memref_slice %arg7[%add3A_36, %mul3A_38, %dma_wait3A] : memref<6x10240x128xf32, #tpu.memory_space<hbm>> -> memref<1x640x128xf32, #tpu.memory_space<hbm>>
      %dma_wait3A_64 = tpu.memref_squeeze %dma_wait3A_63 : memref<1x640x128xf32, #tpu.memory_space<hbm>> -> memref<640x128xf32, #tpu.memory_space<hbm>>
      %dma_wait3A_65 = arith.constant 0 : i32
      %dma_wait3A_66 = tpu.memref_slice %arg12[%mul3A_34, %dma_wait3A_65] : memref<10240x128xf32, #tpu.memory_space<vmem_shared>> -> memref<640x128xf32, #tpu.memory_space<vmem_shared>>
      tpu.wait_dma2 semaphore(%run_scoped3A : memref<!tpu.dma_semaphore, #tpu.memory_space<semaphore_mem>>) src(%dma_wait3A_66 : memref<640x128xf32, #tpu.memory_space<vmem_shared>>) dst(%dma_wait3A_64 : memref<640x128xf32, #tpu.memory_space<hbm>>)
      tpu.yield
    }) : () -> ()
    %mul3A_39 = arith.constant 640 : i32
    %mul3A_40 = arith.muli %arg1, %mul3A_39 : i32
    "tpu.region"() ({
      %run_scoped3A = tpu.sem_alloc : memref<!tpu.dma_semaphore, #tpu.memory_space<semaphore_mem>>
      %dma_start3A = arith.constant 0 : i32
      %dma_start3A_59 = tpu.memref_slice %arg12[%mul3A_40, %dma_start3A] : memref<10240x128xf32, #tpu.memory_space<vmem_shared>> -> memref<640x128xf32, #tpu.memory_space<vmem_shared>>
      tpu.enqueue_dma source(%arg6 : memref<640x128xf32, #tpu.memory_space<hbm>>) target(%dma_start3A_59 : memref<640x128xf32, #tpu.memory_space<vmem_shared>>) target_semaphore(%run_scoped3A : memref<!tpu.dma_semaphore, #tpu.memory_space<semaphore_mem>>)
      %dma_wait3A = arith.constant 0 : i32
      %dma_wait3A_60 = tpu.memref_slice %arg12[%mul3A_40, %dma_wait3A] : memref<10240x128xf32, #tpu.memory_space<vmem_shared>> -> memref<640x128xf32, #tpu.memory_space<vmem_shared>>
      tpu.wait_dma2 semaphore(%run_scoped3A : memref<!tpu.dma_semaphore, #tpu.memory_space<semaphore_mem>>) src(%arg6 : memref<640x128xf32, #tpu.memory_space<hbm>>) dst(%dma_wait3A_60 : memref<640x128xf32, #tpu.memory_space<vmem_shared>>)
      tpu.yield
    }) : () -> ()
    %add3A_41 = arith.constant 64 : i32
    %add3A_42 = arith.addi %add3A_41, %add3A : i32
    "tpu.region"() ({
      %run_scoped3A = tpu.sem_alloc : memref<!tpu.dma_semaphore, #tpu.memory_space<semaphore_mem>>
      %dma_start3A = arith.constant 0 : i32
      %dma_start3A_59 = arith.constant 0 : i32
      %dma_start3A_60 = tpu.memref_slice %arg4[%add3A_42, %dma_start3A, %dma_start3A_59] : memref<96x40x128xi32, #tpu.memory_space<hbm>> -> memref<1x40x128xi32, #tpu.memory_space<hbm>>
      %dma_start3A_61 = tpu.memref_squeeze %dma_start3A_60 : memref<1x40x128xi32, #tpu.memory_space<hbm>> -> memref<40x128xi32, #tpu.memory_space<hbm>>
      %dma_start3A_62 = arith.constant 0 : i32
      %dma_start3A_63 = arith.constant 0 : i32
      %dma_start3A_64 = tpu.memref_slice %arg4[%add3A_42, %dma_start3A_62, %dma_start3A_63] : memref<96x40x128xi32, #tpu.memory_space<hbm>> -> memref<1x40x128xi32, #tpu.memory_space<hbm>>
      %dma_start3A_65 = tpu.memref_squeeze %dma_start3A_64 : memref<1x40x128xi32, #tpu.memory_space<hbm>> -> memref<40x128xi32, #tpu.memory_space<hbm>>
      tpu.enqueue_dma source(%dma_start3A_65 : memref<40x128xi32, #tpu.memory_space<hbm>>) target(%arg8 : memref<40x128xi32, #tpu.memory_space<vmem>>) target_semaphore(%run_scoped3A : memref<!tpu.dma_semaphore, #tpu.memory_space<semaphore_mem>>)
      %dma_wait3A = arith.constant 0 : i32
      %dma_wait3A_66 = arith.constant 0 : i32
      %dma_wait3A_67 = tpu.memref_slice %arg4[%add3A_42, %dma_wait3A, %dma_wait3A_66] : memref<96x40x128xi32, #tpu.memory_space<hbm>> -> memref<1x40x128xi32, #tpu.memory_space<hbm>>
      %dma_wait3A_68 = tpu.memref_squeeze %dma_wait3A_67 : memref<1x40x128xi32, #tpu.memory_space<hbm>> -> memref<40x128xi32, #tpu.memory_space<hbm>>
      %dma_wait3A_69 = arith.constant 0 : i32
      %dma_wait3A_70 = arith.constant 0 : i32
      %dma_wait3A_71 = tpu.memref_slice %arg4[%add3A_42, %dma_wait3A_69, %dma_wait3A_70] : memref<96x40x128xi32, #tpu.memory_space<hbm>> -> memref<1x40x128xi32, #tpu.memory_space<hbm>>
      %dma_wait3A_72 = tpu.memref_squeeze %dma_wait3A_71 : memref<1x40x128xi32, #tpu.memory_space<hbm>> -> memref<40x128xi32, #tpu.memory_space<hbm>>
      tpu.wait_dma2 semaphore(%run_scoped3A : memref<!tpu.dma_semaphore, #tpu.memory_space<semaphore_mem>>) src(%dma_wait3A_72 : memref<40x128xi32, #tpu.memory_space<hbm>>) dst(%arg8 : memref<40x128xi32, #tpu.memory_space<vmem>>)
      tpu.yield
    }) : () -> ()
    %add3A_43 = arith.constant 64 : i32
    %add3A_44 = arith.addi %add3A_43, %add3A : i32
    "tpu.region"() ({
      %run_scoped3A = tpu.sem_alloc : memref<!tpu.dma_semaphore, #tpu.memory_space<semaphore_mem>>
      %dma_start3A = arith.constant 0 : i32
      %dma_start3A_59 = arith.constant 0 : i32
      %dma_start3A_60 = tpu.memref_slice %arg5[%add3A_44, %dma_start3A, %dma_start3A_59] : memref<96x40x128xi32, #tpu.memory_space<hbm>> -> memref<1x40x128xi32, #tpu.memory_space<hbm>>
      %dma_start3A_61 = tpu.memref_squeeze %dma_start3A_60 : memref<1x40x128xi32, #tpu.memory_space<hbm>> -> memref<40x128xi32, #tpu.memory_space<hbm>>
      %dma_start3A_62 = arith.constant 0 : i32
      %dma_start3A_63 = arith.constant 0 : i32
      %dma_start3A_64 = tpu.memref_slice %arg5[%add3A_44, %dma_start3A_62, %dma_start3A_63] : memref<96x40x128xi32, #tpu.memory_space<hbm>> -> memref<1x40x128xi32, #tpu.memory_space<hbm>>
      %dma_start3A_65 = tpu.memref_squeeze %dma_start3A_64 : memref<1x40x128xi32, #tpu.memory_space<hbm>> -> memref<40x128xi32, #tpu.memory_space<hbm>>
      tpu.enqueue_dma source(%dma_start3A_65 : memref<40x128xi32, #tpu.memory_space<hbm>>) target(%arg9 : memref<40x128xi32, #tpu.memory_space<vmem>>) target_semaphore(%run_scoped3A : memref<!tpu.dma_semaphore, #tpu.memory_space<semaphore_mem>>)
      %dma_wait3A = arith.constant 0 : i32
      %dma_wait3A_66 = arith.constant 0 : i32
      %dma_wait3A_67 = tpu.memref_slice %arg5[%add3A_44, %dma_wait3A, %dma_wait3A_66] : memref<96x40x128xi32, #tpu.memory_space<hbm>> -> memref<1x40x128xi32, #tpu.memory_space<hbm>>
      %dma_wait3A_68 = tpu.memref_squeeze %dma_wait3A_67 : memref<1x40x128xi32, #tpu.memory_space<hbm>> -> memref<40x128xi32, #tpu.memory_space<hbm>>
      %dma_wait3A_69 = arith.constant 0 : i32
      %dma_wait3A_70 = arith.constant 0 : i32
      %dma_wait3A_71 = tpu.memref_slice %arg5[%add3A_44, %dma_wait3A_69, %dma_wait3A_70] : memref<96x40x128xi32, #tpu.memory_space<hbm>> -> memref<1x40x128xi32, #tpu.memory_space<hbm>>
      %dma_wait3A_72 = tpu.memref_squeeze %dma_wait3A_71 : memref<1x40x128xi32, #tpu.memory_space<hbm>> -> memref<40x128xi32, #tpu.memory_space<hbm>>
      tpu.wait_dma2 semaphore(%run_scoped3A : memref<!tpu.dma_semaphore, #tpu.memory_space<semaphore_mem>>) src(%dma_wait3A_72 : memref<40x128xi32, #tpu.memory_space<hbm>>) dst(%arg9 : memref<40x128xi32, #tpu.memory_space<vmem>>)
      tpu.yield
    }) : () -> ()
    %barrier3A_45 = arith.constant 0 : index
    tpu.barrier barrier_id(%barrier3A_45)
    %scan3A_46 = arith.constant 0 : i32
    %scan3A_47 = arith.constant 0 : i32
    %scan3A_48 = arith.constant 10 : i32
    %scan3A_49 = arith.addi %scan3A_47, %scan3A_48 : i32
    %scan3A_50 = arith.constant 1 : i32
    scf.for %scan3A_59 = %scan3A_47 to %scan3A_49 step %scan3A_50  : i32 {
      %mul3A_60 = arith.constant 4 : i32
      %mul3A_61 = arith.muli %mul3A_60, %scan3A_59 : i32
      %dma_start3A = arith.constant 0 : i32
      %dma_start3A_62 = tpu.memref_slice %arg8[%mul3A_61, %dma_start3A] : memref<40x128xi32, #tpu.memory_space<vmem>> -> memref<1x128xi32, #tpu.memory_space<vmem>>
      %dma_start3A_63 = tpu.memref_squeeze %dma_start3A_62 : memref<1x128xi32, #tpu.memory_space<vmem>> -> memref<128xi32, #tpu.memory_space<vmem>>
      %dma_start3A_64 = arith.constant 0 : i32
      %dma_start3A_65 = arith.constant 0 : i32
      %dma_start3A_66 = tpu.memref_slice %arg2[%dma_start3A_64, %dma_start3A_65] : memref<10240x128xf32, #tpu.memory_space<hbm>> -> memref<10240x128xf32, #tpu.memory_space<hbm>>
      tpu.enqueue_indirect_dma source(%dma_start3A_66 : memref<10240x128xf32, #tpu.memory_space<hbm>>) target(%arg10 : memref<128x128xf32, #tpu.memory_space<vmem>>) offsets(%dma_start3A_63 : memref<128xi32, #tpu.memory_space<vmem>>) semaphore(%arg13 : memref<!tpu.dma_semaphore, #tpu.memory_space<semaphore_mem>>)
      %add3A_67 = arith.constant 1 : i32
      %add3A_68 = arith.addi %mul3A_61, %add3A_67 : i32
      %dma_start3A_69 = arith.constant 0 : i32
      %dma_start3A_70 = tpu.memref_slice %arg8[%add3A_68, %dma_start3A_69] : memref<40x128xi32, #tpu.memory_space<vmem>> -> memref<1x128xi32, #tpu.memory_space<vmem>>
      %dma_start3A_71 = tpu.memref_squeeze %dma_start3A_70 : memref<1x128xi32, #tpu.memory_space<vmem>> -> memref<128xi32, #tpu.memory_space<vmem>>
      %dma_start3A_72 = arith.constant 0 : i32
      %dma_start3A_73 = arith.constant 0 : i32
      %dma_start3A_74 = tpu.memref_slice %arg2[%dma_start3A_72, %dma_start3A_73] : memref<10240x128xf32, #tpu.memory_space<hbm>> -> memref<10240x128xf32, #tpu.memory_space<hbm>>
      tpu.enqueue_indirect_dma source(%dma_start3A_74 : memref<10240x128xf32, #tpu.memory_space<hbm>>) target(%arg11 : memref<128x128xf32, #tpu.memory_space<vmem>>) offsets(%dma_start3A_71 : memref<128xi32, #tpu.memory_space<vmem>>) semaphore(%arg14 : memref<!tpu.dma_semaphore, #tpu.memory_space<semaphore_mem>>)
      %dma_wait3A = arith.constant 0 : i32
      %dma_wait3A_75 = tpu.memref_slice %arg8[%mul3A_61, %dma_wait3A] : memref<40x128xi32, #tpu.memory_space<vmem>> -> memref<1x128xi32, #tpu.memory_space<vmem>>
      %dma_wait3A_76 = tpu.memref_squeeze %dma_wait3A_75 : memref<1x128xi32, #tpu.memory_space<vmem>> -> memref<128xi32, #tpu.memory_space<vmem>>
      %dma_wait3A_77 = arith.constant 0 : i32
      %dma_wait3A_78 = arith.constant 0 : i32
      %dma_wait3A_79 = tpu.memref_slice %arg2[%dma_wait3A_77, %dma_wait3A_78] : memref<10240x128xf32, #tpu.memory_space<hbm>> -> memref<10240x128xf32, #tpu.memory_space<hbm>>
      tpu.wait_indirect_dma semaphore(%arg13 : memref<!tpu.dma_semaphore, #tpu.memory_space<semaphore_mem>>) src(%dma_wait3A_79 : memref<10240x128xf32, #tpu.memory_space<hbm>>) dst(%arg10 : memref<128x128xf32, #tpu.memory_space<vmem>>)
      %dma_start3A_80 = arith.constant 0 : i32
      %dma_start3A_81 = tpu.memref_slice %arg9[%mul3A_61, %dma_start3A_80] : memref<40x128xi32, #tpu.memory_space<vmem>> -> memref<1x128xi32, #tpu.memory_space<vmem>>
      %dma_start3A_82 = tpu.memref_squeeze %dma_start3A_81 : memref<1x128xi32, #tpu.memory_space<vmem>> -> memref<128xi32, #tpu.memory_space<vmem>>
      %dma_start3A_83 = arith.constant 0 : i32
      %dma_start3A_84 = arith.constant 0 : i32
      %dma_start3A_85 = tpu.memref_slice %arg12[%dma_start3A_83, %dma_start3A_84] : memref<10240x128xf32, #tpu.memory_space<vmem_shared>> -> memref<10240x128xf32, #tpu.memory_space<vmem_shared>>
      tpu.enqueue_indirect_dma source(%arg10 : memref<128x128xf32, #tpu.memory_space<vmem>>) target(%dma_start3A_85 : memref<10240x128xf32, #tpu.memory_space<vmem_shared>>) offsets(%dma_start3A_82 : memref<128xi32, #tpu.memory_space<vmem>>) semaphore(%arg15 : memref<!tpu.dma_semaphore, #tpu.memory_space<semaphore_mem>>) {add = true}
      %dma_wait3A_86 = arith.constant 0 : i32
      %dma_wait3A_87 = tpu.memref_slice %arg8[%add3A_68, %dma_wait3A_86] : memref<40x128xi32, #tpu.memory_space<vmem>> -> memref<1x128xi32, #tpu.memory_space<vmem>>
      %dma_wait3A_88 = tpu.memref_squeeze %dma_wait3A_87 : memref<1x128xi32, #tpu.memory_space<vmem>> -> memref<128xi32, #tpu.memory_space<vmem>>
      %dma_wait3A_89 = arith.constant 0 : i32
      %dma_wait3A_90 = arith.constant 0 : i32
      %dma_wait3A_91 = tpu.memref_slice %arg2[%dma_wait3A_89, %dma_wait3A_90] : memref<10240x128xf32, #tpu.memory_space<hbm>> -> memref<10240x128xf32, #tpu.memory_space<hbm>>
      tpu.wait_indirect_dma semaphore(%arg14 : memref<!tpu.dma_semaphore, #tpu.memory_space<semaphore_mem>>) src(%dma_wait3A_91 : memref<10240x128xf32, #tpu.memory_space<hbm>>) dst(%arg11 : memref<128x128xf32, #tpu.memory_space<vmem>>)
      %add3A_92 = arith.constant 1 : i32
      %add3A_93 = arith.addi %mul3A_61, %add3A_92 : i32
      %dma_start3A_94 = arith.constant 0 : i32
      %dma_start3A_95 = tpu.memref_slice %arg9[%add3A_93, %dma_start3A_94] : memref<40x128xi32, #tpu.memory_space<vmem>> -> memref<1x128xi32, #tpu.memory_space<vmem>>
      %dma_start3A_96 = tpu.memref_squeeze %dma_start3A_95 : memref<1x128xi32, #tpu.memory_space<vmem>> -> memref<128xi32, #tpu.memory_space<vmem>>
      %dma_start3A_97 = arith.constant 0 : i32
      %dma_start3A_98 = arith.constant 0 : i32
      %dma_start3A_99 = tpu.memref_slice %arg12[%dma_start3A_97, %dma_start3A_98] : memref<10240x128xf32, #tpu.memory_space<vmem_shared>> -> memref<10240x128xf32, #tpu.memory_space<vmem_shared>>
      tpu.enqueue_indirect_dma source(%arg11 : memref<128x128xf32, #tpu.memory_space<vmem>>) target(%dma_start3A_99 : memref<10240x128xf32, #tpu.memory_space<vmem_shared>>) offsets(%dma_start3A_96 : memref<128xi32, #tpu.memory_space<vmem>>) semaphore(%arg16 : memref<!tpu.dma_semaphore, #tpu.memory_space<semaphore_mem>>) {add = true}
      %dma_wait3A_100 = arith.constant 0 : i32
      %dma_wait3A_101 = tpu.memref_slice %arg9[%mul3A_61, %dma_wait3A_100] : memref<40x128xi32, #tpu.memory_space<vmem>> -> memref<1x128xi32, #tpu.memory_space<vmem>>
      %dma_wait3A_102 = tpu.memref_squeeze %dma_wait3A_101 : memref<1x128xi32, #tpu.memory_space<vmem>> -> memref<128xi32, #tpu.memory_space<vmem>>
      %dma_wait3A_103 = arith.constant 0 : i32
      %dma_wait3A_104 = arith.constant 0 : i32
      %dma_wait3A_105 = tpu.memref_slice %arg12[%dma_wait3A_103, %dma_wait3A_104] : memref<10240x128xf32, #tpu.memory_space<vmem_shared>> -> memref<10240x128xf32, #tpu.memory_space<vmem_shared>>
      tpu.wait_indirect_dma semaphore(%arg15 : memref<!tpu.dma_semaphore, #tpu.memory_space<semaphore_mem>>) src(%arg10 : memref<128x128xf32, #tpu.memory_space<vmem>>) dst(%dma_wait3A_105 : memref<10240x128xf32, #tpu.memory_space<vmem_shared>>)
      %add3A_106 = arith.constant 2 : i32
      %add3A_107 = arith.addi %mul3A_61, %add3A_106 : i32
      %dma_start3A_108 = arith.constant 0 : i32
      %dma_start3A_109 = tpu.memref_slice %arg8[%add3A_107, %dma_start3A_108] : memref<40x128xi32, #tpu.memory_space<vmem>> -> memref<1x128xi32, #tpu.memory_space<vmem>>
      %dma_start3A_110 = tpu.memref_squeeze %dma_start3A_109 : memref<1x128xi32, #tpu.memory_space<vmem>> -> memref<128xi32, #tpu.memory_space<vmem>>
      %dma_start3A_111 = arith.constant 0 : i32
      %dma_start3A_112 = arith.constant 0 : i32
      %dma_start3A_113 = tpu.memref_slice %arg2[%dma_start3A_111, %dma_start3A_112] : memref<10240x128xf32, #tpu.memory_space<hbm>> -> memref<10240x128xf32, #tpu.memory_space<hbm>>
      tpu.enqueue_indirect_dma source(%dma_start3A_113 : memref<10240x128xf32, #tpu.memory_space<hbm>>) target(%arg10 : memref<128x128xf32, #tpu.memory_space<vmem>>) offsets(%dma_start3A_110 : memref<128xi32, #tpu.memory_space<vmem>>) semaphore(%arg13 : memref<!tpu.dma_semaphore, #tpu.memory_space<semaphore_mem>>)
      %dma_wait3A_114 = arith.constant 0 : i32
      %dma_wait3A_115 = tpu.memref_slice %arg9[%add3A_93, %dma_wait3A_114] : memref<40x128xi32, #tpu.memory_space<vmem>> -> memref<1x128xi32, #tpu.memory_space<vmem>>
      %dma_wait3A_116 = tpu.memref_squeeze %dma_wait3A_115 : memref<1x128xi32, #tpu.memory_space<vmem>> -> memref<128xi32, #tpu.memory_space<vmem>>
      %dma_wait3A_117 = arith.constant 0 : i32
      %dma_wait3A_118 = arith.constant 0 : i32
      %dma_wait3A_119 = tpu.memref_slice %arg12[%dma_wait3A_117, %dma_wait3A_118] : memref<10240x128xf32, #tpu.memory_space<vmem_shared>> -> memref<10240x128xf32, #tpu.memory_space<vmem_shared>>
      tpu.wait_indirect_dma semaphore(%arg16 : memref<!tpu.dma_semaphore, #tpu.memory_space<semaphore_mem>>) src(%arg11 : memref<128x128xf32, #tpu.memory_space<vmem>>) dst(%dma_wait3A_119 : memref<10240x128xf32, #tpu.memory_space<vmem_shared>>)
      %add3A_120 = arith.constant 3 : i32
      %add3A_121 = arith.addi %mul3A_61, %add3A_120 : i32
      %dma_start3A_122 = arith.constant 0 : i32
      %dma_start3A_123 = tpu.memref_slice %arg8[%add3A_121, %dma_start3A_122] : memref<40x128xi32, #tpu.memory_space<vmem>> -> memref<1x128xi32, #tpu.memory_space<vmem>>
      %dma_start3A_124 = tpu.memref_squeeze %dma_start3A_123 : memref<1x128xi32, #tpu.memory_space<vmem>> -> memref<128xi32, #tpu.memory_space<vmem>>
      %dma_start3A_125 = arith.constant 0 : i32
      %dma_start3A_126 = arith.constant 0 : i32
      %dma_start3A_127 = tpu.memref_slice %arg2[%dma_start3A_125, %dma_start3A_126] : memref<10240x128xf32, #tpu.memory_space<hbm>> -> memref<10240x128xf32, #tpu.memory_space<hbm>>
      tpu.enqueue_indirect_dma source(%dma_start3A_127 : memref<10240x128xf32, #tpu.memory_space<hbm>>) target(%arg11 : memref<128x128xf32, #tpu.memory_space<vmem>>) offsets(%dma_start3A_124 : memref<128xi32, #tpu.memory_space<vmem>>) semaphore(%arg14 : memref<!tpu.dma_semaphore, #tpu.memory_space<semaphore_mem>>)
      %dma_wait3A_128 = arith.constant 0 : i32
      %dma_wait3A_129 = tpu.memref_slice %arg8[%add3A_107, %dma_wait3A_128] : memref<40x128xi32, #tpu.memory_space<vmem>> -> memref<1x128xi32, #tpu.memory_space<vmem>>
      %dma_wait3A_130 = tpu.memref_squeeze %dma_wait3A_129 : memref<1x128xi32, #tpu.memory_space<vmem>> -> memref<128xi32, #tpu.memory_space<vmem>>
      %dma_wait3A_131 = arith.constant 0 : i32
      %dma_wait3A_132 = arith.constant 0 : i32
      %dma_wait3A_133 = tpu.memref_slice %arg2[%dma_wait3A_131, %dma_wait3A_132] : memref<10240x128xf32, #tpu.memory_space<hbm>> -> memref<10240x128xf32, #tpu.memory_space<hbm>>
      tpu.wait_indirect_dma semaphore(%arg13 : memref<!tpu.dma_semaphore, #tpu.memory_space<semaphore_mem>>) src(%dma_wait3A_133 : memref<10240x128xf32, #tpu.memory_space<hbm>>) dst(%arg10 : memref<128x128xf32, #tpu.memory_space<vmem>>)
      %add3A_134 = arith.constant 2 : i32
      %add3A_135 = arith.addi %mul3A_61, %add3A_134 : i32
      %dma_start3A_136 = arith.constant 0 : i32
      %dma_start3A_137 = tpu.memref_slice %arg9[%add3A_135, %dma_start3A_136] : memref<40x128xi32, #tpu.memory_space<vmem>> -> memref<1x128xi32, #tpu.memory_space<vmem>>
      %dma_start3A_138 = tpu.memref_squeeze %dma_start3A_137 : memref<1x128xi32, #tpu.memory_space<vmem>> -> memref<128xi32, #tpu.memory_space<vmem>>
      %dma_start3A_139 = arith.constant 0 : i32
      %dma_start3A_140 = arith.constant 0 : i32
      %dma_start3A_141 = tpu.memref_slice %arg12[%dma_start3A_139, %dma_start3A_140] : memref<10240x128xf32, #tpu.memory_space<vmem_shared>> -> memref<10240x128xf32, #tpu.memory_space<vmem_shared>>
      tpu.enqueue_indirect_dma source(%arg10 : memref<128x128xf32, #tpu.memory_space<vmem>>) target(%dma_start3A_141 : memref<10240x128xf32, #tpu.memory_space<vmem_shared>>) offsets(%dma_start3A_138 : memref<128xi32, #tpu.memory_space<vmem>>) semaphore(%arg15 : memref<!tpu.dma_semaphore, #tpu.memory_space<semaphore_mem>>) {add = true}
      %dma_wait3A_142 = arith.constant 0 : i32
      %dma_wait3A_143 = tpu.memref_slice %arg8[%add3A_121, %dma_wait3A_142] : memref<40x128xi32, #tpu.memory_space<vmem>> -> memref<1x128xi32, #tpu.memory_space<vmem>>
      %dma_wait3A_144 = tpu.memref_squeeze %dma_wait3A_143 : memref<1x128xi32, #tpu.memory_space<vmem>> -> memref<128xi32, #tpu.memory_space<vmem>>
      %dma_wait3A_145 = arith.constant 0 : i32
      %dma_wait3A_146 = arith.constant 0 : i32
      %dma_wait3A_147 = tpu.memref_slice %arg2[%dma_wait3A_145, %dma_wait3A_146] : memref<10240x128xf32, #tpu.memory_space<hbm>> -> memref<10240x128xf32, #tpu.memory_space<hbm>>
      tpu.wait_indirect_dma semaphore(%arg14 : memref<!tpu.dma_semaphore, #tpu.memory_space<semaphore_mem>>) src(%dma_wait3A_147 : memref<10240x128xf32, #tpu.memory_space<hbm>>) dst(%arg11 : memref<128x128xf32, #tpu.memory_space<vmem>>)
      %add3A_148 = arith.constant 3 : i32
      %add3A_149 = arith.addi %mul3A_61, %add3A_148 : i32
      %dma_start3A_150 = arith.constant 0 : i32
      %dma_start3A_151 = tpu.memref_slice %arg9[%add3A_149, %dma_start3A_150] : memref<40x128xi32, #tpu.memory_space<vmem>> -> memref<1x128xi32, #tpu.memory_space<vmem>>
      %dma_start3A_152 = tpu.memref_squeeze %dma_start3A_151 : memref<1x128xi32, #tpu.memory_space<vmem>> -> memref<128xi32, #tpu.memory_space<vmem>>
      %dma_start3A_153 = arith.constant 0 : i32
      %dma_start3A_154 = arith.constant 0 : i32
      %dma_start3A_155 = tpu.memref_slice %arg12[%dma_start3A_153, %dma_start3A_154] : memref<10240x128xf32, #tpu.memory_space<vmem_shared>> -> memref<10240x128xf32, #tpu.memory_space<vmem_shared>>
      tpu.enqueue_indirect_dma source(%arg11 : memref<128x128xf32, #tpu.memory_space<vmem>>) target(%dma_start3A_155 : memref<10240x128xf32, #tpu.memory_space<vmem_shared>>) offsets(%dma_start3A_152 : memref<128xi32, #tpu.memory_space<vmem>>) semaphore(%arg16 : memref<!tpu.dma_semaphore, #tpu.memory_space<semaphore_mem>>) {add = true}
      %dma_wait3A_156 = arith.constant 0 : i32
      %dma_wait3A_157 = tpu.memref_slice %arg9[%add3A_135, %dma_wait3A_156] : memref<40x128xi32, #tpu.memory_space<vmem>> -> memref<1x128xi32, #tpu.memory_space<vmem>>
      %dma_wait3A_158 = tpu.memref_squeeze %dma_wait3A_157 : memref<1x128xi32, #tpu.memory_space<vmem>> -> memref<128xi32, #tpu.memory_space<vmem>>
      %dma_wait3A_159 = arith.constant 0 : i32
      %dma_wait3A_160 = arith.constant 0 : i32
      %dma_wait3A_161 = tpu.memref_slice %arg12[%dma_wait3A_159, %dma_wait3A_160] : memref<10240x128xf32, #tpu.memory_space<vmem_shared>> -> memref<10240x128xf32, #tpu.memory_space<vmem_shared>>
      tpu.wait_indirect_dma semaphore(%arg15 : memref<!tpu.dma_semaphore, #tpu.memory_space<semaphore_mem>>) src(%arg10 : memref<128x128xf32, #tpu.memory_space<vmem>>) dst(%dma_wait3A_161 : memref<10240x128xf32, #tpu.memory_space<vmem_shared>>)
      %dma_wait3A_162 = arith.constant 0 : i32
      %dma_wait3A_163 = tpu.memref_slice %arg9[%add3A_149, %dma_wait3A_162] : memref<40x128xi32, #tpu.memory_space<vmem>> -> memref<1x128xi32, #tpu.memory_space<vmem>>
      %dma_wait3A_164 = tpu.memref_squeeze %dma_wait3A_163 : memref<1x128xi32, #tpu.memory_space<vmem>> -> memref<128xi32, #tpu.memory_space<vmem>>
      %dma_wait3A_165 = arith.constant 0 : i32
      %dma_wait3A_166 = arith.constant 0 : i32
      %dma_wait3A_167 = tpu.memref_slice %arg12[%dma_wait3A_165, %dma_wait3A_166] : memref<10240x128xf32, #tpu.memory_space<vmem_shared>> -> memref<10240x128xf32, #tpu.memory_space<vmem_shared>>
      tpu.wait_indirect_dma semaphore(%arg16 : memref<!tpu.dma_semaphore, #tpu.memory_space<semaphore_mem>>) src(%arg11 : memref<128x128xf32, #tpu.memory_space<vmem>>) dst(%dma_wait3A_167 : memref<10240x128xf32, #tpu.memory_space<vmem_shared>>)
    }
    %scan3A_51 = arith.constant 10 : i32
    %barrier3A_52 = arith.constant 0 : index
    tpu.barrier barrier_id(%barrier3A_52)
    %mul3A_53 = arith.constant 640 : i32
    %mul3A_54 = arith.muli %arg1, %mul3A_53 : i32
    %add3A_55 = arith.constant 4 : i32
    %add3A_56 = arith.addi %add3A_55, %arg0 : i32
    %mul3A_57 = arith.constant 640 : i32
    %mul3A_58 = arith.muli %arg1, %mul3A_57 : i32
    "tpu.region"() ({
      %run_scoped3A = tpu.sem_alloc : memref<!tpu.dma_semaphore, #tpu.memory_space<semaphore_mem>>
      %dma_start3A = arith.constant 0 : i32
      %dma_start3A_59 = tpu.memref_slice %arg7[%add3A_56, %mul3A_58, %dma_start3A] : memref<6x10240x128xf32, #tpu.memory_space<hbm>> -> memref<1x640x128xf32, #tpu.memory_space<hbm>>
      %dma_start3A_60 = tpu.memref_squeeze %dma_start3A_59 : memref<1x640x128xf32, #tpu.memory_space<hbm>> -> memref<640x128xf32, #tpu.memory_space<hbm>>
      %dma_start3A_61 = arith.constant 0 : i32
      %dma_start3A_62 = tpu.memref_slice %arg12[%mul3A_54, %dma_start3A_61] : memref<10240x128xf32, #tpu.memory_space<vmem_shared>> -> memref<640x128xf32, #tpu.memory_space<vmem_shared>>
      tpu.enqueue_dma source(%dma_start3A_62 : memref<640x128xf32, #tpu.memory_space<vmem_shared>>) target(%dma_start3A_60 : memref<640x128xf32, #tpu.memory_space<hbm>>) target_semaphore(%run_scoped3A : memref<!tpu.dma_semaphore, #tpu.memory_space<semaphore_mem>>)
      %dma_wait3A = arith.constant 0 : i32
      %dma_wait3A_63 = tpu.memref_slice %arg7[%add3A_56, %mul3A_58, %dma_wait3A] : memref<6x10240x128xf32, #tpu.memory_space<hbm>> -> memref<1x640x128xf32, #tpu.memory_space<hbm>>
      %dma_wait3A_64 = tpu.memref_squeeze %dma_wait3A_63 : memref<1x640x128xf32, #tpu.memory_space<hbm>> -> memref<640x128xf32, #tpu.memory_space<hbm>>
      %dma_wait3A_65 = arith.constant 0 : i32
      %dma_wait3A_66 = tpu.memref_slice %arg12[%mul3A_54, %dma_wait3A_65] : memref<10240x128xf32, #tpu.memory_space<vmem_shared>> -> memref<640x128xf32, #tpu.memory_space<vmem_shared>>
      tpu.wait_dma2 semaphore(%run_scoped3A : memref<!tpu.dma_semaphore, #tpu.memory_space<semaphore_mem>>) src(%dma_wait3A_66 : memref<640x128xf32, #tpu.memory_space<vmem_shared>>) dst(%dma_wait3A_64 : memref<640x128xf32, #tpu.memory_space<hbm>>)
      tpu.yield
    }) : () -> ()
    return
  }
}

#map = affine_map<(d0, d1) -> (0, 0, 0)>
#map1 = affine_map<(d0, d1) -> (0, 0)>
module attributes {stable_mosaic.version = 14 : i64} {
  func.func @_cntw_body(%arg0: i32, %arg1: i32, %arg2: memref<192x40x128xi32, #tpu.memory_space<hbm>>, %arg3: memref<640x128xf32, #tpu.memory_space<hbm>>, %arg4: memref<128x128xf32, #tpu.memory_space<hbm>>, %arg5: memref<12x10240x128xf32, #tpu.memory_space<hbm>>, %arg6: memref<40x128xi32, #tpu.memory_space<vmem>>, %arg7: memref<128x128xf32, #tpu.memory_space<vmem>>, %arg8: memref<10240x128xf32, #tpu.memory_space<vmem_shared>>, %arg9: memref<!tpu.dma_semaphore, #tpu.memory_space<semaphore_mem>>, %arg10: memref<!tpu.dma_semaphore, #tpu.memory_space<semaphore_mem>>) attributes {dimension_semantics = [#tpu.dimension_semantics<core_parallel>, #tpu.dimension_semantics<subcore_parallel>], iteration_bounds = array<i64: 2, 16>, scalar_prefetch = 0 : i64, scratch_operands = 5 : i64, tpu.core_type = #tpu.core_type<sc_vector_subcore>, window_params = [{transform_indices = #map}, {transform_indices = #map1}, {transform_indices = #map1}, {transform_indices = #map}]} {
    %mul3A = arith.constant 2 : i32
    %mul3A_0 = arith.muli %arg1, %mul3A : i32
    %add3A = arith.addi %mul3A_0, %arg0 : i32
    "tpu.region"() ({
      %run_scoped3A = tpu.sem_alloc : memref<!tpu.dma_semaphore, #tpu.memory_space<semaphore_mem>>
      tpu.enqueue_dma source(%arg4 : memref<128x128xf32, #tpu.memory_space<hbm>>) target(%arg7 : memref<128x128xf32, #tpu.memory_space<vmem>>) target_semaphore(%run_scoped3A : memref<!tpu.dma_semaphore, #tpu.memory_space<semaphore_mem>>)
      tpu.wait_dma2 semaphore(%run_scoped3A : memref<!tpu.dma_semaphore, #tpu.memory_space<semaphore_mem>>) src(%arg4 : memref<128x128xf32, #tpu.memory_space<hbm>>) dst(%arg7 : memref<128x128xf32, #tpu.memory_space<vmem>>)
      tpu.yield
    }) : () -> ()
    %mul3A_1 = arith.constant 640 : i32
    %mul3A_2 = arith.muli %arg1, %mul3A_1 : i32
    "tpu.region"() ({
      %run_scoped3A = tpu.sem_alloc : memref<!tpu.dma_semaphore, #tpu.memory_space<semaphore_mem>>
      %dma_start3A = arith.constant 0 : i32
      %dma_start3A_107 = tpu.memref_slice %arg8[%mul3A_2, %dma_start3A] : memref<10240x128xf32, #tpu.memory_space<vmem_shared>> -> memref<640x128xf32, #tpu.memory_space<vmem_shared>>
      tpu.enqueue_dma source(%arg3 : memref<640x128xf32, #tpu.memory_space<hbm>>) target(%dma_start3A_107 : memref<640x128xf32, #tpu.memory_space<vmem_shared>>) target_semaphore(%run_scoped3A : memref<!tpu.dma_semaphore, #tpu.memory_space<semaphore_mem>>)
      %dma_wait3A = arith.constant 0 : i32
      %dma_wait3A_108 = tpu.memref_slice %arg8[%mul3A_2, %dma_wait3A] : memref<10240x128xf32, #tpu.memory_space<vmem_shared>> -> memref<640x128xf32, #tpu.memory_space<vmem_shared>>
      tpu.wait_dma2 semaphore(%run_scoped3A : memref<!tpu.dma_semaphore, #tpu.memory_space<semaphore_mem>>) src(%arg3 : memref<640x128xf32, #tpu.memory_space<hbm>>) dst(%dma_wait3A_108 : memref<640x128xf32, #tpu.memory_space<vmem_shared>>)
      tpu.yield
    }) : () -> ()
    %add3A_3 = arith.constant 0 : i32
    %add3A_4 = arith.addi %add3A_3, %add3A : i32
    "tpu.region"() ({
      %run_scoped3A = tpu.sem_alloc : memref<!tpu.dma_semaphore, #tpu.memory_space<semaphore_mem>>
      %dma_start3A = arith.constant 0 : i32
      %dma_start3A_107 = arith.constant 0 : i32
      %dma_start3A_108 = tpu.memref_slice %arg2[%add3A_4, %dma_start3A, %dma_start3A_107] : memref<192x40x128xi32, #tpu.memory_space<hbm>> -> memref<1x40x128xi32, #tpu.memory_space<hbm>>
      %dma_start3A_109 = tpu.memref_squeeze %dma_start3A_108 : memref<1x40x128xi32, #tpu.memory_space<hbm>> -> memref<40x128xi32, #tpu.memory_space<hbm>>
      %dma_start3A_110 = arith.constant 0 : i32
      %dma_start3A_111 = arith.constant 0 : i32
      %dma_start3A_112 = tpu.memref_slice %arg2[%add3A_4, %dma_start3A_110, %dma_start3A_111] : memref<192x40x128xi32, #tpu.memory_space<hbm>> -> memref<1x40x128xi32, #tpu.memory_space<hbm>>
      %dma_start3A_113 = tpu.memref_squeeze %dma_start3A_112 : memref<1x40x128xi32, #tpu.memory_space<hbm>> -> memref<40x128xi32, #tpu.memory_space<hbm>>
      tpu.enqueue_dma source(%dma_start3A_113 : memref<40x128xi32, #tpu.memory_space<hbm>>) target(%arg6 : memref<40x128xi32, #tpu.memory_space<vmem>>) target_semaphore(%run_scoped3A : memref<!tpu.dma_semaphore, #tpu.memory_space<semaphore_mem>>)
      %dma_wait3A = arith.constant 0 : i32
      %dma_wait3A_114 = arith.constant 0 : i32
      %dma_wait3A_115 = tpu.memref_slice %arg2[%add3A_4, %dma_wait3A, %dma_wait3A_114] : memref<192x40x128xi32, #tpu.memory_space<hbm>> -> memref<1x40x128xi32, #tpu.memory_space<hbm>>
      %dma_wait3A_116 = tpu.memref_squeeze %dma_wait3A_115 : memref<1x40x128xi32, #tpu.memory_space<hbm>> -> memref<40x128xi32, #tpu.memory_space<hbm>>
      %dma_wait3A_117 = arith.constant 0 : i32
      %dma_wait3A_118 = arith.constant 0 : i32
      %dma_wait3A_119 = tpu.memref_slice %arg2[%add3A_4, %dma_wait3A_117, %dma_wait3A_118] : memref<192x40x128xi32, #tpu.memory_space<hbm>> -> memref<1x40x128xi32, #tpu.memory_space<hbm>>
      %dma_wait3A_120 = tpu.memref_squeeze %dma_wait3A_119 : memref<1x40x128xi32, #tpu.memory_space<hbm>> -> memref<40x128xi32, #tpu.memory_space<hbm>>
      tpu.wait_dma2 semaphore(%run_scoped3A : memref<!tpu.dma_semaphore, #tpu.memory_space<semaphore_mem>>) src(%dma_wait3A_120 : memref<40x128xi32, #tpu.memory_space<hbm>>) dst(%arg6 : memref<40x128xi32, #tpu.memory_space<vmem>>)
      tpu.yield
    }) : () -> ()
    %barrier3A = arith.constant 0 : index
    tpu.barrier barrier_id(%barrier3A)
    %scan3A = arith.constant 0 : i32
    %scan3A_5 = arith.constant 0 : i32
    %scan3A_6 = arith.constant 20 : i32
    %scan3A_7 = arith.addi %scan3A_5, %scan3A_6 : i32
    %scan3A_8 = arith.constant 1 : i32
    scf.for %scan3A_107 = %scan3A_5 to %scan3A_7 step %scan3A_8  : i32 {
      %mul3A_108 = arith.constant 2 : i32
      %mul3A_109 = arith.muli %mul3A_108, %scan3A_107 : i32
      %dma_start3A = arith.constant 0 : i32
      %dma_start3A_110 = tpu.memref_slice %arg6[%mul3A_109, %dma_start3A] : memref<40x128xi32, #tpu.memory_space<vmem>> -> memref<1x128xi32, #tpu.memory_space<vmem>>
      %dma_start3A_111 = tpu.memref_squeeze %dma_start3A_110 : memref<1x128xi32, #tpu.memory_space<vmem>> -> memref<128xi32, #tpu.memory_space<vmem>>
      %dma_start3A_112 = arith.constant 0 : i32
      %dma_start3A_113 = arith.constant 0 : i32
      %dma_start3A_114 = tpu.memref_slice %arg8[%dma_start3A_112, %dma_start3A_113] : memref<10240x128xf32, #tpu.memory_space<vmem_shared>> -> memref<10240x128xf32, #tpu.memory_space<vmem_shared>>
      tpu.enqueue_indirect_dma source(%arg7 : memref<128x128xf32, #tpu.memory_space<vmem>>) target(%dma_start3A_114 : memref<10240x128xf32, #tpu.memory_space<vmem_shared>>) offsets(%dma_start3A_111 : memref<128xi32, #tpu.memory_space<vmem>>) semaphore(%arg9 : memref<!tpu.dma_semaphore, #tpu.memory_space<semaphore_mem>>) {add = true}
      %add3A_115 = arith.constant 1 : i32
      %add3A_116 = arith.addi %mul3A_109, %add3A_115 : i32
      %dma_start3A_117 = arith.constant 0 : i32
      %dma_start3A_118 = tpu.memref_slice %arg6[%add3A_116, %dma_start3A_117] : memref<40x128xi32, #tpu.memory_space<vmem>> -> memref<1x128xi32, #tpu.memory_space<vmem>>
      %dma_start3A_119 = tpu.memref_squeeze %dma_start3A_118 : memref<1x128xi32, #tpu.memory_space<vmem>> -> memref<128xi32, #tpu.memory_space<vmem>>
      %dma_start3A_120 = arith.constant 0 : i32
      %dma_start3A_121 = arith.constant 0 : i32
      %dma_start3A_122 = tpu.memref_slice %arg8[%dma_start3A_120, %dma_start3A_121] : memref<10240x128xf32, #tpu.memory_space<vmem_shared>> -> memref<10240x128xf32, #tpu.memory_space<vmem_shared>>
      tpu.enqueue_indirect_dma source(%arg7 : memref<128x128xf32, #tpu.memory_space<vmem>>) target(%dma_start3A_122 : memref<10240x128xf32, #tpu.memory_space<vmem_shared>>) offsets(%dma_start3A_119 : memref<128xi32, #tpu.memory_space<vmem>>) semaphore(%arg10 : memref<!tpu.dma_semaphore, #tpu.memory_space<semaphore_mem>>) {add = true}
      %dma_wait3A = arith.constant 0 : i32
      %dma_wait3A_123 = tpu.memref_slice %arg6[%mul3A_109, %dma_wait3A] : memref<40x128xi32, #tpu.memory_space<vmem>> -> memref<1x128xi32, #tpu.memory_space<vmem>>
      %dma_wait3A_124 = tpu.memref_squeeze %dma_wait3A_123 : memref<1x128xi32, #tpu.memory_space<vmem>> -> memref<128xi32, #tpu.memory_space<vmem>>
      %dma_wait3A_125 = arith.constant 0 : i32
      %dma_wait3A_126 = arith.constant 0 : i32
      %dma_wait3A_127 = tpu.memref_slice %arg8[%dma_wait3A_125, %dma_wait3A_126] : memref<10240x128xf32, #tpu.memory_space<vmem_shared>> -> memref<10240x128xf32, #tpu.memory_space<vmem_shared>>
      tpu.wait_indirect_dma semaphore(%arg9 : memref<!tpu.dma_semaphore, #tpu.memory_space<semaphore_mem>>) src(%arg7 : memref<128x128xf32, #tpu.memory_space<vmem>>) dst(%dma_wait3A_127 : memref<10240x128xf32, #tpu.memory_space<vmem_shared>>)
      %dma_wait3A_128 = arith.constant 0 : i32
      %dma_wait3A_129 = tpu.memref_slice %arg6[%add3A_116, %dma_wait3A_128] : memref<40x128xi32, #tpu.memory_space<vmem>> -> memref<1x128xi32, #tpu.memory_space<vmem>>
      %dma_wait3A_130 = tpu.memref_squeeze %dma_wait3A_129 : memref<1x128xi32, #tpu.memory_space<vmem>> -> memref<128xi32, #tpu.memory_space<vmem>>
      %dma_wait3A_131 = arith.constant 0 : i32
      %dma_wait3A_132 = arith.constant 0 : i32
      %dma_wait3A_133 = tpu.memref_slice %arg8[%dma_wait3A_131, %dma_wait3A_132] : memref<10240x128xf32, #tpu.memory_space<vmem_shared>> -> memref<10240x128xf32, #tpu.memory_space<vmem_shared>>
      tpu.wait_indirect_dma semaphore(%arg10 : memref<!tpu.dma_semaphore, #tpu.memory_space<semaphore_mem>>) src(%arg7 : memref<128x128xf32, #tpu.memory_space<vmem>>) dst(%dma_wait3A_133 : memref<10240x128xf32, #tpu.memory_space<vmem_shared>>)
    }
    %scan3A_9 = arith.constant 20 : i32
    %barrier3A_10 = arith.constant 0 : index
    tpu.barrier barrier_id(%barrier3A_10)
    %mul3A_11 = arith.constant 640 : i32
    %mul3A_12 = arith.muli %arg1, %mul3A_11 : i32
    %add3A_13 = arith.constant 0 : i32
    %add3A_14 = arith.addi %add3A_13, %arg0 : i32
    %mul3A_15 = arith.constant 640 : i32
    %mul3A_16 = arith.muli %arg1, %mul3A_15 : i32
    "tpu.region"() ({
      %run_scoped3A = tpu.sem_alloc : memref<!tpu.dma_semaphore, #tpu.memory_space<semaphore_mem>>
      %dma_start3A = arith.constant 0 : i32
      %dma_start3A_107 = tpu.memref_slice %arg5[%add3A_14, %mul3A_16, %dma_start3A] : memref<12x10240x128xf32, #tpu.memory_space<hbm>> -> memref<1x640x128xf32, #tpu.memory_space<hbm>>
      %dma_start3A_108 = tpu.memref_squeeze %dma_start3A_107 : memref<1x640x128xf32, #tpu.memory_space<hbm>> -> memref<640x128xf32, #tpu.memory_space<hbm>>
      %dma_start3A_109 = arith.constant 0 : i32
      %dma_start3A_110 = tpu.memref_slice %arg8[%mul3A_12, %dma_start3A_109] : memref<10240x128xf32, #tpu.memory_space<vmem_shared>> -> memref<640x128xf32, #tpu.memory_space<vmem_shared>>
      tpu.enqueue_dma source(%dma_start3A_110 : memref<640x128xf32, #tpu.memory_space<vmem_shared>>) target(%dma_start3A_108 : memref<640x128xf32, #tpu.memory_space<hbm>>) target_semaphore(%run_scoped3A : memref<!tpu.dma_semaphore, #tpu.memory_space<semaphore_mem>>)
      %dma_wait3A = arith.constant 0 : i32
      %dma_wait3A_111 = tpu.memref_slice %arg5[%add3A_14, %mul3A_16, %dma_wait3A] : memref<12x10240x128xf32, #tpu.memory_space<hbm>> -> memref<1x640x128xf32, #tpu.memory_space<hbm>>
      %dma_wait3A_112 = tpu.memref_squeeze %dma_wait3A_111 : memref<1x640x128xf32, #tpu.memory_space<hbm>> -> memref<640x128xf32, #tpu.memory_space<hbm>>
      %dma_wait3A_113 = arith.constant 0 : i32
      %dma_wait3A_114 = tpu.memref_slice %arg8[%mul3A_12, %dma_wait3A_113] : memref<10240x128xf32, #tpu.memory_space<vmem_shared>> -> memref<640x128xf32, #tpu.memory_space<vmem_shared>>
      tpu.wait_dma2 semaphore(%run_scoped3A : memref<!tpu.dma_semaphore, #tpu.memory_space<semaphore_mem>>) src(%dma_wait3A_114 : memref<640x128xf32, #tpu.memory_space<vmem_shared>>) dst(%dma_wait3A_112 : memref<640x128xf32, #tpu.memory_space<hbm>>)
      tpu.yield
    }) : () -> ()
    %mul3A_17 = arith.constant 640 : i32
    %mul3A_18 = arith.muli %arg1, %mul3A_17 : i32
    "tpu.region"() ({
      %run_scoped3A = tpu.sem_alloc : memref<!tpu.dma_semaphore, #tpu.memory_space<semaphore_mem>>
      %dma_start3A = arith.constant 0 : i32
      %dma_start3A_107 = tpu.memref_slice %arg8[%mul3A_18, %dma_start3A] : memref<10240x128xf32, #tpu.memory_space<vmem_shared>> -> memref<640x128xf32, #tpu.memory_space<vmem_shared>>
      tpu.enqueue_dma source(%arg3 : memref<640x128xf32, #tpu.memory_space<hbm>>) target(%dma_start3A_107 : memref<640x128xf32, #tpu.memory_space<vmem_shared>>) target_semaphore(%run_scoped3A : memref<!tpu.dma_semaphore, #tpu.memory_space<semaphore_mem>>)
      %dma_wait3A = arith.constant 0 : i32
      %dma_wait3A_108 = tpu.memref_slice %arg8[%mul3A_18, %dma_wait3A] : memref<10240x128xf32, #tpu.memory_space<vmem_shared>> -> memref<640x128xf32, #tpu.memory_space<vmem_shared>>
      tpu.wait_dma2 semaphore(%run_scoped3A : memref<!tpu.dma_semaphore, #tpu.memory_space<semaphore_mem>>) src(%arg3 : memref<640x128xf32, #tpu.memory_space<hbm>>) dst(%dma_wait3A_108 : memref<640x128xf32, #tpu.memory_space<vmem_shared>>)
      tpu.yield
    }) : () -> ()
    %add3A_19 = arith.constant 32 : i32
    %add3A_20 = arith.addi %add3A_19, %add3A : i32
    "tpu.region"() ({
      %run_scoped3A = tpu.sem_alloc : memref<!tpu.dma_semaphore, #tpu.memory_space<semaphore_mem>>
      %dma_start3A = arith.constant 0 : i32
      %dma_start3A_107 = arith.constant 0 : i32
      %dma_start3A_108 = tpu.memref_slice %arg2[%add3A_20, %dma_start3A, %dma_start3A_107] : memref<192x40x128xi32, #tpu.memory_space<hbm>> -> memref<1x40x128xi32, #tpu.memory_space<hbm>>
      %dma_start3A_109 = tpu.memref_squeeze %dma_start3A_108 : memref<1x40x128xi32, #tpu.memory_space<hbm>> -> memref<40x128xi32, #tpu.memory_space<hbm>>
      %dma_start3A_110 = arith.constant 0 : i32
      %dma_start3A_111 = arith.constant 0 : i32
      %dma_start3A_112 = tpu.memref_slice %arg2[%add3A_20, %dma_start3A_110, %dma_start3A_111] : memref<192x40x128xi32, #tpu.memory_space<hbm>> -> memref<1x40x128xi32, #tpu.memory_space<hbm>>
      %dma_start3A_113 = tpu.memref_squeeze %dma_start3A_112 : memref<1x40x128xi32, #tpu.memory_space<hbm>> -> memref<40x128xi32, #tpu.memory_space<hbm>>
      tpu.enqueue_dma source(%dma_start3A_113 : memref<40x128xi32, #tpu.memory_space<hbm>>) target(%arg6 : memref<40x128xi32, #tpu.memory_space<vmem>>) target_semaphore(%run_scoped3A : memref<!tpu.dma_semaphore, #tpu.memory_space<semaphore_mem>>)
      %dma_wait3A = arith.constant 0 : i32
      %dma_wait3A_114 = arith.constant 0 : i32
      %dma_wait3A_115 = tpu.memref_slice %arg2[%add3A_20, %dma_wait3A, %dma_wait3A_114] : memref<192x40x128xi32, #tpu.memory_space<hbm>> -> memref<1x40x128xi32, #tpu.memory_space<hbm>>
      %dma_wait3A_116 = tpu.memref_squeeze %dma_wait3A_115 : memref<1x40x128xi32, #tpu.memory_space<hbm>> -> memref<40x128xi32, #tpu.memory_space<hbm>>
      %dma_wait3A_117 = arith.constant 0 : i32
      %dma_wait3A_118 = arith.constant 0 : i32
      %dma_wait3A_119 = tpu.memref_slice %arg2[%add3A_20, %dma_wait3A_117, %dma_wait3A_118] : memref<192x40x128xi32, #tpu.memory_space<hbm>> -> memref<1x40x128xi32, #tpu.memory_space<hbm>>
      %dma_wait3A_120 = tpu.memref_squeeze %dma_wait3A_119 : memref<1x40x128xi32, #tpu.memory_space<hbm>> -> memref<40x128xi32, #tpu.memory_space<hbm>>
      tpu.wait_dma2 semaphore(%run_scoped3A : memref<!tpu.dma_semaphore, #tpu.memory_space<semaphore_mem>>) src(%dma_wait3A_120 : memref<40x128xi32, #tpu.memory_space<hbm>>) dst(%arg6 : memref<40x128xi32, #tpu.memory_space<vmem>>)
      tpu.yield
    }) : () -> ()
    %barrier3A_21 = arith.constant 0 : index
    tpu.barrier barrier_id(%barrier3A_21)
    %scan3A_22 = arith.constant 0 : i32
    %scan3A_23 = arith.constant 0 : i32
    %scan3A_24 = arith.constant 20 : i32
    %scan3A_25 = arith.addi %scan3A_23, %scan3A_24 : i32
    %scan3A_26 = arith.constant 1 : i32
    scf.for %scan3A_107 = %scan3A_23 to %scan3A_25 step %scan3A_26  : i32 {
      %mul3A_108 = arith.constant 2 : i32
      %mul3A_109 = arith.muli %mul3A_108, %scan3A_107 : i32
      %dma_start3A = arith.constant 0 : i32
      %dma_start3A_110 = tpu.memref_slice %arg6[%mul3A_109, %dma_start3A] : memref<40x128xi32, #tpu.memory_space<vmem>> -> memref<1x128xi32, #tpu.memory_space<vmem>>
      %dma_start3A_111 = tpu.memref_squeeze %dma_start3A_110 : memref<1x128xi32, #tpu.memory_space<vmem>> -> memref<128xi32, #tpu.memory_space<vmem>>
      %dma_start3A_112 = arith.constant 0 : i32
      %dma_start3A_113 = arith.constant 0 : i32
      %dma_start3A_114 = tpu.memref_slice %arg8[%dma_start3A_112, %dma_start3A_113] : memref<10240x128xf32, #tpu.memory_space<vmem_shared>> -> memref<10240x128xf32, #tpu.memory_space<vmem_shared>>
      tpu.enqueue_indirect_dma source(%arg7 : memref<128x128xf32, #tpu.memory_space<vmem>>) target(%dma_start3A_114 : memref<10240x128xf32, #tpu.memory_space<vmem_shared>>) offsets(%dma_start3A_111 : memref<128xi32, #tpu.memory_space<vmem>>) semaphore(%arg9 : memref<!tpu.dma_semaphore, #tpu.memory_space<semaphore_mem>>) {add = true}
      %add3A_115 = arith.constant 1 : i32
      %add3A_116 = arith.addi %mul3A_109, %add3A_115 : i32
      %dma_start3A_117 = arith.constant 0 : i32
      %dma_start3A_118 = tpu.memref_slice %arg6[%add3A_116, %dma_start3A_117] : memref<40x128xi32, #tpu.memory_space<vmem>> -> memref<1x128xi32, #tpu.memory_space<vmem>>
      %dma_start3A_119 = tpu.memref_squeeze %dma_start3A_118 : memref<1x128xi32, #tpu.memory_space<vmem>> -> memref<128xi32, #tpu.memory_space<vmem>>
      %dma_start3A_120 = arith.constant 0 : i32
      %dma_start3A_121 = arith.constant 0 : i32
      %dma_start3A_122 = tpu.memref_slice %arg8[%dma_start3A_120, %dma_start3A_121] : memref<10240x128xf32, #tpu.memory_space<vmem_shared>> -> memref<10240x128xf32, #tpu.memory_space<vmem_shared>>
      tpu.enqueue_indirect_dma source(%arg7 : memref<128x128xf32, #tpu.memory_space<vmem>>) target(%dma_start3A_122 : memref<10240x128xf32, #tpu.memory_space<vmem_shared>>) offsets(%dma_start3A_119 : memref<128xi32, #tpu.memory_space<vmem>>) semaphore(%arg10 : memref<!tpu.dma_semaphore, #tpu.memory_space<semaphore_mem>>) {add = true}
      %dma_wait3A = arith.constant 0 : i32
      %dma_wait3A_123 = tpu.memref_slice %arg6[%mul3A_109, %dma_wait3A] : memref<40x128xi32, #tpu.memory_space<vmem>> -> memref<1x128xi32, #tpu.memory_space<vmem>>
      %dma_wait3A_124 = tpu.memref_squeeze %dma_wait3A_123 : memref<1x128xi32, #tpu.memory_space<vmem>> -> memref<128xi32, #tpu.memory_space<vmem>>
      %dma_wait3A_125 = arith.constant 0 : i32
      %dma_wait3A_126 = arith.constant 0 : i32
      %dma_wait3A_127 = tpu.memref_slice %arg8[%dma_wait3A_125, %dma_wait3A_126] : memref<10240x128xf32, #tpu.memory_space<vmem_shared>> -> memref<10240x128xf32, #tpu.memory_space<vmem_shared>>
      tpu.wait_indirect_dma semaphore(%arg9 : memref<!tpu.dma_semaphore, #tpu.memory_space<semaphore_mem>>) src(%arg7 : memref<128x128xf32, #tpu.memory_space<vmem>>) dst(%dma_wait3A_127 : memref<10240x128xf32, #tpu.memory_space<vmem_shared>>)
      %dma_wait3A_128 = arith.constant 0 : i32
      %dma_wait3A_129 = tpu.memref_slice %arg6[%add3A_116, %dma_wait3A_128] : memref<40x128xi32, #tpu.memory_space<vmem>> -> memref<1x128xi32, #tpu.memory_space<vmem>>
      %dma_wait3A_130 = tpu.memref_squeeze %dma_wait3A_129 : memref<1x128xi32, #tpu.memory_space<vmem>> -> memref<128xi32, #tpu.memory_space<vmem>>
      %dma_wait3A_131 = arith.constant 0 : i32
      %dma_wait3A_132 = arith.constant 0 : i32
      %dma_wait3A_133 = tpu.memref_slice %arg8[%dma_wait3A_131, %dma_wait3A_132] : memref<10240x128xf32, #tpu.memory_space<vmem_shared>> -> memref<10240x128xf32, #tpu.memory_space<vmem_shared>>
      tpu.wait_indirect_dma semaphore(%arg10 : memref<!tpu.dma_semaphore, #tpu.memory_space<semaphore_mem>>) src(%arg7 : memref<128x128xf32, #tpu.memory_space<vmem>>) dst(%dma_wait3A_133 : memref<10240x128xf32, #tpu.memory_space<vmem_shared>>)
    }
    %scan3A_27 = arith.constant 20 : i32
    %barrier3A_28 = arith.constant 0 : index
    tpu.barrier barrier_id(%barrier3A_28)
    %mul3A_29 = arith.constant 640 : i32
    %mul3A_30 = arith.muli %arg1, %mul3A_29 : i32
    %add3A_31 = arith.constant 2 : i32
    %add3A_32 = arith.addi %add3A_31, %arg0 : i32
    %mul3A_33 = arith.constant 640 : i32
    %mul3A_34 = arith.muli %arg1, %mul3A_33 : i32
    "tpu.region"() ({
      %run_scoped3A = tpu.sem_alloc : memref<!tpu.dma_semaphore, #tpu.memory_space<semaphore_mem>>
      %dma_start3A = arith.constant 0 : i32
      %dma_start3A_107 = tpu.memref_slice %arg5[%add3A_32, %mul3A_34, %dma_start3A] : memref<12x10240x128xf32, #tpu.memory_space<hbm>> -> memref<1x640x128xf32, #tpu.memory_space<hbm>>
      %dma_start3A_108 = tpu.memref_squeeze %dma_start3A_107 : memref<1x640x128xf32, #tpu.memory_space<hbm>> -> memref<640x128xf32, #tpu.memory_space<hbm>>
      %dma_start3A_109 = arith.constant 0 : i32
      %dma_start3A_110 = tpu.memref_slice %arg8[%mul3A_30, %dma_start3A_109] : memref<10240x128xf32, #tpu.memory_space<vmem_shared>> -> memref<640x128xf32, #tpu.memory_space<vmem_shared>>
      tpu.enqueue_dma source(%dma_start3A_110 : memref<640x128xf32, #tpu.memory_space<vmem_shared>>) target(%dma_start3A_108 : memref<640x128xf32, #tpu.memory_space<hbm>>) target_semaphore(%run_scoped3A : memref<!tpu.dma_semaphore, #tpu.memory_space<semaphore_mem>>)
      %dma_wait3A = arith.constant 0 : i32
      %dma_wait3A_111 = tpu.memref_slice %arg5[%add3A_32, %mul3A_34, %dma_wait3A] : memref<12x10240x128xf32, #tpu.memory_space<hbm>> -> memref<1x640x128xf32, #tpu.memory_space<hbm>>
      %dma_wait3A_112 = tpu.memref_squeeze %dma_wait3A_111 : memref<1x640x128xf32, #tpu.memory_space<hbm>> -> memref<640x128xf32, #tpu.memory_space<hbm>>
      %dma_wait3A_113 = arith.constant 0 : i32
      %dma_wait3A_114 = tpu.memref_slice %arg8[%mul3A_30, %dma_wait3A_113] : memref<10240x128xf32, #tpu.memory_space<vmem_shared>> -> memref<640x128xf32, #tpu.memory_space<vmem_shared>>
      tpu.wait_dma2 semaphore(%run_scoped3A : memref<!tpu.dma_semaphore, #tpu.memory_space<semaphore_mem>>) src(%dma_wait3A_114 : memref<640x128xf32, #tpu.memory_space<vmem_shared>>) dst(%dma_wait3A_112 : memref<640x128xf32, #tpu.memory_space<hbm>>)
      tpu.yield
    }) : () -> ()
    %mul3A_35 = arith.constant 640 : i32
    %mul3A_36 = arith.muli %arg1, %mul3A_35 : i32
    "tpu.region"() ({
      %run_scoped3A = tpu.sem_alloc : memref<!tpu.dma_semaphore, #tpu.memory_space<semaphore_mem>>
      %dma_start3A = arith.constant 0 : i32
      %dma_start3A_107 = tpu.memref_slice %arg8[%mul3A_36, %dma_start3A] : memref<10240x128xf32, #tpu.memory_space<vmem_shared>> -> memref<640x128xf32, #tpu.memory_space<vmem_shared>>
      tpu.enqueue_dma source(%arg3 : memref<640x128xf32, #tpu.memory_space<hbm>>) target(%dma_start3A_107 : memref<640x128xf32, #tpu.memory_space<vmem_shared>>) target_semaphore(%run_scoped3A : memref<!tpu.dma_semaphore, #tpu.memory_space<semaphore_mem>>)
      %dma_wait3A = arith.constant 0 : i32
      %dma_wait3A_108 = tpu.memref_slice %arg8[%mul3A_36, %dma_wait3A] : memref<10240x128xf32, #tpu.memory_space<vmem_shared>> -> memref<640x128xf32, #tpu.memory_space<vmem_shared>>
      tpu.wait_dma2 semaphore(%run_scoped3A : memref<!tpu.dma_semaphore, #tpu.memory_space<semaphore_mem>>) src(%arg3 : memref<640x128xf32, #tpu.memory_space<hbm>>) dst(%dma_wait3A_108 : memref<640x128xf32, #tpu.memory_space<vmem_shared>>)
      tpu.yield
    }) : () -> ()
    %add3A_37 = arith.constant 64 : i32
    %add3A_38 = arith.addi %add3A_37, %add3A : i32
    "tpu.region"() ({
      %run_scoped3A = tpu.sem_alloc : memref<!tpu.dma_semaphore, #tpu.memory_space<semaphore_mem>>
      %dma_start3A = arith.constant 0 : i32
      %dma_start3A_107 = arith.constant 0 : i32
      %dma_start3A_108 = tpu.memref_slice %arg2[%add3A_38, %dma_start3A, %dma_start3A_107] : memref<192x40x128xi32, #tpu.memory_space<hbm>> -> memref<1x40x128xi32, #tpu.memory_space<hbm>>
      %dma_start3A_109 = tpu.memref_squeeze %dma_start3A_108 : memref<1x40x128xi32, #tpu.memory_space<hbm>> -> memref<40x128xi32, #tpu.memory_space<hbm>>
      %dma_start3A_110 = arith.constant 0 : i32
      %dma_start3A_111 = arith.constant 0 : i32
      %dma_start3A_112 = tpu.memref_slice %arg2[%add3A_38, %dma_start3A_110, %dma_start3A_111] : memref<192x40x128xi32, #tpu.memory_space<hbm>> -> memref<1x40x128xi32, #tpu.memory_space<hbm>>
      %dma_start3A_113 = tpu.memref_squeeze %dma_start3A_112 : memref<1x40x128xi32, #tpu.memory_space<hbm>> -> memref<40x128xi32, #tpu.memory_space<hbm>>
      tpu.enqueue_dma source(%dma_start3A_113 : memref<40x128xi32, #tpu.memory_space<hbm>>) target(%arg6 : memref<40x128xi32, #tpu.memory_space<vmem>>) target_semaphore(%run_scoped3A : memref<!tpu.dma_semaphore, #tpu.memory_space<semaphore_mem>>)
      %dma_wait3A = arith.constant 0 : i32
      %dma_wait3A_114 = arith.constant 0 : i32
      %dma_wait3A_115 = tpu.memref_slice %arg2[%add3A_38, %dma_wait3A, %dma_wait3A_114] : memref<192x40x128xi32, #tpu.memory_space<hbm>> -> memref<1x40x128xi32, #tpu.memory_space<hbm>>
      %dma_wait3A_116 = tpu.memref_squeeze %dma_wait3A_115 : memref<1x40x128xi32, #tpu.memory_space<hbm>> -> memref<40x128xi32, #tpu.memory_space<hbm>>
      %dma_wait3A_117 = arith.constant 0 : i32
      %dma_wait3A_118 = arith.constant 0 : i32
      %dma_wait3A_119 = tpu.memref_slice %arg2[%add3A_38, %dma_wait3A_117, %dma_wait3A_118] : memref<192x40x128xi32, #tpu.memory_space<hbm>> -> memref<1x40x128xi32, #tpu.memory_space<hbm>>
      %dma_wait3A_120 = tpu.memref_squeeze %dma_wait3A_119 : memref<1x40x128xi32, #tpu.memory_space<hbm>> -> memref<40x128xi32, #tpu.memory_space<hbm>>
      tpu.wait_dma2 semaphore(%run_scoped3A : memref<!tpu.dma_semaphore, #tpu.memory_space<semaphore_mem>>) src(%dma_wait3A_120 : memref<40x128xi32, #tpu.memory_space<hbm>>) dst(%arg6 : memref<40x128xi32, #tpu.memory_space<vmem>>)
      tpu.yield
    }) : () -> ()
    %barrier3A_39 = arith.constant 0 : index
    tpu.barrier barrier_id(%barrier3A_39)
    %scan3A_40 = arith.constant 0 : i32
    %scan3A_41 = arith.constant 0 : i32
    %scan3A_42 = arith.constant 20 : i32
    %scan3A_43 = arith.addi %scan3A_41, %scan3A_42 : i32
    %scan3A_44 = arith.constant 1 : i32
    scf.for %scan3A_107 = %scan3A_41 to %scan3A_43 step %scan3A_44  : i32 {
      %mul3A_108 = arith.constant 2 : i32
      %mul3A_109 = arith.muli %mul3A_108, %scan3A_107 : i32
      %dma_start3A = arith.constant 0 : i32
      %dma_start3A_110 = tpu.memref_slice %arg6[%mul3A_109, %dma_start3A] : memref<40x128xi32, #tpu.memory_space<vmem>> -> memref<1x128xi32, #tpu.memory_space<vmem>>
      %dma_start3A_111 = tpu.memref_squeeze %dma_start3A_110 : memref<1x128xi32, #tpu.memory_space<vmem>> -> memref<128xi32, #tpu.memory_space<vmem>>
      %dma_start3A_112 = arith.constant 0 : i32
      %dma_start3A_113 = arith.constant 0 : i32
      %dma_start3A_114 = tpu.memref_slice %arg8[%dma_start3A_112, %dma_start3A_113] : memref<10240x128xf32, #tpu.memory_space<vmem_shared>> -> memref<10240x128xf32, #tpu.memory_space<vmem_shared>>
      tpu.enqueue_indirect_dma source(%arg7 : memref<128x128xf32, #tpu.memory_space<vmem>>) target(%dma_start3A_114 : memref<10240x128xf32, #tpu.memory_space<vmem_shared>>) offsets(%dma_start3A_111 : memref<128xi32, #tpu.memory_space<vmem>>) semaphore(%arg9 : memref<!tpu.dma_semaphore, #tpu.memory_space<semaphore_mem>>) {add = true}
      %add3A_115 = arith.constant 1 : i32
      %add3A_116 = arith.addi %mul3A_109, %add3A_115 : i32
      %dma_start3A_117 = arith.constant 0 : i32
      %dma_start3A_118 = tpu.memref_slice %arg6[%add3A_116, %dma_start3A_117] : memref<40x128xi32, #tpu.memory_space<vmem>> -> memref<1x128xi32, #tpu.memory_space<vmem>>
      %dma_start3A_119 = tpu.memref_squeeze %dma_start3A_118 : memref<1x128xi32, #tpu.memory_space<vmem>> -> memref<128xi32, #tpu.memory_space<vmem>>
      %dma_start3A_120 = arith.constant 0 : i32
      %dma_start3A_121 = arith.constant 0 : i32
      %dma_start3A_122 = tpu.memref_slice %arg8[%dma_start3A_120, %dma_start3A_121] : memref<10240x128xf32, #tpu.memory_space<vmem_shared>> -> memref<10240x128xf32, #tpu.memory_space<vmem_shared>>
      tpu.enqueue_indirect_dma source(%arg7 : memref<128x128xf32, #tpu.memory_space<vmem>>) target(%dma_start3A_122 : memref<10240x128xf32, #tpu.memory_space<vmem_shared>>) offsets(%dma_start3A_119 : memref<128xi32, #tpu.memory_space<vmem>>) semaphore(%arg10 : memref<!tpu.dma_semaphore, #tpu.memory_space<semaphore_mem>>) {add = true}
      %dma_wait3A = arith.constant 0 : i32
      %dma_wait3A_123 = tpu.memref_slice %arg6[%mul3A_109, %dma_wait3A] : memref<40x128xi32, #tpu.memory_space<vmem>> -> memref<1x128xi32, #tpu.memory_space<vmem>>
      %dma_wait3A_124 = tpu.memref_squeeze %dma_wait3A_123 : memref<1x128xi32, #tpu.memory_space<vmem>> -> memref<128xi32, #tpu.memory_space<vmem>>
      %dma_wait3A_125 = arith.constant 0 : i32
      %dma_wait3A_126 = arith.constant 0 : i32
      %dma_wait3A_127 = tpu.memref_slice %arg8[%dma_wait3A_125, %dma_wait3A_126] : memref<10240x128xf32, #tpu.memory_space<vmem_shared>> -> memref<10240x128xf32, #tpu.memory_space<vmem_shared>>
      tpu.wait_indirect_dma semaphore(%arg9 : memref<!tpu.dma_semaphore, #tpu.memory_space<semaphore_mem>>) src(%arg7 : memref<128x128xf32, #tpu.memory_space<vmem>>) dst(%dma_wait3A_127 : memref<10240x128xf32, #tpu.memory_space<vmem_shared>>)
      %dma_wait3A_128 = arith.constant 0 : i32
      %dma_wait3A_129 = tpu.memref_slice %arg6[%add3A_116, %dma_wait3A_128] : memref<40x128xi32, #tpu.memory_space<vmem>> -> memref<1x128xi32, #tpu.memory_space<vmem>>
      %dma_wait3A_130 = tpu.memref_squeeze %dma_wait3A_129 : memref<1x128xi32, #tpu.memory_space<vmem>> -> memref<128xi32, #tpu.memory_space<vmem>>
      %dma_wait3A_131 = arith.constant 0 : i32
      %dma_wait3A_132 = arith.constant 0 : i32
      %dma_wait3A_133 = tpu.memref_slice %arg8[%dma_wait3A_131, %dma_wait3A_132] : memref<10240x128xf32, #tpu.memory_space<vmem_shared>> -> memref<10240x128xf32, #tpu.memory_space<vmem_shared>>
      tpu.wait_indirect_dma semaphore(%arg10 : memref<!tpu.dma_semaphore, #tpu.memory_space<semaphore_mem>>) src(%arg7 : memref<128x128xf32, #tpu.memory_space<vmem>>) dst(%dma_wait3A_133 : memref<10240x128xf32, #tpu.memory_space<vmem_shared>>)
    }
    %scan3A_45 = arith.constant 20 : i32
    %barrier3A_46 = arith.constant 0 : index
    tpu.barrier barrier_id(%barrier3A_46)
    %mul3A_47 = arith.constant 640 : i32
    %mul3A_48 = arith.muli %arg1, %mul3A_47 : i32
    %add3A_49 = arith.constant 4 : i32
    %add3A_50 = arith.addi %add3A_49, %arg0 : i32
    %mul3A_51 = arith.constant 640 : i32
    %mul3A_52 = arith.muli %arg1, %mul3A_51 : i32
    "tpu.region"() ({
      %run_scoped3A = tpu.sem_alloc : memref<!tpu.dma_semaphore, #tpu.memory_space<semaphore_mem>>
      %dma_start3A = arith.constant 0 : i32
      %dma_start3A_107 = tpu.memref_slice %arg5[%add3A_50, %mul3A_52, %dma_start3A] : memref<12x10240x128xf32, #tpu.memory_space<hbm>> -> memref<1x640x128xf32, #tpu.memory_space<hbm>>
      %dma_start3A_108 = tpu.memref_squeeze %dma_start3A_107 : memref<1x640x128xf32, #tpu.memory_space<hbm>> -> memref<640x128xf32, #tpu.memory_space<hbm>>
      %dma_start3A_109 = arith.constant 0 : i32
      %dma_start3A_110 = tpu.memref_slice %arg8[%mul3A_48, %dma_start3A_109] : memref<10240x128xf32, #tpu.memory_space<vmem_shared>> -> memref<640x128xf32, #tpu.memory_space<vmem_shared>>
      tpu.enqueue_dma source(%dma_start3A_110 : memref<640x128xf32, #tpu.memory_space<vmem_shared>>) target(%dma_start3A_108 : memref<640x128xf32, #tpu.memory_space<hbm>>) target_semaphore(%run_scoped3A : memref<!tpu.dma_semaphore, #tpu.memory_space<semaphore_mem>>)
      %dma_wait3A = arith.constant 0 : i32
      %dma_wait3A_111 = tpu.memref_slice %arg5[%add3A_50, %mul3A_52, %dma_wait3A] : memref<12x10240x128xf32, #tpu.memory_space<hbm>> -> memref<1x640x128xf32, #tpu.memory_space<hbm>>
      %dma_wait3A_112 = tpu.memref_squeeze %dma_wait3A_111 : memref<1x640x128xf32, #tpu.memory_space<hbm>> -> memref<640x128xf32, #tpu.memory_space<hbm>>
      %dma_wait3A_113 = arith.constant 0 : i32
      %dma_wait3A_114 = tpu.memref_slice %arg8[%mul3A_48, %dma_wait3A_113] : memref<10240x128xf32, #tpu.memory_space<vmem_shared>> -> memref<640x128xf32, #tpu.memory_space<vmem_shared>>
      tpu.wait_dma2 semaphore(%run_scoped3A : memref<!tpu.dma_semaphore, #tpu.memory_space<semaphore_mem>>) src(%dma_wait3A_114 : memref<640x128xf32, #tpu.memory_space<vmem_shared>>) dst(%dma_wait3A_112 : memref<640x128xf32, #tpu.memory_space<hbm>>)
      tpu.yield
    }) : () -> ()
    %mul3A_53 = arith.constant 640 : i32
    %mul3A_54 = arith.muli %arg1, %mul3A_53 : i32
    "tpu.region"() ({
      %run_scoped3A = tpu.sem_alloc : memref<!tpu.dma_semaphore, #tpu.memory_space<semaphore_mem>>
      %dma_start3A = arith.constant 0 : i32
      %dma_start3A_107 = tpu.memref_slice %arg8[%mul3A_54, %dma_start3A] : memref<10240x128xf32, #tpu.memory_space<vmem_shared>> -> memref<640x128xf32, #tpu.memory_space<vmem_shared>>
      tpu.enqueue_dma source(%arg3 : memref<640x128xf32, #tpu.memory_space<hbm>>) target(%dma_start3A_107 : memref<640x128xf32, #tpu.memory_space<vmem_shared>>) target_semaphore(%run_scoped3A : memref<!tpu.dma_semaphore, #tpu.memory_space<semaphore_mem>>)
      %dma_wait3A = arith.constant 0 : i32
      %dma_wait3A_108 = tpu.memref_slice %arg8[%mul3A_54, %dma_wait3A] : memref<10240x128xf32, #tpu.memory_space<vmem_shared>> -> memref<640x128xf32, #tpu.memory_space<vmem_shared>>
      tpu.wait_dma2 semaphore(%run_scoped3A : memref<!tpu.dma_semaphore, #tpu.memory_space<semaphore_mem>>) src(%arg3 : memref<640x128xf32, #tpu.memory_space<hbm>>) dst(%dma_wait3A_108 : memref<640x128xf32, #tpu.memory_space<vmem_shared>>)
      tpu.yield
    }) : () -> ()
    %add3A_55 = arith.constant 96 : i32
    %add3A_56 = arith.addi %add3A_55, %add3A : i32
    "tpu.region"() ({
      %run_scoped3A = tpu.sem_alloc : memref<!tpu.dma_semaphore, #tpu.memory_space<semaphore_mem>>
      %dma_start3A = arith.constant 0 : i32
      %dma_start3A_107 = arith.constant 0 : i32
      %dma_start3A_108 = tpu.memref_slice %arg2[%add3A_56, %dma_start3A, %dma_start3A_107] : memref<192x40x128xi32, #tpu.memory_space<hbm>> -> memref<1x40x128xi32, #tpu.memory_space<hbm>>
      %dma_start3A_109 = tpu.memref_squeeze %dma_start3A_108 : memref<1x40x128xi32, #tpu.memory_space<hbm>> -> memref<40x128xi32, #tpu.memory_space<hbm>>
      %dma_start3A_110 = arith.constant 0 : i32
      %dma_start3A_111 = arith.constant 0 : i32
      %dma_start3A_112 = tpu.memref_slice %arg2[%add3A_56, %dma_start3A_110, %dma_start3A_111] : memref<192x40x128xi32, #tpu.memory_space<hbm>> -> memref<1x40x128xi32, #tpu.memory_space<hbm>>
      %dma_start3A_113 = tpu.memref_squeeze %dma_start3A_112 : memref<1x40x128xi32, #tpu.memory_space<hbm>> -> memref<40x128xi32, #tpu.memory_space<hbm>>
      tpu.enqueue_dma source(%dma_start3A_113 : memref<40x128xi32, #tpu.memory_space<hbm>>) target(%arg6 : memref<40x128xi32, #tpu.memory_space<vmem>>) target_semaphore(%run_scoped3A : memref<!tpu.dma_semaphore, #tpu.memory_space<semaphore_mem>>)
      %dma_wait3A = arith.constant 0 : i32
      %dma_wait3A_114 = arith.constant 0 : i32
      %dma_wait3A_115 = tpu.memref_slice %arg2[%add3A_56, %dma_wait3A, %dma_wait3A_114] : memref<192x40x128xi32, #tpu.memory_space<hbm>> -> memref<1x40x128xi32, #tpu.memory_space<hbm>>
      %dma_wait3A_116 = tpu.memref_squeeze %dma_wait3A_115 : memref<1x40x128xi32, #tpu.memory_space<hbm>> -> memref<40x128xi32, #tpu.memory_space<hbm>>
      %dma_wait3A_117 = arith.constant 0 : i32
      %dma_wait3A_118 = arith.constant 0 : i32
      %dma_wait3A_119 = tpu.memref_slice %arg2[%add3A_56, %dma_wait3A_117, %dma_wait3A_118] : memref<192x40x128xi32, #tpu.memory_space<hbm>> -> memref<1x40x128xi32, #tpu.memory_space<hbm>>
      %dma_wait3A_120 = tpu.memref_squeeze %dma_wait3A_119 : memref<1x40x128xi32, #tpu.memory_space<hbm>> -> memref<40x128xi32, #tpu.memory_space<hbm>>
      tpu.wait_dma2 semaphore(%run_scoped3A : memref<!tpu.dma_semaphore, #tpu.memory_space<semaphore_mem>>) src(%dma_wait3A_120 : memref<40x128xi32, #tpu.memory_space<hbm>>) dst(%arg6 : memref<40x128xi32, #tpu.memory_space<vmem>>)
      tpu.yield
    }) : () -> ()
    %barrier3A_57 = arith.constant 0 : index
    tpu.barrier barrier_id(%barrier3A_57)
    %scan3A_58 = arith.constant 0 : i32
    %scan3A_59 = arith.constant 0 : i32
    %scan3A_60 = arith.constant 20 : i32
    %scan3A_61 = arith.addi %scan3A_59, %scan3A_60 : i32
    %scan3A_62 = arith.constant 1 : i32
    scf.for %scan3A_107 = %scan3A_59 to %scan3A_61 step %scan3A_62  : i32 {
      %mul3A_108 = arith.constant 2 : i32
      %mul3A_109 = arith.muli %mul3A_108, %scan3A_107 : i32
      %dma_start3A = arith.constant 0 : i32
      %dma_start3A_110 = tpu.memref_slice %arg6[%mul3A_109, %dma_start3A] : memref<40x128xi32, #tpu.memory_space<vmem>> -> memref<1x128xi32, #tpu.memory_space<vmem>>
      %dma_start3A_111 = tpu.memref_squeeze %dma_start3A_110 : memref<1x128xi32, #tpu.memory_space<vmem>> -> memref<128xi32, #tpu.memory_space<vmem>>
      %dma_start3A_112 = arith.constant 0 : i32
      %dma_start3A_113 = arith.constant 0 : i32
      %dma_start3A_114 = tpu.memref_slice %arg8[%dma_start3A_112, %dma_start3A_113] : memref<10240x128xf32, #tpu.memory_space<vmem_shared>> -> memref<10240x128xf32, #tpu.memory_space<vmem_shared>>
      tpu.enqueue_indirect_dma source(%arg7 : memref<128x128xf32, #tpu.memory_space<vmem>>) target(%dma_start3A_114 : memref<10240x128xf32, #tpu.memory_space<vmem_shared>>) offsets(%dma_start3A_111 : memref<128xi32, #tpu.memory_space<vmem>>) semaphore(%arg9 : memref<!tpu.dma_semaphore, #tpu.memory_space<semaphore_mem>>) {add = true}
      %add3A_115 = arith.constant 1 : i32
      %add3A_116 = arith.addi %mul3A_109, %add3A_115 : i32
      %dma_start3A_117 = arith.constant 0 : i32
      %dma_start3A_118 = tpu.memref_slice %arg6[%add3A_116, %dma_start3A_117] : memref<40x128xi32, #tpu.memory_space<vmem>> -> memref<1x128xi32, #tpu.memory_space<vmem>>
      %dma_start3A_119 = tpu.memref_squeeze %dma_start3A_118 : memref<1x128xi32, #tpu.memory_space<vmem>> -> memref<128xi32, #tpu.memory_space<vmem>>
      %dma_start3A_120 = arith.constant 0 : i32
      %dma_start3A_121 = arith.constant 0 : i32
      %dma_start3A_122 = tpu.memref_slice %arg8[%dma_start3A_120, %dma_start3A_121] : memref<10240x128xf32, #tpu.memory_space<vmem_shared>> -> memref<10240x128xf32, #tpu.memory_space<vmem_shared>>
      tpu.enqueue_indirect_dma source(%arg7 : memref<128x128xf32, #tpu.memory_space<vmem>>) target(%dma_start3A_122 : memref<10240x128xf32, #tpu.memory_space<vmem_shared>>) offsets(%dma_start3A_119 : memref<128xi32, #tpu.memory_space<vmem>>) semaphore(%arg10 : memref<!tpu.dma_semaphore, #tpu.memory_space<semaphore_mem>>) {add = true}
      %dma_wait3A = arith.constant 0 : i32
      %dma_wait3A_123 = tpu.memref_slice %arg6[%mul3A_109, %dma_wait3A] : memref<40x128xi32, #tpu.memory_space<vmem>> -> memref<1x128xi32, #tpu.memory_space<vmem>>
      %dma_wait3A_124 = tpu.memref_squeeze %dma_wait3A_123 : memref<1x128xi32, #tpu.memory_space<vmem>> -> memref<128xi32, #tpu.memory_space<vmem>>
      %dma_wait3A_125 = arith.constant 0 : i32
      %dma_wait3A_126 = arith.constant 0 : i32
      %dma_wait3A_127 = tpu.memref_slice %arg8[%dma_wait3A_125, %dma_wait3A_126] : memref<10240x128xf32, #tpu.memory_space<vmem_shared>> -> memref<10240x128xf32, #tpu.memory_space<vmem_shared>>
      tpu.wait_indirect_dma semaphore(%arg9 : memref<!tpu.dma_semaphore, #tpu.memory_space<semaphore_mem>>) src(%arg7 : memref<128x128xf32, #tpu.memory_space<vmem>>) dst(%dma_wait3A_127 : memref<10240x128xf32, #tpu.memory_space<vmem_shared>>)
      %dma_wait3A_128 = arith.constant 0 : i32
      %dma_wait3A_129 = tpu.memref_slice %arg6[%add3A_116, %dma_wait3A_128] : memref<40x128xi32, #tpu.memory_space<vmem>> -> memref<1x128xi32, #tpu.memory_space<vmem>>
      %dma_wait3A_130 = tpu.memref_squeeze %dma_wait3A_129 : memref<1x128xi32, #tpu.memory_space<vmem>> -> memref<128xi32, #tpu.memory_space<vmem>>
      %dma_wait3A_131 = arith.constant 0 : i32
      %dma_wait3A_132 = arith.constant 0 : i32
      %dma_wait3A_133 = tpu.memref_slice %arg8[%dma_wait3A_131, %dma_wait3A_132] : memref<10240x128xf32, #tpu.memory_space<vmem_shared>> -> memref<10240x128xf32, #tpu.memory_space<vmem_shared>>
      tpu.wait_indirect_dma semaphore(%arg10 : memref<!tpu.dma_semaphore, #tpu.memory_space<semaphore_mem>>) src(%arg7 : memref<128x128xf32, #tpu.memory_space<vmem>>) dst(%dma_wait3A_133 : memref<10240x128xf32, #tpu.memory_space<vmem_shared>>)
    }
    %scan3A_63 = arith.constant 20 : i32
    %barrier3A_64 = arith.constant 0 : index
    tpu.barrier barrier_id(%barrier3A_64)
    %mul3A_65 = arith.constant 640 : i32
    %mul3A_66 = arith.muli %arg1, %mul3A_65 : i32
    %add3A_67 = arith.constant 6 : i32
    %add3A_68 = arith.addi %add3A_67, %arg0 : i32
    %mul3A_69 = arith.constant 640 : i32
    %mul3A_70 = arith.muli %arg1, %mul3A_69 : i32
    "tpu.region"() ({
      %run_scoped3A = tpu.sem_alloc : memref<!tpu.dma_semaphore, #tpu.memory_space<semaphore_mem>>
      %dma_start3A = arith.constant 0 : i32
      %dma_start3A_107 = tpu.memref_slice %arg5[%add3A_68, %mul3A_70, %dma_start3A] : memref<12x10240x128xf32, #tpu.memory_space<hbm>> -> memref<1x640x128xf32, #tpu.memory_space<hbm>>
      %dma_start3A_108 = tpu.memref_squeeze %dma_start3A_107 : memref<1x640x128xf32, #tpu.memory_space<hbm>> -> memref<640x128xf32, #tpu.memory_space<hbm>>
      %dma_start3A_109 = arith.constant 0 : i32
      %dma_start3A_110 = tpu.memref_slice %arg8[%mul3A_66, %dma_start3A_109] : memref<10240x128xf32, #tpu.memory_space<vmem_shared>> -> memref<640x128xf32, #tpu.memory_space<vmem_shared>>
      tpu.enqueue_dma source(%dma_start3A_110 : memref<640x128xf32, #tpu.memory_space<vmem_shared>>) target(%dma_start3A_108 : memref<640x128xf32, #tpu.memory_space<hbm>>) target_semaphore(%run_scoped3A : memref<!tpu.dma_semaphore, #tpu.memory_space<semaphore_mem>>)
      %dma_wait3A = arith.constant 0 : i32
      %dma_wait3A_111 = tpu.memref_slice %arg5[%add3A_68, %mul3A_70, %dma_wait3A] : memref<12x10240x128xf32, #tpu.memory_space<hbm>> -> memref<1x640x128xf32, #tpu.memory_space<hbm>>
      %dma_wait3A_112 = tpu.memref_squeeze %dma_wait3A_111 : memref<1x640x128xf32, #tpu.memory_space<hbm>> -> memref<640x128xf32, #tpu.memory_space<hbm>>
      %dma_wait3A_113 = arith.constant 0 : i32
      %dma_wait3A_114 = tpu.memref_slice %arg8[%mul3A_66, %dma_wait3A_113] : memref<10240x128xf32, #tpu.memory_space<vmem_shared>> -> memref<640x128xf32, #tpu.memory_space<vmem_shared>>
      tpu.wait_dma2 semaphore(%run_scoped3A : memref<!tpu.dma_semaphore, #tpu.memory_space<semaphore_mem>>) src(%dma_wait3A_114 : memref<640x128xf32, #tpu.memory_space<vmem_shared>>) dst(%dma_wait3A_112 : memref<640x128xf32, #tpu.memory_space<hbm>>)
      tpu.yield
    }) : () -> ()
    %mul3A_71 = arith.constant 640 : i32
    %mul3A_72 = arith.muli %arg1, %mul3A_71 : i32
    "tpu.region"() ({
      %run_scoped3A = tpu.sem_alloc : memref<!tpu.dma_semaphore, #tpu.memory_space<semaphore_mem>>
      %dma_start3A = arith.constant 0 : i32
      %dma_start3A_107 = tpu.memref_slice %arg8[%mul3A_72, %dma_start3A] : memref<10240x128xf32, #tpu.memory_space<vmem_shared>> -> memref<640x128xf32, #tpu.memory_space<vmem_shared>>
      tpu.enqueue_dma source(%arg3 : memref<640x128xf32, #tpu.memory_space<hbm>>) target(%dma_start3A_107 : memref<640x128xf32, #tpu.memory_space<vmem_shared>>) target_semaphore(%run_scoped3A : memref<!tpu.dma_semaphore, #tpu.memory_space<semaphore_mem>>)
      %dma_wait3A = arith.constant 0 : i32
      %dma_wait3A_108 = tpu.memref_slice %arg8[%mul3A_72, %dma_wait3A] : memref<10240x128xf32, #tpu.memory_space<vmem_shared>> -> memref<640x128xf32, #tpu.memory_space<vmem_shared>>
      tpu.wait_dma2 semaphore(%run_scoped3A : memref<!tpu.dma_semaphore, #tpu.memory_space<semaphore_mem>>) src(%arg3 : memref<640x128xf32, #tpu.memory_space<hbm>>) dst(%dma_wait3A_108 : memref<640x128xf32, #tpu.memory_space<vmem_shared>>)
      tpu.yield
    }) : () -> ()
    %add3A_73 = arith.constant 128 : i32
    %add3A_74 = arith.addi %add3A_73, %add3A : i32
    "tpu.region"() ({
      %run_scoped3A = tpu.sem_alloc : memref<!tpu.dma_semaphore, #tpu.memory_space<semaphore_mem>>
      %dma_start3A = arith.constant 0 : i32
      %dma_start3A_107 = arith.constant 0 : i32
      %dma_start3A_108 = tpu.memref_slice %arg2[%add3A_74, %dma_start3A, %dma_start3A_107] : memref<192x40x128xi32, #tpu.memory_space<hbm>> -> memref<1x40x128xi32, #tpu.memory_space<hbm>>
      %dma_start3A_109 = tpu.memref_squeeze %dma_start3A_108 : memref<1x40x128xi32, #tpu.memory_space<hbm>> -> memref<40x128xi32, #tpu.memory_space<hbm>>
      %dma_start3A_110 = arith.constant 0 : i32
      %dma_start3A_111 = arith.constant 0 : i32
      %dma_start3A_112 = tpu.memref_slice %arg2[%add3A_74, %dma_start3A_110, %dma_start3A_111] : memref<192x40x128xi32, #tpu.memory_space<hbm>> -> memref<1x40x128xi32, #tpu.memory_space<hbm>>
      %dma_start3A_113 = tpu.memref_squeeze %dma_start3A_112 : memref<1x40x128xi32, #tpu.memory_space<hbm>> -> memref<40x128xi32, #tpu.memory_space<hbm>>
      tpu.enqueue_dma source(%dma_start3A_113 : memref<40x128xi32, #tpu.memory_space<hbm>>) target(%arg6 : memref<40x128xi32, #tpu.memory_space<vmem>>) target_semaphore(%run_scoped3A : memref<!tpu.dma_semaphore, #tpu.memory_space<semaphore_mem>>)
      %dma_wait3A = arith.constant 0 : i32
      %dma_wait3A_114 = arith.constant 0 : i32
      %dma_wait3A_115 = tpu.memref_slice %arg2[%add3A_74, %dma_wait3A, %dma_wait3A_114] : memref<192x40x128xi32, #tpu.memory_space<hbm>> -> memref<1x40x128xi32, #tpu.memory_space<hbm>>
      %dma_wait3A_116 = tpu.memref_squeeze %dma_wait3A_115 : memref<1x40x128xi32, #tpu.memory_space<hbm>> -> memref<40x128xi32, #tpu.memory_space<hbm>>
      %dma_wait3A_117 = arith.constant 0 : i32
      %dma_wait3A_118 = arith.constant 0 : i32
      %dma_wait3A_119 = tpu.memref_slice %arg2[%add3A_74, %dma_wait3A_117, %dma_wait3A_118] : memref<192x40x128xi32, #tpu.memory_space<hbm>> -> memref<1x40x128xi32, #tpu.memory_space<hbm>>
      %dma_wait3A_120 = tpu.memref_squeeze %dma_wait3A_119 : memref<1x40x128xi32, #tpu.memory_space<hbm>> -> memref<40x128xi32, #tpu.memory_space<hbm>>
      tpu.wait_dma2 semaphore(%run_scoped3A : memref<!tpu.dma_semaphore, #tpu.memory_space<semaphore_mem>>) src(%dma_wait3A_120 : memref<40x128xi32, #tpu.memory_space<hbm>>) dst(%arg6 : memref<40x128xi32, #tpu.memory_space<vmem>>)
      tpu.yield
    }) : () -> ()
    %barrier3A_75 = arith.constant 0 : index
    tpu.barrier barrier_id(%barrier3A_75)
    %scan3A_76 = arith.constant 0 : i32
    %scan3A_77 = arith.constant 0 : i32
    %scan3A_78 = arith.constant 20 : i32
    %scan3A_79 = arith.addi %scan3A_77, %scan3A_78 : i32
    %scan3A_80 = arith.constant 1 : i32
    scf.for %scan3A_107 = %scan3A_77 to %scan3A_79 step %scan3A_80  : i32 {
      %mul3A_108 = arith.constant 2 : i32
      %mul3A_109 = arith.muli %mul3A_108, %scan3A_107 : i32
      %dma_start3A = arith.constant 0 : i32
      %dma_start3A_110 = tpu.memref_slice %arg6[%mul3A_109, %dma_start3A] : memref<40x128xi32, #tpu.memory_space<vmem>> -> memref<1x128xi32, #tpu.memory_space<vmem>>
      %dma_start3A_111 = tpu.memref_squeeze %dma_start3A_110 : memref<1x128xi32, #tpu.memory_space<vmem>> -> memref<128xi32, #tpu.memory_space<vmem>>
      %dma_start3A_112 = arith.constant 0 : i32
      %dma_start3A_113 = arith.constant 0 : i32
      %dma_start3A_114 = tpu.memref_slice %arg8[%dma_start3A_112, %dma_start3A_113] : memref<10240x128xf32, #tpu.memory_space<vmem_shared>> -> memref<10240x128xf32, #tpu.memory_space<vmem_shared>>
      tpu.enqueue_indirect_dma source(%arg7 : memref<128x128xf32, #tpu.memory_space<vmem>>) target(%dma_start3A_114 : memref<10240x128xf32, #tpu.memory_space<vmem_shared>>) offsets(%dma_start3A_111 : memref<128xi32, #tpu.memory_space<vmem>>) semaphore(%arg9 : memref<!tpu.dma_semaphore, #tpu.memory_space<semaphore_mem>>) {add = true}
      %add3A_115 = arith.constant 1 : i32
      %add3A_116 = arith.addi %mul3A_109, %add3A_115 : i32
      %dma_start3A_117 = arith.constant 0 : i32
      %dma_start3A_118 = tpu.memref_slice %arg6[%add3A_116, %dma_start3A_117] : memref<40x128xi32, #tpu.memory_space<vmem>> -> memref<1x128xi32, #tpu.memory_space<vmem>>
      %dma_start3A_119 = tpu.memref_squeeze %dma_start3A_118 : memref<1x128xi32, #tpu.memory_space<vmem>> -> memref<128xi32, #tpu.memory_space<vmem>>
      %dma_start3A_120 = arith.constant 0 : i32
      %dma_start3A_121 = arith.constant 0 : i32
      %dma_start3A_122 = tpu.memref_slice %arg8[%dma_start3A_120, %dma_start3A_121] : memref<10240x128xf32, #tpu.memory_space<vmem_shared>> -> memref<10240x128xf32, #tpu.memory_space<vmem_shared>>
      tpu.enqueue_indirect_dma source(%arg7 : memref<128x128xf32, #tpu.memory_space<vmem>>) target(%dma_start3A_122 : memref<10240x128xf32, #tpu.memory_space<vmem_shared>>) offsets(%dma_start3A_119 : memref<128xi32, #tpu.memory_space<vmem>>) semaphore(%arg10 : memref<!tpu.dma_semaphore, #tpu.memory_space<semaphore_mem>>) {add = true}
      %dma_wait3A = arith.constant 0 : i32
      %dma_wait3A_123 = tpu.memref_slice %arg6[%mul3A_109, %dma_wait3A] : memref<40x128xi32, #tpu.memory_space<vmem>> -> memref<1x128xi32, #tpu.memory_space<vmem>>
      %dma_wait3A_124 = tpu.memref_squeeze %dma_wait3A_123 : memref<1x128xi32, #tpu.memory_space<vmem>> -> memref<128xi32, #tpu.memory_space<vmem>>
      %dma_wait3A_125 = arith.constant 0 : i32
      %dma_wait3A_126 = arith.constant 0 : i32
      %dma_wait3A_127 = tpu.memref_slice %arg8[%dma_wait3A_125, %dma_wait3A_126] : memref<10240x128xf32, #tpu.memory_space<vmem_shared>> -> memref<10240x128xf32, #tpu.memory_space<vmem_shared>>
      tpu.wait_indirect_dma semaphore(%arg9 : memref<!tpu.dma_semaphore, #tpu.memory_space<semaphore_mem>>) src(%arg7 : memref<128x128xf32, #tpu.memory_space<vmem>>) dst(%dma_wait3A_127 : memref<10240x128xf32, #tpu.memory_space<vmem_shared>>)
      %dma_wait3A_128 = arith.constant 0 : i32
      %dma_wait3A_129 = tpu.memref_slice %arg6[%add3A_116, %dma_wait3A_128] : memref<40x128xi32, #tpu.memory_space<vmem>> -> memref<1x128xi32, #tpu.memory_space<vmem>>
      %dma_wait3A_130 = tpu.memref_squeeze %dma_wait3A_129 : memref<1x128xi32, #tpu.memory_space<vmem>> -> memref<128xi32, #tpu.memory_space<vmem>>
      %dma_wait3A_131 = arith.constant 0 : i32
      %dma_wait3A_132 = arith.constant 0 : i32
      %dma_wait3A_133 = tpu.memref_slice %arg8[%dma_wait3A_131, %dma_wait3A_132] : memref<10240x128xf32, #tpu.memory_space<vmem_shared>> -> memref<10240x128xf32, #tpu.memory_space<vmem_shared>>
      tpu.wait_indirect_dma semaphore(%arg10 : memref<!tpu.dma_semaphore, #tpu.memory_space<semaphore_mem>>) src(%arg7 : memref<128x128xf32, #tpu.memory_space<vmem>>) dst(%dma_wait3A_133 : memref<10240x128xf32, #tpu.memory_space<vmem_shared>>)
    }
    %scan3A_81 = arith.constant 20 : i32
    %barrier3A_82 = arith.constant 0 : index
    tpu.barrier barrier_id(%barrier3A_82)
    %mul3A_83 = arith.constant 640 : i32
    %mul3A_84 = arith.muli %arg1, %mul3A_83 : i32
    %add3A_85 = arith.constant 8 : i32
    %add3A_86 = arith.addi %add3A_85, %arg0 : i32
    %mul3A_87 = arith.constant 640 : i32
    %mul3A_88 = arith.muli %arg1, %mul3A_87 : i32
    "tpu.region"() ({
      %run_scoped3A = tpu.sem_alloc : memref<!tpu.dma_semaphore, #tpu.memory_space<semaphore_mem>>
      %dma_start3A = arith.constant 0 : i32
      %dma_start3A_107 = tpu.memref_slice %arg5[%add3A_86, %mul3A_88, %dma_start3A] : memref<12x10240x128xf32, #tpu.memory_space<hbm>> -> memref<1x640x128xf32, #tpu.memory_space<hbm>>
      %dma_start3A_108 = tpu.memref_squeeze %dma_start3A_107 : memref<1x640x128xf32, #tpu.memory_space<hbm>> -> memref<640x128xf32, #tpu.memory_space<hbm>>
      %dma_start3A_109 = arith.constant 0 : i32
      %dma_start3A_110 = tpu.memref_slice %arg8[%mul3A_84, %dma_start3A_109] : memref<10240x128xf32, #tpu.memory_space<vmem_shared>> -> memref<640x128xf32, #tpu.memory_space<vmem_shared>>
      tpu.enqueue_dma source(%dma_start3A_110 : memref<640x128xf32, #tpu.memory_space<vmem_shared>>) target(%dma_start3A_108 : memref<640x128xf32, #tpu.memory_space<hbm>>) target_semaphore(%run_scoped3A : memref<!tpu.dma_semaphore, #tpu.memory_space<semaphore_mem>>)
      %dma_wait3A = arith.constant 0 : i32
      %dma_wait3A_111 = tpu.memref_slice %arg5[%add3A_86, %mul3A_88, %dma_wait3A] : memref<12x10240x128xf32, #tpu.memory_space<hbm>> -> memref<1x640x128xf32, #tpu.memory_space<hbm>>
      %dma_wait3A_112 = tpu.memref_squeeze %dma_wait3A_111 : memref<1x640x128xf32, #tpu.memory_space<hbm>> -> memref<640x128xf32, #tpu.memory_space<hbm>>
      %dma_wait3A_113 = arith.constant 0 : i32
      %dma_wait3A_114 = tpu.memref_slice %arg8[%mul3A_84, %dma_wait3A_113] : memref<10240x128xf32, #tpu.memory_space<vmem_shared>> -> memref<640x128xf32, #tpu.memory_space<vmem_shared>>
      tpu.wait_dma2 semaphore(%run_scoped3A : memref<!tpu.dma_semaphore, #tpu.memory_space<semaphore_mem>>) src(%dma_wait3A_114 : memref<640x128xf32, #tpu.memory_space<vmem_shared>>) dst(%dma_wait3A_112 : memref<640x128xf32, #tpu.memory_space<hbm>>)
      tpu.yield
    }) : () -> ()
    %mul3A_89 = arith.constant 640 : i32
    %mul3A_90 = arith.muli %arg1, %mul3A_89 : i32
    "tpu.region"() ({
      %run_scoped3A = tpu.sem_alloc : memref<!tpu.dma_semaphore, #tpu.memory_space<semaphore_mem>>
      %dma_start3A = arith.constant 0 : i32
      %dma_start3A_107 = tpu.memref_slice %arg8[%mul3A_90, %dma_start3A] : memref<10240x128xf32, #tpu.memory_space<vmem_shared>> -> memref<640x128xf32, #tpu.memory_space<vmem_shared>>
      tpu.enqueue_dma source(%arg3 : memref<640x128xf32, #tpu.memory_space<hbm>>) target(%dma_start3A_107 : memref<640x128xf32, #tpu.memory_space<vmem_shared>>) target_semaphore(%run_scoped3A : memref<!tpu.dma_semaphore, #tpu.memory_space<semaphore_mem>>)
      %dma_wait3A = arith.constant 0 : i32
      %dma_wait3A_108 = tpu.memref_slice %arg8[%mul3A_90, %dma_wait3A] : memref<10240x128xf32, #tpu.memory_space<vmem_shared>> -> memref<640x128xf32, #tpu.memory_space<vmem_shared>>
      tpu.wait_dma2 semaphore(%run_scoped3A : memref<!tpu.dma_semaphore, #tpu.memory_space<semaphore_mem>>) src(%arg3 : memref<640x128xf32, #tpu.memory_space<hbm>>) dst(%dma_wait3A_108 : memref<640x128xf32, #tpu.memory_space<vmem_shared>>)
      tpu.yield
    }) : () -> ()
    %add3A_91 = arith.constant 160 : i32
    %add3A_92 = arith.addi %add3A_91, %add3A : i32
    "tpu.region"() ({
      %run_scoped3A = tpu.sem_alloc : memref<!tpu.dma_semaphore, #tpu.memory_space<semaphore_mem>>
      %dma_start3A = arith.constant 0 : i32
      %dma_start3A_107 = arith.constant 0 : i32
      %dma_start3A_108 = tpu.memref_slice %arg2[%add3A_92, %dma_start3A, %dma_start3A_107] : memref<192x40x128xi32, #tpu.memory_space<hbm>> -> memref<1x40x128xi32, #tpu.memory_space<hbm>>
      %dma_start3A_109 = tpu.memref_squeeze %dma_start3A_108 : memref<1x40x128xi32, #tpu.memory_space<hbm>> -> memref<40x128xi32, #tpu.memory_space<hbm>>
      %dma_start3A_110 = arith.constant 0 : i32
      %dma_start3A_111 = arith.constant 0 : i32
      %dma_start3A_112 = tpu.memref_slice %arg2[%add3A_92, %dma_start3A_110, %dma_start3A_111] : memref<192x40x128xi32, #tpu.memory_space<hbm>> -> memref<1x40x128xi32, #tpu.memory_space<hbm>>
      %dma_start3A_113 = tpu.memref_squeeze %dma_start3A_112 : memref<1x40x128xi32, #tpu.memory_space<hbm>> -> memref<40x128xi32, #tpu.memory_space<hbm>>
      tpu.enqueue_dma source(%dma_start3A_113 : memref<40x128xi32, #tpu.memory_space<hbm>>) target(%arg6 : memref<40x128xi32, #tpu.memory_space<vmem>>) target_semaphore(%run_scoped3A : memref<!tpu.dma_semaphore, #tpu.memory_space<semaphore_mem>>)
      %dma_wait3A = arith.constant 0 : i32
      %dma_wait3A_114 = arith.constant 0 : i32
      %dma_wait3A_115 = tpu.memref_slice %arg2[%add3A_92, %dma_wait3A, %dma_wait3A_114] : memref<192x40x128xi32, #tpu.memory_space<hbm>> -> memref<1x40x128xi32, #tpu.memory_space<hbm>>
      %dma_wait3A_116 = tpu.memref_squeeze %dma_wait3A_115 : memref<1x40x128xi32, #tpu.memory_space<hbm>> -> memref<40x128xi32, #tpu.memory_space<hbm>>
      %dma_wait3A_117 = arith.constant 0 : i32
      %dma_wait3A_118 = arith.constant 0 : i32
      %dma_wait3A_119 = tpu.memref_slice %arg2[%add3A_92, %dma_wait3A_117, %dma_wait3A_118] : memref<192x40x128xi32, #tpu.memory_space<hbm>> -> memref<1x40x128xi32, #tpu.memory_space<hbm>>
      %dma_wait3A_120 = tpu.memref_squeeze %dma_wait3A_119 : memref<1x40x128xi32, #tpu.memory_space<hbm>> -> memref<40x128xi32, #tpu.memory_space<hbm>>
      tpu.wait_dma2 semaphore(%run_scoped3A : memref<!tpu.dma_semaphore, #tpu.memory_space<semaphore_mem>>) src(%dma_wait3A_120 : memref<40x128xi32, #tpu.memory_space<hbm>>) dst(%arg6 : memref<40x128xi32, #tpu.memory_space<vmem>>)
      tpu.yield
    }) : () -> ()
    %barrier3A_93 = arith.constant 0 : index
    tpu.barrier barrier_id(%barrier3A_93)
    %scan3A_94 = arith.constant 0 : i32
    %scan3A_95 = arith.constant 0 : i32
    %scan3A_96 = arith.constant 20 : i32
    %scan3A_97 = arith.addi %scan3A_95, %scan3A_96 : i32
    %scan3A_98 = arith.constant 1 : i32
    scf.for %scan3A_107 = %scan3A_95 to %scan3A_97 step %scan3A_98  : i32 {
      %mul3A_108 = arith.constant 2 : i32
      %mul3A_109 = arith.muli %mul3A_108, %scan3A_107 : i32
      %dma_start3A = arith.constant 0 : i32
      %dma_start3A_110 = tpu.memref_slice %arg6[%mul3A_109, %dma_start3A] : memref<40x128xi32, #tpu.memory_space<vmem>> -> memref<1x128xi32, #tpu.memory_space<vmem>>
      %dma_start3A_111 = tpu.memref_squeeze %dma_start3A_110 : memref<1x128xi32, #tpu.memory_space<vmem>> -> memref<128xi32, #tpu.memory_space<vmem>>
      %dma_start3A_112 = arith.constant 0 : i32
      %dma_start3A_113 = arith.constant 0 : i32
      %dma_start3A_114 = tpu.memref_slice %arg8[%dma_start3A_112, %dma_start3A_113] : memref<10240x128xf32, #tpu.memory_space<vmem_shared>> -> memref<10240x128xf32, #tpu.memory_space<vmem_shared>>
      tpu.enqueue_indirect_dma source(%arg7 : memref<128x128xf32, #tpu.memory_space<vmem>>) target(%dma_start3A_114 : memref<10240x128xf32, #tpu.memory_space<vmem_shared>>) offsets(%dma_start3A_111 : memref<128xi32, #tpu.memory_space<vmem>>) semaphore(%arg9 : memref<!tpu.dma_semaphore, #tpu.memory_space<semaphore_mem>>) {add = true}
      %add3A_115 = arith.constant 1 : i32
      %add3A_116 = arith.addi %mul3A_109, %add3A_115 : i32
      %dma_start3A_117 = arith.constant 0 : i32
      %dma_start3A_118 = tpu.memref_slice %arg6[%add3A_116, %dma_start3A_117] : memref<40x128xi32, #tpu.memory_space<vmem>> -> memref<1x128xi32, #tpu.memory_space<vmem>>
      %dma_start3A_119 = tpu.memref_squeeze %dma_start3A_118 : memref<1x128xi32, #tpu.memory_space<vmem>> -> memref<128xi32, #tpu.memory_space<vmem>>
      %dma_start3A_120 = arith.constant 0 : i32
      %dma_start3A_121 = arith.constant 0 : i32
      %dma_start3A_122 = tpu.memref_slice %arg8[%dma_start3A_120, %dma_start3A_121] : memref<10240x128xf32, #tpu.memory_space<vmem_shared>> -> memref<10240x128xf32, #tpu.memory_space<vmem_shared>>
      tpu.enqueue_indirect_dma source(%arg7 : memref<128x128xf32, #tpu.memory_space<vmem>>) target(%dma_start3A_122 : memref<10240x128xf32, #tpu.memory_space<vmem_shared>>) offsets(%dma_start3A_119 : memref<128xi32, #tpu.memory_space<vmem>>) semaphore(%arg10 : memref<!tpu.dma_semaphore, #tpu.memory_space<semaphore_mem>>) {add = true}
      %dma_wait3A = arith.constant 0 : i32
      %dma_wait3A_123 = tpu.memref_slice %arg6[%mul3A_109, %dma_wait3A] : memref<40x128xi32, #tpu.memory_space<vmem>> -> memref<1x128xi32, #tpu.memory_space<vmem>>
      %dma_wait3A_124 = tpu.memref_squeeze %dma_wait3A_123 : memref<1x128xi32, #tpu.memory_space<vmem>> -> memref<128xi32, #tpu.memory_space<vmem>>
      %dma_wait3A_125 = arith.constant 0 : i32
      %dma_wait3A_126 = arith.constant 0 : i32
      %dma_wait3A_127 = tpu.memref_slice %arg8[%dma_wait3A_125, %dma_wait3A_126] : memref<10240x128xf32, #tpu.memory_space<vmem_shared>> -> memref<10240x128xf32, #tpu.memory_space<vmem_shared>>
      tpu.wait_indirect_dma semaphore(%arg9 : memref<!tpu.dma_semaphore, #tpu.memory_space<semaphore_mem>>) src(%arg7 : memref<128x128xf32, #tpu.memory_space<vmem>>) dst(%dma_wait3A_127 : memref<10240x128xf32, #tpu.memory_space<vmem_shared>>)
      %dma_wait3A_128 = arith.constant 0 : i32
      %dma_wait3A_129 = tpu.memref_slice %arg6[%add3A_116, %dma_wait3A_128] : memref<40x128xi32, #tpu.memory_space<vmem>> -> memref<1x128xi32, #tpu.memory_space<vmem>>
      %dma_wait3A_130 = tpu.memref_squeeze %dma_wait3A_129 : memref<1x128xi32, #tpu.memory_space<vmem>> -> memref<128xi32, #tpu.memory_space<vmem>>
      %dma_wait3A_131 = arith.constant 0 : i32
      %dma_wait3A_132 = arith.constant 0 : i32
      %dma_wait3A_133 = tpu.memref_slice %arg8[%dma_wait3A_131, %dma_wait3A_132] : memref<10240x128xf32, #tpu.memory_space<vmem_shared>> -> memref<10240x128xf32, #tpu.memory_space<vmem_shared>>
      tpu.wait_indirect_dma semaphore(%arg10 : memref<!tpu.dma_semaphore, #tpu.memory_space<semaphore_mem>>) src(%arg7 : memref<128x128xf32, #tpu.memory_space<vmem>>) dst(%dma_wait3A_133 : memref<10240x128xf32, #tpu.memory_space<vmem_shared>>)
    }
    %scan3A_99 = arith.constant 20 : i32
    %barrier3A_100 = arith.constant 0 : index
    tpu.barrier barrier_id(%barrier3A_100)
    %mul3A_101 = arith.constant 640 : i32
    %mul3A_102 = arith.muli %arg1, %mul3A_101 : i32
    %add3A_103 = arith.constant 10 : i32
    %add3A_104 = arith.addi %add3A_103, %arg0 : i32
    %mul3A_105 = arith.constant 640 : i32
    %mul3A_106 = arith.muli %arg1, %mul3A_105 : i32
    "tpu.region"() ({
      %run_scoped3A = tpu.sem_alloc : memref<!tpu.dma_semaphore, #tpu.memory_space<semaphore_mem>>
      %dma_start3A = arith.constant 0 : i32
      %dma_start3A_107 = tpu.memref_slice %arg5[%add3A_104, %mul3A_106, %dma_start3A] : memref<12x10240x128xf32, #tpu.memory_space<hbm>> -> memref<1x640x128xf32, #tpu.memory_space<hbm>>
      %dma_start3A_108 = tpu.memref_squeeze %dma_start3A_107 : memref<1x640x128xf32, #tpu.memory_space<hbm>> -> memref<640x128xf32, #tpu.memory_space<hbm>>
      %dma_start3A_109 = arith.constant 0 : i32
      %dma_start3A_110 = tpu.memref_slice %arg8[%mul3A_102, %dma_start3A_109] : memref<10240x128xf32, #tpu.memory_space<vmem_shared>> -> memref<640x128xf32, #tpu.memory_space<vmem_shared>>
      tpu.enqueue_dma source(%dma_start3A_110 : memref<640x128xf32, #tpu.memory_space<vmem_shared>>) target(%dma_start3A_108 : memref<640x128xf32, #tpu.memory_space<hbm>>) target_semaphore(%run_scoped3A : memref<!tpu.dma_semaphore, #tpu.memory_space<semaphore_mem>>)
      %dma_wait3A = arith.constant 0 : i32
      %dma_wait3A_111 = tpu.memref_slice %arg5[%add3A_104, %mul3A_106, %dma_wait3A] : memref<12x10240x128xf32, #tpu.memory_space<hbm>> -> memref<1x640x128xf32, #tpu.memory_space<hbm>>
      %dma_wait3A_112 = tpu.memref_squeeze %dma_wait3A_111 : memref<1x640x128xf32, #tpu.memory_space<hbm>> -> memref<640x128xf32, #tpu.memory_space<hbm>>
      %dma_wait3A_113 = arith.constant 0 : i32
      %dma_wait3A_114 = tpu.memref_slice %arg8[%mul3A_102, %dma_wait3A_113] : memref<10240x128xf32, #tpu.memory_space<vmem_shared>> -> memref<640x128xf32, #tpu.memory_space<vmem_shared>>
      tpu.wait_dma2 semaphore(%run_scoped3A : memref<!tpu.dma_semaphore, #tpu.memory_space<semaphore_mem>>) src(%dma_wait3A_114 : memref<640x128xf32, #tpu.memory_space<vmem_shared>>) dst(%dma_wait3A_112 : memref<640x128xf32, #tpu.memory_space<hbm>>)
      tpu.yield
    }) : () -> ()
    return
  }
}

#map = affine_map<(d0, d1) -> (0, 0)>
#map1 = affine_map<(d0, d1) -> (0, 0, 0)>
module attributes {stable_mosaic.version = 14 : i64} {
  func.func @_seg_body(%arg0: i32, %arg1: i32, %arg2: memref<10240x128xf32, #tpu.memory_space<hbm>>, %arg3: memref<10240x128xf32, #tpu.memory_space<hbm>>, %arg4: memref<96x40x128xi32, #tpu.memory_space<hbm>>, %arg5: memref<96x40x128xi32, #tpu.memory_space<hbm>>, %arg6: memref<640x128xf32, #tpu.memory_space<hbm>>, %arg7: memref<6x10240x128xf32, #tpu.memory_space<hbm>>, %arg8: memref<40x128xi32, #tpu.memory_space<vmem>>, %arg9: memref<40x128xi32, #tpu.memory_space<vmem>>, %arg10: memref<128x128xf32, #tpu.memory_space<vmem>>, %arg11: memref<128x128xf32, #tpu.memory_space<vmem>>, %arg12: memref<10240x128xf32, #tpu.memory_space<vmem_shared>>, %arg13: memref<!tpu.dma_semaphore, #tpu.memory_space<semaphore_mem>>, %arg14: memref<!tpu.dma_semaphore, #tpu.memory_space<semaphore_mem>>, %arg15: memref<!tpu.dma_semaphore, #tpu.memory_space<semaphore_mem>>, %arg16: memref<!tpu.dma_semaphore, #tpu.memory_space<semaphore_mem>>) attributes {dimension_semantics = [#tpu.dimension_semantics<core_parallel>, #tpu.dimension_semantics<subcore_parallel>], iteration_bounds = array<i64: 2, 16>, scalar_prefetch = 0 : i64, scratch_operands = 9 : i64, tpu.core_type = #tpu.core_type<sc_vector_subcore>, window_params = [{transform_indices = #map}, {transform_indices = #map}, {transform_indices = #map1}, {transform_indices = #map1}, {transform_indices = #map}, {transform_indices = #map1}]} {
    %mul3A = arith.constant 2 : i32
    %mul3A_0 = arith.muli %arg1, %mul3A : i32
    %add3A = arith.addi %mul3A_0, %arg0 : i32
    %mul3A_1 = arith.constant 640 : i32
    %mul3A_2 = arith.muli %arg1, %mul3A_1 : i32
    "tpu.region"() ({
      %run_scoped3A = tpu.sem_alloc : memref<!tpu.dma_semaphore, #tpu.memory_space<semaphore_mem>>
      %dma_start3A = arith.constant 0 : i32
      %dma_start3A_59 = tpu.memref_slice %arg12[%mul3A_2, %dma_start3A] : memref<10240x128xf32, #tpu.memory_space<vmem_shared>> -> memref<640x128xf32, #tpu.memory_space<vmem_shared>>
      tpu.enqueue_dma source(%arg6 : memref<640x128xf32, #tpu.memory_space<hbm>>) target(%dma_start3A_59 : memref<640x128xf32, #tpu.memory_space<vmem_shared>>) target_semaphore(%run_scoped3A : memref<!tpu.dma_semaphore, #tpu.memory_space<semaphore_mem>>)
      %dma_wait3A = arith.constant 0 : i32
      %dma_wait3A_60 = tpu.memref_slice %arg12[%mul3A_2, %dma_wait3A] : memref<10240x128xf32, #tpu.memory_space<vmem_shared>> -> memref<640x128xf32, #tpu.memory_space<vmem_shared>>
      tpu.wait_dma2 semaphore(%run_scoped3A : memref<!tpu.dma_semaphore, #tpu.memory_space<semaphore_mem>>) src(%arg6 : memref<640x128xf32, #tpu.memory_space<hbm>>) dst(%dma_wait3A_60 : memref<640x128xf32, #tpu.memory_space<vmem_shared>>)
      tpu.yield
    }) : () -> ()
    %add3A_3 = arith.constant 0 : i32
    %add3A_4 = arith.addi %add3A_3, %add3A : i32
    "tpu.region"() ({
      %run_scoped3A = tpu.sem_alloc : memref<!tpu.dma_semaphore, #tpu.memory_space<semaphore_mem>>
      %dma_start3A = arith.constant 0 : i32
      %dma_start3A_59 = arith.constant 0 : i32
      %dma_start3A_60 = tpu.memref_slice %arg4[%add3A_4, %dma_start3A, %dma_start3A_59] : memref<96x40x128xi32, #tpu.memory_space<hbm>> -> memref<1x40x128xi32, #tpu.memory_space<hbm>>
      %dma_start3A_61 = tpu.memref_squeeze %dma_start3A_60 : memref<1x40x128xi32, #tpu.memory_space<hbm>> -> memref<40x128xi32, #tpu.memory_space<hbm>>
      %dma_start3A_62 = arith.constant 0 : i32
      %dma_start3A_63 = arith.constant 0 : i32
      %dma_start3A_64 = tpu.memref_slice %arg4[%add3A_4, %dma_start3A_62, %dma_start3A_63] : memref<96x40x128xi32, #tpu.memory_space<hbm>> -> memref<1x40x128xi32, #tpu.memory_space<hbm>>
      %dma_start3A_65 = tpu.memref_squeeze %dma_start3A_64 : memref<1x40x128xi32, #tpu.memory_space<hbm>> -> memref<40x128xi32, #tpu.memory_space<hbm>>
      tpu.enqueue_dma source(%dma_start3A_65 : memref<40x128xi32, #tpu.memory_space<hbm>>) target(%arg8 : memref<40x128xi32, #tpu.memory_space<vmem>>) target_semaphore(%run_scoped3A : memref<!tpu.dma_semaphore, #tpu.memory_space<semaphore_mem>>)
      %dma_wait3A = arith.constant 0 : i32
      %dma_wait3A_66 = arith.constant 0 : i32
      %dma_wait3A_67 = tpu.memref_slice %arg4[%add3A_4, %dma_wait3A, %dma_wait3A_66] : memref<96x40x128xi32, #tpu.memory_space<hbm>> -> memref<1x40x128xi32, #tpu.memory_space<hbm>>
      %dma_wait3A_68 = tpu.memref_squeeze %dma_wait3A_67 : memref<1x40x128xi32, #tpu.memory_space<hbm>> -> memref<40x128xi32, #tpu.memory_space<hbm>>
      %dma_wait3A_69 = arith.constant 0 : i32
      %dma_wait3A_70 = arith.constant 0 : i32
      %dma_wait3A_71 = tpu.memref_slice %arg4[%add3A_4, %dma_wait3A_69, %dma_wait3A_70] : memref<96x40x128xi32, #tpu.memory_space<hbm>> -> memref<1x40x128xi32, #tpu.memory_space<hbm>>
      %dma_wait3A_72 = tpu.memref_squeeze %dma_wait3A_71 : memref<1x40x128xi32, #tpu.memory_space<hbm>> -> memref<40x128xi32, #tpu.memory_space<hbm>>
      tpu.wait_dma2 semaphore(%run_scoped3A : memref<!tpu.dma_semaphore, #tpu.memory_space<semaphore_mem>>) src(%dma_wait3A_72 : memref<40x128xi32, #tpu.memory_space<hbm>>) dst(%arg8 : memref<40x128xi32, #tpu.memory_space<vmem>>)
      tpu.yield
    }) : () -> ()
    %add3A_5 = arith.constant 0 : i32
    %add3A_6 = arith.addi %add3A_5, %add3A : i32
    "tpu.region"() ({
      %run_scoped3A = tpu.sem_alloc : memref<!tpu.dma_semaphore, #tpu.memory_space<semaphore_mem>>
      %dma_start3A = arith.constant 0 : i32
      %dma_start3A_59 = arith.constant 0 : i32
      %dma_start3A_60 = tpu.memref_slice %arg5[%add3A_6, %dma_start3A, %dma_start3A_59] : memref<96x40x128xi32, #tpu.memory_space<hbm>> -> memref<1x40x128xi32, #tpu.memory_space<hbm>>
      %dma_start3A_61 = tpu.memref_squeeze %dma_start3A_60 : memref<1x40x128xi32, #tpu.memory_space<hbm>> -> memref<40x128xi32, #tpu.memory_space<hbm>>
      %dma_start3A_62 = arith.constant 0 : i32
      %dma_start3A_63 = arith.constant 0 : i32
      %dma_start3A_64 = tpu.memref_slice %arg5[%add3A_6, %dma_start3A_62, %dma_start3A_63] : memref<96x40x128xi32, #tpu.memory_space<hbm>> -> memref<1x40x128xi32, #tpu.memory_space<hbm>>
      %dma_start3A_65 = tpu.memref_squeeze %dma_start3A_64 : memref<1x40x128xi32, #tpu.memory_space<hbm>> -> memref<40x128xi32, #tpu.memory_space<hbm>>
      tpu.enqueue_dma source(%dma_start3A_65 : memref<40x128xi32, #tpu.memory_space<hbm>>) target(%arg9 : memref<40x128xi32, #tpu.memory_space<vmem>>) target_semaphore(%run_scoped3A : memref<!tpu.dma_semaphore, #tpu.memory_space<semaphore_mem>>)
      %dma_wait3A = arith.constant 0 : i32
      %dma_wait3A_66 = arith.constant 0 : i32
      %dma_wait3A_67 = tpu.memref_slice %arg5[%add3A_6, %dma_wait3A, %dma_wait3A_66] : memref<96x40x128xi32, #tpu.memory_space<hbm>> -> memref<1x40x128xi32, #tpu.memory_space<hbm>>
      %dma_wait3A_68 = tpu.memref_squeeze %dma_wait3A_67 : memref<1x40x128xi32, #tpu.memory_space<hbm>> -> memref<40x128xi32, #tpu.memory_space<hbm>>
      %dma_wait3A_69 = arith.constant 0 : i32
      %dma_wait3A_70 = arith.constant 0 : i32
      %dma_wait3A_71 = tpu.memref_slice %arg5[%add3A_6, %dma_wait3A_69, %dma_wait3A_70] : memref<96x40x128xi32, #tpu.memory_space<hbm>> -> memref<1x40x128xi32, #tpu.memory_space<hbm>>
      %dma_wait3A_72 = tpu.memref_squeeze %dma_wait3A_71 : memref<1x40x128xi32, #tpu.memory_space<hbm>> -> memref<40x128xi32, #tpu.memory_space<hbm>>
      tpu.wait_dma2 semaphore(%run_scoped3A : memref<!tpu.dma_semaphore, #tpu.memory_space<semaphore_mem>>) src(%dma_wait3A_72 : memref<40x128xi32, #tpu.memory_space<hbm>>) dst(%arg9 : memref<40x128xi32, #tpu.memory_space<vmem>>)
      tpu.yield
    }) : () -> ()
    %barrier3A = arith.constant 0 : index
    tpu.barrier barrier_id(%barrier3A)
    %scan3A = arith.constant 0 : i32
    %scan3A_7 = arith.constant 0 : i32
    %scan3A_8 = arith.constant 10 : i32
    %scan3A_9 = arith.addi %scan3A_7, %scan3A_8 : i32
    %scan3A_10 = arith.constant 1 : i32
    scf.for %scan3A_59 = %scan3A_7 to %scan3A_9 step %scan3A_10  : i32 {
      %mul3A_60 = arith.constant 4 : i32
      %mul3A_61 = arith.muli %mul3A_60, %scan3A_59 : i32
      %dma_start3A = arith.constant 0 : i32
      %dma_start3A_62 = tpu.memref_slice %arg8[%mul3A_61, %dma_start3A] : memref<40x128xi32, #tpu.memory_space<vmem>> -> memref<1x128xi32, #tpu.memory_space<vmem>>
      %dma_start3A_63 = tpu.memref_squeeze %dma_start3A_62 : memref<1x128xi32, #tpu.memory_space<vmem>> -> memref<128xi32, #tpu.memory_space<vmem>>
      %dma_start3A_64 = arith.constant 0 : i32
      %dma_start3A_65 = arith.constant 0 : i32
      %dma_start3A_66 = tpu.memref_slice %arg3[%dma_start3A_64, %dma_start3A_65] : memref<10240x128xf32, #tpu.memory_space<hbm>> -> memref<10240x128xf32, #tpu.memory_space<hbm>>
      tpu.enqueue_indirect_dma source(%dma_start3A_66 : memref<10240x128xf32, #tpu.memory_space<hbm>>) target(%arg10 : memref<128x128xf32, #tpu.memory_space<vmem>>) offsets(%dma_start3A_63 : memref<128xi32, #tpu.memory_space<vmem>>) semaphore(%arg13 : memref<!tpu.dma_semaphore, #tpu.memory_space<semaphore_mem>>)
      %add3A_67 = arith.constant 1 : i32
      %add3A_68 = arith.addi %mul3A_61, %add3A_67 : i32
      %dma_start3A_69 = arith.constant 0 : i32
      %dma_start3A_70 = tpu.memref_slice %arg8[%add3A_68, %dma_start3A_69] : memref<40x128xi32, #tpu.memory_space<vmem>> -> memref<1x128xi32, #tpu.memory_space<vmem>>
      %dma_start3A_71 = tpu.memref_squeeze %dma_start3A_70 : memref<1x128xi32, #tpu.memory_space<vmem>> -> memref<128xi32, #tpu.memory_space<vmem>>
      %dma_start3A_72 = arith.constant 0 : i32
      %dma_start3A_73 = arith.constant 0 : i32
      %dma_start3A_74 = tpu.memref_slice %arg3[%dma_start3A_72, %dma_start3A_73] : memref<10240x128xf32, #tpu.memory_space<hbm>> -> memref<10240x128xf32, #tpu.memory_space<hbm>>
      tpu.enqueue_indirect_dma source(%dma_start3A_74 : memref<10240x128xf32, #tpu.memory_space<hbm>>) target(%arg11 : memref<128x128xf32, #tpu.memory_space<vmem>>) offsets(%dma_start3A_71 : memref<128xi32, #tpu.memory_space<vmem>>) semaphore(%arg14 : memref<!tpu.dma_semaphore, #tpu.memory_space<semaphore_mem>>)
      %dma_wait3A = arith.constant 0 : i32
      %dma_wait3A_75 = tpu.memref_slice %arg8[%mul3A_61, %dma_wait3A] : memref<40x128xi32, #tpu.memory_space<vmem>> -> memref<1x128xi32, #tpu.memory_space<vmem>>
      %dma_wait3A_76 = tpu.memref_squeeze %dma_wait3A_75 : memref<1x128xi32, #tpu.memory_space<vmem>> -> memref<128xi32, #tpu.memory_space<vmem>>
      %dma_wait3A_77 = arith.constant 0 : i32
      %dma_wait3A_78 = arith.constant 0 : i32
      %dma_wait3A_79 = tpu.memref_slice %arg3[%dma_wait3A_77, %dma_wait3A_78] : memref<10240x128xf32, #tpu.memory_space<hbm>> -> memref<10240x128xf32, #tpu.memory_space<hbm>>
      tpu.wait_indirect_dma semaphore(%arg13 : memref<!tpu.dma_semaphore, #tpu.memory_space<semaphore_mem>>) src(%dma_wait3A_79 : memref<10240x128xf32, #tpu.memory_space<hbm>>) dst(%arg10 : memref<128x128xf32, #tpu.memory_space<vmem>>)
      %dma_start3A_80 = arith.constant 0 : i32
      %dma_start3A_81 = tpu.memref_slice %arg9[%mul3A_61, %dma_start3A_80] : memref<40x128xi32, #tpu.memory_space<vmem>> -> memref<1x128xi32, #tpu.memory_space<vmem>>
      %dma_start3A_82 = tpu.memref_squeeze %dma_start3A_81 : memref<1x128xi32, #tpu.memory_space<vmem>> -> memref<128xi32, #tpu.memory_space<vmem>>
      %dma_start3A_83 = arith.constant 0 : i32
      %dma_start3A_84 = arith.constant 0 : i32
      %dma_start3A_85 = tpu.memref_slice %arg12[%dma_start3A_83, %dma_start3A_84] : memref<10240x128xf32, #tpu.memory_space<vmem_shared>> -> memref<10240x128xf32, #tpu.memory_space<vmem_shared>>
      tpu.enqueue_indirect_dma source(%arg10 : memref<128x128xf32, #tpu.memory_space<vmem>>) target(%dma_start3A_85 : memref<10240x128xf32, #tpu.memory_space<vmem_shared>>) offsets(%dma_start3A_82 : memref<128xi32, #tpu.memory_space<vmem>>) semaphore(%arg15 : memref<!tpu.dma_semaphore, #tpu.memory_space<semaphore_mem>>) {add = true}
      %dma_wait3A_86 = arith.constant 0 : i32
      %dma_wait3A_87 = tpu.memref_slice %arg8[%add3A_68, %dma_wait3A_86] : memref<40x128xi32, #tpu.memory_space<vmem>> -> memref<1x128xi32, #tpu.memory_space<vmem>>
      %dma_wait3A_88 = tpu.memref_squeeze %dma_wait3A_87 : memref<1x128xi32, #tpu.memory_space<vmem>> -> memref<128xi32, #tpu.memory_space<vmem>>
      %dma_wait3A_89 = arith.constant 0 : i32
      %dma_wait3A_90 = arith.constant 0 : i32
      %dma_wait3A_91 = tpu.memref_slice %arg3[%dma_wait3A_89, %dma_wait3A_90] : memref<10240x128xf32, #tpu.memory_space<hbm>> -> memref<10240x128xf32, #tpu.memory_space<hbm>>
      tpu.wait_indirect_dma semaphore(%arg14 : memref<!tpu.dma_semaphore, #tpu.memory_space<semaphore_mem>>) src(%dma_wait3A_91 : memref<10240x128xf32, #tpu.memory_space<hbm>>) dst(%arg11 : memref<128x128xf32, #tpu.memory_space<vmem>>)
      %add3A_92 = arith.constant 1 : i32
      %add3A_93 = arith.addi %mul3A_61, %add3A_92 : i32
      %dma_start3A_94 = arith.constant 0 : i32
      %dma_start3A_95 = tpu.memref_slice %arg9[%add3A_93, %dma_start3A_94] : memref<40x128xi32, #tpu.memory_space<vmem>> -> memref<1x128xi32, #tpu.memory_space<vmem>>
      %dma_start3A_96 = tpu.memref_squeeze %dma_start3A_95 : memref<1x128xi32, #tpu.memory_space<vmem>> -> memref<128xi32, #tpu.memory_space<vmem>>
      %dma_start3A_97 = arith.constant 0 : i32
      %dma_start3A_98 = arith.constant 0 : i32
      %dma_start3A_99 = tpu.memref_slice %arg12[%dma_start3A_97, %dma_start3A_98] : memref<10240x128xf32, #tpu.memory_space<vmem_shared>> -> memref<10240x128xf32, #tpu.memory_space<vmem_shared>>
      tpu.enqueue_indirect_dma source(%arg11 : memref<128x128xf32, #tpu.memory_space<vmem>>) target(%dma_start3A_99 : memref<10240x128xf32, #tpu.memory_space<vmem_shared>>) offsets(%dma_start3A_96 : memref<128xi32, #tpu.memory_space<vmem>>) semaphore(%arg16 : memref<!tpu.dma_semaphore, #tpu.memory_space<semaphore_mem>>) {add = true}
      %dma_wait3A_100 = arith.constant 0 : i32
      %dma_wait3A_101 = tpu.memref_slice %arg9[%mul3A_61, %dma_wait3A_100] : memref<40x128xi32, #tpu.memory_space<vmem>> -> memref<1x128xi32, #tpu.memory_space<vmem>>
      %dma_wait3A_102 = tpu.memref_squeeze %dma_wait3A_101 : memref<1x128xi32, #tpu.memory_space<vmem>> -> memref<128xi32, #tpu.memory_space<vmem>>
      %dma_wait3A_103 = arith.constant 0 : i32
      %dma_wait3A_104 = arith.constant 0 : i32
      %dma_wait3A_105 = tpu.memref_slice %arg12[%dma_wait3A_103, %dma_wait3A_104] : memref<10240x128xf32, #tpu.memory_space<vmem_shared>> -> memref<10240x128xf32, #tpu.memory_space<vmem_shared>>
      tpu.wait_indirect_dma semaphore(%arg15 : memref<!tpu.dma_semaphore, #tpu.memory_space<semaphore_mem>>) src(%arg10 : memref<128x128xf32, #tpu.memory_space<vmem>>) dst(%dma_wait3A_105 : memref<10240x128xf32, #tpu.memory_space<vmem_shared>>)
      %add3A_106 = arith.constant 2 : i32
      %add3A_107 = arith.addi %mul3A_61, %add3A_106 : i32
      %dma_start3A_108 = arith.constant 0 : i32
      %dma_start3A_109 = tpu.memref_slice %arg8[%add3A_107, %dma_start3A_108] : memref<40x128xi32, #tpu.memory_space<vmem>> -> memref<1x128xi32, #tpu.memory_space<vmem>>
      %dma_start3A_110 = tpu.memref_squeeze %dma_start3A_109 : memref<1x128xi32, #tpu.memory_space<vmem>> -> memref<128xi32, #tpu.memory_space<vmem>>
      %dma_start3A_111 = arith.constant 0 : i32
      %dma_start3A_112 = arith.constant 0 : i32
      %dma_start3A_113 = tpu.memref_slice %arg3[%dma_start3A_111, %dma_start3A_112] : memref<10240x128xf32, #tpu.memory_space<hbm>> -> memref<10240x128xf32, #tpu.memory_space<hbm>>
      tpu.enqueue_indirect_dma source(%dma_start3A_113 : memref<10240x128xf32, #tpu.memory_space<hbm>>) target(%arg10 : memref<128x128xf32, #tpu.memory_space<vmem>>) offsets(%dma_start3A_110 : memref<128xi32, #tpu.memory_space<vmem>>) semaphore(%arg13 : memref<!tpu.dma_semaphore, #tpu.memory_space<semaphore_mem>>)
      %dma_wait3A_114 = arith.constant 0 : i32
      %dma_wait3A_115 = tpu.memref_slice %arg9[%add3A_93, %dma_wait3A_114] : memref<40x128xi32, #tpu.memory_space<vmem>> -> memref<1x128xi32, #tpu.memory_space<vmem>>
      %dma_wait3A_116 = tpu.memref_squeeze %dma_wait3A_115 : memref<1x128xi32, #tpu.memory_space<vmem>> -> memref<128xi32, #tpu.memory_space<vmem>>
      %dma_wait3A_117 = arith.constant 0 : i32
      %dma_wait3A_118 = arith.constant 0 : i32
      %dma_wait3A_119 = tpu.memref_slice %arg12[%dma_wait3A_117, %dma_wait3A_118] : memref<10240x128xf32, #tpu.memory_space<vmem_shared>> -> memref<10240x128xf32, #tpu.memory_space<vmem_shared>>
      tpu.wait_indirect_dma semaphore(%arg16 : memref<!tpu.dma_semaphore, #tpu.memory_space<semaphore_mem>>) src(%arg11 : memref<128x128xf32, #tpu.memory_space<vmem>>) dst(%dma_wait3A_119 : memref<10240x128xf32, #tpu.memory_space<vmem_shared>>)
      %add3A_120 = arith.constant 3 : i32
      %add3A_121 = arith.addi %mul3A_61, %add3A_120 : i32
      %dma_start3A_122 = arith.constant 0 : i32
      %dma_start3A_123 = tpu.memref_slice %arg8[%add3A_121, %dma_start3A_122] : memref<40x128xi32, #tpu.memory_space<vmem>> -> memref<1x128xi32, #tpu.memory_space<vmem>>
      %dma_start3A_124 = tpu.memref_squeeze %dma_start3A_123 : memref<1x128xi32, #tpu.memory_space<vmem>> -> memref<128xi32, #tpu.memory_space<vmem>>
      %dma_start3A_125 = arith.constant 0 : i32
      %dma_start3A_126 = arith.constant 0 : i32
      %dma_start3A_127 = tpu.memref_slice %arg3[%dma_start3A_125, %dma_start3A_126] : memref<10240x128xf32, #tpu.memory_space<hbm>> -> memref<10240x128xf32, #tpu.memory_space<hbm>>
      tpu.enqueue_indirect_dma source(%dma_start3A_127 : memref<10240x128xf32, #tpu.memory_space<hbm>>) target(%arg11 : memref<128x128xf32, #tpu.memory_space<vmem>>) offsets(%dma_start3A_124 : memref<128xi32, #tpu.memory_space<vmem>>) semaphore(%arg14 : memref<!tpu.dma_semaphore, #tpu.memory_space<semaphore_mem>>)
      %dma_wait3A_128 = arith.constant 0 : i32
      %dma_wait3A_129 = tpu.memref_slice %arg8[%add3A_107, %dma_wait3A_128] : memref<40x128xi32, #tpu.memory_space<vmem>> -> memref<1x128xi32, #tpu.memory_space<vmem>>
      %dma_wait3A_130 = tpu.memref_squeeze %dma_wait3A_129 : memref<1x128xi32, #tpu.memory_space<vmem>> -> memref<128xi32, #tpu.memory_space<vmem>>
      %dma_wait3A_131 = arith.constant 0 : i32
      %dma_wait3A_132 = arith.constant 0 : i32
      %dma_wait3A_133 = tpu.memref_slice %arg3[%dma_wait3A_131, %dma_wait3A_132] : memref<10240x128xf32, #tpu.memory_space<hbm>> -> memref<10240x128xf32, #tpu.memory_space<hbm>>
      tpu.wait_indirect_dma semaphore(%arg13 : memref<!tpu.dma_semaphore, #tpu.memory_space<semaphore_mem>>) src(%dma_wait3A_133 : memref<10240x128xf32, #tpu.memory_space<hbm>>) dst(%arg10 : memref<128x128xf32, #tpu.memory_space<vmem>>)
      %add3A_134 = arith.constant 2 : i32
      %add3A_135 = arith.addi %mul3A_61, %add3A_134 : i32
      %dma_start3A_136 = arith.constant 0 : i32
      %dma_start3A_137 = tpu.memref_slice %arg9[%add3A_135, %dma_start3A_136] : memref<40x128xi32, #tpu.memory_space<vmem>> -> memref<1x128xi32, #tpu.memory_space<vmem>>
      %dma_start3A_138 = tpu.memref_squeeze %dma_start3A_137 : memref<1x128xi32, #tpu.memory_space<vmem>> -> memref<128xi32, #tpu.memory_space<vmem>>
      %dma_start3A_139 = arith.constant 0 : i32
      %dma_start3A_140 = arith.constant 0 : i32
      %dma_start3A_141 = tpu.memref_slice %arg12[%dma_start3A_139, %dma_start3A_140] : memref<10240x128xf32, #tpu.memory_space<vmem_shared>> -> memref<10240x128xf32, #tpu.memory_space<vmem_shared>>
      tpu.enqueue_indirect_dma source(%arg10 : memref<128x128xf32, #tpu.memory_space<vmem>>) target(%dma_start3A_141 : memref<10240x128xf32, #tpu.memory_space<vmem_shared>>) offsets(%dma_start3A_138 : memref<128xi32, #tpu.memory_space<vmem>>) semaphore(%arg15 : memref<!tpu.dma_semaphore, #tpu.memory_space<semaphore_mem>>) {add = true}
      %dma_wait3A_142 = arith.constant 0 : i32
      %dma_wait3A_143 = tpu.memref_slice %arg8[%add3A_121, %dma_wait3A_142] : memref<40x128xi32, #tpu.memory_space<vmem>> -> memref<1x128xi32, #tpu.memory_space<vmem>>
      %dma_wait3A_144 = tpu.memref_squeeze %dma_wait3A_143 : memref<1x128xi32, #tpu.memory_space<vmem>> -> memref<128xi32, #tpu.memory_space<vmem>>
      %dma_wait3A_145 = arith.constant 0 : i32
      %dma_wait3A_146 = arith.constant 0 : i32
      %dma_wait3A_147 = tpu.memref_slice %arg3[%dma_wait3A_145, %dma_wait3A_146] : memref<10240x128xf32, #tpu.memory_space<hbm>> -> memref<10240x128xf32, #tpu.memory_space<hbm>>
      tpu.wait_indirect_dma semaphore(%arg14 : memref<!tpu.dma_semaphore, #tpu.memory_space<semaphore_mem>>) src(%dma_wait3A_147 : memref<10240x128xf32, #tpu.memory_space<hbm>>) dst(%arg11 : memref<128x128xf32, #tpu.memory_space<vmem>>)
      %add3A_148 = arith.constant 3 : i32
      %add3A_149 = arith.addi %mul3A_61, %add3A_148 : i32
      %dma_start3A_150 = arith.constant 0 : i32
      %dma_start3A_151 = tpu.memref_slice %arg9[%add3A_149, %dma_start3A_150] : memref<40x128xi32, #tpu.memory_space<vmem>> -> memref<1x128xi32, #tpu.memory_space<vmem>>
      %dma_start3A_152 = tpu.memref_squeeze %dma_start3A_151 : memref<1x128xi32, #tpu.memory_space<vmem>> -> memref<128xi32, #tpu.memory_space<vmem>>
      %dma_start3A_153 = arith.constant 0 : i32
      %dma_start3A_154 = arith.constant 0 : i32
      %dma_start3A_155 = tpu.memref_slice %arg12[%dma_start3A_153, %dma_start3A_154] : memref<10240x128xf32, #tpu.memory_space<vmem_shared>> -> memref<10240x128xf32, #tpu.memory_space<vmem_shared>>
      tpu.enqueue_indirect_dma source(%arg11 : memref<128x128xf32, #tpu.memory_space<vmem>>) target(%dma_start3A_155 : memref<10240x128xf32, #tpu.memory_space<vmem_shared>>) offsets(%dma_start3A_152 : memref<128xi32, #tpu.memory_space<vmem>>) semaphore(%arg16 : memref<!tpu.dma_semaphore, #tpu.memory_space<semaphore_mem>>) {add = true}
      %dma_wait3A_156 = arith.constant 0 : i32
      %dma_wait3A_157 = tpu.memref_slice %arg9[%add3A_135, %dma_wait3A_156] : memref<40x128xi32, #tpu.memory_space<vmem>> -> memref<1x128xi32, #tpu.memory_space<vmem>>
      %dma_wait3A_158 = tpu.memref_squeeze %dma_wait3A_157 : memref<1x128xi32, #tpu.memory_space<vmem>> -> memref<128xi32, #tpu.memory_space<vmem>>
      %dma_wait3A_159 = arith.constant 0 : i32
      %dma_wait3A_160 = arith.constant 0 : i32
      %dma_wait3A_161 = tpu.memref_slice %arg12[%dma_wait3A_159, %dma_wait3A_160] : memref<10240x128xf32, #tpu.memory_space<vmem_shared>> -> memref<10240x128xf32, #tpu.memory_space<vmem_shared>>
      tpu.wait_indirect_dma semaphore(%arg15 : memref<!tpu.dma_semaphore, #tpu.memory_space<semaphore_mem>>) src(%arg10 : memref<128x128xf32, #tpu.memory_space<vmem>>) dst(%dma_wait3A_161 : memref<10240x128xf32, #tpu.memory_space<vmem_shared>>)
      %dma_wait3A_162 = arith.constant 0 : i32
      %dma_wait3A_163 = tpu.memref_slice %arg9[%add3A_149, %dma_wait3A_162] : memref<40x128xi32, #tpu.memory_space<vmem>> -> memref<1x128xi32, #tpu.memory_space<vmem>>
      %dma_wait3A_164 = tpu.memref_squeeze %dma_wait3A_163 : memref<1x128xi32, #tpu.memory_space<vmem>> -> memref<128xi32, #tpu.memory_space<vmem>>
      %dma_wait3A_165 = arith.constant 0 : i32
      %dma_wait3A_166 = arith.constant 0 : i32
      %dma_wait3A_167 = tpu.memref_slice %arg12[%dma_wait3A_165, %dma_wait3A_166] : memref<10240x128xf32, #tpu.memory_space<vmem_shared>> -> memref<10240x128xf32, #tpu.memory_space<vmem_shared>>
      tpu.wait_indirect_dma semaphore(%arg16 : memref<!tpu.dma_semaphore, #tpu.memory_space<semaphore_mem>>) src(%arg11 : memref<128x128xf32, #tpu.memory_space<vmem>>) dst(%dma_wait3A_167 : memref<10240x128xf32, #tpu.memory_space<vmem_shared>>)
    }
    %scan3A_11 = arith.constant 10 : i32
    %barrier3A_12 = arith.constant 0 : index
    tpu.barrier barrier_id(%barrier3A_12)
    %mul3A_13 = arith.constant 640 : i32
    %mul3A_14 = arith.muli %arg1, %mul3A_13 : i32
    %add3A_15 = arith.constant 0 : i32
    %add3A_16 = arith.addi %add3A_15, %arg0 : i32
    %mul3A_17 = arith.constant 640 : i32
    %mul3A_18 = arith.muli %arg1, %mul3A_17 : i32
    "tpu.region"() ({
      %run_scoped3A = tpu.sem_alloc : memref<!tpu.dma_semaphore, #tpu.memory_space<semaphore_mem>>
      %dma_start3A = arith.constant 0 : i32
      %dma_start3A_59 = tpu.memref_slice %arg7[%add3A_16, %mul3A_18, %dma_start3A] : memref<6x10240x128xf32, #tpu.memory_space<hbm>> -> memref<1x640x128xf32, #tpu.memory_space<hbm>>
      %dma_start3A_60 = tpu.memref_squeeze %dma_start3A_59 : memref<1x640x128xf32, #tpu.memory_space<hbm>> -> memref<640x128xf32, #tpu.memory_space<hbm>>
      %dma_start3A_61 = arith.constant 0 : i32
      %dma_start3A_62 = tpu.memref_slice %arg12[%mul3A_14, %dma_start3A_61] : memref<10240x128xf32, #tpu.memory_space<vmem_shared>> -> memref<640x128xf32, #tpu.memory_space<vmem_shared>>
      tpu.enqueue_dma source(%dma_start3A_62 : memref<640x128xf32, #tpu.memory_space<vmem_shared>>) target(%dma_start3A_60 : memref<640x128xf32, #tpu.memory_space<hbm>>) target_semaphore(%run_scoped3A : memref<!tpu.dma_semaphore, #tpu.memory_space<semaphore_mem>>)
      %dma_wait3A = arith.constant 0 : i32
      %dma_wait3A_63 = tpu.memref_slice %arg7[%add3A_16, %mul3A_18, %dma_wait3A] : memref<6x10240x128xf32, #tpu.memory_space<hbm>> -> memref<1x640x128xf32, #tpu.memory_space<hbm>>
      %dma_wait3A_64 = tpu.memref_squeeze %dma_wait3A_63 : memref<1x640x128xf32, #tpu.memory_space<hbm>> -> memref<640x128xf32, #tpu.memory_space<hbm>>
      %dma_wait3A_65 = arith.constant 0 : i32
      %dma_wait3A_66 = tpu.memref_slice %arg12[%mul3A_14, %dma_wait3A_65] : memref<10240x128xf32, #tpu.memory_space<vmem_shared>> -> memref<640x128xf32, #tpu.memory_space<vmem_shared>>
      tpu.wait_dma2 semaphore(%run_scoped3A : memref<!tpu.dma_semaphore, #tpu.memory_space<semaphore_mem>>) src(%dma_wait3A_66 : memref<640x128xf32, #tpu.memory_space<vmem_shared>>) dst(%dma_wait3A_64 : memref<640x128xf32, #tpu.memory_space<hbm>>)
      tpu.yield
    }) : () -> ()
    %mul3A_19 = arith.constant 640 : i32
    %mul3A_20 = arith.muli %arg1, %mul3A_19 : i32
    "tpu.region"() ({
      %run_scoped3A = tpu.sem_alloc : memref<!tpu.dma_semaphore, #tpu.memory_space<semaphore_mem>>
      %dma_start3A = arith.constant 0 : i32
      %dma_start3A_59 = tpu.memref_slice %arg12[%mul3A_20, %dma_start3A] : memref<10240x128xf32, #tpu.memory_space<vmem_shared>> -> memref<640x128xf32, #tpu.memory_space<vmem_shared>>
      tpu.enqueue_dma source(%arg6 : memref<640x128xf32, #tpu.memory_space<hbm>>) target(%dma_start3A_59 : memref<640x128xf32, #tpu.memory_space<vmem_shared>>) target_semaphore(%run_scoped3A : memref<!tpu.dma_semaphore, #tpu.memory_space<semaphore_mem>>)
      %dma_wait3A = arith.constant 0 : i32
      %dma_wait3A_60 = tpu.memref_slice %arg12[%mul3A_20, %dma_wait3A] : memref<10240x128xf32, #tpu.memory_space<vmem_shared>> -> memref<640x128xf32, #tpu.memory_space<vmem_shared>>
      tpu.wait_dma2 semaphore(%run_scoped3A : memref<!tpu.dma_semaphore, #tpu.memory_space<semaphore_mem>>) src(%arg6 : memref<640x128xf32, #tpu.memory_space<hbm>>) dst(%dma_wait3A_60 : memref<640x128xf32, #tpu.memory_space<vmem_shared>>)
      tpu.yield
    }) : () -> ()
    %add3A_21 = arith.constant 32 : i32
    %add3A_22 = arith.addi %add3A_21, %add3A : i32
    "tpu.region"() ({
      %run_scoped3A = tpu.sem_alloc : memref<!tpu.dma_semaphore, #tpu.memory_space<semaphore_mem>>
      %dma_start3A = arith.constant 0 : i32
      %dma_start3A_59 = arith.constant 0 : i32
      %dma_start3A_60 = tpu.memref_slice %arg4[%add3A_22, %dma_start3A, %dma_start3A_59] : memref<96x40x128xi32, #tpu.memory_space<hbm>> -> memref<1x40x128xi32, #tpu.memory_space<hbm>>
      %dma_start3A_61 = tpu.memref_squeeze %dma_start3A_60 : memref<1x40x128xi32, #tpu.memory_space<hbm>> -> memref<40x128xi32, #tpu.memory_space<hbm>>
      %dma_start3A_62 = arith.constant 0 : i32
      %dma_start3A_63 = arith.constant 0 : i32
      %dma_start3A_64 = tpu.memref_slice %arg4[%add3A_22, %dma_start3A_62, %dma_start3A_63] : memref<96x40x128xi32, #tpu.memory_space<hbm>> -> memref<1x40x128xi32, #tpu.memory_space<hbm>>
      %dma_start3A_65 = tpu.memref_squeeze %dma_start3A_64 : memref<1x40x128xi32, #tpu.memory_space<hbm>> -> memref<40x128xi32, #tpu.memory_space<hbm>>
      tpu.enqueue_dma source(%dma_start3A_65 : memref<40x128xi32, #tpu.memory_space<hbm>>) target(%arg8 : memref<40x128xi32, #tpu.memory_space<vmem>>) target_semaphore(%run_scoped3A : memref<!tpu.dma_semaphore, #tpu.memory_space<semaphore_mem>>)
      %dma_wait3A = arith.constant 0 : i32
      %dma_wait3A_66 = arith.constant 0 : i32
      %dma_wait3A_67 = tpu.memref_slice %arg4[%add3A_22, %dma_wait3A, %dma_wait3A_66] : memref<96x40x128xi32, #tpu.memory_space<hbm>> -> memref<1x40x128xi32, #tpu.memory_space<hbm>>
      %dma_wait3A_68 = tpu.memref_squeeze %dma_wait3A_67 : memref<1x40x128xi32, #tpu.memory_space<hbm>> -> memref<40x128xi32, #tpu.memory_space<hbm>>
      %dma_wait3A_69 = arith.constant 0 : i32
      %dma_wait3A_70 = arith.constant 0 : i32
      %dma_wait3A_71 = tpu.memref_slice %arg4[%add3A_22, %dma_wait3A_69, %dma_wait3A_70] : memref<96x40x128xi32, #tpu.memory_space<hbm>> -> memref<1x40x128xi32, #tpu.memory_space<hbm>>
      %dma_wait3A_72 = tpu.memref_squeeze %dma_wait3A_71 : memref<1x40x128xi32, #tpu.memory_space<hbm>> -> memref<40x128xi32, #tpu.memory_space<hbm>>
      tpu.wait_dma2 semaphore(%run_scoped3A : memref<!tpu.dma_semaphore, #tpu.memory_space<semaphore_mem>>) src(%dma_wait3A_72 : memref<40x128xi32, #tpu.memory_space<hbm>>) dst(%arg8 : memref<40x128xi32, #tpu.memory_space<vmem>>)
      tpu.yield
    }) : () -> ()
    %add3A_23 = arith.constant 32 : i32
    %add3A_24 = arith.addi %add3A_23, %add3A : i32
    "tpu.region"() ({
      %run_scoped3A = tpu.sem_alloc : memref<!tpu.dma_semaphore, #tpu.memory_space<semaphore_mem>>
      %dma_start3A = arith.constant 0 : i32
      %dma_start3A_59 = arith.constant 0 : i32
      %dma_start3A_60 = tpu.memref_slice %arg5[%add3A_24, %dma_start3A, %dma_start3A_59] : memref<96x40x128xi32, #tpu.memory_space<hbm>> -> memref<1x40x128xi32, #tpu.memory_space<hbm>>
      %dma_start3A_61 = tpu.memref_squeeze %dma_start3A_60 : memref<1x40x128xi32, #tpu.memory_space<hbm>> -> memref<40x128xi32, #tpu.memory_space<hbm>>
      %dma_start3A_62 = arith.constant 0 : i32
      %dma_start3A_63 = arith.constant 0 : i32
      %dma_start3A_64 = tpu.memref_slice %arg5[%add3A_24, %dma_start3A_62, %dma_start3A_63] : memref<96x40x128xi32, #tpu.memory_space<hbm>> -> memref<1x40x128xi32, #tpu.memory_space<hbm>>
      %dma_start3A_65 = tpu.memref_squeeze %dma_start3A_64 : memref<1x40x128xi32, #tpu.memory_space<hbm>> -> memref<40x128xi32, #tpu.memory_space<hbm>>
      tpu.enqueue_dma source(%dma_start3A_65 : memref<40x128xi32, #tpu.memory_space<hbm>>) target(%arg9 : memref<40x128xi32, #tpu.memory_space<vmem>>) target_semaphore(%run_scoped3A : memref<!tpu.dma_semaphore, #tpu.memory_space<semaphore_mem>>)
      %dma_wait3A = arith.constant 0 : i32
      %dma_wait3A_66 = arith.constant 0 : i32
      %dma_wait3A_67 = tpu.memref_slice %arg5[%add3A_24, %dma_wait3A, %dma_wait3A_66] : memref<96x40x128xi32, #tpu.memory_space<hbm>> -> memref<1x40x128xi32, #tpu.memory_space<hbm>>
      %dma_wait3A_68 = tpu.memref_squeeze %dma_wait3A_67 : memref<1x40x128xi32, #tpu.memory_space<hbm>> -> memref<40x128xi32, #tpu.memory_space<hbm>>
      %dma_wait3A_69 = arith.constant 0 : i32
      %dma_wait3A_70 = arith.constant 0 : i32
      %dma_wait3A_71 = tpu.memref_slice %arg5[%add3A_24, %dma_wait3A_69, %dma_wait3A_70] : memref<96x40x128xi32, #tpu.memory_space<hbm>> -> memref<1x40x128xi32, #tpu.memory_space<hbm>>
      %dma_wait3A_72 = tpu.memref_squeeze %dma_wait3A_71 : memref<1x40x128xi32, #tpu.memory_space<hbm>> -> memref<40x128xi32, #tpu.memory_space<hbm>>
      tpu.wait_dma2 semaphore(%run_scoped3A : memref<!tpu.dma_semaphore, #tpu.memory_space<semaphore_mem>>) src(%dma_wait3A_72 : memref<40x128xi32, #tpu.memory_space<hbm>>) dst(%arg9 : memref<40x128xi32, #tpu.memory_space<vmem>>)
      tpu.yield
    }) : () -> ()
    %barrier3A_25 = arith.constant 0 : index
    tpu.barrier barrier_id(%barrier3A_25)
    %scan3A_26 = arith.constant 0 : i32
    %scan3A_27 = arith.constant 0 : i32
    %scan3A_28 = arith.constant 10 : i32
    %scan3A_29 = arith.addi %scan3A_27, %scan3A_28 : i32
    %scan3A_30 = arith.constant 1 : i32
    scf.for %scan3A_59 = %scan3A_27 to %scan3A_29 step %scan3A_30  : i32 {
      %mul3A_60 = arith.constant 4 : i32
      %mul3A_61 = arith.muli %mul3A_60, %scan3A_59 : i32
      %dma_start3A = arith.constant 0 : i32
      %dma_start3A_62 = tpu.memref_slice %arg8[%mul3A_61, %dma_start3A] : memref<40x128xi32, #tpu.memory_space<vmem>> -> memref<1x128xi32, #tpu.memory_space<vmem>>
      %dma_start3A_63 = tpu.memref_squeeze %dma_start3A_62 : memref<1x128xi32, #tpu.memory_space<vmem>> -> memref<128xi32, #tpu.memory_space<vmem>>
      %dma_start3A_64 = arith.constant 0 : i32
      %dma_start3A_65 = arith.constant 0 : i32
      %dma_start3A_66 = tpu.memref_slice %arg2[%dma_start3A_64, %dma_start3A_65] : memref<10240x128xf32, #tpu.memory_space<hbm>> -> memref<10240x128xf32, #tpu.memory_space<hbm>>
      tpu.enqueue_indirect_dma source(%dma_start3A_66 : memref<10240x128xf32, #tpu.memory_space<hbm>>) target(%arg10 : memref<128x128xf32, #tpu.memory_space<vmem>>) offsets(%dma_start3A_63 : memref<128xi32, #tpu.memory_space<vmem>>) semaphore(%arg13 : memref<!tpu.dma_semaphore, #tpu.memory_space<semaphore_mem>>)
      %add3A_67 = arith.constant 1 : i32
      %add3A_68 = arith.addi %mul3A_61, %add3A_67 : i32
      %dma_start3A_69 = arith.constant 0 : i32
      %dma_start3A_70 = tpu.memref_slice %arg8[%add3A_68, %dma_start3A_69] : memref<40x128xi32, #tpu.memory_space<vmem>> -> memref<1x128xi32, #tpu.memory_space<vmem>>
      %dma_start3A_71 = tpu.memref_squeeze %dma_start3A_70 : memref<1x128xi32, #tpu.memory_space<vmem>> -> memref<128xi32, #tpu.memory_space<vmem>>
      %dma_start3A_72 = arith.constant 0 : i32
      %dma_start3A_73 = arith.constant 0 : i32
      %dma_start3A_74 = tpu.memref_slice %arg2[%dma_start3A_72, %dma_start3A_73] : memref<10240x128xf32, #tpu.memory_space<hbm>> -> memref<10240x128xf32, #tpu.memory_space<hbm>>
      tpu.enqueue_indirect_dma source(%dma_start3A_74 : memref<10240x128xf32, #tpu.memory_space<hbm>>) target(%arg11 : memref<128x128xf32, #tpu.memory_space<vmem>>) offsets(%dma_start3A_71 : memref<128xi32, #tpu.memory_space<vmem>>) semaphore(%arg14 : memref<!tpu.dma_semaphore, #tpu.memory_space<semaphore_mem>>)
      %dma_wait3A = arith.constant 0 : i32
      %dma_wait3A_75 = tpu.memref_slice %arg8[%mul3A_61, %dma_wait3A] : memref<40x128xi32, #tpu.memory_space<vmem>> -> memref<1x128xi32, #tpu.memory_space<vmem>>
      %dma_wait3A_76 = tpu.memref_squeeze %dma_wait3A_75 : memref<1x128xi32, #tpu.memory_space<vmem>> -> memref<128xi32, #tpu.memory_space<vmem>>
      %dma_wait3A_77 = arith.constant 0 : i32
      %dma_wait3A_78 = arith.constant 0 : i32
      %dma_wait3A_79 = tpu.memref_slice %arg2[%dma_wait3A_77, %dma_wait3A_78] : memref<10240x128xf32, #tpu.memory_space<hbm>> -> memref<10240x128xf32, #tpu.memory_space<hbm>>
      tpu.wait_indirect_dma semaphore(%arg13 : memref<!tpu.dma_semaphore, #tpu.memory_space<semaphore_mem>>) src(%dma_wait3A_79 : memref<10240x128xf32, #tpu.memory_space<hbm>>) dst(%arg10 : memref<128x128xf32, #tpu.memory_space<vmem>>)
      %dma_start3A_80 = arith.constant 0 : i32
      %dma_start3A_81 = tpu.memref_slice %arg9[%mul3A_61, %dma_start3A_80] : memref<40x128xi32, #tpu.memory_space<vmem>> -> memref<1x128xi32, #tpu.memory_space<vmem>>
      %dma_start3A_82 = tpu.memref_squeeze %dma_start3A_81 : memref<1x128xi32, #tpu.memory_space<vmem>> -> memref<128xi32, #tpu.memory_space<vmem>>
      %dma_start3A_83 = arith.constant 0 : i32
      %dma_start3A_84 = arith.constant 0 : i32
      %dma_start3A_85 = tpu.memref_slice %arg12[%dma_start3A_83, %dma_start3A_84] : memref<10240x128xf32, #tpu.memory_space<vmem_shared>> -> memref<10240x128xf32, #tpu.memory_space<vmem_shared>>
      tpu.enqueue_indirect_dma source(%arg10 : memref<128x128xf32, #tpu.memory_space<vmem>>) target(%dma_start3A_85 : memref<10240x128xf32, #tpu.memory_space<vmem_shared>>) offsets(%dma_start3A_82 : memref<128xi32, #tpu.memory_space<vmem>>) semaphore(%arg15 : memref<!tpu.dma_semaphore, #tpu.memory_space<semaphore_mem>>) {add = true}
      %dma_wait3A_86 = arith.constant 0 : i32
      %dma_wait3A_87 = tpu.memref_slice %arg8[%add3A_68, %dma_wait3A_86] : memref<40x128xi32, #tpu.memory_space<vmem>> -> memref<1x128xi32, #tpu.memory_space<vmem>>
      %dma_wait3A_88 = tpu.memref_squeeze %dma_wait3A_87 : memref<1x128xi32, #tpu.memory_space<vmem>> -> memref<128xi32, #tpu.memory_space<vmem>>
      %dma_wait3A_89 = arith.constant 0 : i32
      %dma_wait3A_90 = arith.constant 0 : i32
      %dma_wait3A_91 = tpu.memref_slice %arg2[%dma_wait3A_89, %dma_wait3A_90] : memref<10240x128xf32, #tpu.memory_space<hbm>> -> memref<10240x128xf32, #tpu.memory_space<hbm>>
      tpu.wait_indirect_dma semaphore(%arg14 : memref<!tpu.dma_semaphore, #tpu.memory_space<semaphore_mem>>) src(%dma_wait3A_91 : memref<10240x128xf32, #tpu.memory_space<hbm>>) dst(%arg11 : memref<128x128xf32, #tpu.memory_space<vmem>>)
      %add3A_92 = arith.constant 1 : i32
      %add3A_93 = arith.addi %mul3A_61, %add3A_92 : i32
      %dma_start3A_94 = arith.constant 0 : i32
      %dma_start3A_95 = tpu.memref_slice %arg9[%add3A_93, %dma_start3A_94] : memref<40x128xi32, #tpu.memory_space<vmem>> -> memref<1x128xi32, #tpu.memory_space<vmem>>
      %dma_start3A_96 = tpu.memref_squeeze %dma_start3A_95 : memref<1x128xi32, #tpu.memory_space<vmem>> -> memref<128xi32, #tpu.memory_space<vmem>>
      %dma_start3A_97 = arith.constant 0 : i32
      %dma_start3A_98 = arith.constant 0 : i32
      %dma_start3A_99 = tpu.memref_slice %arg12[%dma_start3A_97, %dma_start3A_98] : memref<10240x128xf32, #tpu.memory_space<vmem_shared>> -> memref<10240x128xf32, #tpu.memory_space<vmem_shared>>
      tpu.enqueue_indirect_dma source(%arg11 : memref<128x128xf32, #tpu.memory_space<vmem>>) target(%dma_start3A_99 : memref<10240x128xf32, #tpu.memory_space<vmem_shared>>) offsets(%dma_start3A_96 : memref<128xi32, #tpu.memory_space<vmem>>) semaphore(%arg16 : memref<!tpu.dma_semaphore, #tpu.memory_space<semaphore_mem>>) {add = true}
      %dma_wait3A_100 = arith.constant 0 : i32
      %dma_wait3A_101 = tpu.memref_slice %arg9[%mul3A_61, %dma_wait3A_100] : memref<40x128xi32, #tpu.memory_space<vmem>> -> memref<1x128xi32, #tpu.memory_space<vmem>>
      %dma_wait3A_102 = tpu.memref_squeeze %dma_wait3A_101 : memref<1x128xi32, #tpu.memory_space<vmem>> -> memref<128xi32, #tpu.memory_space<vmem>>
      %dma_wait3A_103 = arith.constant 0 : i32
      %dma_wait3A_104 = arith.constant 0 : i32
      %dma_wait3A_105 = tpu.memref_slice %arg12[%dma_wait3A_103, %dma_wait3A_104] : memref<10240x128xf32, #tpu.memory_space<vmem_shared>> -> memref<10240x128xf32, #tpu.memory_space<vmem_shared>>
      tpu.wait_indirect_dma semaphore(%arg15 : memref<!tpu.dma_semaphore, #tpu.memory_space<semaphore_mem>>) src(%arg10 : memref<128x128xf32, #tpu.memory_space<vmem>>) dst(%dma_wait3A_105 : memref<10240x128xf32, #tpu.memory_space<vmem_shared>>)
      %add3A_106 = arith.constant 2 : i32
      %add3A_107 = arith.addi %mul3A_61, %add3A_106 : i32
      %dma_start3A_108 = arith.constant 0 : i32
      %dma_start3A_109 = tpu.memref_slice %arg8[%add3A_107, %dma_start3A_108] : memref<40x128xi32, #tpu.memory_space<vmem>> -> memref<1x128xi32, #tpu.memory_space<vmem>>
      %dma_start3A_110 = tpu.memref_squeeze %dma_start3A_109 : memref<1x128xi32, #tpu.memory_space<vmem>> -> memref<128xi32, #tpu.memory_space<vmem>>
      %dma_start3A_111 = arith.constant 0 : i32
      %dma_start3A_112 = arith.constant 0 : i32
      %dma_start3A_113 = tpu.memref_slice %arg2[%dma_start3A_111, %dma_start3A_112] : memref<10240x128xf32, #tpu.memory_space<hbm>> -> memref<10240x128xf32, #tpu.memory_space<hbm>>
      tpu.enqueue_indirect_dma source(%dma_start3A_113 : memref<10240x128xf32, #tpu.memory_space<hbm>>) target(%arg10 : memref<128x128xf32, #tpu.memory_space<vmem>>) offsets(%dma_start3A_110 : memref<128xi32, #tpu.memory_space<vmem>>) semaphore(%arg13 : memref<!tpu.dma_semaphore, #tpu.memory_space<semaphore_mem>>)
      %dma_wait3A_114 = arith.constant 0 : i32
      %dma_wait3A_115 = tpu.memref_slice %arg9[%add3A_93, %dma_wait3A_114] : memref<40x128xi32, #tpu.memory_space<vmem>> -> memref<1x128xi32, #tpu.memory_space<vmem>>
      %dma_wait3A_116 = tpu.memref_squeeze %dma_wait3A_115 : memref<1x128xi32, #tpu.memory_space<vmem>> -> memref<128xi32, #tpu.memory_space<vmem>>
      %dma_wait3A_117 = arith.constant 0 : i32
      %dma_wait3A_118 = arith.constant 0 : i32
      %dma_wait3A_119 = tpu.memref_slice %arg12[%dma_wait3A_117, %dma_wait3A_118] : memref<10240x128xf32, #tpu.memory_space<vmem_shared>> -> memref<10240x128xf32, #tpu.memory_space<vmem_shared>>
      tpu.wait_indirect_dma semaphore(%arg16 : memref<!tpu.dma_semaphore, #tpu.memory_space<semaphore_mem>>) src(%arg11 : memref<128x128xf32, #tpu.memory_space<vmem>>) dst(%dma_wait3A_119 : memref<10240x128xf32, #tpu.memory_space<vmem_shared>>)
      %add3A_120 = arith.constant 3 : i32
      %add3A_121 = arith.addi %mul3A_61, %add3A_120 : i32
      %dma_start3A_122 = arith.constant 0 : i32
      %dma_start3A_123 = tpu.memref_slice %arg8[%add3A_121, %dma_start3A_122] : memref<40x128xi32, #tpu.memory_space<vmem>> -> memref<1x128xi32, #tpu.memory_space<vmem>>
      %dma_start3A_124 = tpu.memref_squeeze %dma_start3A_123 : memref<1x128xi32, #tpu.memory_space<vmem>> -> memref<128xi32, #tpu.memory_space<vmem>>
      %dma_start3A_125 = arith.constant 0 : i32
      %dma_start3A_126 = arith.constant 0 : i32
      %dma_start3A_127 = tpu.memref_slice %arg2[%dma_start3A_125, %dma_start3A_126] : memref<10240x128xf32, #tpu.memory_space<hbm>> -> memref<10240x128xf32, #tpu.memory_space<hbm>>
      tpu.enqueue_indirect_dma source(%dma_start3A_127 : memref<10240x128xf32, #tpu.memory_space<hbm>>) target(%arg11 : memref<128x128xf32, #tpu.memory_space<vmem>>) offsets(%dma_start3A_124 : memref<128xi32, #tpu.memory_space<vmem>>) semaphore(%arg14 : memref<!tpu.dma_semaphore, #tpu.memory_space<semaphore_mem>>)
      %dma_wait3A_128 = arith.constant 0 : i32
      %dma_wait3A_129 = tpu.memref_slice %arg8[%add3A_107, %dma_wait3A_128] : memref<40x128xi32, #tpu.memory_space<vmem>> -> memref<1x128xi32, #tpu.memory_space<vmem>>
      %dma_wait3A_130 = tpu.memref_squeeze %dma_wait3A_129 : memref<1x128xi32, #tpu.memory_space<vmem>> -> memref<128xi32, #tpu.memory_space<vmem>>
      %dma_wait3A_131 = arith.constant 0 : i32
      %dma_wait3A_132 = arith.constant 0 : i32
      %dma_wait3A_133 = tpu.memref_slice %arg2[%dma_wait3A_131, %dma_wait3A_132] : memref<10240x128xf32, #tpu.memory_space<hbm>> -> memref<10240x128xf32, #tpu.memory_space<hbm>>
      tpu.wait_indirect_dma semaphore(%arg13 : memref<!tpu.dma_semaphore, #tpu.memory_space<semaphore_mem>>) src(%dma_wait3A_133 : memref<10240x128xf32, #tpu.memory_space<hbm>>) dst(%arg10 : memref<128x128xf32, #tpu.memory_space<vmem>>)
      %add3A_134 = arith.constant 2 : i32
      %add3A_135 = arith.addi %mul3A_61, %add3A_134 : i32
      %dma_start3A_136 = arith.constant 0 : i32
      %dma_start3A_137 = tpu.memref_slice %arg9[%add3A_135, %dma_start3A_136] : memref<40x128xi32, #tpu.memory_space<vmem>> -> memref<1x128xi32, #tpu.memory_space<vmem>>
      %dma_start3A_138 = tpu.memref_squeeze %dma_start3A_137 : memref<1x128xi32, #tpu.memory_space<vmem>> -> memref<128xi32, #tpu.memory_space<vmem>>
      %dma_start3A_139 = arith.constant 0 : i32
      %dma_start3A_140 = arith.constant 0 : i32
      %dma_start3A_141 = tpu.memref_slice %arg12[%dma_start3A_139, %dma_start3A_140] : memref<10240x128xf32, #tpu.memory_space<vmem_shared>> -> memref<10240x128xf32, #tpu.memory_space<vmem_shared>>
      tpu.enqueue_indirect_dma source(%arg10 : memref<128x128xf32, #tpu.memory_space<vmem>>) target(%dma_start3A_141 : memref<10240x128xf32, #tpu.memory_space<vmem_shared>>) offsets(%dma_start3A_138 : memref<128xi32, #tpu.memory_space<vmem>>) semaphore(%arg15 : memref<!tpu.dma_semaphore, #tpu.memory_space<semaphore_mem>>) {add = true}
      %dma_wait3A_142 = arith.constant 0 : i32
      %dma_wait3A_143 = tpu.memref_slice %arg8[%add3A_121, %dma_wait3A_142] : memref<40x128xi32, #tpu.memory_space<vmem>> -> memref<1x128xi32, #tpu.memory_space<vmem>>
      %dma_wait3A_144 = tpu.memref_squeeze %dma_wait3A_143 : memref<1x128xi32, #tpu.memory_space<vmem>> -> memref<128xi32, #tpu.memory_space<vmem>>
      %dma_wait3A_145 = arith.constant 0 : i32
      %dma_wait3A_146 = arith.constant 0 : i32
      %dma_wait3A_147 = tpu.memref_slice %arg2[%dma_wait3A_145, %dma_wait3A_146] : memref<10240x128xf32, #tpu.memory_space<hbm>> -> memref<10240x128xf32, #tpu.memory_space<hbm>>
      tpu.wait_indirect_dma semaphore(%arg14 : memref<!tpu.dma_semaphore, #tpu.memory_space<semaphore_mem>>) src(%dma_wait3A_147 : memref<10240x128xf32, #tpu.memory_space<hbm>>) dst(%arg11 : memref<128x128xf32, #tpu.memory_space<vmem>>)
      %add3A_148 = arith.constant 3 : i32
      %add3A_149 = arith.addi %mul3A_61, %add3A_148 : i32
      %dma_start3A_150 = arith.constant 0 : i32
      %dma_start3A_151 = tpu.memref_slice %arg9[%add3A_149, %dma_start3A_150] : memref<40x128xi32, #tpu.memory_space<vmem>> -> memref<1x128xi32, #tpu.memory_space<vmem>>
      %dma_start3A_152 = tpu.memref_squeeze %dma_start3A_151 : memref<1x128xi32, #tpu.memory_space<vmem>> -> memref<128xi32, #tpu.memory_space<vmem>>
      %dma_start3A_153 = arith.constant 0 : i32
      %dma_start3A_154 = arith.constant 0 : i32
      %dma_start3A_155 = tpu.memref_slice %arg12[%dma_start3A_153, %dma_start3A_154] : memref<10240x128xf32, #tpu.memory_space<vmem_shared>> -> memref<10240x128xf32, #tpu.memory_space<vmem_shared>>
      tpu.enqueue_indirect_dma source(%arg11 : memref<128x128xf32, #tpu.memory_space<vmem>>) target(%dma_start3A_155 : memref<10240x128xf32, #tpu.memory_space<vmem_shared>>) offsets(%dma_start3A_152 : memref<128xi32, #tpu.memory_space<vmem>>) semaphore(%arg16 : memref<!tpu.dma_semaphore, #tpu.memory_space<semaphore_mem>>) {add = true}
      %dma_wait3A_156 = arith.constant 0 : i32
      %dma_wait3A_157 = tpu.memref_slice %arg9[%add3A_135, %dma_wait3A_156] : memref<40x128xi32, #tpu.memory_space<vmem>> -> memref<1x128xi32, #tpu.memory_space<vmem>>
      %dma_wait3A_158 = tpu.memref_squeeze %dma_wait3A_157 : memref<1x128xi32, #tpu.memory_space<vmem>> -> memref<128xi32, #tpu.memory_space<vmem>>
      %dma_wait3A_159 = arith.constant 0 : i32
      %dma_wait3A_160 = arith.constant 0 : i32
      %dma_wait3A_161 = tpu.memref_slice %arg12[%dma_wait3A_159, %dma_wait3A_160] : memref<10240x128xf32, #tpu.memory_space<vmem_shared>> -> memref<10240x128xf32, #tpu.memory_space<vmem_shared>>
      tpu.wait_indirect_dma semaphore(%arg15 : memref<!tpu.dma_semaphore, #tpu.memory_space<semaphore_mem>>) src(%arg10 : memref<128x128xf32, #tpu.memory_space<vmem>>) dst(%dma_wait3A_161 : memref<10240x128xf32, #tpu.memory_space<vmem_shared>>)
      %dma_wait3A_162 = arith.constant 0 : i32
      %dma_wait3A_163 = tpu.memref_slice %arg9[%add3A_149, %dma_wait3A_162] : memref<40x128xi32, #tpu.memory_space<vmem>> -> memref<1x128xi32, #tpu.memory_space<vmem>>
      %dma_wait3A_164 = tpu.memref_squeeze %dma_wait3A_163 : memref<1x128xi32, #tpu.memory_space<vmem>> -> memref<128xi32, #tpu.memory_space<vmem>>
      %dma_wait3A_165 = arith.constant 0 : i32
      %dma_wait3A_166 = arith.constant 0 : i32
      %dma_wait3A_167 = tpu.memref_slice %arg12[%dma_wait3A_165, %dma_wait3A_166] : memref<10240x128xf32, #tpu.memory_space<vmem_shared>> -> memref<10240x128xf32, #tpu.memory_space<vmem_shared>>
      tpu.wait_indirect_dma semaphore(%arg16 : memref<!tpu.dma_semaphore, #tpu.memory_space<semaphore_mem>>) src(%arg11 : memref<128x128xf32, #tpu.memory_space<vmem>>) dst(%dma_wait3A_167 : memref<10240x128xf32, #tpu.memory_space<vmem_shared>>)
    }
    %scan3A_31 = arith.constant 10 : i32
    %barrier3A_32 = arith.constant 0 : index
    tpu.barrier barrier_id(%barrier3A_32)
    %mul3A_33 = arith.constant 640 : i32
    %mul3A_34 = arith.muli %arg1, %mul3A_33 : i32
    %add3A_35 = arith.constant 2 : i32
    %add3A_36 = arith.addi %add3A_35, %arg0 : i32
    %mul3A_37 = arith.constant 640 : i32
    %mul3A_38 = arith.muli %arg1, %mul3A_37 : i32
    "tpu.region"() ({
      %run_scoped3A = tpu.sem_alloc : memref<!tpu.dma_semaphore, #tpu.memory_space<semaphore_mem>>
      %dma_start3A = arith.constant 0 : i32
      %dma_start3A_59 = tpu.memref_slice %arg7[%add3A_36, %mul3A_38, %dma_start3A] : memref<6x10240x128xf32, #tpu.memory_space<hbm>> -> memref<1x640x128xf32, #tpu.memory_space<hbm>>
      %dma_start3A_60 = tpu.memref_squeeze %dma_start3A_59 : memref<1x640x128xf32, #tpu.memory_space<hbm>> -> memref<640x128xf32, #tpu.memory_space<hbm>>
      %dma_start3A_61 = arith.constant 0 : i32
      %dma_start3A_62 = tpu.memref_slice %arg12[%mul3A_34, %dma_start3A_61] : memref<10240x128xf32, #tpu.memory_space<vmem_shared>> -> memref<640x128xf32, #tpu.memory_space<vmem_shared>>
      tpu.enqueue_dma source(%dma_start3A_62 : memref<640x128xf32, #tpu.memory_space<vmem_shared>>) target(%dma_start3A_60 : memref<640x128xf32, #tpu.memory_space<hbm>>) target_semaphore(%run_scoped3A : memref<!tpu.dma_semaphore, #tpu.memory_space<semaphore_mem>>)
      %dma_wait3A = arith.constant 0 : i32
      %dma_wait3A_63 = tpu.memref_slice %arg7[%add3A_36, %mul3A_38, %dma_wait3A] : memref<6x10240x128xf32, #tpu.memory_space<hbm>> -> memref<1x640x128xf32, #tpu.memory_space<hbm>>
      %dma_wait3A_64 = tpu.memref_squeeze %dma_wait3A_63 : memref<1x640x128xf32, #tpu.memory_space<hbm>> -> memref<640x128xf32, #tpu.memory_space<hbm>>
      %dma_wait3A_65 = arith.constant 0 : i32
      %dma_wait3A_66 = tpu.memref_slice %arg12[%mul3A_34, %dma_wait3A_65] : memref<10240x128xf32, #tpu.memory_space<vmem_shared>> -> memref<640x128xf32, #tpu.memory_space<vmem_shared>>
      tpu.wait_dma2 semaphore(%run_scoped3A : memref<!tpu.dma_semaphore, #tpu.memory_space<semaphore_mem>>) src(%dma_wait3A_66 : memref<640x128xf32, #tpu.memory_space<vmem_shared>>) dst(%dma_wait3A_64 : memref<640x128xf32, #tpu.memory_space<hbm>>)
      tpu.yield
    }) : () -> ()
    %mul3A_39 = arith.constant 640 : i32
    %mul3A_40 = arith.muli %arg1, %mul3A_39 : i32
    "tpu.region"() ({
      %run_scoped3A = tpu.sem_alloc : memref<!tpu.dma_semaphore, #tpu.memory_space<semaphore_mem>>
      %dma_start3A = arith.constant 0 : i32
      %dma_start3A_59 = tpu.memref_slice %arg12[%mul3A_40, %dma_start3A] : memref<10240x128xf32, #tpu.memory_space<vmem_shared>> -> memref<640x128xf32, #tpu.memory_space<vmem_shared>>
      tpu.enqueue_dma source(%arg6 : memref<640x128xf32, #tpu.memory_space<hbm>>) target(%dma_start3A_59 : memref<640x128xf32, #tpu.memory_space<vmem_shared>>) target_semaphore(%run_scoped3A : memref<!tpu.dma_semaphore, #tpu.memory_space<semaphore_mem>>)
      %dma_wait3A = arith.constant 0 : i32
      %dma_wait3A_60 = tpu.memref_slice %arg12[%mul3A_40, %dma_wait3A] : memref<10240x128xf32, #tpu.memory_space<vmem_shared>> -> memref<640x128xf32, #tpu.memory_space<vmem_shared>>
      tpu.wait_dma2 semaphore(%run_scoped3A : memref<!tpu.dma_semaphore, #tpu.memory_space<semaphore_mem>>) src(%arg6 : memref<640x128xf32, #tpu.memory_space<hbm>>) dst(%dma_wait3A_60 : memref<640x128xf32, #tpu.memory_space<vmem_shared>>)
      tpu.yield
    }) : () -> ()
    %add3A_41 = arith.constant 64 : i32
    %add3A_42 = arith.addi %add3A_41, %add3A : i32
    "tpu.region"() ({
      %run_scoped3A = tpu.sem_alloc : memref<!tpu.dma_semaphore, #tpu.memory_space<semaphore_mem>>
      %dma_start3A = arith.constant 0 : i32
      %dma_start3A_59 = arith.constant 0 : i32
      %dma_start3A_60 = tpu.memref_slice %arg4[%add3A_42, %dma_start3A, %dma_start3A_59] : memref<96x40x128xi32, #tpu.memory_space<hbm>> -> memref<1x40x128xi32, #tpu.memory_space<hbm>>
      %dma_start3A_61 = tpu.memref_squeeze %dma_start3A_60 : memref<1x40x128xi32, #tpu.memory_space<hbm>> -> memref<40x128xi32, #tpu.memory_space<hbm>>
      %dma_start3A_62 = arith.constant 0 : i32
      %dma_start3A_63 = arith.constant 0 : i32
      %dma_start3A_64 = tpu.memref_slice %arg4[%add3A_42, %dma_start3A_62, %dma_start3A_63] : memref<96x40x128xi32, #tpu.memory_space<hbm>> -> memref<1x40x128xi32, #tpu.memory_space<hbm>>
      %dma_start3A_65 = tpu.memref_squeeze %dma_start3A_64 : memref<1x40x128xi32, #tpu.memory_space<hbm>> -> memref<40x128xi32, #tpu.memory_space<hbm>>
      tpu.enqueue_dma source(%dma_start3A_65 : memref<40x128xi32, #tpu.memory_space<hbm>>) target(%arg8 : memref<40x128xi32, #tpu.memory_space<vmem>>) target_semaphore(%run_scoped3A : memref<!tpu.dma_semaphore, #tpu.memory_space<semaphore_mem>>)
      %dma_wait3A = arith.constant 0 : i32
      %dma_wait3A_66 = arith.constant 0 : i32
      %dma_wait3A_67 = tpu.memref_slice %arg4[%add3A_42, %dma_wait3A, %dma_wait3A_66] : memref<96x40x128xi32, #tpu.memory_space<hbm>> -> memref<1x40x128xi32, #tpu.memory_space<hbm>>
      %dma_wait3A_68 = tpu.memref_squeeze %dma_wait3A_67 : memref<1x40x128xi32, #tpu.memory_space<hbm>> -> memref<40x128xi32, #tpu.memory_space<hbm>>
      %dma_wait3A_69 = arith.constant 0 : i32
      %dma_wait3A_70 = arith.constant 0 : i32
      %dma_wait3A_71 = tpu.memref_slice %arg4[%add3A_42, %dma_wait3A_69, %dma_wait3A_70] : memref<96x40x128xi32, #tpu.memory_space<hbm>> -> memref<1x40x128xi32, #tpu.memory_space<hbm>>
      %dma_wait3A_72 = tpu.memref_squeeze %dma_wait3A_71 : memref<1x40x128xi32, #tpu.memory_space<hbm>> -> memref<40x128xi32, #tpu.memory_space<hbm>>
      tpu.wait_dma2 semaphore(%run_scoped3A : memref<!tpu.dma_semaphore, #tpu.memory_space<semaphore_mem>>) src(%dma_wait3A_72 : memref<40x128xi32, #tpu.memory_space<hbm>>) dst(%arg8 : memref<40x128xi32, #tpu.memory_space<vmem>>)
      tpu.yield
    }) : () -> ()
    %add3A_43 = arith.constant 64 : i32
    %add3A_44 = arith.addi %add3A_43, %add3A : i32
    "tpu.region"() ({
      %run_scoped3A = tpu.sem_alloc : memref<!tpu.dma_semaphore, #tpu.memory_space<semaphore_mem>>
      %dma_start3A = arith.constant 0 : i32
      %dma_start3A_59 = arith.constant 0 : i32
      %dma_start3A_60 = tpu.memref_slice %arg5[%add3A_44, %dma_start3A, %dma_start3A_59] : memref<96x40x128xi32, #tpu.memory_space<hbm>> -> memref<1x40x128xi32, #tpu.memory_space<hbm>>
      %dma_start3A_61 = tpu.memref_squeeze %dma_start3A_60 : memref<1x40x128xi32, #tpu.memory_space<hbm>> -> memref<40x128xi32, #tpu.memory_space<hbm>>
      %dma_start3A_62 = arith.constant 0 : i32
      %dma_start3A_63 = arith.constant 0 : i32
      %dma_start3A_64 = tpu.memref_slice %arg5[%add3A_44, %dma_start3A_62, %dma_start3A_63] : memref<96x40x128xi32, #tpu.memory_space<hbm>> -> memref<1x40x128xi32, #tpu.memory_space<hbm>>
      %dma_start3A_65 = tpu.memref_squeeze %dma_start3A_64 : memref<1x40x128xi32, #tpu.memory_space<hbm>> -> memref<40x128xi32, #tpu.memory_space<hbm>>
      tpu.enqueue_dma source(%dma_start3A_65 : memref<40x128xi32, #tpu.memory_space<hbm>>) target(%arg9 : memref<40x128xi32, #tpu.memory_space<vmem>>) target_semaphore(%run_scoped3A : memref<!tpu.dma_semaphore, #tpu.memory_space<semaphore_mem>>)
      %dma_wait3A = arith.constant 0 : i32
      %dma_wait3A_66 = arith.constant 0 : i32
      %dma_wait3A_67 = tpu.memref_slice %arg5[%add3A_44, %dma_wait3A, %dma_wait3A_66] : memref<96x40x128xi32, #tpu.memory_space<hbm>> -> memref<1x40x128xi32, #tpu.memory_space<hbm>>
      %dma_wait3A_68 = tpu.memref_squeeze %dma_wait3A_67 : memref<1x40x128xi32, #tpu.memory_space<hbm>> -> memref<40x128xi32, #tpu.memory_space<hbm>>
      %dma_wait3A_69 = arith.constant 0 : i32
      %dma_wait3A_70 = arith.constant 0 : i32
      %dma_wait3A_71 = tpu.memref_slice %arg5[%add3A_44, %dma_wait3A_69, %dma_wait3A_70] : memref<96x40x128xi32, #tpu.memory_space<hbm>> -> memref<1x40x128xi32, #tpu.memory_space<hbm>>
      %dma_wait3A_72 = tpu.memref_squeeze %dma_wait3A_71 : memref<1x40x128xi32, #tpu.memory_space<hbm>> -> memref<40x128xi32, #tpu.memory_space<hbm>>
      tpu.wait_dma2 semaphore(%run_scoped3A : memref<!tpu.dma_semaphore, #tpu.memory_space<semaphore_mem>>) src(%dma_wait3A_72 : memref<40x128xi32, #tpu.memory_space<hbm>>) dst(%arg9 : memref<40x128xi32, #tpu.memory_space<vmem>>)
      tpu.yield
    }) : () -> ()
    %barrier3A_45 = arith.constant 0 : index
    tpu.barrier barrier_id(%barrier3A_45)
    %scan3A_46 = arith.constant 0 : i32
    %scan3A_47 = arith.constant 0 : i32
    %scan3A_48 = arith.constant 10 : i32
    %scan3A_49 = arith.addi %scan3A_47, %scan3A_48 : i32
    %scan3A_50 = arith.constant 1 : i32
    scf.for %scan3A_59 = %scan3A_47 to %scan3A_49 step %scan3A_50  : i32 {
      %mul3A_60 = arith.constant 4 : i32
      %mul3A_61 = arith.muli %mul3A_60, %scan3A_59 : i32
      %dma_start3A = arith.constant 0 : i32
      %dma_start3A_62 = tpu.memref_slice %arg8[%mul3A_61, %dma_start3A] : memref<40x128xi32, #tpu.memory_space<vmem>> -> memref<1x128xi32, #tpu.memory_space<vmem>>
      %dma_start3A_63 = tpu.memref_squeeze %dma_start3A_62 : memref<1x128xi32, #tpu.memory_space<vmem>> -> memref<128xi32, #tpu.memory_space<vmem>>
      %dma_start3A_64 = arith.constant 0 : i32
      %dma_start3A_65 = arith.constant 0 : i32
      %dma_start3A_66 = tpu.memref_slice %arg2[%dma_start3A_64, %dma_start3A_65] : memref<10240x128xf32, #tpu.memory_space<hbm>> -> memref<10240x128xf32, #tpu.memory_space<hbm>>
      tpu.enqueue_indirect_dma source(%dma_start3A_66 : memref<10240x128xf32, #tpu.memory_space<hbm>>) target(%arg10 : memref<128x128xf32, #tpu.memory_space<vmem>>) offsets(%dma_start3A_63 : memref<128xi32, #tpu.memory_space<vmem>>) semaphore(%arg13 : memref<!tpu.dma_semaphore, #tpu.memory_space<semaphore_mem>>)
      %add3A_67 = arith.constant 1 : i32
      %add3A_68 = arith.addi %mul3A_61, %add3A_67 : i32
      %dma_start3A_69 = arith.constant 0 : i32
      %dma_start3A_70 = tpu.memref_slice %arg8[%add3A_68, %dma_start3A_69] : memref<40x128xi32, #tpu.memory_space<vmem>> -> memref<1x128xi32, #tpu.memory_space<vmem>>
      %dma_start3A_71 = tpu.memref_squeeze %dma_start3A_70 : memref<1x128xi32, #tpu.memory_space<vmem>> -> memref<128xi32, #tpu.memory_space<vmem>>
      %dma_start3A_72 = arith.constant 0 : i32
      %dma_start3A_73 = arith.constant 0 : i32
      %dma_start3A_74 = tpu.memref_slice %arg2[%dma_start3A_72, %dma_start3A_73] : memref<10240x128xf32, #tpu.memory_space<hbm>> -> memref<10240x128xf32, #tpu.memory_space<hbm>>
      tpu.enqueue_indirect_dma source(%dma_start3A_74 : memref<10240x128xf32, #tpu.memory_space<hbm>>) target(%arg11 : memref<128x128xf32, #tpu.memory_space<vmem>>) offsets(%dma_start3A_71 : memref<128xi32, #tpu.memory_space<vmem>>) semaphore(%arg14 : memref<!tpu.dma_semaphore, #tpu.memory_space<semaphore_mem>>)
      %dma_wait3A = arith.constant 0 : i32
      %dma_wait3A_75 = tpu.memref_slice %arg8[%mul3A_61, %dma_wait3A] : memref<40x128xi32, #tpu.memory_space<vmem>> -> memref<1x128xi32, #tpu.memory_space<vmem>>
      %dma_wait3A_76 = tpu.memref_squeeze %dma_wait3A_75 : memref<1x128xi32, #tpu.memory_space<vmem>> -> memref<128xi32, #tpu.memory_space<vmem>>
      %dma_wait3A_77 = arith.constant 0 : i32
      %dma_wait3A_78 = arith.constant 0 : i32
      %dma_wait3A_79 = tpu.memref_slice %arg2[%dma_wait3A_77, %dma_wait3A_78] : memref<10240x128xf32, #tpu.memory_space<hbm>> -> memref<10240x128xf32, #tpu.memory_space<hbm>>
      tpu.wait_indirect_dma semaphore(%arg13 : memref<!tpu.dma_semaphore, #tpu.memory_space<semaphore_mem>>) src(%dma_wait3A_79 : memref<10240x128xf32, #tpu.memory_space<hbm>>) dst(%arg10 : memref<128x128xf32, #tpu.memory_space<vmem>>)
      %dma_start3A_80 = arith.constant 0 : i32
      %dma_start3A_81 = tpu.memref_slice %arg9[%mul3A_61, %dma_start3A_80] : memref<40x128xi32, #tpu.memory_space<vmem>> -> memref<1x128xi32, #tpu.memory_space<vmem>>
      %dma_start3A_82 = tpu.memref_squeeze %dma_start3A_81 : memref<1x128xi32, #tpu.memory_space<vmem>> -> memref<128xi32, #tpu.memory_space<vmem>>
      %dma_start3A_83 = arith.constant 0 : i32
      %dma_start3A_84 = arith.constant 0 : i32
      %dma_start3A_85 = tpu.memref_slice %arg12[%dma_start3A_83, %dma_start3A_84] : memref<10240x128xf32, #tpu.memory_space<vmem_shared>> -> memref<10240x128xf32, #tpu.memory_space<vmem_shared>>
      tpu.enqueue_indirect_dma source(%arg10 : memref<128x128xf32, #tpu.memory_space<vmem>>) target(%dma_start3A_85 : memref<10240x128xf32, #tpu.memory_space<vmem_shared>>) offsets(%dma_start3A_82 : memref<128xi32, #tpu.memory_space<vmem>>) semaphore(%arg15 : memref<!tpu.dma_semaphore, #tpu.memory_space<semaphore_mem>>) {add = true}
      %dma_wait3A_86 = arith.constant 0 : i32
      %dma_wait3A_87 = tpu.memref_slice %arg8[%add3A_68, %dma_wait3A_86] : memref<40x128xi32, #tpu.memory_space<vmem>> -> memref<1x128xi32, #tpu.memory_space<vmem>>
      %dma_wait3A_88 = tpu.memref_squeeze %dma_wait3A_87 : memref<1x128xi32, #tpu.memory_space<vmem>> -> memref<128xi32, #tpu.memory_space<vmem>>
      %dma_wait3A_89 = arith.constant 0 : i32
      %dma_wait3A_90 = arith.constant 0 : i32
      %dma_wait3A_91 = tpu.memref_slice %arg2[%dma_wait3A_89, %dma_wait3A_90] : memref<10240x128xf32, #tpu.memory_space<hbm>> -> memref<10240x128xf32, #tpu.memory_space<hbm>>
      tpu.wait_indirect_dma semaphore(%arg14 : memref<!tpu.dma_semaphore, #tpu.memory_space<semaphore_mem>>) src(%dma_wait3A_91 : memref<10240x128xf32, #tpu.memory_space<hbm>>) dst(%arg11 : memref<128x128xf32, #tpu.memory_space<vmem>>)
      %add3A_92 = arith.constant 1 : i32
      %add3A_93 = arith.addi %mul3A_61, %add3A_92 : i32
      %dma_start3A_94 = arith.constant 0 : i32
      %dma_start3A_95 = tpu.memref_slice %arg9[%add3A_93, %dma_start3A_94] : memref<40x128xi32, #tpu.memory_space<vmem>> -> memref<1x128xi32, #tpu.memory_space<vmem>>
      %dma_start3A_96 = tpu.memref_squeeze %dma_start3A_95 : memref<1x128xi32, #tpu.memory_space<vmem>> -> memref<128xi32, #tpu.memory_space<vmem>>
      %dma_start3A_97 = arith.constant 0 : i32
      %dma_start3A_98 = arith.constant 0 : i32
      %dma_start3A_99 = tpu.memref_slice %arg12[%dma_start3A_97, %dma_start3A_98] : memref<10240x128xf32, #tpu.memory_space<vmem_shared>> -> memref<10240x128xf32, #tpu.memory_space<vmem_shared>>
      tpu.enqueue_indirect_dma source(%arg11 : memref<128x128xf32, #tpu.memory_space<vmem>>) target(%dma_start3A_99 : memref<10240x128xf32, #tpu.memory_space<vmem_shared>>) offsets(%dma_start3A_96 : memref<128xi32, #tpu.memory_space<vmem>>) semaphore(%arg16 : memref<!tpu.dma_semaphore, #tpu.memory_space<semaphore_mem>>) {add = true}
      %dma_wait3A_100 = arith.constant 0 : i32
      %dma_wait3A_101 = tpu.memref_slice %arg9[%mul3A_61, %dma_wait3A_100] : memref<40x128xi32, #tpu.memory_space<vmem>> -> memref<1x128xi32, #tpu.memory_space<vmem>>
      %dma_wait3A_102 = tpu.memref_squeeze %dma_wait3A_101 : memref<1x128xi32, #tpu.memory_space<vmem>> -> memref<128xi32, #tpu.memory_space<vmem>>
      %dma_wait3A_103 = arith.constant 0 : i32
      %dma_wait3A_104 = arith.constant 0 : i32
      %dma_wait3A_105 = tpu.memref_slice %arg12[%dma_wait3A_103, %dma_wait3A_104] : memref<10240x128xf32, #tpu.memory_space<vmem_shared>> -> memref<10240x128xf32, #tpu.memory_space<vmem_shared>>
      tpu.wait_indirect_dma semaphore(%arg15 : memref<!tpu.dma_semaphore, #tpu.memory_space<semaphore_mem>>) src(%arg10 : memref<128x128xf32, #tpu.memory_space<vmem>>) dst(%dma_wait3A_105 : memref<10240x128xf32, #tpu.memory_space<vmem_shared>>)
      %add3A_106 = arith.constant 2 : i32
      %add3A_107 = arith.addi %mul3A_61, %add3A_106 : i32
      %dma_start3A_108 = arith.constant 0 : i32
      %dma_start3A_109 = tpu.memref_slice %arg8[%add3A_107, %dma_start3A_108] : memref<40x128xi32, #tpu.memory_space<vmem>> -> memref<1x128xi32, #tpu.memory_space<vmem>>
      %dma_start3A_110 = tpu.memref_squeeze %dma_start3A_109 : memref<1x128xi32, #tpu.memory_space<vmem>> -> memref<128xi32, #tpu.memory_space<vmem>>
      %dma_start3A_111 = arith.constant 0 : i32
      %dma_start3A_112 = arith.constant 0 : i32
      %dma_start3A_113 = tpu.memref_slice %arg2[%dma_start3A_111, %dma_start3A_112] : memref<10240x128xf32, #tpu.memory_space<hbm>> -> memref<10240x128xf32, #tpu.memory_space<hbm>>
      tpu.enqueue_indirect_dma source(%dma_start3A_113 : memref<10240x128xf32, #tpu.memory_space<hbm>>) target(%arg10 : memref<128x128xf32, #tpu.memory_space<vmem>>) offsets(%dma_start3A_110 : memref<128xi32, #tpu.memory_space<vmem>>) semaphore(%arg13 : memref<!tpu.dma_semaphore, #tpu.memory_space<semaphore_mem>>)
      %dma_wait3A_114 = arith.constant 0 : i32
      %dma_wait3A_115 = tpu.memref_slice %arg9[%add3A_93, %dma_wait3A_114] : memref<40x128xi32, #tpu.memory_space<vmem>> -> memref<1x128xi32, #tpu.memory_space<vmem>>
      %dma_wait3A_116 = tpu.memref_squeeze %dma_wait3A_115 : memref<1x128xi32, #tpu.memory_space<vmem>> -> memref<128xi32, #tpu.memory_space<vmem>>
      %dma_wait3A_117 = arith.constant 0 : i32
      %dma_wait3A_118 = arith.constant 0 : i32
      %dma_wait3A_119 = tpu.memref_slice %arg12[%dma_wait3A_117, %dma_wait3A_118] : memref<10240x128xf32, #tpu.memory_space<vmem_shared>> -> memref<10240x128xf32, #tpu.memory_space<vmem_shared>>
      tpu.wait_indirect_dma semaphore(%arg16 : memref<!tpu.dma_semaphore, #tpu.memory_space<semaphore_mem>>) src(%arg11 : memref<128x128xf32, #tpu.memory_space<vmem>>) dst(%dma_wait3A_119 : memref<10240x128xf32, #tpu.memory_space<vmem_shared>>)
      %add3A_120 = arith.constant 3 : i32
      %add3A_121 = arith.addi %mul3A_61, %add3A_120 : i32
      %dma_start3A_122 = arith.constant 0 : i32
      %dma_start3A_123 = tpu.memref_slice %arg8[%add3A_121, %dma_start3A_122] : memref<40x128xi32, #tpu.memory_space<vmem>> -> memref<1x128xi32, #tpu.memory_space<vmem>>
      %dma_start3A_124 = tpu.memref_squeeze %dma_start3A_123 : memref<1x128xi32, #tpu.memory_space<vmem>> -> memref<128xi32, #tpu.memory_space<vmem>>
      %dma_start3A_125 = arith.constant 0 : i32
      %dma_start3A_126 = arith.constant 0 : i32
      %dma_start3A_127 = tpu.memref_slice %arg2[%dma_start3A_125, %dma_start3A_126] : memref<10240x128xf32, #tpu.memory_space<hbm>> -> memref<10240x128xf32, #tpu.memory_space<hbm>>
      tpu.enqueue_indirect_dma source(%dma_start3A_127 : memref<10240x128xf32, #tpu.memory_space<hbm>>) target(%arg11 : memref<128x128xf32, #tpu.memory_space<vmem>>) offsets(%dma_start3A_124 : memref<128xi32, #tpu.memory_space<vmem>>) semaphore(%arg14 : memref<!tpu.dma_semaphore, #tpu.memory_space<semaphore_mem>>)
      %dma_wait3A_128 = arith.constant 0 : i32
      %dma_wait3A_129 = tpu.memref_slice %arg8[%add3A_107, %dma_wait3A_128] : memref<40x128xi32, #tpu.memory_space<vmem>> -> memref<1x128xi32, #tpu.memory_space<vmem>>
      %dma_wait3A_130 = tpu.memref_squeeze %dma_wait3A_129 : memref<1x128xi32, #tpu.memory_space<vmem>> -> memref<128xi32, #tpu.memory_space<vmem>>
      %dma_wait3A_131 = arith.constant 0 : i32
      %dma_wait3A_132 = arith.constant 0 : i32
      %dma_wait3A_133 = tpu.memref_slice %arg2[%dma_wait3A_131, %dma_wait3A_132] : memref<10240x128xf32, #tpu.memory_space<hbm>> -> memref<10240x128xf32, #tpu.memory_space<hbm>>
      tpu.wait_indirect_dma semaphore(%arg13 : memref<!tpu.dma_semaphore, #tpu.memory_space<semaphore_mem>>) src(%dma_wait3A_133 : memref<10240x128xf32, #tpu.memory_space<hbm>>) dst(%arg10 : memref<128x128xf32, #tpu.memory_space<vmem>>)
      %add3A_134 = arith.constant 2 : i32
      %add3A_135 = arith.addi %mul3A_61, %add3A_134 : i32
      %dma_start3A_136 = arith.constant 0 : i32
      %dma_start3A_137 = tpu.memref_slice %arg9[%add3A_135, %dma_start3A_136] : memref<40x128xi32, #tpu.memory_space<vmem>> -> memref<1x128xi32, #tpu.memory_space<vmem>>
      %dma_start3A_138 = tpu.memref_squeeze %dma_start3A_137 : memref<1x128xi32, #tpu.memory_space<vmem>> -> memref<128xi32, #tpu.memory_space<vmem>>
      %dma_start3A_139 = arith.constant 0 : i32
      %dma_start3A_140 = arith.constant 0 : i32
      %dma_start3A_141 = tpu.memref_slice %arg12[%dma_start3A_139, %dma_start3A_140] : memref<10240x128xf32, #tpu.memory_space<vmem_shared>> -> memref<10240x128xf32, #tpu.memory_space<vmem_shared>>
      tpu.enqueue_indirect_dma source(%arg10 : memref<128x128xf32, #tpu.memory_space<vmem>>) target(%dma_start3A_141 : memref<10240x128xf32, #tpu.memory_space<vmem_shared>>) offsets(%dma_start3A_138 : memref<128xi32, #tpu.memory_space<vmem>>) semaphore(%arg15 : memref<!tpu.dma_semaphore, #tpu.memory_space<semaphore_mem>>) {add = true}
      %dma_wait3A_142 = arith.constant 0 : i32
      %dma_wait3A_143 = tpu.memref_slice %arg8[%add3A_121, %dma_wait3A_142] : memref<40x128xi32, #tpu.memory_space<vmem>> -> memref<1x128xi32, #tpu.memory_space<vmem>>
      %dma_wait3A_144 = tpu.memref_squeeze %dma_wait3A_143 : memref<1x128xi32, #tpu.memory_space<vmem>> -> memref<128xi32, #tpu.memory_space<vmem>>
      %dma_wait3A_145 = arith.constant 0 : i32
      %dma_wait3A_146 = arith.constant 0 : i32
      %dma_wait3A_147 = tpu.memref_slice %arg2[%dma_wait3A_145, %dma_wait3A_146] : memref<10240x128xf32, #tpu.memory_space<hbm>> -> memref<10240x128xf32, #tpu.memory_space<hbm>>
      tpu.wait_indirect_dma semaphore(%arg14 : memref<!tpu.dma_semaphore, #tpu.memory_space<semaphore_mem>>) src(%dma_wait3A_147 : memref<10240x128xf32, #tpu.memory_space<hbm>>) dst(%arg11 : memref<128x128xf32, #tpu.memory_space<vmem>>)
      %add3A_148 = arith.constant 3 : i32
      %add3A_149 = arith.addi %mul3A_61, %add3A_148 : i32
      %dma_start3A_150 = arith.constant 0 : i32
      %dma_start3A_151 = tpu.memref_slice %arg9[%add3A_149, %dma_start3A_150] : memref<40x128xi32, #tpu.memory_space<vmem>> -> memref<1x128xi32, #tpu.memory_space<vmem>>
      %dma_start3A_152 = tpu.memref_squeeze %dma_start3A_151 : memref<1x128xi32, #tpu.memory_space<vmem>> -> memref<128xi32, #tpu.memory_space<vmem>>
      %dma_start3A_153 = arith.constant 0 : i32
      %dma_start3A_154 = arith.constant 0 : i32
      %dma_start3A_155 = tpu.memref_slice %arg12[%dma_start3A_153, %dma_start3A_154] : memref<10240x128xf32, #tpu.memory_space<vmem_shared>> -> memref<10240x128xf32, #tpu.memory_space<vmem_shared>>
      tpu.enqueue_indirect_dma source(%arg11 : memref<128x128xf32, #tpu.memory_space<vmem>>) target(%dma_start3A_155 : memref<10240x128xf32, #tpu.memory_space<vmem_shared>>) offsets(%dma_start3A_152 : memref<128xi32, #tpu.memory_space<vmem>>) semaphore(%arg16 : memref<!tpu.dma_semaphore, #tpu.memory_space<semaphore_mem>>) {add = true}
      %dma_wait3A_156 = arith.constant 0 : i32
      %dma_wait3A_157 = tpu.memref_slice %arg9[%add3A_135, %dma_wait3A_156] : memref<40x128xi32, #tpu.memory_space<vmem>> -> memref<1x128xi32, #tpu.memory_space<vmem>>
      %dma_wait3A_158 = tpu.memref_squeeze %dma_wait3A_157 : memref<1x128xi32, #tpu.memory_space<vmem>> -> memref<128xi32, #tpu.memory_space<vmem>>
      %dma_wait3A_159 = arith.constant 0 : i32
      %dma_wait3A_160 = arith.constant 0 : i32
      %dma_wait3A_161 = tpu.memref_slice %arg12[%dma_wait3A_159, %dma_wait3A_160] : memref<10240x128xf32, #tpu.memory_space<vmem_shared>> -> memref<10240x128xf32, #tpu.memory_space<vmem_shared>>
      tpu.wait_indirect_dma semaphore(%arg15 : memref<!tpu.dma_semaphore, #tpu.memory_space<semaphore_mem>>) src(%arg10 : memref<128x128xf32, #tpu.memory_space<vmem>>) dst(%dma_wait3A_161 : memref<10240x128xf32, #tpu.memory_space<vmem_shared>>)
      %dma_wait3A_162 = arith.constant 0 : i32
      %dma_wait3A_163 = tpu.memref_slice %arg9[%add3A_149, %dma_wait3A_162] : memref<40x128xi32, #tpu.memory_space<vmem>> -> memref<1x128xi32, #tpu.memory_space<vmem>>
      %dma_wait3A_164 = tpu.memref_squeeze %dma_wait3A_163 : memref<1x128xi32, #tpu.memory_space<vmem>> -> memref<128xi32, #tpu.memory_space<vmem>>
      %dma_wait3A_165 = arith.constant 0 : i32
      %dma_wait3A_166 = arith.constant 0 : i32
      %dma_wait3A_167 = tpu.memref_slice %arg12[%dma_wait3A_165, %dma_wait3A_166] : memref<10240x128xf32, #tpu.memory_space<vmem_shared>> -> memref<10240x128xf32, #tpu.memory_space<vmem_shared>>
      tpu.wait_indirect_dma semaphore(%arg16 : memref<!tpu.dma_semaphore, #tpu.memory_space<semaphore_mem>>) src(%arg11 : memref<128x128xf32, #tpu.memory_space<vmem>>) dst(%dma_wait3A_167 : memref<10240x128xf32, #tpu.memory_space<vmem_shared>>)
    }
    %scan3A_51 = arith.constant 10 : i32
    %barrier3A_52 = arith.constant 0 : index
    tpu.barrier barrier_id(%barrier3A_52)
    %mul3A_53 = arith.constant 640 : i32
    %mul3A_54 = arith.muli %arg1, %mul3A_53 : i32
    %add3A_55 = arith.constant 4 : i32
    %add3A_56 = arith.addi %add3A_55, %arg0 : i32
    %mul3A_57 = arith.constant 640 : i32
    %mul3A_58 = arith.muli %arg1, %mul3A_57 : i32
    "tpu.region"() ({
      %run_scoped3A = tpu.sem_alloc : memref<!tpu.dma_semaphore, #tpu.memory_space<semaphore_mem>>
      %dma_start3A = arith.constant 0 : i32
      %dma_start3A_59 = tpu.memref_slice %arg7[%add3A_56, %mul3A_58, %dma_start3A] : memref<6x10240x128xf32, #tpu.memory_space<hbm>> -> memref<1x640x128xf32, #tpu.memory_space<hbm>>
      %dma_start3A_60 = tpu.memref_squeeze %dma_start3A_59 : memref<1x640x128xf32, #tpu.memory_space<hbm>> -> memref<640x128xf32, #tpu.memory_space<hbm>>
      %dma_start3A_61 = arith.constant 0 : i32
      %dma_start3A_62 = tpu.memref_slice %arg12[%mul3A_54, %dma_start3A_61] : memref<10240x128xf32, #tpu.memory_space<vmem_shared>> -> memref<640x128xf32, #tpu.memory_space<vmem_shared>>
      tpu.enqueue_dma source(%dma_start3A_62 : memref<640x128xf32, #tpu.memory_space<vmem_shared>>) target(%dma_start3A_60 : memref<640x128xf32, #tpu.memory_space<hbm>>) target_semaphore(%run_scoped3A : memref<!tpu.dma_semaphore, #tpu.memory_space<semaphore_mem>>)
      %dma_wait3A = arith.constant 0 : i32
      %dma_wait3A_63 = tpu.memref_slice %arg7[%add3A_56, %mul3A_58, %dma_wait3A] : memref<6x10240x128xf32, #tpu.memory_space<hbm>> -> memref<1x640x128xf32, #tpu.memory_space<hbm>>
      %dma_wait3A_64 = tpu.memref_squeeze %dma_wait3A_63 : memref<1x640x128xf32, #tpu.memory_space<hbm>> -> memref<640x128xf32, #tpu.memory_space<hbm>>
      %dma_wait3A_65 = arith.constant 0 : i32
      %dma_wait3A_66 = tpu.memref_slice %arg12[%mul3A_54, %dma_wait3A_65] : memref<10240x128xf32, #tpu.memory_space<vmem_shared>> -> memref<640x128xf32, #tpu.memory_space<vmem_shared>>
      tpu.wait_dma2 semaphore(%run_scoped3A : memref<!tpu.dma_semaphore, #tpu.memory_space<semaphore_mem>>) src(%dma_wait3A_66 : memref<640x128xf32, #tpu.memory_space<vmem_shared>>) dst(%dma_wait3A_64 : memref<640x128xf32, #tpu.memory_space<hbm>>)
      tpu.yield
    }) : () -> ()
    return
  }
}

module attributes {stable_mosaic.version = 14 : i64} {
  func.func @_proj_body(%arg0: i32, %arg1: memref<1024x128xf32, #tpu.memory_space<vmem>>, %arg2: memref<128x128xf32, #tpu.memory_space<vmem>>, %arg3: memref<1x128xf32, #tpu.memory_space<vmem>>, %arg4: memref<1024x128xf32, #tpu.memory_space<vmem>>) attributes {dimension_semantics = [#tpu.dimension_semantics<arbitrary>], iteration_bounds = array<i64: 10>, scalar_prefetch = 0 : i64, scratch_operands = 0 : i64, tpu.core_type = #tpu.core_type<tc>, window_params = [{transform_indices = @transform_0, window_bounds = array<i64: 1024, 128>}, {pipeline_mode = #tpu.pipeline_mode<synchronous>, transform_indices = @transform_1, window_bounds = array<i64: 128, 128>}, {pipeline_mode = #tpu.pipeline_mode<synchronous>, transform_indices = @transform_2, window_bounds = array<i64: 1, 128>}, {transform_indices = @transform_3, window_bounds = array<i64: 1024, 128>}]} {
    %get3A = arith.constant 0 : index
    %get3A_0 = arith.constant 0 : index
    %get3A_1 = vector.load %arg1[%get3A, %get3A_0] : memref<1024x128xf32, #tpu.memory_space<vmem>>, vector<1024x128xf32>
    %get3A_2 = arith.constant 0 : index
    %get3A_3 = arith.constant 0 : index
    %get3A_4 = vector.load %arg2[%get3A_2, %get3A_3] : memref<128x128xf32, #tpu.memory_space<vmem>>, vector<128x128xf32>
    %dot_general3A = arith.constant dense<0.000000e+00> : vector<1024x128xf32>
    %dot_general3A_5 = tpu.matmul %get3A_1, %get3A_4, %dot_general3A {dimension_numbers = #tpu.dot_dimension_numbers<[1], [0], [0], [1], [0, 0, 1, 1], [], []>, transpose_lhs_hint = false} : vector<1024x128xf32>, vector<128x128xf32>, vector<1024x128xf32> -> vector<1024x128xf32>
    %get3A_6 = arith.constant 0 : index
    %get3A_7 = arith.constant 0 : index
    %get3A_8 = vector.load %arg3[%get3A_6, %get3A_7] : memref<1x128xf32, #tpu.memory_space<vmem>>, vector<1x128xf32>
    %add3A = vector.broadcast %get3A_8 : vector<1x128xf32> to vector<1024x128xf32>
    %add3A_9 = arith.addf %dot_general3A_5, %add3A : vector<1024x128xf32>
    %max3A = arith.constant 0.000000e+00 : f32
    %max3A_10 = vector.broadcast %max3A : f32 to vector<1024x128xf32>
    %max3A_11 = arith.maximumf %add3A_9, %max3A_10 : vector<1024x128xf32>
    %swap3A = arith.constant 0 : index
    %swap3A_12 = arith.constant 0 : index
    %swap3A_13 = vector.load %arg4[%swap3A, %swap3A_12] : memref<1024x128xf32, #tpu.memory_space<vmem>>, vector<1024x128xf32>
    tpu.vector_store %arg4[%swap3A, %swap3A_12], %max3A_11 {strides = array<i32>} : memref<1024x128xf32, #tpu.memory_space<vmem>>, vector<1024x128xf32>,
    return
  }
  func.func @transform_0(%arg0: i32) -> (i32, i32) {
    %c0_i32 = arith.constant 0 : i32
    %c0_i32_0 = arith.constant 0 : i32
    return %arg0, %c0_i32 : i32, i32
  }
  func.func @transform_1(%arg0: i32) -> (i32, i32) {
    %c0_i32 = arith.constant 0 : i32
    %c0_i32_0 = arith.constant 0 : i32
    %c0_i32_1 = arith.constant 0 : i32
    return %c0_i32, %c0_i32_0 : i32, i32
  }
  func.func @transform_2(%arg0: i32) -> (i32, i32) {
    %c0_i32 = arith.constant 0 : i32
    %c0_i32_0 = arith.constant 0 : i32
    %c0_i32_1 = arith.constant 0 : i32
    return %c0_i32, %c0_i32_0 : i32, i32
  }
  func.func @transform_3(%arg0: i32) -> (i32, i32) {
    %c0_i32 = arith.constant 0 : i32
    %c0_i32_0 = arith.constant 0 : i32
    return %arg0, %c0_i32 : i32, i32
  }
}

module attributes {stable_mosaic.version = 14 : i64} {
  func.func @_dense_body(%arg0: i32, %arg1: memref<2x1024x128xf32, #tpu.memory_space<vmem>>, %arg2: memref<2x1024x128xf32, #tpu.memory_space<vmem>>, %arg3: memref<2x1024x128xf32, #tpu.memory_space<vmem>>, %arg4: memref<2x1024x128xf32, #tpu.memory_space<vmem>>, %arg5: memref<2x1024x128xf32, #tpu.memory_space<vmem>>, %arg6: memref<2x1024x128xf32, #tpu.memory_space<vmem>>, %arg7: memref<1024x128xf32, #tpu.memory_space<vmem>>, %arg8: memref<1024x128xf32, #tpu.memory_space<vmem>>, %arg9: memref<128x128xf32, #tpu.memory_space<vmem>>, %arg10: memref<1x128xf32, #tpu.memory_space<vmem>>, %arg11: memref<128x128xf32, #tpu.memory_space<vmem>>, %arg12: memref<128x128xf32, #tpu.memory_space<vmem>>, %arg13: memref<1x128xf32, #tpu.memory_space<vmem>>, %arg14: memref<128x128xf32, #tpu.memory_space<vmem>>, %arg15: memref<128x128xf32, #tpu.memory_space<vmem>>, %arg16: memref<1x128xf32, #tpu.memory_space<vmem>>, %arg17: memref<128x128xf32, #tpu.memory_space<vmem>>, %arg18: memref<128x128xf32, #tpu.memory_space<vmem>>, %arg19: memref<1x128xf32, #tpu.memory_space<vmem>>, %arg20: memref<128x1xf32, #tpu.memory_space<vmem>>, %arg21: memref<128x1xf32, #tpu.memory_space<vmem>>, %arg22: memref<1x128xf32, #tpu.memory_space<vmem>>, %arg23: memref<1x128xf32, #tpu.memory_space<vmem>>, %arg24: memref<1x128xf32, #tpu.memory_space<vmem>>, %arg25: memref<1x1xf32, #tpu.memory_space<vmem>>, %arg26: memref<1x1xf32, #tpu.memory_space<vmem>>, %arg27: memref<1024x1xf32, #tpu.memory_space<vmem>>, %arg28: memref<1024x1xf32, #tpu.memory_space<vmem>>) attributes {dimension_semantics = [#tpu.dimension_semantics<arbitrary>], iteration_bounds = array<i64: 10>, scalar_prefetch = 0 : i64, scratch_operands = 0 : i64, tpu.core_type = #tpu.core_type<tc>, window_params = [{transform_indices = @transform_0, window_bounds = array<i64: 2, 1024, 128>}, {transform_indices = @transform_1, window_bounds = array<i64: 2, 1024, 128>}, {transform_indices = @transform_2, window_bounds = array<i64: 2, 1024, 128>}, {transform_indices = @transform_3, window_bounds = array<i64: 2, 1024, 128>}, {transform_indices = @transform_4, window_bounds = array<i64: 2, 1024, 128>}, {transform_indices = @transform_5, window_bounds = array<i64: 2, 1024, 128>}, {transform_indices = @transform_6, window_bounds = array<i64: 1024, 128>}, {transform_indices = @transform_7, window_bounds = array<i64: 1024, 128>}, {pipeline_mode = #tpu.pipeline_mode<synchronous>, transform_indices = @transform_8, window_bounds = array<i64: 128, 128>}, {pipeline_mode = #tpu.pipeline_mode<synchronous>, transform_indices = @transform_9, window_bounds = array<i64: 1, 128>}, {pipeline_mode = #tpu.pipeline_mode<synchronous>, transform_indices = @transform_10, window_bounds = array<i64: 128, 128>}, {pipeline_mode = #tpu.pipeline_mode<synchronous>, transform_indices = @transform_11, window_bounds = array<i64: 128, 128>}, {pipeline_mode = #tpu.pipeline_mode<synchronous>, transform_indices = @transform_12, window_bounds = array<i64: 1, 128>}, {pipeline_mode = #tpu.pipeline_mode<synchronous>, transform_indices = @transform_13, window_bounds = array<i64: 128, 128>}, {pipeline_mode = #tpu.pipeline_mode<synchronous>, transform_indices = @transform_14, window_bounds = array<i64: 128, 128>}, {pipeline_mode = #tpu.pipeline_mode<synchronous>, transform_indices = @transform_15, window_bounds = array<i64: 1, 128>}, {pipeline_mode = #tpu.pipeline_mode<synchronous>, transform_indices = @transform_16, window_bounds = array<i64: 128, 128>}, {pipeline_mode = #tpu.pipeline_mode<synchronous>, transform_indices = @transform_17, window_bounds = array<i64: 128, 128>}, {pipeline_mode = #tpu.pipeline_mode<synchronous>, transform_indices = @transform_18, window_bounds = array<i64: 1, 128>}, {pipeline_mode = #tpu.pipeline_mode<synchronous>, transform_indices = @transform_19, window_bounds = array<i64: 128, 1>}, {pipeline_mode = #tpu.pipeline_mode<synchronous>, transform_indices = @transform_20, window_bounds = array<i64: 128, 1>}, {pipeline_mode = #tpu.pipeline_mode<synchronous>, transform_indices = @transform_21, window_bounds = array<i64: 1, 128>}, {pipeline_mode = #tpu.pipeline_mode<synchronous>, transform_indices = @transform_22, window_bounds = array<i64: 1, 128>}, {pipeline_mode = #tpu.pipeline_mode<synchronous>, transform_indices = @transform_23, window_bounds = array<i64: 1, 128>}, {pipeline_mode = #tpu.pipeline_mode<synchronous>, transform_indices = @transform_24, window_bounds = array<i64: 1, 1>}, {pipeline_mode = #tpu.pipeline_mode<synchronous>, transform_indices = @transform_25, window_bounds = array<i64: 1, 1>}, {transform_indices = @transform_26, window_bounds = array<i64: 1024, 1>}, {transform_indices = @transform_27, window_bounds = array<i64: 1024, 1>}]} {
    %iota3A = tpu.iota {dimensions = array<i32: 0>} : vector<1024x1xi32>
    %mul3A = arith.constant 1024 : i32
    %mul3A_0 = arith.muli %arg0, %mul3A : i32
    %add3A = vector.broadcast %mul3A_0 : i32 to vector<1024x1xi32>
    %add3A_1 = arith.addi %iota3A, %add3A : vector<1024x1xi32>
    %lt3A = arith.constant 10000 : i32
    %lt3A_2 = vector.broadcast %lt3A : i32 to vector<1024x1xi32>
    %lt3A_3 = arith.cmpi slt, %add3A_1, %lt3A_2 : vector<1024x1xi32>
    %convert_element_type3A = arith.extui %lt3A_3 : vector<1024x1xi1> to vector<1024x1xi32>
    %convert_element_type3A_4 = arith.sitofp %convert_element_type3A : vector<1024x1xi32> to vector<1024x1xf32>
    %get3A = arith.constant 0 : index
    %get3A_5 = arith.constant 0 : index
    %get3A_6 = vector.load %arg7[%get3A, %get3A_5] : memref<1024x128xf32, #tpu.memory_space<vmem>>, vector<1024x128xf32>
    %get3A_7 = arith.constant 0 : index
    %get3A_8 = arith.constant 0 : index
    %get3A_9 = arith.constant 0 : index
    %get3A_10 = vector.load %arg1[%get3A_7, %get3A_8, %get3A_9] : memref<2x1024x128xf32, #tpu.memory_space<vmem>>, vector<1x1024x128xf32>
    %get3A_11 = vector.shape_cast %get3A_10 : vector<1x1024x128xf32> to vector<1024x128xf32>
    %get3A_12 = arith.constant 1 : index
    %get3A_13 = arith.constant 0 : index
    %get3A_14 = arith.constant 0 : index
    %get3A_15 = vector.load %arg1[%get3A_12, %get3A_13, %get3A_14] : memref<2x1024x128xf32, #tpu.memory_space<vmem>>, vector<1x1024x128xf32>
    %get3A_16 = vector.shape_cast %get3A_15 : vector<1x1024x128xf32> to vector<1024x128xf32>
    %add3A_17 = arith.addf %get3A_11, %get3A_16 : vector<1024x128xf32>
    %get3A_18 = arith.constant 0 : index
    %get3A_19 = arith.constant 0 : index
    %get3A_20 = arith.constant 0 : index
    %get3A_21 = vector.load %arg2[%get3A_18, %get3A_19, %get3A_20] : memref<2x1024x128xf32, #tpu.memory_space<vmem>>, vector<1x1024x1xf32>
    %get3A_22 = vector.shape_cast %get3A_21 : vector<1x1024x1xf32> to vector<1024x1xf32>
    %get3A_23 = arith.constant 1 : index
    %get3A_24 = arith.constant 0 : index
    %get3A_25 = arith.constant 0 : index
    %get3A_26 = vector.load %arg2[%get3A_23, %get3A_24, %get3A_25] : memref<2x1024x128xf32, #tpu.memory_space<vmem>>, vector<1x1024x1xf32>
    %get3A_27 = vector.shape_cast %get3A_26 : vector<1x1024x1xf32> to vector<1024x1xf32>
    %add3A_28 = arith.addf %get3A_22, %get3A_27 : vector<1024x1xf32>
    %max3A = arith.constant 1.000000e+00 : f32
    %max3A_29 = vector.broadcast %max3A : f32 to vector<1024x1xf32>
    %max3A_30 = arith.maximumf %add3A_28, %max3A_29 : vector<1024x1xf32>
    %div3A = vector.broadcast %max3A_30 : vector<1024x1xf32> to vector<1024x128xf32>
    %div3A_31 = arith.divf %add3A_17, %div3A : vector<1024x128xf32>
    %get3A_32 = arith.constant 0 : index
    %get3A_33 = arith.constant 0 : index
    %get3A_34 = vector.load %arg9[%get3A_32, %get3A_33] : memref<128x128xf32, #tpu.memory_space<vmem>>, vector<128x128xf32>
    %dot_general3A = arith.constant dense<0.000000e+00> : vector<1024x128xf32>
    %dot_general3A_35 = tpu.matmul %div3A_31, %get3A_34, %dot_general3A {dimension_numbers = #tpu.dot_dimension_numbers<[1], [0], [0], [1], [0, 0, 1, 1], [], []>, transpose_lhs_hint = false} : vector<1024x128xf32>, vector<128x128xf32>, vector<1024x128xf32> -> vector<1024x128xf32>
    %get3A_36 = arith.constant 0 : index
    %get3A_37 = arith.constant 0 : index
    %get3A_38 = vector.load %arg10[%get3A_36, %get3A_37] : memref<1x128xf32, #tpu.memory_space<vmem>>, vector<1x128xf32>
    %add3A_39 = vector.broadcast %get3A_38 : vector<1x128xf32> to vector<1024x128xf32>
    %add3A_40 = arith.addf %dot_general3A_35, %add3A_39 : vector<1024x128xf32>
    %get3A_41 = arith.constant 0 : index
    %get3A_42 = arith.constant 0 : index
    %get3A_43 = vector.load %arg11[%get3A_41, %get3A_42] : memref<128x128xf32, #tpu.memory_space<vmem>>, vector<128x128xf32>
    %dot_general3A_44 = arith.constant dense<0.000000e+00> : vector<1024x128xf32>
    %dot_general3A_45 = tpu.matmul %get3A_6, %get3A_43, %dot_general3A_44 {dimension_numbers = #tpu.dot_dimension_numbers<[1], [0], [0], [1], [0, 0, 1, 1], [], []>, transpose_lhs_hint = false} : vector<1024x128xf32>, vector<128x128xf32>, vector<1024x128xf32> -> vector<1024x128xf32>
    %add3A_46 = arith.addf %add3A_40, %dot_general3A_45 : vector<1024x128xf32>
    %max3A_47 = arith.constant 0.000000e+00 : f32
    %max3A_48 = vector.broadcast %max3A_47 : f32 to vector<1024x128xf32>
    %max3A_49 = arith.maximumf %add3A_46, %max3A_48 : vector<1024x128xf32>
    %get3A_50 = arith.constant 0 : index
    %get3A_51 = arith.constant 0 : index
    %get3A_52 = vector.load %arg7[%get3A_50, %get3A_51] : memref<1024x128xf32, #tpu.memory_space<vmem>>, vector<1024x128xf32>
    %get3A_53 = arith.constant 0 : index
    %get3A_54 = arith.constant 0 : index
    %get3A_55 = arith.constant 0 : index
    %get3A_56 = vector.load %arg3[%get3A_53, %get3A_54, %get3A_55] : memref<2x1024x128xf32, #tpu.memory_space<vmem>>, vector<1x1024x128xf32>
    %get3A_57 = vector.shape_cast %get3A_56 : vector<1x1024x128xf32> to vector<1024x128xf32>
    %get3A_58 = arith.constant 1 : index
    %get3A_59 = arith.constant 0 : index
    %get3A_60 = arith.constant 0 : index
    %get3A_61 = vector.load %arg3[%get3A_58, %get3A_59, %get3A_60] : memref<2x1024x128xf32, #tpu.memory_space<vmem>>, vector<1x1024x128xf32>
    %get3A_62 = vector.shape_cast %get3A_61 : vector<1x1024x128xf32> to vector<1024x128xf32>
    %add3A_63 = arith.addf %get3A_57, %get3A_62 : vector<1024x128xf32>
    %get3A_64 = arith.constant 0 : index
    %get3A_65 = arith.constant 0 : index
    %get3A_66 = arith.constant 0 : index
    %get3A_67 = vector.load %arg4[%get3A_64, %get3A_65, %get3A_66] : memref<2x1024x128xf32, #tpu.memory_space<vmem>>, vector<1x1024x1xf32>
    %get3A_68 = vector.shape_cast %get3A_67 : vector<1x1024x1xf32> to vector<1024x1xf32>
    %get3A_69 = arith.constant 1 : index
    %get3A_70 = arith.constant 0 : index
    %get3A_71 = arith.constant 0 : index
    %get3A_72 = vector.load %arg4[%get3A_69, %get3A_70, %get3A_71] : memref<2x1024x128xf32, #tpu.memory_space<vmem>>, vector<1x1024x1xf32>
    %get3A_73 = vector.shape_cast %get3A_72 : vector<1x1024x1xf32> to vector<1024x1xf32>
    %add3A_74 = arith.addf %get3A_68, %get3A_73 : vector<1024x1xf32>
    %max3A_75 = arith.constant 1.000000e+00 : f32
    %max3A_76 = vector.broadcast %max3A_75 : f32 to vector<1024x1xf32>
    %max3A_77 = arith.maximumf %add3A_74, %max3A_76 : vector<1024x1xf32>
    %div3A_78 = vector.broadcast %max3A_77 : vector<1024x1xf32> to vector<1024x128xf32>
    %div3A_79 = arith.divf %add3A_63, %div3A_78 : vector<1024x128xf32>
    %get3A_80 = arith.constant 0 : index
    %get3A_81 = arith.constant 0 : index
    %get3A_82 = vector.load %arg12[%get3A_80, %get3A_81] : memref<128x128xf32, #tpu.memory_space<vmem>>, vector<128x128xf32>
    %dot_general3A_83 = arith.constant dense<0.000000e+00> : vector<1024x128xf32>
    %dot_general3A_84 = tpu.matmul %div3A_79, %get3A_82, %dot_general3A_83 {dimension_numbers = #tpu.dot_dimension_numbers<[1], [0], [0], [1], [0, 0, 1, 1], [], []>, transpose_lhs_hint = false} : vector<1024x128xf32>, vector<128x128xf32>, vector<1024x128xf32> -> vector<1024x128xf32>
    %get3A_85 = arith.constant 0 : index
    %get3A_86 = arith.constant 0 : index
    %get3A_87 = vector.load %arg13[%get3A_85, %get3A_86] : memref<1x128xf32, #tpu.memory_space<vmem>>, vector<1x128xf32>
    %add3A_88 = vector.broadcast %get3A_87 : vector<1x128xf32> to vector<1024x128xf32>
    %add3A_89 = arith.addf %dot_general3A_84, %add3A_88 : vector<1024x128xf32>
    %get3A_90 = arith.constant 0 : index
    %get3A_91 = arith.constant 0 : index
    %get3A_92 = vector.load %arg14[%get3A_90, %get3A_91] : memref<128x128xf32, #tpu.memory_space<vmem>>, vector<128x128xf32>
    %dot_general3A_93 = arith.constant dense<0.000000e+00> : vector<1024x128xf32>
    %dot_general3A_94 = tpu.matmul %get3A_52, %get3A_92, %dot_general3A_93 {dimension_numbers = #tpu.dot_dimension_numbers<[1], [0], [0], [1], [0, 0, 1, 1], [], []>, transpose_lhs_hint = false} : vector<1024x128xf32>, vector<128x128xf32>, vector<1024x128xf32> -> vector<1024x128xf32>
    %add3A_95 = arith.addf %add3A_89, %dot_general3A_94 : vector<1024x128xf32>
    %max3A_96 = arith.constant 0.000000e+00 : f32
    %max3A_97 = vector.broadcast %max3A_96 : f32 to vector<1024x128xf32>
    %max3A_98 = arith.maximumf %add3A_95, %max3A_97 : vector<1024x128xf32>
    %get3A_99 = arith.constant 0 : index
    %get3A_100 = arith.constant 0 : index
    %get3A_101 = vector.load %arg8[%get3A_99, %get3A_100] : memref<1024x128xf32, #tpu.memory_space<vmem>>, vector<1024x128xf32>
    %get3A_102 = arith.constant 0 : index
    %get3A_103 = arith.constant 0 : index
    %get3A_104 = arith.constant 0 : index
    %get3A_105 = vector.load %arg5[%get3A_102, %get3A_103, %get3A_104] : memref<2x1024x128xf32, #tpu.memory_space<vmem>>, vector<1x1024x128xf32>
    %get3A_106 = vector.shape_cast %get3A_105 : vector<1x1024x128xf32> to vector<1024x128xf32>
    %get3A_107 = arith.constant 1 : index
    %get3A_108 = arith.constant 0 : index
    %get3A_109 = arith.constant 0 : index
    %get3A_110 = vector.load %arg5[%get3A_107, %get3A_108, %get3A_109] : memref<2x1024x128xf32, #tpu.memory_space<vmem>>, vector<1x1024x128xf32>
    %get3A_111 = vector.shape_cast %get3A_110 : vector<1x1024x128xf32> to vector<1024x128xf32>
    %add3A_112 = arith.addf %get3A_106, %get3A_111 : vector<1024x128xf32>
    %get3A_113 = arith.constant 0 : index
    %get3A_114 = arith.constant 0 : index
    %get3A_115 = arith.constant 0 : index
    %get3A_116 = vector.load %arg6[%get3A_113, %get3A_114, %get3A_115] : memref<2x1024x128xf32, #tpu.memory_space<vmem>>, vector<1x1024x1xf32>
    %get3A_117 = vector.shape_cast %get3A_116 : vector<1x1024x1xf32> to vector<1024x1xf32>
    %get3A_118 = arith.constant 1 : index
    %get3A_119 = arith.constant 0 : index
    %get3A_120 = arith.constant 0 : index
    %get3A_121 = vector.load %arg6[%get3A_118, %get3A_119, %get3A_120] : memref<2x1024x128xf32, #tpu.memory_space<vmem>>, vector<1x1024x1xf32>
    %get3A_122 = vector.shape_cast %get3A_121 : vector<1x1024x1xf32> to vector<1024x1xf32>
    %add3A_123 = arith.addf %get3A_117, %get3A_122 : vector<1024x1xf32>
    %max3A_124 = arith.constant 1.000000e+00 : f32
    %max3A_125 = vector.broadcast %max3A_124 : f32 to vector<1024x1xf32>
    %max3A_126 = arith.maximumf %add3A_123, %max3A_125 : vector<1024x1xf32>
    %div3A_127 = vector.broadcast %max3A_126 : vector<1024x1xf32> to vector<1024x128xf32>
    %div3A_128 = arith.divf %add3A_112, %div3A_127 : vector<1024x128xf32>
    %get3A_129 = arith.constant 0 : index
    %get3A_130 = arith.constant 0 : index
    %get3A_131 = vector.load %arg15[%get3A_129, %get3A_130] : memref<128x128xf32, #tpu.memory_space<vmem>>, vector<128x128xf32>
    %dot_general3A_132 = arith.constant dense<0.000000e+00> : vector<1024x128xf32>
    %dot_general3A_133 = tpu.matmul %div3A_128, %get3A_131, %dot_general3A_132 {dimension_numbers = #tpu.dot_dimension_numbers<[1], [0], [0], [1], [0, 0, 1, 1], [], []>, transpose_lhs_hint = false} : vector<1024x128xf32>, vector<128x128xf32>, vector<1024x128xf32> -> vector<1024x128xf32>
    %get3A_134 = arith.constant 0 : index
    %get3A_135 = arith.constant 0 : index
    %get3A_136 = vector.load %arg16[%get3A_134, %get3A_135] : memref<1x128xf32, #tpu.memory_space<vmem>>, vector<1x128xf32>
    %add3A_137 = vector.broadcast %get3A_136 : vector<1x128xf32> to vector<1024x128xf32>
    %add3A_138 = arith.addf %dot_general3A_133, %add3A_137 : vector<1024x128xf32>
    %get3A_139 = arith.constant 0 : index
    %get3A_140 = arith.constant 0 : index
    %get3A_141 = vector.load %arg17[%get3A_139, %get3A_140] : memref<128x128xf32, #tpu.memory_space<vmem>>, vector<128x128xf32>
    %dot_general3A_142 = arith.constant dense<0.000000e+00> : vector<1024x128xf32>
    %dot_general3A_143 = tpu.matmul %get3A_101, %get3A_141, %dot_general3A_142 {dimension_numbers = #tpu.dot_dimension_numbers<[1], [0], [0], [1], [0, 0, 1, 1], [], []>, transpose_lhs_hint = false} : vector<1024x128xf32>, vector<128x128xf32>, vector<1024x128xf32> -> vector<1024x128xf32>
    %add3A_144 = arith.addf %add3A_138, %dot_general3A_143 : vector<1024x128xf32>
    %max3A_145 = arith.constant 0.000000e+00 : f32
    %max3A_146 = vector.broadcast %max3A_145 : f32 to vector<1024x128xf32>
    %max3A_147 = arith.maximumf %add3A_144, %max3A_146 : vector<1024x128xf32>
    %eq3A = arith.constant 0 : i32
    %eq3A_148 = arith.cmpi eq, %arg0, %eq3A : i32
    %convert_element_type3A_149 = arith.extui %eq3A_148 : i1 to i32
    %cond3A = arith.constant 0 : i32
    %cond3A_150 = arith.cmpi ne, %convert_element_type3A_149, %cond3A : i32
    scf.if %cond3A_150 {
      %broadcast_in_dim3A_258 = arith.constant 0.000000e+00 : f32
      %broadcast_in_dim3A_259 = vector.broadcast %broadcast_in_dim3A_258 : f32 to vector<1x128xf32>
      %swap3A_260 = arith.constant 0 : index
      %swap3A_261 = arith.constant 0 : index
      %swap3A_262 = vector.load %arg22[%swap3A_260, %swap3A_261] : memref<1x128xf32, #tpu.memory_space<vmem>>, vector<1x128xf32>
      tpu.vector_store %arg22[%swap3A_260, %swap3A_261], %broadcast_in_dim3A_259 {strides = array<i32>} : memref<1x128xf32, #tpu.memory_space<vmem>>, vector<1x128xf32>,
      %broadcast_in_dim3A_263 = arith.constant 0.000000e+00 : f32
      %broadcast_in_dim3A_264 = vector.broadcast %broadcast_in_dim3A_263 : f32 to vector<1x128xf32>
      %swap3A_265 = arith.constant 0 : index
      %swap3A_266 = arith.constant 0 : index
      %swap3A_267 = vector.load %arg23[%swap3A_265, %swap3A_266] : memref<1x128xf32, #tpu.memory_space<vmem>>, vector<1x128xf32>
      tpu.vector_store %arg23[%swap3A_265, %swap3A_266], %broadcast_in_dim3A_264 {strides = array<i32>} : memref<1x128xf32, #tpu.memory_space<vmem>>, vector<1x128xf32>,
      %broadcast_in_dim3A_268 = arith.constant 0.000000e+00 : f32
      %broadcast_in_dim3A_269 = vector.broadcast %broadcast_in_dim3A_268 : f32 to vector<1x128xf32>
      %swap3A_270 = arith.constant 0 : index
      %swap3A_271 = arith.constant 0 : index
      %swap3A_272 = vector.load %arg24[%swap3A_270, %swap3A_271] : memref<1x128xf32, #tpu.memory_space<vmem>>, vector<1x128xf32>
      tpu.vector_store %arg24[%swap3A_270, %swap3A_271], %broadcast_in_dim3A_269 {strides = array<i32>} : memref<1x128xf32, #tpu.memory_space<vmem>>, vector<1x128xf32>,
      %broadcast_in_dim3A_273 = arith.constant 0.000000e+00 : f32
      %broadcast_in_dim3A_274 = vector.broadcast %broadcast_in_dim3A_273 : f32 to vector<1x1xf32>
      %swap3A_275 = arith.constant 0 : index
      %swap3A_276 = arith.constant 0 : index
      %swap3A_277 = vector.load %arg25[%swap3A_275, %swap3A_276] : memref<1x1xf32, #tpu.memory_space<vmem>>, vector<1x1xf32>
      tpu.vector_store %arg25[%swap3A_275, %swap3A_276], %broadcast_in_dim3A_274 {strides = array<i32>} : memref<1x1xf32, #tpu.memory_space<vmem>>, vector<1x1xf32>,
      %broadcast_in_dim3A_278 = arith.constant 0.000000e+00 : f32
      %broadcast_in_dim3A_279 = vector.broadcast %broadcast_in_dim3A_278 : f32 to vector<1x1xf32>
      %swap3A_280 = arith.constant 0 : index
      %swap3A_281 = arith.constant 0 : index
      %swap3A_282 = vector.load %arg26[%swap3A_280, %swap3A_281] : memref<1x1xf32, #tpu.memory_space<vmem>>, vector<1x1xf32>
      tpu.vector_store %arg26[%swap3A_280, %swap3A_281], %broadcast_in_dim3A_279 {strides = array<i32>} : memref<1x1xf32, #tpu.memory_space<vmem>>, vector<1x1xf32>,
    } else {
    }
    %get3A_151 = arith.constant 0 : index
    %get3A_152 = arith.constant 0 : index
    %get3A_153 = vector.load %arg22[%get3A_151, %get3A_152] : memref<1x128xf32, #tpu.memory_space<vmem>>, vector<1x128xf32>
    %mul3A_154 = vector.broadcast %convert_element_type3A_4 : vector<1024x1xf32> to vector<1024x128xf32>
    %mul3A_155 = arith.mulf %max3A_49, %mul3A_154 : vector<1024x128xf32>
    %reduce_sum3A = arith.constant dense<0.000000e+00> : vector<128xf32>
    %reduce_sum3A_156 = vector.multi_reduction <add>, %mul3A_155, %reduce_sum3A [0] : vector<1024x128xf32> to vector<128xf32>
    %broadcast_in_dim3A = vector.shape_cast %reduce_sum3A_156 : vector<128xf32> to vector<1x128xf32>
    %add3A_157 = arith.addf %get3A_153, %broadcast_in_dim3A : vector<1x128xf32>
    %swap3A = arith.constant 0 : index
    %swap3A_158 = arith.constant 0 : index
    %swap3A_159 = vector.load %arg22[%swap3A, %swap3A_158] : memref<1x128xf32, #tpu.memory_space<vmem>>, vector<1x128xf32>
    tpu.vector_store %arg22[%swap3A, %swap3A_158], %add3A_157 {strides = array<i32>} : memref<1x128xf32, #tpu.memory_space<vmem>>, vector<1x128xf32>,
    %get3A_160 = arith.constant 0 : index
    %get3A_161 = arith.constant 0 : index
    %get3A_162 = vector.load %arg23[%get3A_160, %get3A_161] : memref<1x128xf32, #tpu.memory_space<vmem>>, vector<1x128xf32>
    %mul3A_163 = vector.broadcast %convert_element_type3A_4 : vector<1024x1xf32> to vector<1024x128xf32>
    %mul3A_164 = arith.mulf %max3A_98, %mul3A_163 : vector<1024x128xf32>
    %reduce_sum3A_165 = arith.constant dense<0.000000e+00> : vector<128xf32>
    %reduce_sum3A_166 = vector.multi_reduction <add>, %mul3A_164, %reduce_sum3A_165 [0] : vector<1024x128xf32> to vector<128xf32>
    %broadcast_in_dim3A_167 = vector.shape_cast %reduce_sum3A_166 : vector<128xf32> to vector<1x128xf32>
    %add3A_168 = arith.addf %get3A_162, %broadcast_in_dim3A_167 : vector<1x128xf32>
    %swap3A_169 = arith.constant 0 : index
    %swap3A_170 = arith.constant 0 : index
    %swap3A_171 = vector.load %arg23[%swap3A_169, %swap3A_170] : memref<1x128xf32, #tpu.memory_space<vmem>>, vector<1x128xf32>
    tpu.vector_store %arg23[%swap3A_169, %swap3A_170], %add3A_168 {strides = array<i32>} : memref<1x128xf32, #tpu.memory_space<vmem>>, vector<1x128xf32>,
    %get3A_172 = arith.constant 0 : index
    %get3A_173 = arith.constant 0 : index
    %get3A_174 = vector.load %arg24[%get3A_172, %get3A_173] : memref<1x128xf32, #tpu.memory_space<vmem>>, vector<1x128xf32>
    %mul3A_175 = vector.broadcast %convert_element_type3A_4 : vector<1024x1xf32> to vector<1024x128xf32>
    %mul3A_176 = arith.mulf %max3A_147, %mul3A_175 : vector<1024x128xf32>
    %reduce_sum3A_177 = arith.constant dense<0.000000e+00> : vector<128xf32>
    %reduce_sum3A_178 = vector.multi_reduction <add>, %mul3A_176, %reduce_sum3A_177 [0] : vector<1024x128xf32> to vector<128xf32>
    %broadcast_in_dim3A_179 = vector.shape_cast %reduce_sum3A_178 : vector<128xf32> to vector<1x128xf32>
    %add3A_180 = arith.addf %get3A_174, %broadcast_in_dim3A_179 : vector<1x128xf32>
    %swap3A_181 = arith.constant 0 : index
    %swap3A_182 = arith.constant 0 : index
    %swap3A_183 = vector.load %arg24[%swap3A_181, %swap3A_182] : memref<1x128xf32, #tpu.memory_space<vmem>>, vector<1x128xf32>
    tpu.vector_store %arg24[%swap3A_181, %swap3A_182], %add3A_180 {strides = array<i32>} : memref<1x128xf32, #tpu.memory_space<vmem>>, vector<1x128xf32>,
    %get3A_184 = arith.constant 0 : index
    %get3A_185 = arith.constant 0 : index
    %get3A_186 = vector.load %arg25[%get3A_184, %get3A_185] : memref<1x1xf32, #tpu.memory_space<vmem>>, vector<1x1xf32>
    %get3A_187 = arith.constant 0 : index
    %get3A_188 = arith.constant 0 : index
    %get3A_189 = vector.load %arg18[%get3A_187, %get3A_188] : memref<128x128xf32, #tpu.memory_space<vmem>>, vector<128x128xf32>
    %dot_general3A_190 = arith.constant dense<0.000000e+00> : vector<1024x128xf32>
    %dot_general3A_191 = tpu.matmul %max3A_49, %get3A_189, %dot_general3A_190 {dimension_numbers = #tpu.dot_dimension_numbers<[1], [0], [0], [1], [0, 0, 1, 1], [], []>, transpose_lhs_hint = false} : vector<1024x128xf32>, vector<128x128xf32>, vector<1024x128xf32> -> vector<1024x128xf32>
    %get3A_192 = arith.constant 0 : index
    %get3A_193 = arith.constant 0 : index
    %get3A_194 = vector.load %arg19[%get3A_192, %get3A_193] : memref<1x128xf32, #tpu.memory_space<vmem>>, vector<1x128xf32>
    %add3A_195 = vector.broadcast %get3A_194 : vector<1x128xf32> to vector<1024x128xf32>
    %add3A_196 = arith.addf %dot_general3A_191, %add3A_195 : vector<1024x128xf32>
    %tanh3A = math.tanh %add3A_196 : vector<1024x128xf32>
    %get3A_197 = arith.constant 0 : index
    %get3A_198 = arith.constant 0 : index
    %get3A_199 = vector.load %arg20[%get3A_197, %get3A_198] : memref<128x1xf32, #tpu.memory_space<vmem>>, vector<128x1xf32>
    %dot_general3A_200 = arith.constant dense<0.000000e+00> : vector<1024x1xf32>
    %dot_general3A_201 = tpu.matmul %tanh3A, %get3A_199, %dot_general3A_200 {dimension_numbers = #tpu.dot_dimension_numbers<[1], [0], [0], [1], [0, 0, 1, 1], [], []>, transpose_lhs_hint = false} : vector<1024x128xf32>, vector<128x1xf32>, vector<1024x1xf32> -> vector<1024x1xf32>
    %mul3A_202 = arith.mulf %dot_general3A_201, %convert_element_type3A_4 : vector<1024x1xf32>
    %reduce_sum3A_203 = vector.shape_cast %mul3A_202 : vector<1024x1xf32> to vector<1x1024x1xf32>
    %reduce_sum3A_204 = arith.constant dense<0.000000e+00> : vector<1xf32>
    %reduce_sum3A_205 = vector.multi_reduction <add>, %reduce_sum3A_203, %reduce_sum3A_204 [1, 2] : vector<1x1024x1xf32> to vector<1xf32>
    %reduce_sum3A_206 = vector.shape_cast %reduce_sum3A_205 : vector<1xf32> to vector<1x1x1xf32>
    %reduce_sum3A_207 = vector.extract %reduce_sum3A_206[0, 0, 0] : f32 from vector<1x1x1xf32>
    %reshape3A = vector.broadcast %reduce_sum3A_207 : f32 to vector<1x1xf32>
    %add3A_208 = arith.addf %get3A_186, %reshape3A : vector<1x1xf32>
    %swap3A_209 = arith.constant 0 : index
    %swap3A_210 = arith.constant 0 : index
    %swap3A_211 = vector.load %arg25[%swap3A_209, %swap3A_210] : memref<1x1xf32, #tpu.memory_space<vmem>>, vector<1x1xf32>
    tpu.vector_store %arg25[%swap3A_209, %swap3A_210], %add3A_208 {strides = array<i32>} : memref<1x1xf32, #tpu.memory_space<vmem>>, vector<1x1xf32>,
    %get3A_212 = arith.constant 0 : index
    %get3A_213 = arith.constant 0 : index
    %get3A_214 = vector.load %arg26[%get3A_212, %get3A_213] : memref<1x1xf32, #tpu.memory_space<vmem>>, vector<1x1xf32>
    %get3A_215 = arith.constant 0 : index
    %get3A_216 = arith.constant 0 : index
    %get3A_217 = vector.load %arg18[%get3A_215, %get3A_216] : memref<128x128xf32, #tpu.memory_space<vmem>>, vector<128x128xf32>
    %dot_general3A_218 = arith.constant dense<0.000000e+00> : vector<1024x128xf32>
    %dot_general3A_219 = tpu.matmul %max3A_98, %get3A_217, %dot_general3A_218 {dimension_numbers = #tpu.dot_dimension_numbers<[1], [0], [0], [1], [0, 0, 1, 1], [], []>, transpose_lhs_hint = false} : vector<1024x128xf32>, vector<128x128xf32>, vector<1024x128xf32> -> vector<1024x128xf32>
    %get3A_220 = arith.constant 0 : index
    %get3A_221 = arith.constant 0 : index
    %get3A_222 = vector.load %arg19[%get3A_220, %get3A_221] : memref<1x128xf32, #tpu.memory_space<vmem>>, vector<1x128xf32>
    %add3A_223 = vector.broadcast %get3A_222 : vector<1x128xf32> to vector<1024x128xf32>
    %add3A_224 = arith.addf %dot_general3A_219, %add3A_223 : vector<1024x128xf32>
    %tanh3A_225 = math.tanh %add3A_224 : vector<1024x128xf32>
    %get3A_226 = arith.constant 0 : index
    %get3A_227 = arith.constant 0 : index
    %get3A_228 = vector.load %arg20[%get3A_226, %get3A_227] : memref<128x1xf32, #tpu.memory_space<vmem>>, vector<128x1xf32>
    %dot_general3A_229 = arith.constant dense<0.000000e+00> : vector<1024x1xf32>
    %dot_general3A_230 = tpu.matmul %tanh3A_225, %get3A_228, %dot_general3A_229 {dimension_numbers = #tpu.dot_dimension_numbers<[1], [0], [0], [1], [0, 0, 1, 1], [], []>, transpose_lhs_hint = false} : vector<1024x128xf32>, vector<128x1xf32>, vector<1024x1xf32> -> vector<1024x1xf32>
    %mul3A_231 = arith.mulf %dot_general3A_230, %convert_element_type3A_4 : vector<1024x1xf32>
    %reduce_sum3A_232 = vector.shape_cast %mul3A_231 : vector<1024x1xf32> to vector<1x1024x1xf32>
    %reduce_sum3A_233 = arith.constant dense<0.000000e+00> : vector<1xf32>
    %reduce_sum3A_234 = vector.multi_reduction <add>, %reduce_sum3A_232, %reduce_sum3A_233 [1, 2] : vector<1x1024x1xf32> to vector<1xf32>
    %reduce_sum3A_235 = vector.shape_cast %reduce_sum3A_234 : vector<1xf32> to vector<1x1x1xf32>
    %reduce_sum3A_236 = vector.extract %reduce_sum3A_235[0, 0, 0] : f32 from vector<1x1x1xf32>
    %reshape3A_237 = vector.broadcast %reduce_sum3A_236 : f32 to vector<1x1xf32>
    %add3A_238 = arith.addf %get3A_214, %reshape3A_237 : vector<1x1xf32>
    %swap3A_239 = arith.constant 0 : index
    %swap3A_240 = arith.constant 0 : index
    %swap3A_241 = vector.load %arg26[%swap3A_239, %swap3A_240] : memref<1x1xf32, #tpu.memory_space<vmem>>, vector<1x1xf32>
    tpu.vector_store %arg26[%swap3A_239, %swap3A_240], %add3A_238 {strides = array<i32>} : memref<1x1xf32, #tpu.memory_space<vmem>>, vector<1x1xf32>,
    %get3A_242 = arith.constant 0 : index
    %get3A_243 = arith.constant 0 : index
    %get3A_244 = vector.load %arg21[%get3A_242, %get3A_243] : memref<128x1xf32, #tpu.memory_space<vmem>>, vector<128x1xf32>
    %dot_general3A_245 = arith.constant dense<0.000000e+00> : vector<1024x1xf32>
    %dot_general3A_246 = tpu.matmul %max3A_49, %get3A_244, %dot_general3A_245 {dimension_numbers = #tpu.dot_dimension_numbers<[1], [0], [0], [1], [0, 0, 1, 1], [], []>, transpose_lhs_hint = false} : vector<1024x128xf32>, vector<128x1xf32>, vector<1024x1xf32> -> vector<1024x1xf32>
    %swap3A_247 = arith.constant 0 : index
    %swap3A_248 = arith.constant 0 : index
    %swap3A_249 = vector.load %arg27[%swap3A_247, %swap3A_248] : memref<1024x1xf32, #tpu.memory_space<vmem>>, vector<1024x1xf32>
    tpu.vector_store %arg27[%swap3A_247, %swap3A_248], %dot_general3A_246 {strides = array<i32>} : memref<1024x1xf32, #tpu.memory_space<vmem>>, vector<1024x1xf32>,
    %get3A_250 = arith.constant 0 : index
    %get3A_251 = arith.constant 0 : index
    %get3A_252 = vector.load %arg21[%get3A_250, %get3A_251] : memref<128x1xf32, #tpu.memory_space<vmem>>, vector<128x1xf32>
    %dot_general3A_253 = arith.constant dense<0.000000e+00> : vector<1024x1xf32>
    %dot_general3A_254 = tpu.matmul %max3A_98, %get3A_252, %dot_general3A_253 {dimension_numbers = #tpu.dot_dimension_numbers<[1], [0], [0], [1], [0, 0, 1, 1], [], []>, transpose_lhs_hint = false} : vector<1024x128xf32>, vector<128x1xf32>, vector<1024x1xf32> -> vector<1024x1xf32>
    %swap3A_255 = arith.constant 0 : index
    %swap3A_256 = arith.constant 0 : index
    %swap3A_257 = vector.load %arg28[%swap3A_255, %swap3A_256] : memref<1024x1xf32, #tpu.memory_space<vmem>>, vector<1024x1xf32>
    tpu.vector_store %arg28[%swap3A_255, %swap3A_256], %dot_general3A_254 {strides = array<i32>} : memref<1024x1xf32, #tpu.memory_space<vmem>>, vector<1024x1xf32>,
    return
  }
  func.func @transform_0(%arg0: i32) -> (i32, i32, i32) {
    %c0_i32 = arith.constant 0 : i32
    %c0_i32_0 = arith.constant 0 : i32
    %c0_i32_1 = arith.constant 0 : i32
    return %c0_i32, %arg0, %c0_i32_0 : i32, i32, i32
  }
  func.func @transform_1(%arg0: i32) -> (i32, i32, i32) {
    %c3_i32 = arith.constant 3 : i32
    %c0_i32 = arith.constant 0 : i32
    %c0_i32_0 = arith.constant 0 : i32
    return %c3_i32, %arg0, %c0_i32 : i32, i32, i32
  }
  func.func @transform_2(%arg0: i32) -> (i32, i32, i32) {
    %c2_i32 = arith.constant 2 : i32
    %c0_i32 = arith.constant 0 : i32
    %c0_i32_0 = arith.constant 0 : i32
    return %c2_i32, %arg0, %c0_i32 : i32, i32, i32
  }
  func.func @transform_3(%arg0: i32) -> (i32, i32, i32) {
    %c5_i32 = arith.constant 5 : i32
    %c0_i32 = arith.constant 0 : i32
    %c0_i32_0 = arith.constant 0 : i32
    return %c5_i32, %arg0, %c0_i32 : i32, i32, i32
  }
  func.func @transform_4(%arg0: i32) -> (i32, i32, i32) {
    %c1_i32 = arith.constant 1 : i32
    %c0_i32 = arith.constant 0 : i32
    %c0_i32_0 = arith.constant 0 : i32
    return %c1_i32, %arg0, %c0_i32 : i32, i32, i32
  }
  func.func @transform_5(%arg0: i32) -> (i32, i32, i32) {
    %c4_i32 = arith.constant 4 : i32
    %c0_i32 = arith.constant 0 : i32
    %c0_i32_0 = arith.constant 0 : i32
    return %c4_i32, %arg0, %c0_i32 : i32, i32, i32
  }
  func.func @transform_6(%arg0: i32) -> (i32, i32) {
    %c0_i32 = arith.constant 0 : i32
    %c0_i32_0 = arith.constant 0 : i32
    return %arg0, %c0_i32 : i32, i32
  }
  func.func @transform_7(%arg0: i32) -> (i32, i32) {
    %c0_i32 = arith.constant 0 : i32
    %c0_i32_0 = arith.constant 0 : i32
    return %arg0, %c0_i32 : i32, i32
  }
  func.func @transform_8(%arg0: i32) -> (i32, i32) {
    %c0_i32 = arith.constant 0 : i32
    %c0_i32_0 = arith.constant 0 : i32
    %c0_i32_1 = arith.constant 0 : i32
    return %c0_i32, %c0_i32_0 : i32, i32
  }
  func.func @transform_9(%arg0: i32) -> (i32, i32) {
    %c0_i32 = arith.constant 0 : i32
    %c0_i32_0 = arith.constant 0 : i32
    %c0_i32_1 = arith.constant 0 : i32
    return %c0_i32, %c0_i32_0 : i32, i32
  }
  func.func @transform_10(%arg0: i32) -> (i32, i32) {
    %c0_i32 = arith.constant 0 : i32
    %c0_i32_0 = arith.constant 0 : i32
    %c0_i32_1 = arith.constant 0 : i32
    return %c0_i32, %c0_i32_0 : i32, i32
  }
  func.func @transform_11(%arg0: i32) -> (i32, i32) {
    %c0_i32 = arith.constant 0 : i32
    %c0_i32_0 = arith.constant 0 : i32
    %c0_i32_1 = arith.constant 0 : i32
    return %c0_i32, %c0_i32_0 : i32, i32
  }
  func.func @transform_12(%arg0: i32) -> (i32, i32) {
    %c0_i32 = arith.constant 0 : i32
    %c0_i32_0 = arith.constant 0 : i32
    %c0_i32_1 = arith.constant 0 : i32
    return %c0_i32, %c0_i32_0 : i32, i32
  }
  func.func @transform_13(%arg0: i32) -> (i32, i32) {
    %c0_i32 = arith.constant 0 : i32
    %c0_i32_0 = arith.constant 0 : i32
    %c0_i32_1 = arith.constant 0 : i32
    return %c0_i32, %c0_i32_0 : i32, i32
  }
  func.func @transform_14(%arg0: i32) -> (i32, i32) {
    %c0_i32 = arith.constant 0 : i32
    %c0_i32_0 = arith.constant 0 : i32
    %c0_i32_1 = arith.constant 0 : i32
    return %c0_i32, %c0_i32_0 : i32, i32
  }
  func.func @transform_15(%arg0: i32) -> (i32, i32) {
    %c0_i32 = arith.constant 0 : i32
    %c0_i32_0 = arith.constant 0 : i32
    %c0_i32_1 = arith.constant 0 : i32
    return %c0_i32, %c0_i32_0 : i32, i32
  }
  func.func @transform_16(%arg0: i32) -> (i32, i32) {
    %c0_i32 = arith.constant 0 : i32
    %c0_i32_0 = arith.constant 0 : i32
    %c0_i32_1 = arith.constant 0 : i32
    return %c0_i32, %c0_i32_0 : i32, i32
  }
  func.func @transform_17(%arg0: i32) -> (i32, i32) {
    %c0_i32 = arith.constant 0 : i32
    %c0_i32_0 = arith.constant 0 : i32
    %c0_i32_1 = arith.constant 0 : i32
    return %c0_i32, %c0_i32_0 : i32, i32
  }
  func.func @transform_18(%arg0: i32) -> (i32, i32) {
    %c0_i32 = arith.constant 0 : i32
    %c0_i32_0 = arith.constant 0 : i32
    %c0_i32_1 = arith.constant 0 : i32
    return %c0_i32, %c0_i32_0 : i32, i32
  }
  func.func @transform_19(%arg0: i32) -> (i32, i32) {
    %c0_i32 = arith.constant 0 : i32
    %c0_i32_0 = arith.constant 0 : i32
    %c0_i32_1 = arith.constant 0 : i32
    return %c0_i32, %c0_i32_0 : i32, i32
  }
  func.func @transform_20(%arg0: i32) -> (i32, i32) {
    %c0_i32 = arith.constant 0 : i32
    %c0_i32_0 = arith.constant 0 : i32
    %c0_i32_1 = arith.constant 0 : i32
    return %c0_i32, %c0_i32_0 : i32, i32
  }
  func.func @transform_21(%arg0: i32) -> (i32, i32) {
    %c0_i32 = arith.constant 0 : i32
    %c0_i32_0 = arith.constant 0 : i32
    %c0_i32_1 = arith.constant 0 : i32
    return %c0_i32, %c0_i32_0 : i32, i32
  }
  func.func @transform_22(%arg0: i32) -> (i32, i32) {
    %c0_i32 = arith.constant 0 : i32
    %c0_i32_0 = arith.constant 0 : i32
    %c0_i32_1 = arith.constant 0 : i32
    return %c0_i32, %c0_i32_0 : i32, i32
  }
  func.func @transform_23(%arg0: i32) -> (i32, i32) {
    %c0_i32 = arith.constant 0 : i32
    %c0_i32_0 = arith.constant 0 : i32
    %c0_i32_1 = arith.constant 0 : i32
    return %c0_i32, %c0_i32_0 : i32, i32
  }
  func.func @transform_24(%arg0: i32) -> (i32, i32) {
    %c0_i32 = arith.constant 0 : i32
    %c0_i32_0 = arith.constant 0 : i32
    %c0_i32_1 = arith.constant 0 : i32
    return %c0_i32, %c0_i32_0 : i32, i32
  }
  func.func @transform_25(%arg0: i32) -> (i32, i32) {
    %c0_i32 = arith.constant 0 : i32
    %c0_i32_0 = arith.constant 0 : i32
    %c0_i32_1 = arith.constant 0 : i32
    return %c0_i32, %c0_i32_0 : i32, i32
  }
  func.func @transform_26(%arg0: i32) -> (i32, i32) {
    %c0_i32 = arith.constant 0 : i32
    %c0_i32_0 = arith.constant 0 : i32
    return %arg0, %c0_i32 : i32, i32
  }
  func.func @transform_27(%arg0: i32) -> (i32, i32) {
    %c0_i32 = arith.constant 0 : i32
    %c0_i32_0 = arith.constant 0 : i32
    return %arg0, %c0_i32 : i32, i32
  }
}

module attributes {stable_mosaic.version = 14 : i64} {
  func.func @_dense_body(%arg0: i32, %arg1: memref<2x1024x128xf32, #tpu.memory_space<vmem>>, %arg2: memref<2x1024x128xf32, #tpu.memory_space<vmem>>, %arg3: memref<2x1024x128xf32, #tpu.memory_space<vmem>>, %arg4: memref<2x1024x128xf32, #tpu.memory_space<vmem>>, %arg5: memref<2x1024x128xf32, #tpu.memory_space<vmem>>, %arg6: memref<2x1024x128xf32, #tpu.memory_space<vmem>>, %arg7: memref<1024x128xf32, #tpu.memory_space<vmem>>, %arg8: memref<1024x128xf32, #tpu.memory_space<vmem>>, %arg9: memref<128x128xf32, #tpu.memory_space<vmem>>, %arg10: memref<1x128xf32, #tpu.memory_space<vmem>>, %arg11: memref<128x128xf32, #tpu.memory_space<vmem>>, %arg12: memref<128x128xf32, #tpu.memory_space<vmem>>, %arg13: memref<1x128xf32, #tpu.memory_space<vmem>>, %arg14: memref<128x128xf32, #tpu.memory_space<vmem>>, %arg15: memref<128x128xf32, #tpu.memory_space<vmem>>, %arg16: memref<1x128xf32, #tpu.memory_space<vmem>>, %arg17: memref<128x128xf32, #tpu.memory_space<vmem>>, %arg18: memref<128x128xf32, #tpu.memory_space<vmem>>, %arg19: memref<1x128xf32, #tpu.memory_space<vmem>>, %arg20: memref<128x1xf32, #tpu.memory_space<vmem>>, %arg21: memref<128x1xf32, #tpu.memory_space<vmem>>, %arg22: memref<1x128xf32, #tpu.memory_space<vmem>>, %arg23: memref<1x128xf32, #tpu.memory_space<vmem>>, %arg24: memref<1x128xf32, #tpu.memory_space<vmem>>, %arg25: memref<1x1xf32, #tpu.memory_space<vmem>>, %arg26: memref<1x1xf32, #tpu.memory_space<vmem>>, %arg27: memref<1024x1xf32, #tpu.memory_space<vmem>>, %arg28: memref<1024x1xf32, #tpu.memory_space<vmem>>) attributes {dimension_semantics = [#tpu.dimension_semantics<arbitrary>], iteration_bounds = array<i64: 10>, scalar_prefetch = 0 : i64, scratch_operands = 0 : i64, tpu.core_type = #tpu.core_type<tc>, window_params = [{transform_indices = @transform_0, window_bounds = array<i64: 2, 1024, 128>}, {transform_indices = @transform_1, window_bounds = array<i64: 2, 1024, 128>}, {transform_indices = @transform_2, window_bounds = array<i64: 2, 1024, 128>}, {transform_indices = @transform_3, window_bounds = array<i64: 2, 1024, 128>}, {transform_indices = @transform_4, window_bounds = array<i64: 2, 1024, 128>}, {transform_indices = @transform_5, window_bounds = array<i64: 2, 1024, 128>}, {transform_indices = @transform_6, window_bounds = array<i64: 1024, 128>}, {transform_indices = @transform_7, window_bounds = array<i64: 1024, 128>}, {pipeline_mode = #tpu.pipeline_mode<synchronous>, transform_indices = @transform_8, window_bounds = array<i64: 128, 128>}, {pipeline_mode = #tpu.pipeline_mode<synchronous>, transform_indices = @transform_9, window_bounds = array<i64: 1, 128>}, {pipeline_mode = #tpu.pipeline_mode<synchronous>, transform_indices = @transform_10, window_bounds = array<i64: 128, 128>}, {pipeline_mode = #tpu.pipeline_mode<synchronous>, transform_indices = @transform_11, window_bounds = array<i64: 128, 128>}, {pipeline_mode = #tpu.pipeline_mode<synchronous>, transform_indices = @transform_12, window_bounds = array<i64: 1, 128>}, {pipeline_mode = #tpu.pipeline_mode<synchronous>, transform_indices = @transform_13, window_bounds = array<i64: 128, 128>}, {pipeline_mode = #tpu.pipeline_mode<synchronous>, transform_indices = @transform_14, window_bounds = array<i64: 128, 128>}, {pipeline_mode = #tpu.pipeline_mode<synchronous>, transform_indices = @transform_15, window_bounds = array<i64: 1, 128>}, {pipeline_mode = #tpu.pipeline_mode<synchronous>, transform_indices = @transform_16, window_bounds = array<i64: 128, 128>}, {pipeline_mode = #tpu.pipeline_mode<synchronous>, transform_indices = @transform_17, window_bounds = array<i64: 128, 128>}, {pipeline_mode = #tpu.pipeline_mode<synchronous>, transform_indices = @transform_18, window_bounds = array<i64: 1, 128>}, {pipeline_mode = #tpu.pipeline_mode<synchronous>, transform_indices = @transform_19, window_bounds = array<i64: 128, 1>}, {pipeline_mode = #tpu.pipeline_mode<synchronous>, transform_indices = @transform_20, window_bounds = array<i64: 128, 1>}, {pipeline_mode = #tpu.pipeline_mode<synchronous>, transform_indices = @transform_21, window_bounds = array<i64: 1, 128>}, {pipeline_mode = #tpu.pipeline_mode<synchronous>, transform_indices = @transform_22, window_bounds = array<i64: 1, 128>}, {pipeline_mode = #tpu.pipeline_mode<synchronous>, transform_indices = @transform_23, window_bounds = array<i64: 1, 128>}, {pipeline_mode = #tpu.pipeline_mode<synchronous>, transform_indices = @transform_24, window_bounds = array<i64: 1, 1>}, {pipeline_mode = #tpu.pipeline_mode<synchronous>, transform_indices = @transform_25, window_bounds = array<i64: 1, 1>}, {transform_indices = @transform_26, window_bounds = array<i64: 1024, 1>}, {transform_indices = @transform_27, window_bounds = array<i64: 1024, 1>}]} {
    %iota3A = tpu.iota {dimensions = array<i32: 0>} : vector<1024x1xi32>
    %mul3A = arith.constant 1024 : i32
    %mul3A_0 = arith.muli %arg0, %mul3A : i32
    %add3A = vector.broadcast %mul3A_0 : i32 to vector<1024x1xi32>
    %add3A_1 = arith.addi %iota3A, %add3A : vector<1024x1xi32>
    %lt3A = arith.constant 10000 : i32
    %lt3A_2 = vector.broadcast %lt3A : i32 to vector<1024x1xi32>
    %lt3A_3 = arith.cmpi slt, %add3A_1, %lt3A_2 : vector<1024x1xi32>
    %convert_element_type3A = arith.extui %lt3A_3 : vector<1024x1xi1> to vector<1024x1xi32>
    %convert_element_type3A_4 = arith.sitofp %convert_element_type3A : vector<1024x1xi32> to vector<1024x1xf32>
    %get3A = arith.constant 0 : index
    %get3A_5 = arith.constant 0 : index
    %get3A_6 = vector.load %arg7[%get3A, %get3A_5] : memref<1024x128xf32, #tpu.memory_space<vmem>>, vector<1024x128xf32>
    %get3A_7 = arith.constant 0 : index
    %get3A_8 = arith.constant 0 : index
    %get3A_9 = arith.constant 0 : index
    %get3A_10 = vector.load %arg1[%get3A_7, %get3A_8, %get3A_9] : memref<2x1024x128xf32, #tpu.memory_space<vmem>>, vector<1x1024x128xf32>
    %get3A_11 = vector.shape_cast %get3A_10 : vector<1x1024x128xf32> to vector<1024x128xf32>
    %get3A_12 = arith.constant 1 : index
    %get3A_13 = arith.constant 0 : index
    %get3A_14 = arith.constant 0 : index
    %get3A_15 = vector.load %arg1[%get3A_12, %get3A_13, %get3A_14] : memref<2x1024x128xf32, #tpu.memory_space<vmem>>, vector<1x1024x128xf32>
    %get3A_16 = vector.shape_cast %get3A_15 : vector<1x1024x128xf32> to vector<1024x128xf32>
    %add3A_17 = arith.addf %get3A_11, %get3A_16 : vector<1024x128xf32>
    %get3A_18 = arith.constant 0 : index
    %get3A_19 = arith.constant 0 : index
    %get3A_20 = arith.constant 0 : index
    %get3A_21 = vector.load %arg2[%get3A_18, %get3A_19, %get3A_20] : memref<2x1024x128xf32, #tpu.memory_space<vmem>>, vector<1x1024x1xf32>
    %get3A_22 = vector.shape_cast %get3A_21 : vector<1x1024x1xf32> to vector<1024x1xf32>
    %get3A_23 = arith.constant 1 : index
    %get3A_24 = arith.constant 0 : index
    %get3A_25 = arith.constant 0 : index
    %get3A_26 = vector.load %arg2[%get3A_23, %get3A_24, %get3A_25] : memref<2x1024x128xf32, #tpu.memory_space<vmem>>, vector<1x1024x1xf32>
    %get3A_27 = vector.shape_cast %get3A_26 : vector<1x1024x1xf32> to vector<1024x1xf32>
    %add3A_28 = arith.addf %get3A_22, %get3A_27 : vector<1024x1xf32>
    %max3A = arith.constant 1.000000e+00 : f32
    %max3A_29 = vector.broadcast %max3A : f32 to vector<1024x1xf32>
    %max3A_30 = arith.maximumf %add3A_28, %max3A_29 : vector<1024x1xf32>
    %div3A = vector.broadcast %max3A_30 : vector<1024x1xf32> to vector<1024x128xf32>
    %div3A_31 = arith.divf %add3A_17, %div3A : vector<1024x128xf32>
    %get3A_32 = arith.constant 0 : index
    %get3A_33 = arith.constant 0 : index
    %get3A_34 = vector.load %arg9[%get3A_32, %get3A_33] : memref<128x128xf32, #tpu.memory_space<vmem>>, vector<128x128xf32>
    %dot_general3A = arith.constant dense<0.000000e+00> : vector<1024x128xf32>
    %dot_general3A_35 = tpu.matmul %div3A_31, %get3A_34, %dot_general3A {dimension_numbers = #tpu.dot_dimension_numbers<[1], [0], [0], [1], [0, 0, 1, 1], [], []>, transpose_lhs_hint = false} : vector<1024x128xf32>, vector<128x128xf32>, vector<1024x128xf32> -> vector<1024x128xf32>
    %get3A_36 = arith.constant 0 : index
    %get3A_37 = arith.constant 0 : index
    %get3A_38 = vector.load %arg10[%get3A_36, %get3A_37] : memref<1x128xf32, #tpu.memory_space<vmem>>, vector<1x128xf32>
    %add3A_39 = vector.broadcast %get3A_38 : vector<1x128xf32> to vector<1024x128xf32>
    %add3A_40 = arith.addf %dot_general3A_35, %add3A_39 : vector<1024x128xf32>
    %get3A_41 = arith.constant 0 : index
    %get3A_42 = arith.constant 0 : index
    %get3A_43 = vector.load %arg11[%get3A_41, %get3A_42] : memref<128x128xf32, #tpu.memory_space<vmem>>, vector<128x128xf32>
    %dot_general3A_44 = arith.constant dense<0.000000e+00> : vector<1024x128xf32>
    %dot_general3A_45 = tpu.matmul %get3A_6, %get3A_43, %dot_general3A_44 {dimension_numbers = #tpu.dot_dimension_numbers<[1], [0], [0], [1], [0, 0, 1, 1], [], []>, transpose_lhs_hint = false} : vector<1024x128xf32>, vector<128x128xf32>, vector<1024x128xf32> -> vector<1024x128xf32>
    %add3A_46 = arith.addf %add3A_40, %dot_general3A_45 : vector<1024x128xf32>
    %max3A_47 = arith.constant 0.000000e+00 : f32
    %max3A_48 = vector.broadcast %max3A_47 : f32 to vector<1024x128xf32>
    %max3A_49 = arith.maximumf %add3A_46, %max3A_48 : vector<1024x128xf32>
    %get3A_50 = arith.constant 0 : index
    %get3A_51 = arith.constant 0 : index
    %get3A_52 = vector.load %arg7[%get3A_50, %get3A_51] : memref<1024x128xf32, #tpu.memory_space<vmem>>, vector<1024x128xf32>
    %get3A_53 = arith.constant 0 : index
    %get3A_54 = arith.constant 0 : index
    %get3A_55 = arith.constant 0 : index
    %get3A_56 = vector.load %arg3[%get3A_53, %get3A_54, %get3A_55] : memref<2x1024x128xf32, #tpu.memory_space<vmem>>, vector<1x1024x128xf32>
    %get3A_57 = vector.shape_cast %get3A_56 : vector<1x1024x128xf32> to vector<1024x128xf32>
    %get3A_58 = arith.constant 1 : index
    %get3A_59 = arith.constant 0 : index
    %get3A_60 = arith.constant 0 : index
    %get3A_61 = vector.load %arg3[%get3A_58, %get3A_59, %get3A_60] : memref<2x1024x128xf32, #tpu.memory_space<vmem>>, vector<1x1024x128xf32>
    %get3A_62 = vector.shape_cast %get3A_61 : vector<1x1024x128xf32> to vector<1024x128xf32>
    %add3A_63 = arith.addf %get3A_57, %get3A_62 : vector<1024x128xf32>
    %get3A_64 = arith.constant 0 : index
    %get3A_65 = arith.constant 0 : index
    %get3A_66 = arith.constant 0 : index
    %get3A_67 = vector.load %arg4[%get3A_64, %get3A_65, %get3A_66] : memref<2x1024x128xf32, #tpu.memory_space<vmem>>, vector<1x1024x1xf32>
    %get3A_68 = vector.shape_cast %get3A_67 : vector<1x1024x1xf32> to vector<1024x1xf32>
    %get3A_69 = arith.constant 1 : index
    %get3A_70 = arith.constant 0 : index
    %get3A_71 = arith.constant 0 : index
    %get3A_72 = vector.load %arg4[%get3A_69, %get3A_70, %get3A_71] : memref<2x1024x128xf32, #tpu.memory_space<vmem>>, vector<1x1024x1xf32>
    %get3A_73 = vector.shape_cast %get3A_72 : vector<1x1024x1xf32> to vector<1024x1xf32>
    %add3A_74 = arith.addf %get3A_68, %get3A_73 : vector<1024x1xf32>
    %max3A_75 = arith.constant 1.000000e+00 : f32
    %max3A_76 = vector.broadcast %max3A_75 : f32 to vector<1024x1xf32>
    %max3A_77 = arith.maximumf %add3A_74, %max3A_76 : vector<1024x1xf32>
    %div3A_78 = vector.broadcast %max3A_77 : vector<1024x1xf32> to vector<1024x128xf32>
    %div3A_79 = arith.divf %add3A_63, %div3A_78 : vector<1024x128xf32>
    %get3A_80 = arith.constant 0 : index
    %get3A_81 = arith.constant 0 : index
    %get3A_82 = vector.load %arg12[%get3A_80, %get3A_81] : memref<128x128xf32, #tpu.memory_space<vmem>>, vector<128x128xf32>
    %dot_general3A_83 = arith.constant dense<0.000000e+00> : vector<1024x128xf32>
    %dot_general3A_84 = tpu.matmul %div3A_79, %get3A_82, %dot_general3A_83 {dimension_numbers = #tpu.dot_dimension_numbers<[1], [0], [0], [1], [0, 0, 1, 1], [], []>, transpose_lhs_hint = false} : vector<1024x128xf32>, vector<128x128xf32>, vector<1024x128xf32> -> vector<1024x128xf32>
    %get3A_85 = arith.constant 0 : index
    %get3A_86 = arith.constant 0 : index
    %get3A_87 = vector.load %arg13[%get3A_85, %get3A_86] : memref<1x128xf32, #tpu.memory_space<vmem>>, vector<1x128xf32>
    %add3A_88 = vector.broadcast %get3A_87 : vector<1x128xf32> to vector<1024x128xf32>
    %add3A_89 = arith.addf %dot_general3A_84, %add3A_88 : vector<1024x128xf32>
    %get3A_90 = arith.constant 0 : index
    %get3A_91 = arith.constant 0 : index
    %get3A_92 = vector.load %arg14[%get3A_90, %get3A_91] : memref<128x128xf32, #tpu.memory_space<vmem>>, vector<128x128xf32>
    %dot_general3A_93 = arith.constant dense<0.000000e+00> : vector<1024x128xf32>
    %dot_general3A_94 = tpu.matmul %get3A_52, %get3A_92, %dot_general3A_93 {dimension_numbers = #tpu.dot_dimension_numbers<[1], [0], [0], [1], [0, 0, 1, 1], [], []>, transpose_lhs_hint = false} : vector<1024x128xf32>, vector<128x128xf32>, vector<1024x128xf32> -> vector<1024x128xf32>
    %add3A_95 = arith.addf %add3A_89, %dot_general3A_94 : vector<1024x128xf32>
    %max3A_96 = arith.constant 0.000000e+00 : f32
    %max3A_97 = vector.broadcast %max3A_96 : f32 to vector<1024x128xf32>
    %max3A_98 = arith.maximumf %add3A_95, %max3A_97 : vector<1024x128xf32>
    %get3A_99 = arith.constant 0 : index
    %get3A_100 = arith.constant 0 : index
    %get3A_101 = vector.load %arg8[%get3A_99, %get3A_100] : memref<1024x128xf32, #tpu.memory_space<vmem>>, vector<1024x128xf32>
    %get3A_102 = arith.constant 0 : index
    %get3A_103 = arith.constant 0 : index
    %get3A_104 = arith.constant 0 : index
    %get3A_105 = vector.load %arg5[%get3A_102, %get3A_103, %get3A_104] : memref<2x1024x128xf32, #tpu.memory_space<vmem>>, vector<1x1024x128xf32>
    %get3A_106 = vector.shape_cast %get3A_105 : vector<1x1024x128xf32> to vector<1024x128xf32>
    %get3A_107 = arith.constant 1 : index
    %get3A_108 = arith.constant 0 : index
    %get3A_109 = arith.constant 0 : index
    %get3A_110 = vector.load %arg5[%get3A_107, %get3A_108, %get3A_109] : memref<2x1024x128xf32, #tpu.memory_space<vmem>>, vector<1x1024x128xf32>
    %get3A_111 = vector.shape_cast %get3A_110 : vector<1x1024x128xf32> to vector<1024x128xf32>
    %add3A_112 = arith.addf %get3A_106, %get3A_111 : vector<1024x128xf32>
    %get3A_113 = arith.constant 0 : index
    %get3A_114 = arith.constant 0 : index
    %get3A_115 = arith.constant 0 : index
    %get3A_116 = vector.load %arg6[%get3A_113, %get3A_114, %get3A_115] : memref<2x1024x128xf32, #tpu.memory_space<vmem>>, vector<1x1024x1xf32>
    %get3A_117 = vector.shape_cast %get3A_116 : vector<1x1024x1xf32> to vector<1024x1xf32>
    %get3A_118 = arith.constant 1 : index
    %get3A_119 = arith.constant 0 : index
    %get3A_120 = arith.constant 0 : index
    %get3A_121 = vector.load %arg6[%get3A_118, %get3A_119, %get3A_120] : memref<2x1024x128xf32, #tpu.memory_space<vmem>>, vector<1x1024x1xf32>
    %get3A_122 = vector.shape_cast %get3A_121 : vector<1x1024x1xf32> to vector<1024x1xf32>
    %add3A_123 = arith.addf %get3A_117, %get3A_122 : vector<1024x1xf32>
    %max3A_124 = arith.constant 1.000000e+00 : f32
    %max3A_125 = vector.broadcast %max3A_124 : f32 to vector<1024x1xf32>
    %max3A_126 = arith.maximumf %add3A_123, %max3A_125 : vector<1024x1xf32>
    %div3A_127 = vector.broadcast %max3A_126 : vector<1024x1xf32> to vector<1024x128xf32>
    %div3A_128 = arith.divf %add3A_112, %div3A_127 : vector<1024x128xf32>
    %get3A_129 = arith.constant 0 : index
    %get3A_130 = arith.constant 0 : index
    %get3A_131 = vector.load %arg15[%get3A_129, %get3A_130] : memref<128x128xf32, #tpu.memory_space<vmem>>, vector<128x128xf32>
    %dot_general3A_132 = arith.constant dense<0.000000e+00> : vector<1024x128xf32>
    %dot_general3A_133 = tpu.matmul %div3A_128, %get3A_131, %dot_general3A_132 {dimension_numbers = #tpu.dot_dimension_numbers<[1], [0], [0], [1], [0, 0, 1, 1], [], []>, transpose_lhs_hint = false} : vector<1024x128xf32>, vector<128x128xf32>, vector<1024x128xf32> -> vector<1024x128xf32>
    %get3A_134 = arith.constant 0 : index
    %get3A_135 = arith.constant 0 : index
    %get3A_136 = vector.load %arg16[%get3A_134, %get3A_135] : memref<1x128xf32, #tpu.memory_space<vmem>>, vector<1x128xf32>
    %add3A_137 = vector.broadcast %get3A_136 : vector<1x128xf32> to vector<1024x128xf32>
    %add3A_138 = arith.addf %dot_general3A_133, %add3A_137 : vector<1024x128xf32>
    %get3A_139 = arith.constant 0 : index
    %get3A_140 = arith.constant 0 : index
    %get3A_141 = vector.load %arg17[%get3A_139, %get3A_140] : memref<128x128xf32, #tpu.memory_space<vmem>>, vector<128x128xf32>
    %dot_general3A_142 = arith.constant dense<0.000000e+00> : vector<1024x128xf32>
    %dot_general3A_143 = tpu.matmul %get3A_101, %get3A_141, %dot_general3A_142 {dimension_numbers = #tpu.dot_dimension_numbers<[1], [0], [0], [1], [0, 0, 1, 1], [], []>, transpose_lhs_hint = false} : vector<1024x128xf32>, vector<128x128xf32>, vector<1024x128xf32> -> vector<1024x128xf32>
    %add3A_144 = arith.addf %add3A_138, %dot_general3A_143 : vector<1024x128xf32>
    %max3A_145 = arith.constant 0.000000e+00 : f32
    %max3A_146 = vector.broadcast %max3A_145 : f32 to vector<1024x128xf32>
    %max3A_147 = arith.maximumf %add3A_144, %max3A_146 : vector<1024x128xf32>
    %eq3A = arith.constant 0 : i32
    %eq3A_148 = arith.cmpi eq, %arg0, %eq3A : i32
    %convert_element_type3A_149 = arith.extui %eq3A_148 : i1 to i32
    %cond3A = arith.constant 0 : i32
    %cond3A_150 = arith.cmpi ne, %convert_element_type3A_149, %cond3A : i32
    scf.if %cond3A_150 {
      %broadcast_in_dim3A_258 = arith.constant 0.000000e+00 : f32
      %broadcast_in_dim3A_259 = vector.broadcast %broadcast_in_dim3A_258 : f32 to vector<1x128xf32>
      %swap3A_260 = arith.constant 0 : index
      %swap3A_261 = arith.constant 0 : index
      %swap3A_262 = vector.load %arg22[%swap3A_260, %swap3A_261] : memref<1x128xf32, #tpu.memory_space<vmem>>, vector<1x128xf32>
      tpu.vector_store %arg22[%swap3A_260, %swap3A_261], %broadcast_in_dim3A_259 {strides = array<i32>} : memref<1x128xf32, #tpu.memory_space<vmem>>, vector<1x128xf32>,
      %broadcast_in_dim3A_263 = arith.constant 0.000000e+00 : f32
      %broadcast_in_dim3A_264 = vector.broadcast %broadcast_in_dim3A_263 : f32 to vector<1x128xf32>
      %swap3A_265 = arith.constant 0 : index
      %swap3A_266 = arith.constant 0 : index
      %swap3A_267 = vector.load %arg23[%swap3A_265, %swap3A_266] : memref<1x128xf32, #tpu.memory_space<vmem>>, vector<1x128xf32>
      tpu.vector_store %arg23[%swap3A_265, %swap3A_266], %broadcast_in_dim3A_264 {strides = array<i32>} : memref<1x128xf32, #tpu.memory_space<vmem>>, vector<1x128xf32>,
      %broadcast_in_dim3A_268 = arith.constant 0.000000e+00 : f32
      %broadcast_in_dim3A_269 = vector.broadcast %broadcast_in_dim3A_268 : f32 to vector<1x128xf32>
      %swap3A_270 = arith.constant 0 : index
      %swap3A_271 = arith.constant 0 : index
      %swap3A_272 = vector.load %arg24[%swap3A_270, %swap3A_271] : memref<1x128xf32, #tpu.memory_space<vmem>>, vector<1x128xf32>
      tpu.vector_store %arg24[%swap3A_270, %swap3A_271], %broadcast_in_dim3A_269 {strides = array<i32>} : memref<1x128xf32, #tpu.memory_space<vmem>>, vector<1x128xf32>,
      %broadcast_in_dim3A_273 = arith.constant 0.000000e+00 : f32
      %broadcast_in_dim3A_274 = vector.broadcast %broadcast_in_dim3A_273 : f32 to vector<1x1xf32>
      %swap3A_275 = arith.constant 0 : index
      %swap3A_276 = arith.constant 0 : index
      %swap3A_277 = vector.load %arg25[%swap3A_275, %swap3A_276] : memref<1x1xf32, #tpu.memory_space<vmem>>, vector<1x1xf32>
      tpu.vector_store %arg25[%swap3A_275, %swap3A_276], %broadcast_in_dim3A_274 {strides = array<i32>} : memref<1x1xf32, #tpu.memory_space<vmem>>, vector<1x1xf32>,
      %broadcast_in_dim3A_278 = arith.constant 0.000000e+00 : f32
      %broadcast_in_dim3A_279 = vector.broadcast %broadcast_in_dim3A_278 : f32 to vector<1x1xf32>
      %swap3A_280 = arith.constant 0 : index
      %swap3A_281 = arith.constant 0 : index
      %swap3A_282 = vector.load %arg26[%swap3A_280, %swap3A_281] : memref<1x1xf32, #tpu.memory_space<vmem>>, vector<1x1xf32>
      tpu.vector_store %arg26[%swap3A_280, %swap3A_281], %broadcast_in_dim3A_279 {strides = array<i32>} : memref<1x1xf32, #tpu.memory_space<vmem>>, vector<1x1xf32>,
    } else {
    }
    %get3A_151 = arith.constant 0 : index
    %get3A_152 = arith.constant 0 : index
    %get3A_153 = vector.load %arg22[%get3A_151, %get3A_152] : memref<1x128xf32, #tpu.memory_space<vmem>>, vector<1x128xf32>
    %mul3A_154 = vector.broadcast %convert_element_type3A_4 : vector<1024x1xf32> to vector<1024x128xf32>
    %mul3A_155 = arith.mulf %max3A_49, %mul3A_154 : vector<1024x128xf32>
    %reduce_sum3A = arith.constant dense<0.000000e+00> : vector<128xf32>
    %reduce_sum3A_156 = vector.multi_reduction <add>, %mul3A_155, %reduce_sum3A [0] : vector<1024x128xf32> to vector<128xf32>
    %broadcast_in_dim3A = vector.shape_cast %reduce_sum3A_156 : vector<128xf32> to vector<1x128xf32>
    %add3A_157 = arith.addf %get3A_153, %broadcast_in_dim3A : vector<1x128xf32>
    %swap3A = arith.constant 0 : index
    %swap3A_158 = arith.constant 0 : index
    %swap3A_159 = vector.load %arg22[%swap3A, %swap3A_158] : memref<1x128xf32, #tpu.memory_space<vmem>>, vector<1x128xf32>
    tpu.vector_store %arg22[%swap3A, %swap3A_158], %add3A_157 {strides = array<i32>} : memref<1x128xf32, #tpu.memory_space<vmem>>, vector<1x128xf32>,
    %get3A_160 = arith.constant 0 : index
    %get3A_161 = arith.constant 0 : index
    %get3A_162 = vector.load %arg23[%get3A_160, %get3A_161] : memref<1x128xf32, #tpu.memory_space<vmem>>, vector<1x128xf32>
    %mul3A_163 = vector.broadcast %convert_element_type3A_4 : vector<1024x1xf32> to vector<1024x128xf32>
    %mul3A_164 = arith.mulf %max3A_98, %mul3A_163 : vector<1024x128xf32>
    %reduce_sum3A_165 = arith.constant dense<0.000000e+00> : vector<128xf32>
    %reduce_sum3A_166 = vector.multi_reduction <add>, %mul3A_164, %reduce_sum3A_165 [0] : vector<1024x128xf32> to vector<128xf32>
    %broadcast_in_dim3A_167 = vector.shape_cast %reduce_sum3A_166 : vector<128xf32> to vector<1x128xf32>
    %add3A_168 = arith.addf %get3A_162, %broadcast_in_dim3A_167 : vector<1x128xf32>
    %swap3A_169 = arith.constant 0 : index
    %swap3A_170 = arith.constant 0 : index
    %swap3A_171 = vector.load %arg23[%swap3A_169, %swap3A_170] : memref<1x128xf32, #tpu.memory_space<vmem>>, vector<1x128xf32>
    tpu.vector_store %arg23[%swap3A_169, %swap3A_170], %add3A_168 {strides = array<i32>} : memref<1x128xf32, #tpu.memory_space<vmem>>, vector<1x128xf32>,
    %get3A_172 = arith.constant 0 : index
    %get3A_173 = arith.constant 0 : index
    %get3A_174 = vector.load %arg24[%get3A_172, %get3A_173] : memref<1x128xf32, #tpu.memory_space<vmem>>, vector<1x128xf32>
    %mul3A_175 = vector.broadcast %convert_element_type3A_4 : vector<1024x1xf32> to vector<1024x128xf32>
    %mul3A_176 = arith.mulf %max3A_147, %mul3A_175 : vector<1024x128xf32>
    %reduce_sum3A_177 = arith.constant dense<0.000000e+00> : vector<128xf32>
    %reduce_sum3A_178 = vector.multi_reduction <add>, %mul3A_176, %reduce_sum3A_177 [0] : vector<1024x128xf32> to vector<128xf32>
    %broadcast_in_dim3A_179 = vector.shape_cast %reduce_sum3A_178 : vector<128xf32> to vector<1x128xf32>
    %add3A_180 = arith.addf %get3A_174, %broadcast_in_dim3A_179 : vector<1x128xf32>
    %swap3A_181 = arith.constant 0 : index
    %swap3A_182 = arith.constant 0 : index
    %swap3A_183 = vector.load %arg24[%swap3A_181, %swap3A_182] : memref<1x128xf32, #tpu.memory_space<vmem>>, vector<1x128xf32>
    tpu.vector_store %arg24[%swap3A_181, %swap3A_182], %add3A_180 {strides = array<i32>} : memref<1x128xf32, #tpu.memory_space<vmem>>, vector<1x128xf32>,
    %get3A_184 = arith.constant 0 : index
    %get3A_185 = arith.constant 0 : index
    %get3A_186 = vector.load %arg25[%get3A_184, %get3A_185] : memref<1x1xf32, #tpu.memory_space<vmem>>, vector<1x1xf32>
    %get3A_187 = arith.constant 0 : index
    %get3A_188 = arith.constant 0 : index
    %get3A_189 = vector.load %arg18[%get3A_187, %get3A_188] : memref<128x128xf32, #tpu.memory_space<vmem>>, vector<128x128xf32>
    %dot_general3A_190 = arith.constant dense<0.000000e+00> : vector<1024x128xf32>
    %dot_general3A_191 = tpu.matmul %max3A_49, %get3A_189, %dot_general3A_190 {dimension_numbers = #tpu.dot_dimension_numbers<[1], [0], [0], [1], [0, 0, 1, 1], [], []>, transpose_lhs_hint = false} : vector<1024x128xf32>, vector<128x128xf32>, vector<1024x128xf32> -> vector<1024x128xf32>
    %get3A_192 = arith.constant 0 : index
    %get3A_193 = arith.constant 0 : index
    %get3A_194 = vector.load %arg19[%get3A_192, %get3A_193] : memref<1x128xf32, #tpu.memory_space<vmem>>, vector<1x128xf32>
    %add3A_195 = vector.broadcast %get3A_194 : vector<1x128xf32> to vector<1024x128xf32>
    %add3A_196 = arith.addf %dot_general3A_191, %add3A_195 : vector<1024x128xf32>
    %tanh3A = math.tanh %add3A_196 : vector<1024x128xf32>
    %get3A_197 = arith.constant 0 : index
    %get3A_198 = arith.constant 0 : index
    %get3A_199 = vector.load %arg20[%get3A_197, %get3A_198] : memref<128x1xf32, #tpu.memory_space<vmem>>, vector<128x1xf32>
    %dot_general3A_200 = arith.constant dense<0.000000e+00> : vector<1024x1xf32>
    %dot_general3A_201 = tpu.matmul %tanh3A, %get3A_199, %dot_general3A_200 {dimension_numbers = #tpu.dot_dimension_numbers<[1], [0], [0], [1], [0, 0, 1, 1], [], []>, transpose_lhs_hint = false} : vector<1024x128xf32>, vector<128x1xf32>, vector<1024x1xf32> -> vector<1024x1xf32>
    %mul3A_202 = arith.mulf %dot_general3A_201, %convert_element_type3A_4 : vector<1024x1xf32>
    %reduce_sum3A_203 = vector.shape_cast %mul3A_202 : vector<1024x1xf32> to vector<1x1024x1xf32>
    %reduce_sum3A_204 = arith.constant dense<0.000000e+00> : vector<1xf32>
    %reduce_sum3A_205 = vector.multi_reduction <add>, %reduce_sum3A_203, %reduce_sum3A_204 [1, 2] : vector<1x1024x1xf32> to vector<1xf32>
    %reduce_sum3A_206 = vector.shape_cast %reduce_sum3A_205 : vector<1xf32> to vector<1x1x1xf32>
    %reduce_sum3A_207 = vector.extract %reduce_sum3A_206[0, 0, 0] : f32 from vector<1x1x1xf32>
    %reshape3A = vector.broadcast %reduce_sum3A_207 : f32 to vector<1x1xf32>
    %add3A_208 = arith.addf %get3A_186, %reshape3A : vector<1x1xf32>
    %swap3A_209 = arith.constant 0 : index
    %swap3A_210 = arith.constant 0 : index
    %swap3A_211 = vector.load %arg25[%swap3A_209, %swap3A_210] : memref<1x1xf32, #tpu.memory_space<vmem>>, vector<1x1xf32>
    tpu.vector_store %arg25[%swap3A_209, %swap3A_210], %add3A_208 {strides = array<i32>} : memref<1x1xf32, #tpu.memory_space<vmem>>, vector<1x1xf32>,
    %get3A_212 = arith.constant 0 : index
    %get3A_213 = arith.constant 0 : index
    %get3A_214 = vector.load %arg26[%get3A_212, %get3A_213] : memref<1x1xf32, #tpu.memory_space<vmem>>, vector<1x1xf32>
    %get3A_215 = arith.constant 0 : index
    %get3A_216 = arith.constant 0 : index
    %get3A_217 = vector.load %arg18[%get3A_215, %get3A_216] : memref<128x128xf32, #tpu.memory_space<vmem>>, vector<128x128xf32>
    %dot_general3A_218 = arith.constant dense<0.000000e+00> : vector<1024x128xf32>
    %dot_general3A_219 = tpu.matmul %max3A_98, %get3A_217, %dot_general3A_218 {dimension_numbers = #tpu.dot_dimension_numbers<[1], [0], [0], [1], [0, 0, 1, 1], [], []>, transpose_lhs_hint = false} : vector<1024x128xf32>, vector<128x128xf32>, vector<1024x128xf32> -> vector<1024x128xf32>
    %get3A_220 = arith.constant 0 : index
    %get3A_221 = arith.constant 0 : index
    %get3A_222 = vector.load %arg19[%get3A_220, %get3A_221] : memref<1x128xf32, #tpu.memory_space<vmem>>, vector<1x128xf32>
    %add3A_223 = vector.broadcast %get3A_222 : vector<1x128xf32> to vector<1024x128xf32>
    %add3A_224 = arith.addf %dot_general3A_219, %add3A_223 : vector<1024x128xf32>
    %tanh3A_225 = math.tanh %add3A_224 : vector<1024x128xf32>
    %get3A_226 = arith.constant 0 : index
    %get3A_227 = arith.constant 0 : index
    %get3A_228 = vector.load %arg20[%get3A_226, %get3A_227] : memref<128x1xf32, #tpu.memory_space<vmem>>, vector<128x1xf32>
    %dot_general3A_229 = arith.constant dense<0.000000e+00> : vector<1024x1xf32>
    %dot_general3A_230 = tpu.matmul %tanh3A_225, %get3A_228, %dot_general3A_229 {dimension_numbers = #tpu.dot_dimension_numbers<[1], [0], [0], [1], [0, 0, 1, 1], [], []>, transpose_lhs_hint = false} : vector<1024x128xf32>, vector<128x1xf32>, vector<1024x1xf32> -> vector<1024x1xf32>
    %mul3A_231 = arith.mulf %dot_general3A_230, %convert_element_type3A_4 : vector<1024x1xf32>
    %reduce_sum3A_232 = vector.shape_cast %mul3A_231 : vector<1024x1xf32> to vector<1x1024x1xf32>
    %reduce_sum3A_233 = arith.constant dense<0.000000e+00> : vector<1xf32>
    %reduce_sum3A_234 = vector.multi_reduction <add>, %reduce_sum3A_232, %reduce_sum3A_233 [1, 2] : vector<1x1024x1xf32> to vector<1xf32>
    %reduce_sum3A_235 = vector.shape_cast %reduce_sum3A_234 : vector<1xf32> to vector<1x1x1xf32>
    %reduce_sum3A_236 = vector.extract %reduce_sum3A_235[0, 0, 0] : f32 from vector<1x1x1xf32>
    %reshape3A_237 = vector.broadcast %reduce_sum3A_236 : f32 to vector<1x1xf32>
    %add3A_238 = arith.addf %get3A_214, %reshape3A_237 : vector<1x1xf32>
    %swap3A_239 = arith.constant 0 : index
    %swap3A_240 = arith.constant 0 : index
    %swap3A_241 = vector.load %arg26[%swap3A_239, %swap3A_240] : memref<1x1xf32, #tpu.memory_space<vmem>>, vector<1x1xf32>
    tpu.vector_store %arg26[%swap3A_239, %swap3A_240], %add3A_238 {strides = array<i32>} : memref<1x1xf32, #tpu.memory_space<vmem>>, vector<1x1xf32>,
    %get3A_242 = arith.constant 0 : index
    %get3A_243 = arith.constant 0 : index
    %get3A_244 = vector.load %arg21[%get3A_242, %get3A_243] : memref<128x1xf32, #tpu.memory_space<vmem>>, vector<128x1xf32>
    %dot_general3A_245 = arith.constant dense<0.000000e+00> : vector<1024x1xf32>
    %dot_general3A_246 = tpu.matmul %max3A_49, %get3A_244, %dot_general3A_245 {dimension_numbers = #tpu.dot_dimension_numbers<[1], [0], [0], [1], [0, 0, 1, 1], [], []>, transpose_lhs_hint = false} : vector<1024x128xf32>, vector<128x1xf32>, vector<1024x1xf32> -> vector<1024x1xf32>
    %swap3A_247 = arith.constant 0 : index
    %swap3A_248 = arith.constant 0 : index
    %swap3A_249 = vector.load %arg27[%swap3A_247, %swap3A_248] : memref<1024x1xf32, #tpu.memory_space<vmem>>, vector<1024x1xf32>
    tpu.vector_store %arg27[%swap3A_247, %swap3A_248], %dot_general3A_246 {strides = array<i32>} : memref<1024x1xf32, #tpu.memory_space<vmem>>, vector<1024x1xf32>,
    %get3A_250 = arith.constant 0 : index
    %get3A_251 = arith.constant 0 : index
    %get3A_252 = vector.load %arg21[%get3A_250, %get3A_251] : memref<128x1xf32, #tpu.memory_space<vmem>>, vector<128x1xf32>
    %dot_general3A_253 = arith.constant dense<0.000000e+00> : vector<1024x1xf32>
    %dot_general3A_254 = tpu.matmul %max3A_98, %get3A_252, %dot_general3A_253 {dimension_numbers = #tpu.dot_dimension_numbers<[1], [0], [0], [1], [0, 0, 1, 1], [], []>, transpose_lhs_hint = false} : vector<1024x128xf32>, vector<128x1xf32>, vector<1024x1xf32> -> vector<1024x1xf32>
    %swap3A_255 = arith.constant 0 : index
    %swap3A_256 = arith.constant 0 : index
    %swap3A_257 = vector.load %arg28[%swap3A_255, %swap3A_256] : memref<1024x1xf32, #tpu.memory_space<vmem>>, vector<1024x1xf32>
    tpu.vector_store %arg28[%swap3A_255, %swap3A_256], %dot_general3A_254 {strides = array<i32>} : memref<1024x1xf32, #tpu.memory_space<vmem>>, vector<1024x1xf32>,
    return
  }
  func.func @transform_0(%arg0: i32) -> (i32, i32, i32) {
    %c0_i32 = arith.constant 0 : i32
    %c0_i32_0 = arith.constant 0 : i32
    %c0_i32_1 = arith.constant 0 : i32
    return %c0_i32, %arg0, %c0_i32_0 : i32, i32, i32
  }
  func.func @transform_1(%arg0: i32) -> (i32, i32, i32) {
    %c0_i32 = arith.constant 0 : i32
    %c0_i32_0 = arith.constant 0 : i32
    %c0_i32_1 = arith.constant 0 : i32
    return %c0_i32, %arg0, %c0_i32_0 : i32, i32, i32
  }
  func.func @transform_2(%arg0: i32) -> (i32, i32, i32) {
    %c2_i32 = arith.constant 2 : i32
    %c0_i32 = arith.constant 0 : i32
    %c0_i32_0 = arith.constant 0 : i32
    return %c2_i32, %arg0, %c0_i32 : i32, i32, i32
  }
  func.func @transform_3(%arg0: i32) -> (i32, i32, i32) {
    %c2_i32 = arith.constant 2 : i32
    %c0_i32 = arith.constant 0 : i32
    %c0_i32_0 = arith.constant 0 : i32
    return %c2_i32, %arg0, %c0_i32 : i32, i32, i32
  }
  func.func @transform_4(%arg0: i32) -> (i32, i32, i32) {
    %c1_i32 = arith.constant 1 : i32
    %c0_i32 = arith.constant 0 : i32
    %c0_i32_0 = arith.constant 0 : i32
    return %c1_i32, %arg0, %c0_i32 : i32, i32, i32
  }
  func.func @transform_5(%arg0: i32) -> (i32, i32, i32) {
    %c1_i32 = arith.constant 1 : i32
    %c0_i32 = arith.constant 0 : i32
    %c0_i32_0 = arith.constant 0 : i32
    return %c1_i32, %arg0, %c0_i32 : i32, i32, i32
  }
  func.func @transform_6(%arg0: i32) -> (i32, i32) {
    %c0_i32 = arith.constant 0 : i32
    %c0_i32_0 = arith.constant 0 : i32
    return %arg0, %c0_i32 : i32, i32
  }
  func.func @transform_7(%arg0: i32) -> (i32, i32) {
    %c0_i32 = arith.constant 0 : i32
    %c0_i32_0 = arith.constant 0 : i32
    return %arg0, %c0_i32 : i32, i32
  }
  func.func @transform_8(%arg0: i32) -> (i32, i32) {
    %c0_i32 = arith.constant 0 : i32
    %c0_i32_0 = arith.constant 0 : i32
    %c0_i32_1 = arith.constant 0 : i32
    return %c0_i32, %c0_i32_0 : i32, i32
  }
  func.func @transform_9(%arg0: i32) -> (i32, i32) {
    %c0_i32 = arith.constant 0 : i32
    %c0_i32_0 = arith.constant 0 : i32
    %c0_i32_1 = arith.constant 0 : i32
    return %c0_i32, %c0_i32_0 : i32, i32
  }
  func.func @transform_10(%arg0: i32) -> (i32, i32) {
    %c0_i32 = arith.constant 0 : i32
    %c0_i32_0 = arith.constant 0 : i32
    %c0_i32_1 = arith.constant 0 : i32
    return %c0_i32, %c0_i32_0 : i32, i32
  }
  func.func @transform_11(%arg0: i32) -> (i32, i32) {
    %c0_i32 = arith.constant 0 : i32
    %c0_i32_0 = arith.constant 0 : i32
    %c0_i32_1 = arith.constant 0 : i32
    return %c0_i32, %c0_i32_0 : i32, i32
  }
  func.func @transform_12(%arg0: i32) -> (i32, i32) {
    %c0_i32 = arith.constant 0 : i32
    %c0_i32_0 = arith.constant 0 : i32
    %c0_i32_1 = arith.constant 0 : i32
    return %c0_i32, %c0_i32_0 : i32, i32
  }
  func.func @transform_13(%arg0: i32) -> (i32, i32) {
    %c0_i32 = arith.constant 0 : i32
    %c0_i32_0 = arith.constant 0 : i32
    %c0_i32_1 = arith.constant 0 : i32
    return %c0_i32, %c0_i32_0 : i32, i32
  }
  func.func @transform_14(%arg0: i32) -> (i32, i32) {
    %c0_i32 = arith.constant 0 : i32
    %c0_i32_0 = arith.constant 0 : i32
    %c0_i32_1 = arith.constant 0 : i32
    return %c0_i32, %c0_i32_0 : i32, i32
  }
  func.func @transform_15(%arg0: i32) -> (i32, i32) {
    %c0_i32 = arith.constant 0 : i32
    %c0_i32_0 = arith.constant 0 : i32
    %c0_i32_1 = arith.constant 0 : i32
    return %c0_i32, %c0_i32_0 : i32, i32
  }
  func.func @transform_16(%arg0: i32) -> (i32, i32) {
    %c0_i32 = arith.constant 0 : i32
    %c0_i32_0 = arith.constant 0 : i32
    %c0_i32_1 = arith.constant 0 : i32
    return %c0_i32, %c0_i32_0 : i32, i32
  }
  func.func @transform_17(%arg0: i32) -> (i32, i32) {
    %c0_i32 = arith.constant 0 : i32
    %c0_i32_0 = arith.constant 0 : i32
    %c0_i32_1 = arith.constant 0 : i32
    return %c0_i32, %c0_i32_0 : i32, i32
  }
  func.func @transform_18(%arg0: i32) -> (i32, i32) {
    %c0_i32 = arith.constant 0 : i32
    %c0_i32_0 = arith.constant 0 : i32
    %c0_i32_1 = arith.constant 0 : i32
    return %c0_i32, %c0_i32_0 : i32, i32
  }
  func.func @transform_19(%arg0: i32) -> (i32, i32) {
    %c0_i32 = arith.constant 0 : i32
    %c0_i32_0 = arith.constant 0 : i32
    %c0_i32_1 = arith.constant 0 : i32
    return %c0_i32, %c0_i32_0 : i32, i32
  }
  func.func @transform_20(%arg0: i32) -> (i32, i32) {
    %c0_i32 = arith.constant 0 : i32
    %c0_i32_0 = arith.constant 0 : i32
    %c0_i32_1 = arith.constant 0 : i32
    return %c0_i32, %c0_i32_0 : i32, i32
  }
  func.func @transform_21(%arg0: i32) -> (i32, i32) {
    %c0_i32 = arith.constant 0 : i32
    %c0_i32_0 = arith.constant 0 : i32
    %c0_i32_1 = arith.constant 0 : i32
    return %c0_i32, %c0_i32_0 : i32, i32
  }
  func.func @transform_22(%arg0: i32) -> (i32, i32) {
    %c0_i32 = arith.constant 0 : i32
    %c0_i32_0 = arith.constant 0 : i32
    %c0_i32_1 = arith.constant 0 : i32
    return %c0_i32, %c0_i32_0 : i32, i32
  }
  func.func @transform_23(%arg0: i32) -> (i32, i32) {
    %c0_i32 = arith.constant 0 : i32
    %c0_i32_0 = arith.constant 0 : i32
    %c0_i32_1 = arith.constant 0 : i32
    return %c0_i32, %c0_i32_0 : i32, i32
  }
  func.func @transform_24(%arg0: i32) -> (i32, i32) {
    %c0_i32 = arith.constant 0 : i32
    %c0_i32_0 = arith.constant 0 : i32
    %c0_i32_1 = arith.constant 0 : i32
    return %c0_i32, %c0_i32_0 : i32, i32
  }
  func.func @transform_25(%arg0: i32) -> (i32, i32) {
    %c0_i32 = arith.constant 0 : i32
    %c0_i32_0 = arith.constant 0 : i32
    %c0_i32_1 = arith.constant 0 : i32
    return %c0_i32, %c0_i32_0 : i32, i32
  }
  func.func @transform_26(%arg0: i32) -> (i32, i32) {
    %c0_i32 = arith.constant 0 : i32
    %c0_i32_0 = arith.constant 0 : i32
    return %arg0, %c0_i32 : i32, i32
  }
  func.func @transform_27(%arg0: i32) -> (i32, i32) {
    %c0_i32 = arith.constant 0 : i32
    %c0_i32_0 = arith.constant 0 : i32
    return %arg0, %c0_i32 : i32, i32
  }
}

module attributes {stable_mosaic.version = 14 : i64} {
  func.func @_head_body(%arg0: memref<1x128xf32, #tpu.memory_space<vmem>>, %arg1: memref<1x128xf32, #tpu.memory_space<vmem>>, %arg2: memref<1x128xf32, #tpu.memory_space<vmem>>, %arg3: memref<1x1xf32, #tpu.memory_space<vmem>>, %arg4: memref<1x1xf32, #tpu.memory_space<vmem>>, %arg5: memref<1x128xf32, #tpu.memory_space<vmem>>, %arg6: memref<1x128xf32, #tpu.memory_space<vmem>>, %arg7: memref<1x128xf32, #tpu.memory_space<vmem>>, %arg8: memref<1x1xf32, #tpu.memory_space<vmem>>, %arg9: memref<1x1xf32, #tpu.memory_space<vmem>>, %arg10: memref<10240x1xf32, #tpu.memory_space<vmem>>, %arg11: memref<10240x1xf32, #tpu.memory_space<vmem>>, %arg12: memref<2x128xf32, #tpu.memory_space<vmem>>, %arg13: memref<256x128xf32, #tpu.memory_space<vmem>>, %arg14: memref<1x128xf32, #tpu.memory_space<vmem>>, %arg15: memref<128x128xf32, #tpu.memory_space<vmem>>, %arg16: memref<128x128xf32, #tpu.memory_space<vmem>>, %arg17: memref<128x128xf32, #tpu.memory_space<vmem>>, %arg18: memref<128x128xf32, #tpu.memory_space<vmem>>, %arg19: memref<1x128xf32, #tpu.memory_space<vmem>>, %arg20: memref<128x1xf32, #tpu.memory_space<vmem>>, %arg21: memref<1x1xf32, #tpu.memory_space<vmem>>, %arg22: memref<1x1xf32, #tpu.memory_space<vmem>>, %arg23: memref<1x1xf32, #tpu.memory_space<vmem>>, %arg24: memref<10240x1xf32, #tpu.memory_space<vmem>>) attributes {dimension_semantics = [], scalar_prefetch = 0 : i64, scratch_operands = 0 : i64, tpu.core_type = #tpu.core_type<tc>} {
    %get3A = arith.constant 0 : index
    %get3A_0 = arith.constant 0 : index
    %get3A_1 = vector.load %arg3[%get3A, %get3A_0] : memref<1x1xf32, #tpu.memory_space<vmem>>, vector<1x1xf32>
    %get3A_2 = vector.extract %get3A_1[0, 0] : f32 from vector<1x1xf32>
    %mul3A = arith.constant 9.99999974E-5 : f32
    %mul3A_3 = arith.mulf %get3A_2, %mul3A : f32
    %get3A_4 = arith.constant 0 : index
    %get3A_5 = arith.constant 0 : index
    %get3A_6 = vector.load %arg4[%get3A_4, %get3A_5] : memref<1x1xf32, #tpu.memory_space<vmem>>, vector<1x1xf32>
    %get3A_7 = vector.extract %get3A_6[0, 0] : f32 from vector<1x1xf32>
    %mul3A_8 = arith.constant 9.99999974E-5 : f32
    %mul3A_9 = arith.mulf %get3A_7, %mul3A_8 : f32
    %max3A = arith.maximumf %mul3A_3, %mul3A_9 : f32
    %sub3A = arith.subf %mul3A_3, %max3A : f32
    %exp3A = math.exp %sub3A : f32
    %sub3A_10 = arith.subf %mul3A_9, %max3A : f32
    %exp3A_11 = math.exp %sub3A_10 : f32
    %add3A = arith.addf %exp3A, %exp3A_11 : f32
    %div3A = arith.divf %exp3A, %add3A : f32
    %add3A_12 = arith.addf %exp3A, %exp3A_11 : f32
    %div3A_13 = arith.divf %exp3A_11, %add3A_12 : f32
    %get3A_14 = arith.constant 0 : index
    %get3A_15 = arith.constant 0 : index
    %get3A_16 = vector.load %arg8[%get3A_14, %get3A_15] : memref<1x1xf32, #tpu.memory_space<vmem>>, vector<1x1xf32>
    %get3A_17 = vector.extract %get3A_16[0, 0] : f32 from vector<1x1xf32>
    %mul3A_18 = arith.constant 9.99999974E-5 : f32
    %mul3A_19 = arith.mulf %get3A_17, %mul3A_18 : f32
    %get3A_20 = arith.constant 0 : index
    %get3A_21 = arith.constant 0 : index
    %get3A_22 = vector.load %arg9[%get3A_20, %get3A_21] : memref<1x1xf32, #tpu.memory_space<vmem>>, vector<1x1xf32>
    %get3A_23 = vector.extract %get3A_22[0, 0] : f32 from vector<1x1xf32>
    %mul3A_24 = arith.constant 9.99999974E-5 : f32
    %mul3A_25 = arith.mulf %get3A_23, %mul3A_24 : f32
    %max3A_26 = arith.maximumf %mul3A_19, %mul3A_25 : f32
    %sub3A_27 = arith.subf %mul3A_19, %max3A_26 : f32
    %exp3A_28 = math.exp %sub3A_27 : f32
    %sub3A_29 = arith.subf %mul3A_25, %max3A_26 : f32
    %exp3A_30 = math.exp %sub3A_29 : f32
    %add3A_31 = arith.addf %exp3A_28, %exp3A_30 : f32
    %div3A_32 = arith.divf %exp3A_28, %add3A_31 : f32
    %add3A_33 = arith.addf %exp3A_28, %exp3A_30 : f32
    %div3A_34 = arith.divf %exp3A_30, %add3A_33 : f32
    %get3A_35 = arith.constant 0 : index
    %get3A_36 = arith.constant 0 : index
    %get3A_37 = vector.load %arg0[%get3A_35, %get3A_36] : memref<1x128xf32, #tpu.memory_space<vmem>>, vector<1x128xf32>
    %mul3A_38 = vector.broadcast %div3A : f32 to vector<1x128xf32>
    %mul3A_39 = arith.mulf %mul3A_38, %get3A_37 : vector<1x128xf32>
    %get3A_40 = arith.constant 0 : index
    %get3A_41 = arith.constant 0 : index
    %get3A_42 = vector.load %arg1[%get3A_40, %get3A_41] : memref<1x128xf32, #tpu.memory_space<vmem>>, vector<1x128xf32>
    %mul3A_43 = vector.broadcast %div3A_13 : f32 to vector<1x128xf32>
    %mul3A_44 = arith.mulf %mul3A_43, %get3A_42 : vector<1x128xf32>
    %add3A_45 = arith.addf %mul3A_39, %mul3A_44 : vector<1x128xf32>
    %mul3A_46 = arith.constant 9.99999974E-5 : f32
    %mul3A_47 = vector.broadcast %mul3A_46 : f32 to vector<1x128xf32>
    %mul3A_48 = arith.mulf %add3A_45, %mul3A_47 : vector<1x128xf32>
    %get3A_49 = arith.constant 0 : index
    %get3A_50 = arith.constant 0 : index
    %get3A_51 = vector.load %arg5[%get3A_49, %get3A_50] : memref<1x128xf32, #tpu.memory_space<vmem>>, vector<1x128xf32>
    %mul3A_52 = vector.broadcast %div3A_32 : f32 to vector<1x128xf32>
    %mul3A_53 = arith.mulf %mul3A_52, %get3A_51 : vector<1x128xf32>
    %get3A_54 = arith.constant 0 : index
    %get3A_55 = arith.constant 0 : index
    %get3A_56 = vector.load %arg6[%get3A_54, %get3A_55] : memref<1x128xf32, #tpu.memory_space<vmem>>, vector<1x128xf32>
    %mul3A_57 = vector.broadcast %div3A_34 : f32 to vector<1x128xf32>
    %mul3A_58 = arith.mulf %mul3A_57, %get3A_56 : vector<1x128xf32>
    %add3A_59 = arith.addf %mul3A_53, %mul3A_58 : vector<1x128xf32>
    %mul3A_60 = arith.constant 9.99999974E-5 : f32
    %mul3A_61 = vector.broadcast %mul3A_60 : f32 to vector<1x128xf32>
    %mul3A_62 = arith.mulf %add3A_59, %mul3A_61 : vector<1x128xf32>
    %get3A_63 = arith.constant 0 : index
    %get3A_64 = arith.constant 0 : index
    %get3A_65 = vector.load %arg2[%get3A_63, %get3A_64] : memref<1x128xf32, #tpu.memory_space<vmem>>, vector<1x128xf32>
    %mul3A_66 = arith.constant 9.99999974E-5 : f32
    %mul3A_67 = vector.broadcast %mul3A_66 : f32 to vector<1x128xf32>
    %mul3A_68 = arith.mulf %get3A_65, %mul3A_67 : vector<1x128xf32>
    %concatenate3A = tpu.concatenate %mul3A_48, %mul3A_68 in 1 : vector<1x128xf32>, vector<1x128xf32> -> vector<1x256xf32>
    %get3A_69 = arith.constant 0 : index
    %get3A_70 = arith.constant 0 : index
    %get3A_71 = vector.load %arg7[%get3A_69, %get3A_70] : memref<1x128xf32, #tpu.memory_space<vmem>>, vector<1x128xf32>
    %mul3A_72 = arith.constant 9.99999974E-5 : f32
    %mul3A_73 = vector.broadcast %mul3A_72 : f32 to vector<1x128xf32>
    %mul3A_74 = arith.mulf %get3A_71, %mul3A_73 : vector<1x128xf32>
    %concatenate3A_75 = tpu.concatenate %mul3A_62, %mul3A_74 in 1 : vector<1x128xf32>, vector<1x128xf32> -> vector<1x256xf32>
    %concatenate3A_76 = tpu.concatenate %concatenate3A, %concatenate3A_75 in 0 : vector<1x256xf32>, vector<1x256xf32> -> vector<2x256xf32>
    %get3A_77 = arith.constant 0 : index
    %get3A_78 = arith.constant 0 : index
    %get3A_79 = vector.load %arg13[%get3A_77, %get3A_78] : memref<256x128xf32, #tpu.memory_space<vmem>>, vector<256x128xf32>
    %dot_general3A = arith.constant dense<0.000000e+00> : vector<2x128xf32>
    %dot_general3A_80 = tpu.matmul %concatenate3A_76, %get3A_79, %dot_general3A {dimension_numbers = #tpu.dot_dimension_numbers<[1], [0], [0], [1], [0, 0, 1, 1], [], []>, transpose_lhs_hint = false} : vector<2x256xf32>, vector<256x128xf32>, vector<2x128xf32> -> vector<2x128xf32>
    %get3A_81 = arith.constant 0 : index
    %get3A_82 = arith.constant 0 : index
    %get3A_83 = vector.load %arg14[%get3A_81, %get3A_82] : memref<1x128xf32, #tpu.memory_space<vmem>>, vector<1x128xf32>
    %add3A_84 = vector.broadcast %get3A_83 : vector<1x128xf32> to vector<2x128xf32>
    %add3A_85 = arith.addf %dot_general3A_80, %add3A_84 : vector<2x128xf32>
    %get3A_86 = arith.constant 0 : index
    %get3A_87 = arith.constant 0 : index
    %get3A_88 = vector.load %arg12[%get3A_86, %get3A_87] : memref<2x128xf32, #tpu.memory_space<vmem>>, vector<2x128xf32>
    %add3A_89 = arith.addf %add3A_85, %get3A_88 : vector<2x128xf32>
    %get3A_90 = arith.constant 0 : index
    %get3A_91 = arith.constant 0 : index
    %get3A_92 = vector.load %arg15[%get3A_90, %get3A_91] : memref<128x128xf32, #tpu.memory_space<vmem>>, vector<128x128xf32>
    %dot_general3A_93 = arith.constant dense<0.000000e+00> : vector<2x128xf32>
    %dot_general3A_94 = tpu.matmul %add3A_89, %get3A_92, %dot_general3A_93 {dimension_numbers = #tpu.dot_dimension_numbers<[1], [0], [0], [1], [0, 0, 1, 1], [], []>, transpose_lhs_hint = false} : vector<2x128xf32>, vector<128x128xf32>, vector<2x128xf32> -> vector<2x128xf32>
    %get3A_95 = arith.constant 0 : index
    %get3A_96 = arith.constant 0 : index
    %get3A_97 = vector.load %arg16[%get3A_95, %get3A_96] : memref<128x128xf32, #tpu.memory_space<vmem>>, vector<128x128xf32>
    %dot_general3A_98 = arith.constant dense<0.000000e+00> : vector<2x128xf32>
    %dot_general3A_99 = tpu.matmul %add3A_89, %get3A_97, %dot_general3A_98 {dimension_numbers = #tpu.dot_dimension_numbers<[1], [0], [0], [1], [0, 0, 1, 1], [], []>, transpose_lhs_hint = false} : vector<2x128xf32>, vector<128x128xf32>, vector<2x128xf32> -> vector<2x128xf32>
    %get3A_100 = arith.constant 0 : index
    %get3A_101 = arith.constant 0 : index
    %get3A_102 = vector.load %arg17[%get3A_100, %get3A_101] : memref<128x128xf32, #tpu.memory_space<vmem>>, vector<128x128xf32>
    %dot_general3A_103 = arith.constant dense<0.000000e+00> : vector<2x128xf32>
    %dot_general3A_104 = tpu.matmul %add3A_89, %get3A_102, %dot_general3A_103 {dimension_numbers = #tpu.dot_dimension_numbers<[1], [0], [0], [1], [0, 0, 1, 1], [], []>, transpose_lhs_hint = false} : vector<2x128xf32>, vector<128x128xf32>, vector<2x128xf32> -> vector<2x128xf32>
    %dot_general3A_105 = arith.constant dense<0.000000e+00> : vector<2x2xf32>
    %dot_general3A_106 = tpu.matmul %dot_general3A_94, %dot_general3A_99, %dot_general3A_105 {dimension_numbers = #tpu.dot_dimension_numbers<[1], [1], [0], [0], [0, 0, 1, 0], [], []>, transpose_lhs_hint = false} : vector<2x128xf32>, vector<2x128xf32>, vector<2x2xf32> -> vector<2x2xf32>
    %reduce_max3A = arith.constant dense<0xFF800000> : vector<2xf32>
    %reduce_max3A_107 = vector.multi_reduction <maximumf>, %dot_general3A_106, %reduce_max3A [1] : vector<2x2xf32> to vector<2xf32>
    %broadcast_in_dim3A = vector.shape_cast %reduce_max3A_107 : vector<2xf32> to vector<2x1xf32>
    %sub3A_108 = vector.broadcast %broadcast_in_dim3A : vector<2x1xf32> to vector<2x2xf32>
    %sub3A_109 = arith.subf %dot_general3A_106, %sub3A_108 : vector<2x2xf32>
    %exp3A_110 = math.exp %sub3A_109 : vector<2x2xf32>
    %reduce_sum3A = arith.constant dense<0.000000e+00> : vector<2xf32>
    %reduce_sum3A_111 = vector.multi_reduction <add>, %exp3A_110, %reduce_sum3A [1] : vector<2x2xf32> to vector<2xf32>
    %broadcast_in_dim3A_112 = vector.shape_cast %reduce_sum3A_111 : vector<2xf32> to vector<2x1xf32>
    %div3A_113 = vector.broadcast %broadcast_in_dim3A_112 : vector<2x1xf32> to vector<2x2xf32>
    %div3A_114 = arith.divf %exp3A_110, %div3A_113 : vector<2x2xf32>
    %dot_general3A_115 = arith.constant dense<0.000000e+00> : vector<2x128xf32>
    %dot_general3A_116 = tpu.matmul %div3A_114, %dot_general3A_104, %dot_general3A_115 {dimension_numbers = #tpu.dot_dimension_numbers<[1], [0], [0], [1], [0, 0, 1, 1], [], []>, transpose_lhs_hint = false} : vector<2x2xf32>, vector<2x128xf32>, vector<2x128xf32> -> vector<2x128xf32>
    %get3A_117 = arith.constant 0 : index
    %get3A_118 = arith.constant 0 : index
    %get3A_119 = vector.load %arg18[%get3A_117, %get3A_118] : memref<128x128xf32, #tpu.memory_space<vmem>>, vector<128x128xf32>
    %dot_general3A_120 = arith.constant dense<0.000000e+00> : vector<2x128xf32>
    %dot_general3A_121 = tpu.matmul %dot_general3A_116, %get3A_119, %dot_general3A_120 {dimension_numbers = #tpu.dot_dimension_numbers<[1], [0], [0], [1], [0, 0, 1, 1], [], []>, transpose_lhs_hint = false} : vector<2x128xf32>, vector<128x128xf32>, vector<2x128xf32> -> vector<2x128xf32>
    %get3A_122 = arith.constant 0 : index
    %get3A_123 = arith.constant 0 : index
    %get3A_124 = vector.load %arg19[%get3A_122, %get3A_123] : memref<1x128xf32, #tpu.memory_space<vmem>>, vector<1x128xf32>
    %add3A_125 = vector.broadcast %get3A_124 : vector<1x128xf32> to vector<2x128xf32>
    %add3A_126 = arith.addf %dot_general3A_121, %add3A_125 : vector<2x128xf32>
    %max3A_127 = arith.constant 0.000000e+00 : f32
    %max3A_128 = vector.broadcast %max3A_127 : f32 to vector<2x128xf32>
    %max3A_129 = arith.maximumf %add3A_126, %max3A_128 : vector<2x128xf32>
    %get3A_130 = arith.constant 0 : index
    %get3A_131 = arith.constant 0 : index
    %get3A_132 = vector.load %arg20[%get3A_130, %get3A_131] : memref<128x1xf32, #tpu.memory_space<vmem>>, vector<128x1xf32>
    %dot_general3A_133 = arith.constant dense<0.000000e+00> : vector<2x1xf32>
    %dot_general3A_134 = tpu.matmul %max3A_129, %get3A_132, %dot_general3A_133 {dimension_numbers = #tpu.dot_dimension_numbers<[1], [0], [0], [1], [0, 0, 1, 1], [], []>, transpose_lhs_hint = false} : vector<2x128xf32>, vector<128x1xf32>, vector<2x1xf32> -> vector<2x1xf32>
    %get3A_135 = arith.constant 0 : index
    %get3A_136 = arith.constant 0 : index
    %get3A_137 = vector.load %arg21[%get3A_135, %get3A_136] : memref<1x1xf32, #tpu.memory_space<vmem>>, vector<1x1xf32>
    %add3A_138 = vector.broadcast %get3A_137 : vector<1x1xf32> to vector<2x1xf32>
    %add3A_139 = arith.addf %dot_general3A_134, %add3A_138 : vector<2x1xf32>
    %slice3A = vector.extract_strided_slice %add3A_139 {offsets = [1, 0], sizes = [1, 1], strides = [1, 1]} : vector<2x1xf32> to vector<1x1xf32>
    %swap3A = arith.constant 0 : index
    %swap3A_140 = arith.constant 0 : index
    %swap3A_141 = vector.load %arg23[%swap3A, %swap3A_140] : memref<1x1xf32, #tpu.memory_space<vmem>>, vector<1x1xf32>
    tpu.vector_store %arg23[%swap3A, %swap3A_140], %slice3A {strides = array<i32>} : memref<1x1xf32, #tpu.memory_space<vmem>>, vector<1x1xf32>,
    %get3A_142 = arith.constant 0 : index
    %get3A_143 = arith.constant 0 : index
    %get3A_144 = vector.load %arg10[%get3A_142, %get3A_143] : memref<10240x1xf32, #tpu.memory_space<vmem>>, vector<10240x1xf32>
    %mul3A_145 = vector.broadcast %div3A_32 : f32 to vector<10240x1xf32>
    %mul3A_146 = arith.mulf %mul3A_145, %get3A_144 : vector<10240x1xf32>
    %get3A_147 = arith.constant 0 : index
    %get3A_148 = arith.constant 0 : index
    %get3A_149 = vector.load %arg11[%get3A_147, %get3A_148] : memref<10240x1xf32, #tpu.memory_space<vmem>>, vector<10240x1xf32>
    %mul3A_150 = vector.broadcast %div3A_34 : f32 to vector<10240x1xf32>
    %mul3A_151 = arith.mulf %mul3A_150, %get3A_149 : vector<10240x1xf32>
    %add3A_152 = arith.addf %mul3A_146, %mul3A_151 : vector<10240x1xf32>
    %get3A_153 = arith.constant 0 : index
    %get3A_154 = arith.constant 0 : index
    %get3A_155 = vector.load %arg22[%get3A_153, %get3A_154] : memref<1x1xf32, #tpu.memory_space<vmem>>, vector<1x1xf32>
    %add3A_156 = vector.broadcast %get3A_155 : vector<1x1xf32> to vector<10240x1xf32>
    %add3A_157 = arith.addf %add3A_152, %add3A_156 : vector<10240x1xf32>
    %swap3A_158 = arith.constant 0 : index
    %swap3A_159 = arith.constant 0 : index
    %swap3A_160 = vector.load %arg24[%swap3A_158, %swap3A_159] : memref<10240x1xf32, #tpu.memory_space<vmem>>, vector<10240x1xf32>
    tpu.vector_store %arg24[%swap3A_158, %swap3A_159], %add3A_157 {strides = array<i32>} : memref<10240x1xf32, #tpu.memory_space<vmem>>, vector<10240x1xf32>,
    return
  }
}

</mosaic_0001>

<sc_bundles>
// kernel: kernel.12.cloned.1.call-start
scs
__scs_entry_jumppad:
0x0: {  	(pc) =	sbr.rel $0x88, $3  }
0x1: {  	(tag) =	ssettag $0x0;
	lr =	simm.s32 $0x1  }
0x2: {  	[smem:$0x3F7C] =	sst lr;
	_ =	strace $0xD0000000  }
0x3: {  	_ = 	snop  }
0x4: {  	_ = 	snop  }
0x5: {  	_ = 	snop  }
0x6: {  	_ = 	snop  }
0x7: {  	_ = 	snop  }
__scs_overlays_trampoline_lowered:
0x8: {  	[smem:$0x3F8B] =	sst s0  }
0x9: {  	[smem:$0x3F8C] =	sst s1  }
0xa: {  	[smem:$0x3F8D] =	sst s2  }
0xb: {  	[smem:$0x3F8E] =	sst s3  }
0xc: {  	[smem:$0x3F8F] =	sst s4  }
0xd: {  	[smem:$0x3F90] =	sst s5  }
0xe: {  	[smem:$0x3F91] =	sst s6  }
0xf: {  	[smem:$0x3F92] =	sst s7  }
0x10: {  	[smem:$0x3F93] =	sst s8  }
0x11: {  	[smem:$0x3F94] =	sst s9;
	s0 =	simm.s32 @!p0 $0x0  }
0x12: {  	s1 =	sld [smem:$0x3F7A];
	s0 =	simm.s32 @p0 $0x1  }
0x13: {  	[smem:$0x3F95] =	sst s0;
	s0 =	simm.s32 @!p1 $0x0  }
0x14: {  	s2 =	sld [smem:$0x3F79];
	s0 =	simm.s32 @p1 $0x1  }
0x15: {  	[smem:$0x3F96] =	sst s0;
	s0 =	simm.s32 @!p2 $0x0  }
0x16: {  	s3 =	sld [smem:$0x3FDB];
	s0 =	simm.s32 @p2 $0x1  }
0x17: {  	s4 =	simm.s32 $0x1BF5;
	[smem:$0x3F98] =	sst s0  }
0x18: {  	s0 =	sld [smem:$0x3F7B];
	_ =	swait.ge [sflag:s4], $0x0  }
0x19: {  	s7 =	sld [smem:$0x3F7C]  }
0x1a: {  	s8 =	sadd.s32 $0xFFFFE003, lr  }
0x1b: {  	s9 =	sadd.s32 $0xFFFFFEF7, lr;
	s5 =	simm.s32 $0xFFFFFFFF;
	p2 =	slt.u32 s8, $0xFFFFF086  }
0x1c: {  	p1 =	slt.u32 s9, $0xF7A;
	s5 =	simm.s32 @!p2 $0x0  }
0x1d: {  	s5 =	simm.s32 @p1 $0x1;
	p0 =	seq.s32 s7, s2  }
0x1e: {  	s7 =	smul.u32 @!p0 $0xF7A, s2;
	p2 =	seq.s32 @!p0 s5, $0x0  }
0x1f: {  	s9 =	smul.u32 $0xF7A, s1;
	s8 =	simm.s32 @!p0 $0x1BF5;
	p2 =	por !p2, p0  }
0x20: {  	[sflag:s8] =	ssyncset.s32 @!p0 $0xFFFFF086;
	s6 =	sadd.s32 @!p0 s3, s7;
	s7 =	simm.s32 @!p0 $0x108  }
0x21: {  	s3 =	sadd.s32 s3, s9;
	s6 =	sadd.s32 @!p0 $0x88, s6;
	s7 =	simm.s32 @p2 $0x1082  }
0x22: {  	[simem:s7], [sflag:s8] =	dma.local @!p0 [hbm:s6], $0xF7A  }
0x23: {  	s9 =	sor.u32 $0xD0000000, s2;
	s6 =	simm.s32 $0x108;
	_ =	swait.ge @!p0 [sflag:s8], $0x0  }
0x24: {  	s3 =	sadd.s32 $0x88, s3;
	s6 =	simm.s32 @!p1 $0x1082;
	[sflag:s4] =	ssyncset.s32 $0xFFFFF086  }
0x25: {  	[simem:s6], [sflag:s4] =	dma.local [hbm:s3], $0xF7A  }
0x26: {  	[smem:$0x3F7C] =	sst s1;
	(tag) =	ssettag s2;
	_ =	strace s9  }
0x27: {  	s1 =	sld [smem:$0x3F8C]  }
0x28: {  	s2 =	sld [smem:$0x3F8D]  }
0x29: {  	s4 =	sld [smem:$0x3F8F]  }
0x2a: {  	p0 =	seq.s32 s5, $0x0;
	s5 =	sld [smem:$0x3F90]  }
0x2b: {  	s6 =	sld [smem:$0x3F91]  }
0x2c: {  	s7 =	sld [smem:$0x3F92]  }
0x2d: {  	s3 =	simm.s32 $0x108;
	s8 =	sld [smem:$0x3F93]  }
0x2e: {  	s3 =	simm.s32 @!p0 $0x1082;
	s9 =	sld [smem:$0x3F94]  }
0x2f: {  	lr =	sadd.s32 s0, s3;
	s0 =	sld [smem:$0x3F8B]  }
0x30: {  	s3 =	sld [smem:$0x3F8E]  }
0x31: {  	[smem:$0x3F97] =	sst s10  }
0x32: {  	s10 =	sld [smem:$0x3F95];
	_ =	sdelay $0x3  }
0x33: {  	p0 =	seq.s32 s10, $0x1;
	s10 =	sld [smem:$0x3F97];
	_ =	sdelay $0x3  }
0x34: {  	[smem:$0x3F97] =	sst s10  }
0x35: {  	s10 =	sld [smem:$0x3F96];
	_ =	sdelay $0x3  }
0x36: {  	p1 =	seq.s32 s10, $0x1;
	s10 =	sld [smem:$0x3F97];
	_ =	sdelay $0x3  }
0x37: {  	[smem:$0x3F97] =	sst s10  }
0x38: {  	s10 =	sld [smem:$0x3F98]  }
0x39: {  	_ = 	snop;
	(pc) =	sbr.ind lr, $3  }
0x3a: {  	_ = 	snop  }
0x3b: {  	_ = 	snop  }
0x3c: {  	p2 =	seq.s32 s10, $0x1;
	s10 =	sld [smem:$0x3F97]  }
0x3d: {  	_ =	shalt  }
0x3e: {  	_ =	shalt  }
0x3f: {  	_ =	shalt  }
0x40: {  	_ =	shalt  }
0x41: {  	_ =	shalt  }
0x42: {  	_ =	shalt  }
0x43: {  	_ =	shalt  }
0x44: {  	_ =	shalt  }
0x45: {  	_ =	shalt  }
0x46: {  	_ =	shalt  }
0x47: {  	_ =	shalt  }
0x48: {  	_ =	shalt  }
0x49: {  	_ =	shalt  }
0x4a: {  	_ =	shalt  }
0x4b: {  	_ =	shalt  }
0x4c: {  	_ =	shalt  }
0x4d: {  	_ =	shalt  }
0x4e: {  	_ =	shalt  }
0x4f: {  	_ =	shalt  }
0x50: {  	_ =	shalt  }
0x51: {  	_ =	shalt  }
0x52: {  	_ =	shalt  }
0x53: {  	_ =	shalt  }
0x54: {  	_ =	shalt  }
0x55: {  	_ =	shalt  }
0x56: {  	_ =	shalt  }
0x57: {  	_ =	shalt  }
0x58: {  	_ =	shalt  }
0x59: {  	_ =	shalt  }
0x5a: {  	_ =	shalt  }
0x5b: {  	_ =	shalt  }
0x5c: {  	_ =	shalt  }
0x5d: {  	_ =	shalt  }
0x5e: {  	_ =	shalt  }
0x5f: {  	_ =	shalt  }
0x60: {  	_ =	shalt  }
0x61: {  	_ =	shalt  }
0x62: {  	_ =	shalt  }
0x63: {  	_ =	shalt  }
0x64: {  	_ =	shalt  }
0x65: {  	_ =	shalt  }
0x66: {  	_ =	shalt  }
0x67: {  	_ =	shalt  }
0x68: {  	_ =	shalt  }
0x69: {  	_ =	shalt  }
0x6a: {  	_ =	shalt  }
0x6b: {  	_ =	shalt  }
0x6c: {  	_ =	shalt  }
0x6d: {  	_ =	shalt  }
0x6e: {  	_ =	shalt  }
0x6f: {  	_ =	shalt  }
0x70: {  	_ =	shalt  }
0x71: {  	_ =	shalt  }
0x72: {  	_ =	shalt  }
0x73: {  	_ =	shalt  }
0x74: {  	_ =	shalt  }
0x75: {  	_ =	shalt  }
0x76: {  	_ =	shalt  }
0x77: {  	_ =	shalt  }
0x78: {  	_ =	shalt  }
0x79: {  	_ =	shalt  }
0x7a: {  	_ =	shalt  }
0x7b: {  	_ =	shalt  }
0x7c: {  	_ =	shalt  }
0x7d: {  	_ =	shalt  }
0x7e: {  	_ =	shalt  }
0x7f: {  	_ =	shalt  }
0x80: {  	_ =	shalt  }
0x81: {  	_ =	shalt  }
0x82: {  	_ =	shalt  }
0x83: {  	_ =	shalt  }
0x84: {  	_ =	shalt  }
0x85: {  	_ =	shalt  }
0x86: {  	_ =	shalt  }
0x87: {  	_ =	shalt  }
.Lfunc_end0:
.L_simem_size_0:
called_computation_lowered:
.L_overlay_start_0:
0x88: {  	s2 =	sld [smem:$0x3FD9]  }
0x89: {  	s3 =	sld [smem:$0x3FFE];
	_ =	sdelay $0x1  }
0x8a: {  	s1 =	srdreg.scid  }
0x8b: {  	s0 =	sand.u32 $0x1, s1  }
0x8c: {  	s17 =	sshll.u32 s0, $0xA;
	s2 =	sadd.s32 s3, s2  }
0x8d: {  	s2 =	sadd.s32 s2, s17  }
0x8e: {  	[smem:$0x3FA3] =	sst s2  }
0x8f: {  	_ = 	snop  }
0x90: {  	(tm) =	ssettm $0x1  }
0x91: {  	s18 =	sld [smem:$0x3FFB];
	_ =	sdelay $0x3  }
0x92: {  	_ =	strace s18  }
0x93: {  	s2 =	sld [smem:$0x3FFC];
	_ =	sdelay $0x3  }
0x94: {  	_ =	strace s2  }
0x95: {  	s2 =	sld [smem:$0x3FFD];
	_ =	sdelay $0x3  }
0x96: {  	_ =	strace s2  }
0x97: {  	_ =	strace $0x8FFFFFFF  }
0x98: {  	s19 =	sld [smem:$0x3FDB];
	_ =	sdelay $0x1  }
0x99: {  	s20 =	simm.s32 $_scs_section_size  }
0x9a: {  	s4 =	simm.s32 $_size__tile_overlayer_lowered;
	s5 =	simm.s32 $_tile_overlayer_lowered  }
0x9b: {  	s6 =	simm.s32 $0x1BFF;
	s21 =	sshll.u32 s5, $0x1;
	s3 =	sadd.s32 s20, s19  }
0x9c: {  	s22 =	simm.s32 $0x0;
	s4 =	sshll.u32 s4, $0x1;
	s5 =	sadd.s32 s21, s3  }
0x9d: {  	[timem:s22], [sflag:s6] =	dma.local [hbm:s5], s4  }
0x9e: {  	_ =	swait.ge [sflag:s6], s4  }
0x9f: {  	s4 =	ssub.s32 $0x0, s4;
	[sflag:s6] =	ssyncset.done $0x0  }
0xa0: {  	[sflag:s6] =	ssyncadd.s32 s4;
	_ =	sdelay $0x1  }
0xa1: {  	s23 =	simm.s32 $0x1B8B  }
0xa2: {  	_ =	swait.ge [sflag:s23], $0x1  }
0xa3: {  	[sflag:s23] =	ssyncset.done $0x0  }
0xa4: {  	[sflag:s23] =	ssyncadd.s32 $0xFFFFFFFF  }
0xa5: {  	s4 =	sld [smem:$0x0]  }
0xa6: {  	s5 =	sand.u32 $0xFFFFFFFE, s1  }
0xa7: {  	p0 =	sne.s32 s1, s5  }
0xa8: {  	s5 =	sshll.u32 @p0 s5, $0xE  }
0xa9: {  	s5 =	sadd.s32 @p0 $0x11B8D, s5;
	s6 =	sshll.u32 @p0 s4, $0x11  }
0xaa: {  	s5 =	sor.u32 @p0 s6, s5  }
0xab: {  	[sflag:s5] =	ssyncadd.remote.s32 @p0 $0x1;
	_ =	sdelay $0x1  }
0xac: {  	s5 =	simm.s32 @p0 $0x1B8D  }
0xad: {  	_ =	swait.eq @p0 [sflag:s5], $0x1  }
0xae: {  	[sflag:s5] =	ssyncadd.s32 @p0 $0xFFFFFFFF  }
0xaf: {  	s6 =	sshll.u32 @!p0 s1, $0xE  }
0xb0: {  	s6 =	sor.u32 @!p0 $0x4000, s6;
	s5 =	simm.s32 @!p0 $0x1B8D  }
0xb1: {  	s4 =	sshll.u32 @!p0 s4, $0x11;
	s6 =	sadd.s32 @!p0 $0x11B8D, s6;
	_ =	swait.eq @!p0 [sflag:s5], $0x1  }
0xb2: {  	s4 =	sor.u32 @!p0 s4, s6;
	[sflag:s5] =	ssyncadd.s32 @!p0 $0xFFFFFFFF  }
0xb3: {  	s25 =	simm.s32 $0x1B8E;
	s24 =	sld [smem:$0x3FFE];
	[sflag:s4] =	ssyncadd.remote.s32 @!p0 $0x1  }
0xb4: {  	s26 =	simm.s32 $execute0_lowered;
	[smem:$0x3FD2] =	sst s25  }
0xb5: {  	s5 =	sshll.u32 s26, $0x1;
	_ =	strace $0x80000049;
	[dreg:$0x1] =	wrdreg $0xFFFFFFFF  }
0xb6: {  	s28 =	simm.s32 $_size_execute0_lowered;
	s3 =	sadd.s32 s3, s5;
	[dreg:$0x0] =	wrdreg $0x0  }
0xb7: {  	s5 =	sshll.u32 s28, $0x1;
	[dreg:$0x2] =	wrdreg s3  }
0xb8: {  	[dreg:$0x3] =	wrdreg s5  }
0xb9: {  	[dreg:$0x4] =	wrdreg $0xC0  }
0xba: {  	_ =	task [dreg:s22], $0x5FFFF  }
0xbb: {  	[dreg:$0x1] =	wrdreg $0xFFFFFFFF  }
0xbc: {  	[dreg:$0x0] =	wrdreg $0x60  }
0xbd: {  	[dreg:$0x2] =	wrdreg s24  }
0xbe: {  	[dreg:$0x3] =	wrdreg $0x54000  }
0xbf: {  	[dreg:$0x4] =	wrdreg $0x9  }
0xc0: {  	_ =	task.clear_ibuf [dreg:s22], $0x5FFFF;
	_ =	strace $0x90000049  }
0xc1: {  	s29 =	simm.s32 $0x9;
	_ =	strace $0x8000004B  }
0xc2: {  	_ =	swait.ge [sflag:s29], $0x1  }
0xc3: {  	[sflag:s29] =	ssyncadd.s32 $0xFFFFFFFF  }
0xc4: {  	_ =	strace $0x9000004B  }
0xc5: {  	_ =	sfence  }
0xc6: {  	s30 =	sld [smem:$0x0];
	_ =	sdelay $0x2  }
0xc7: {  	s31 =	sshll.u32 s1, $0xD;
	s1 =	sshrl.u32 s1, $0x2  }
0xc8: {  	s4 =	sand.u32 $0x4000, s31;
	s1 =	sadd.s32 s1, s30  }
0xc9: {  	s0 =	sor.u32 s4, s0;
	s1 =	sshll.u32 s1, $0x11  }
0xca: {  	s0 =	sor.u32 s1, s0  }
0xcb: {  	s0 =	sadd.s32 $0x8F2B, s0  }
0xcc: {  	[sflag:s0] =	ssyncadd.remote.s32 $0x1  }
0xcd: {  	_ =	sfence.sel $0xFFFF  }
0xce: {  	[dreg:$0x0] =	wrdreg $0xFFFFFFFF;
	(pc) =	sbr.abs _section_cstart, $3  }
0xcf: {  	[dreg:$0x1] =	wrdreg $0xFFFFFFFF  }
0xd0: {  	_ =	task.clear_ibuf [dreg:s22], $0x2FFFF;
	_ =	strace $0x9FFFFFFF  }
0xd1: {  	(tm) =	ssettm $0x7FFFFFFF  }
tec
execute0_lowered:
.L_overlay_start_1:
0x0: {  	(tag) =	ssettag $0x1  }
0x1: {  	s6 =	rddreg [dreg:$0x0]  }
0x2: {  	s1 =	rddreg [dreg:$0x1]  }
0x3: {  	s0 =	rddreg [dreg:$0x2]  }
0x4: {  	s3 =	simm.s32 $0x0;
	s4 =	srdreg.scid;
	s2 =	stileid.u32  }
0x5: {  	s19 =	simm.s32 $0x1400;
	s20 =	simm.s32 $0x3;
	s23 =	simm.s32 $0x80  }
0x6: {  	s24 =	simm.s32 $0x1;
	[smem:$0x7FF] =	sst s3;
	s7 =	sand.u32 $0x1, s4  }
0x7: {  	s8 =	smul.u32 $0x14000, s2;
	s9 =	sadd.s32 $0x165800, s6;
	s4 =	sadd.s32 $0x73000, s6  }
0x8: {  	s5 =	sadd.s32 $0x183800, s6;
	s11 =	sshll.u32 s2, $0x1;
	s26 =	smul.u32 $0x50000, s2  }
0x9: {  	s21 =	sshll.u32 s2, $0x6;
	s10 =	smul.u32 $0x140000, s7;
	s25 =	sor.u32 s7, s11  }
0xa: {  	_ =	strace $0x8000004A;
	s7 =	ssub.s32 $0x2, s7;
	s12 =	smul.u32 $0x1400, s25  }
0xb: {  	s21 =	sor.u32 $0x1C03, s21;
	s28 =	sshrl.u32 s7, $0x1;
	s29 =	smul.u32 $0x280, s25  }
0xc: {  	s30 =	sshrl.u32 s26, $0x2;
	s25 =	simm.s32 $0x2;
	s26 =	simm.s32 $0x0  }
0xd: {  	s8 =	sadd.s32 s8, s10;
	s18 =	ssub.s32 s7, s28;
	s22 =	sadd.s32 s30, s1  }
0xe: {  	s8 =	sshrl.u32 s8, $0x3;
	s31 =	sshrl.u32 s12, $0x3;
	s18 =	smax.u32 s18, $0x1  }
0xf: {  	s22 =	sshrl.u32 s22, $0x3;
	s17 =	sadd.s32 s8, s6;
	s16 =	sadd.s32 s9, s31  }
0x10: {  	s6 =	sadd.s32 s9, s29;
	s7 =	sadd.s32 $0x184000, s17;
	s8 =	sadd.s32 $0x5000, s16  }
0x11: {  	s9 =	sadd.s32 $0x1D4000, s17;
	s10 =	sadd.s32 $0xA000, s16;
	s11 =	sadd.s32 $0x224000, s17  }
0x12: {  	s12 =	sadd.s32 $0xF000, s16;
	s13 =	sadd.s32 $0x274000, s17;
	s14 =	sadd.s32 $0x14000, s16  }
0x13: {  	s15 =	sadd.s32 $0x2C4000, s17;
	s16 =	sadd.s32 $0x19000, s16;
	s17 =	sadd.s32 $0x314000, s17  }
.LBB2_1:
0x14: {  	[tilespmem:s19], [sflag:$0x3] =	stream.linear.gather [hbm4b:s5+s3], $0x4000, $0x38;
	[tilespmem:$0x19400] =	vst v63  }
0x15: {  	_ =	swait.ge [sflag:s20], $0x4000  }
0x16: {  	[sflag:s20] =	ssyncset.done $0x0  }
0x17: {  	[sflag:s20] =	ssyncadd.s32 $0xFFFFC000  }
0x18: {  	[spmem:s22], [sflag:s21] =	dma.local [hbm:s4], $0x2800  }
0x19: {  	_ =	swait.ge [sflag:s20], $0x2800  }
0x1a: {  	[sflag:s20] =	ssyncset.done $0x0  }
0x1b: {  	[sflag:s20] =	ssyncadd.s32 $0xFFFFD800  }
0x1c: {  	[tilespmem:s3], [sflag:$0x3] =	stream.linear.gather [hbm4b:s6+s3], $0x1400, $0x38;
	[tilespmem:$0x19400] =	vst v63  }
0x1d: {  	_ =	swait.ge [sflag:s20], $0x1400  }
0x1e: {  	[sflag:s20] =	ssyncset.done $0x0  }
0x1f: {  	[sflag:s20] =	ssyncadd.s32 $0xFFFFEC00  }
0x20: {  	s28 =	simm.s32 $0x0;
	[bflag:$0x0] =	sbarrier.arrive $0xFFFF  }
0x21: {  	[spmem:s1] =	stream.indirect.scatter.add.f32 [tilespmem:s19], [sflag:$0x1], $0x80, s28, s23, $0xb8;
	[tilespmem:$0x19400] =	vst v63  }
0x22: {  	s28 =	simm.s32 $0x80  }
0x23: {  	[spmem:s1] =	stream.indirect.scatter.add.f32 [tilespmem:s19], [sflag:$0x2], $0x80, s28, s23, $0xb8;
	[tilespmem:$0x19400] =	vst v63  }
0x24: {  	_ =	swait.ge [sflag:s24], $0x4000  }
0x25: {  	[sflag:s24] =	ssyncset.done $0x0  }
0x26: {  	[sflag:s24] =	ssyncadd.s32 $0xFFFFC000  }
0x27: {  	_ =	swait.ge [sflag:s25], $0x4000  }
0x28: {  	s29 =	simm.s32 $0x800;
	s28 =	simm.s32 $0x400;
	[sflag:s25] =	ssyncset.done $0x0  }
.LBB2_2:
0x29: {  	s30 =	sshra.s32 s28, $0x2  }
0x2a: {  	[sflag:s25] =	ssyncadd.s32 $0xFFFFC000;
	s28 =	smov.u32 s29;
	s31 =	sadd.s32 $0x400, s29  }
0x2b: {  	[spmem:s1] =	stream.indirect.scatter.add.f32 [tilespmem:s19], [sflag:$0x1], $0x80, s30, s23, $0xb8;
	[tilespmem:$0x19400] =	vst v63  }
0x2c: {  	p0 =	sne.s32 s29, $0x4C00;
	s29 =	sadd.s32 $0x80, s30  }
0x2d: {  	[spmem:s1] =	stream.indirect.scatter.add.f32 [tilespmem:s19], [sflag:$0x2], $0x80, s29, s23, $0xb8;
	[tilespmem:$0x19400] =	vst v63  }
.Ltmp0:
0x2e: {  	_ =	swait.ge [sflag:s24], $0x4000;
	(pc) =	sbr.rel @p0 .LBB2_2-.Ltmp0, $4  }
0x2f: {  	[sflag:s24] =	ssyncset.done $0x0  }
0x30: {  	[sflag:s24] =	ssyncadd.s32 $0xFFFFC000  }
0x31: {  	_ =	swait.ge [sflag:s25], $0x4000  }
0x32: {  	s29 =	smov.u32 s31;
	[sflag:s25] =	ssyncset.done $0x0  }
0x33: {  	s28 =	sshra.s32 s28, $0x2;
	[sflag:s25] =	ssyncadd.s32 $0xFFFFC000  }
0x34: {  	[spmem:s1] =	stream.indirect.scatter.add.f32 [tilespmem:s19], [sflag:$0x1], $0x80, s28, s23, $0xb8;
	[tilespmem:$0x19400] =	vst v63  }
0x35: {  	s28 =	sadd.s32 $0x80, s28  }
0x36: {  	[spmem:s1] =	stream.indirect.scatter.add.f32 [tilespmem:s19], [sflag:$0x2], $0x80, s28, s23, $0xb8;
	[tilespmem:$0x19400] =	vst v63  }
0x37: {  	_ =	swait.ge [sflag:s24], $0x4000  }
0x38: {  	[sflag:s24] =	ssyncset.done $0x0  }
0x39: {  	[sflag:s24] =	ssyncadd.s32 $0xFFFFC000  }
0x3a: {  	_ =	swait.ge [sflag:s25], $0x4000  }
0x3b: {  	[sflag:s25] =	ssyncset.done $0x0  }
0x3c: {  	[sflag:s25] =	ssyncadd.s32 $0xFFFFC000  }
0x3d: {  	[bflag:$0x0] =	sbarrier.arrive $0xFFFF  }
0x3e: {  	[hbm:s7], [sflag:s21] =	dma.local [spmem:s22], $0x2800  }
0x3f: {  	_ =	swait.ge [sflag:s20], $0x2800  }
0x40: {  	[sflag:s20] =	ssyncset.done $0x0  }
0x41: {  	[sflag:s20] =	ssyncadd.s32 $0xFFFFD800  }
0x42: {  	[spmem:s22], [sflag:s21] =	dma.local [hbm:s4], $0x2800  }
0x43: {  	_ =	swait.ge [sflag:s20], $0x2800  }
0x44: {  	[sflag:s20] =	ssyncset.done $0x0  }
0x45: {  	s28 =	simm.s32 $0x0;
	[sflag:s20] =	ssyncadd.s32 $0xFFFFD800  }
0x46: {  	[tilespmem:s28], [sflag:$0x3] =	stream.linear.gather [hbm4b:s8+s28], $0x1400, $0x38;
	[tilespmem:$0x19400] =	vst v63  }
0x47: {  	_ =	swait.ge [sflag:s20], $0x1400  }
0x48: {  	[sflag:s20] =	ssyncset.done $0x0  }
0x49: {  	[sflag:s20] =	ssyncadd.s32 $0xFFFFEC00  }
0x4a: {  	s28 =	simm.s32 $0x0;
	[bflag:$0x0] =	sbarrier.arrive $0xFFFF  }
0x4b: {  	[spmem:s1] =	stream.indirect.scatter.add.f32 [tilespmem:s19], [sflag:$0x1], $0x80, s28, s23, $0xb8;
	[tilespmem:$0x19400] =	vst v63  }
0x4c: {  	s28 =	simm.s32 $0x80  }
0x4d: {  	[spmem:s1] =	stream.indirect.scatter.add.f32 [tilespmem:s19], [sflag:$0x2], $0x80, s28, s23, $0xb8;
	[tilespmem:$0x19400] =	vst v63  }
0x4e: {  	_ =	swait.ge [sflag:s24], $0x4000  }
0x4f: {  	[sflag:s24] =	ssyncset.done $0x0  }
0x50: {  	[sflag:s24] =	ssyncadd.s32 $0xFFFFC000  }
0x51: {  	_ =	swait.ge [sflag:s25], $0x4000  }
0x52: {  	s29 =	simm.s32 $0x800;
	s28 =	simm.s32 $0x400;
	[sflag:s25] =	ssyncset.done $0x0  }
.LBB2_4:
0x53: {  	s30 =	sshra.s32 s28, $0x2  }
0x54: {  	[sflag:s25] =	ssyncadd.s32 $0xFFFFC000;
	s28 =	smov.u32 s29;
	s31 =	sadd.s32 $0x400, s29  }
0x55: {  	[spmem:s1] =	stream.indirect.scatter.add.f32 [tilespmem:s19], [sflag:$0x1], $0x80, s30, s23, $0xb8;
	[tilespmem:$0x19400] =	vst v63  }
0x56: {  	p0 =	sne.s32 s29, $0x4C00;
	s29 =	sadd.s32 $0x80, s30  }
0x57: {  	[spmem:s1] =	stream.indirect.scatter.add.f32 [tilespmem:s19], [sflag:$0x2], $0x80, s29, s23, $0xb8;
	[tilespmem:$0x19400] =	vst v63  }
.Ltmp1:
0x58: {  	_ =	swait.ge [sflag:s24], $0x4000;
	(pc) =	sbr.rel @p0 .LBB2_4-.Ltmp1, $4  }
0x59: {  	[sflag:s24] =	ssyncset.done $0x0  }
0x5a: {  	[sflag:s24] =	ssyncadd.s32 $0xFFFFC000  }
0x5b: {  	_ =	swait.ge [sflag:s25], $0x4000  }
0x5c: {  	s29 =	smov.u32 s31;
	[sflag:s25] =	ssyncset.done $0x0  }
0x5d: {  	s28 =	sshra.s32 s28, $0x2;
	[sflag:s25] =	ssyncadd.s32 $0xFFFFC000  }
0x5e: {  	[spmem:s1] =	stream.indirect.scatter.add.f32 [tilespmem:s19], [sflag:$0x1], $0x80, s28, s23, $0xb8;
	[tilespmem:$0x19400] =	vst v63  }
0x5f: {  	s28 =	sadd.s32 $0x80, s28  }
0x60: {  	[spmem:s1] =	stream.indirect.scatter.add.f32 [tilespmem:s19], [sflag:$0x2], $0x80, s28, s23, $0xb8;
	[tilespmem:$0x19400] =	vst v63  }
0x61: {  	_ =	swait.ge [sflag:s24], $0x4000  }
0x62: {  	[sflag:s24] =	ssyncset.done $0x0  }
0x63: {  	[sflag:s24] =	ssyncadd.s32 $0xFFFFC000  }
0x64: {  	_ =	swait.ge [sflag:s25], $0x4000  }
0x65: {  	[sflag:s25] =	ssyncset.done $0x0  }
0x66: {  	[sflag:s25] =	ssyncadd.s32 $0xFFFFC000  }
0x67: {  	[bflag:$0x0] =	sbarrier.arrive $0xFFFF  }
0x68: {  	[hbm:s9], [sflag:s21] =	dma.local [spmem:s22], $0x2800  }
0x69: {  	_ =	swait.ge [sflag:s20], $0x2800  }
0x6a: {  	[sflag:s20] =	ssyncset.done $0x0  }
0x6b: {  	[sflag:s20] =	ssyncadd.s32 $0xFFFFD800  }
0x6c: {  	[spmem:s22], [sflag:s21] =	dma.local [hbm:s4], $0x2800  }
0x6d: {  	_ =	swait.ge [sflag:s20], $0x2800  }
0x6e: {  	[sflag:s20] =	ssyncset.done $0x0  }
0x6f: {  	s28 =	simm.s32 $0x0;
	[sflag:s20] =	ssyncadd.s32 $0xFFFFD800  }
0x70: {  	[tilespmem:s28], [sflag:$0x3] =	stream.linear.gather [hbm4b:s10+s28], $0x1400, $0x38;
	[tilespmem:$0x19400] =	vst v63  }
0x71: {  	_ =	swait.ge [sflag:s20], $0x1400  }
0x72: {  	[sflag:s20] =	ssyncset.done $0x0  }
0x73: {  	[sflag:s20] =	ssyncadd.s32 $0xFFFFEC00  }
0x74: {  	s28 =	simm.s32 $0x0;
	[bflag:$0x0] =	sbarrier.arrive $0xFFFF  }
0x75: {  	[spmem:s1] =	stream.indirect.scatter.add.f32 [tilespmem:s19], [sflag:$0x1], $0x80, s28, s23, $0xb8;
	[tilespmem:$0x19400] =	vst v63  }
0x76: {  	s28 =	simm.s32 $0x80  }
0x77: {  	[spmem:s1] =	stream.indirect.scatter.add.f32 [tilespmem:s19], [sflag:$0x2], $0x80, s28, s23, $0xb8;
	[tilespmem:$0x19400] =	vst v63  }
0x78: {  	_ =	swait.ge [sflag:s24], $0x4000  }
0x79: {  	[sflag:s24] =	ssyncset.done $0x0  }
0x7a: {  	[sflag:s24] =	ssyncadd.s32 $0xFFFFC000  }
0x7b: {  	_ =	swait.ge [sflag:s25], $0x4000  }
0x7c: {  	s29 =	simm.s32 $0x800;
	s28 =	simm.s32 $0x400;
	[sflag:s25] =	ssyncset.done $0x0  }
.LBB2_6:
0x7d: {  	s30 =	sshra.s32 s28, $0x2  }
0x7e: {  	[sflag:s25] =	ssyncadd.s32 $0xFFFFC000;
	s28 =	smov.u32 s29;
	s31 =	sadd.s32 $0x400, s29  }
0x7f: {  	[spmem:s1] =	stream.indirect.scatter.add.f32 [tilespmem:s19], [sflag:$0x1], $0x80, s30, s23, $0xb8;
	[tilespmem:$0x19400] =	vst v63  }
0x80: {  	p0 =	sne.s32 s29, $0x4C00;
	s29 =	sadd.s32 $0x80, s30  }
0x81: {  	[spmem:s1] =	stream.indirect.scatter.add.f32 [tilespmem:s19], [sflag:$0x2], $0x80, s29, s23, $0xb8;
	[tilespmem:$0x19400] =	vst v63  }
.Ltmp2:
0x82: {  	_ =	swait.ge [sflag:s24], $0x4000;
	(pc) =	sbr.rel @p0 .LBB2_6-.Ltmp2, $4  }
0x83: {  	[sflag:s24] =	ssyncset.done $0x0  }
0x84: {  	[sflag:s24] =	ssyncadd.s32 $0xFFFFC000  }
0x85: {  	_ =	swait.ge [sflag:s25], $0x4000  }
0x86: {  	s29 =	smov.u32 s31;
	[sflag:s25] =	ssyncset.done $0x0  }
0x87: {  	s28 =	sshra.s32 s28, $0x2;
	[sflag:s25] =	ssyncadd.s32 $0xFFFFC000  }
0x88: {  	[spmem:s1] =	stream.indirect.scatter.add.f32 [tilespmem:s19], [sflag:$0x1], $0x80, s28, s23, $0xb8;
	[tilespmem:$0x19400] =	vst v63  }
0x89: {  	s28 =	sadd.s32 $0x80, s28  }
0x8a: {  	[spmem:s1] =	stream.indirect.scatter.add.f32 [tilespmem:s19], [sflag:$0x2], $0x80, s28, s23, $0xb8;
	[tilespmem:$0x19400] =	vst v63  }
0x8b: {  	_ =	swait.ge [sflag:s24], $0x4000  }
0x8c: {  	[sflag:s24] =	ssyncset.done $0x0  }
0x8d: {  	[sflag:s24] =	ssyncadd.s32 $0xFFFFC000  }
0x8e: {  	_ =	swait.ge [sflag:s25], $0x4000  }
0x8f: {  	[sflag:s25] =	ssyncset.done $0x0  }
0x90: {  	[sflag:s25] =	ssyncadd.s32 $0xFFFFC000  }
0x91: {  	[bflag:$0x0] =	sbarrier.arrive $0xFFFF  }
0x92: {  	[hbm:s11], [sflag:s21] =	dma.local [spmem:s22], $0x2800  }
0x93: {  	_ =	swait.ge [sflag:s20], $0x2800  }
0x94: {  	[sflag:s20] =	ssyncset.done $0x0  }
0x95: {  	[sflag:s20] =	ssyncadd.s32 $0xFFFFD800  }
0x96: {  	[spmem:s22], [sflag:s21] =	dma.local [hbm:s4], $0x2800  }
0x97: {  	_ =	swait.ge [sflag:s20], $0x2800  }
0x98: {  	[sflag:s20] =	ssyncset.done $0x0  }
0x99: {  	s28 =	simm.s32 $0x0;
	[sflag:s20] =	ssyncadd.s32 $0xFFFFD800  }
0x9a: {  	[tilespmem:s28], [sflag:$0x3] =	stream.linear.gather [hbm4b:s12+s28], $0x1400, $0x38;
	[tilespmem:$0x19400] =	vst v63  }
0x9b: {  	_ =	swait.ge [sflag:s20], $0x1400  }
0x9c: {  	[sflag:s20] =	ssyncset.done $0x0  }
0x9d: {  	[sflag:s20] =	ssyncadd.s32 $0xFFFFEC00  }
0x9e: {  	s28 =	simm.s32 $0x0;
	[bflag:$0x0] =	sbarrier.arrive $0xFFFF  }
0x9f: {  	[spmem:s1] =	stream.indirect.scatter.add.f32 [tilespmem:s19], [sflag:$0x1], $0x80, s28, s23, $0xb8;
	[tilespmem:$0x19400] =	vst v63  }
0xa0: {  	s28 =	simm.s32 $0x80  }
0xa1: {  	[spmem:s1] =	stream.indirect.scatter.add.f32 [tilespmem:s19], [sflag:$0x2], $0x80, s28, s23, $0xb8;
	[tilespmem:$0x19400] =	vst v63  }
0xa2: {  	_ =	swait.ge [sflag:s24], $0x4000  }
0xa3: {  	[sflag:s24] =	ssyncset.done $0x0  }
0xa4: {  	[sflag:s24] =	ssyncadd.s32 $0xFFFFC000  }
0xa5: {  	_ =	swait.ge [sflag:s25], $0x4000  }
0xa6: {  	s29 =	simm.s32 $0x800;
	s28 =	simm.s32 $0x400;
	[sflag:s25] =	ssyncset.done $0x0  }
.LBB2_8:
0xa7: {  	s30 =	sshra.s32 s28, $0x2  }
0xa8: {  	[sflag:s25] =	ssyncadd.s32 $0xFFFFC000;
	s28 =	smov.u32 s29;
	s31 =	sadd.s32 $0x400, s29  }
0xa9: {  	[spmem:s1] =	stream.indirect.scatter.add.f32 [tilespmem:s19], [sflag:$0x1], $0x80, s30, s23, $0xb8;
	[tilespmem:$0x19400] =	vst v63  }
0xaa: {  	p0 =	sne.s32 s29, $0x4C00;
	s29 =	sadd.s32 $0x80, s30  }
0xab: {  	[spmem:s1] =	stream.indirect.scatter.add.f32 [tilespmem:s19], [sflag:$0x2], $0x80, s29, s23, $0xb8;
	[tilespmem:$0x19400] =	vst v63  }
.Ltmp3:
0xac: {  	_ =	swait.ge [sflag:s24], $0x4000;
	(pc) =	sbr.rel @p0 .LBB2_8-.Ltmp3, $4  }
0xad: {  	[sflag:s24] =	ssyncset.done $0x0  }
0xae: {  	[sflag:s24] =	ssyncadd.s32 $0xFFFFC000  }
0xaf: {  	_ =	swait.ge [sflag:s25], $0x4000  }
0xb0: {  	s29 =	smov.u32 s31;
	[sflag:s25] =	ssyncset.done $0x0  }
0xb1: {  	s28 =	sshra.s32 s28, $0x2;
	[sflag:s25] =	ssyncadd.s32 $0xFFFFC000  }
0xb2: {  	[spmem:s1] =	stream.indirect.scatter.add.f32 [tilespmem:s19], [sflag:$0x1], $0x80, s28, s23, $0xb8;
	[tilespmem:$0x19400] =	vst v63  }
0xb3: {  	s28 =	sadd.s32 $0x80, s28  }
0xb4: {  	[spmem:s1] =	stream.indirect.scatter.add.f32 [tilespmem:s19], [sflag:$0x2], $0x80, s28, s23, $0xb8;
	[tilespmem:$0x19400] =	vst v63  }
0xb5: {  	_ =	swait.ge [sflag:s24], $0x4000  }
0xb6: {  	[sflag:s24] =	ssyncset.done $0x0  }
0xb7: {  	[sflag:s24] =	ssyncadd.s32 $0xFFFFC000  }
0xb8: {  	_ =	swait.ge [sflag:s25], $0x4000  }
0xb9: {  	[sflag:s25] =	ssyncset.done $0x0  }
0xba: {  	[sflag:s25] =	ssyncadd.s32 $0xFFFFC000  }
0xbb: {  	[bflag:$0x0] =	sbarrier.arrive $0xFFFF  }
0xbc: {  	[hbm:s13], [sflag:s21] =	dma.local [spmem:s22], $0x2800  }
0xbd: {  	_ =	swait.ge [sflag:s20], $0x2800  }
0xbe: {  	[sflag:s20] =	ssyncset.done $0x0  }
0xbf: {  	[sflag:s20] =	ssyncadd.s32 $0xFFFFD800  }
0xc0: {  	[spmem:s22], [sflag:s21] =	dma.local [hbm:s4], $0x2800  }
0xc1: {  	_ =	swait.ge [sflag:s20], $0x2800  }
0xc2: {  	[sflag:s20] =	ssyncset.done $0x0  }
0xc3: {  	s28 =	simm.s32 $0x0;
	[sflag:s20] =	ssyncadd.s32 $0xFFFFD800  }
0xc4: {  	[tilespmem:s28], [sflag:$0x3] =	stream.linear.gather [hbm4b:s14+s28], $0x1400, $0x38;
	[tilespmem:$0x19400] =	vst v63  }
0xc5: {  	_ =	swait.ge [sflag:s20], $0x1400  }
0xc6: {  	[sflag:s20] =	ssyncset.done $0x0  }
0xc7: {  	[sflag:s20] =	ssyncadd.s32 $0xFFFFEC00  }
0xc8: {  	s28 =	simm.s32 $0x0;
	[bflag:$0x0] =	sbarrier.arrive $0xFFFF  }
0xc9: {  	[spmem:s1] =	stream.indirect.scatter.add.f32 [tilespmem:s19], [sflag:$0x1], $0x80, s28, s23, $0xb8;
	[tilespmem:$0x19400] =	vst v63  }
0xca: {  	s28 =	simm.s32 $0x80  }
0xcb: {  	[spmem:s1] =	stream.indirect.scatter.add.f32 [tilespmem:s19], [sflag:$0x2], $0x80, s28, s23, $0xb8;
	[tilespmem:$0x19400] =	vst v63  }
0xcc: {  	_ =	swait.ge [sflag:s24], $0x4000  }
0xcd: {  	[sflag:s24] =	ssyncset.done $0x0  }
0xce: {  	[sflag:s24] =	ssyncadd.s32 $0xFFFFC000  }
0xcf: {  	_ =	swait.ge [sflag:s25], $0x4000  }
0xd0: {  	s29 =	simm.s32 $0x800;
	s28 =	simm.s32 $0x400;
	[sflag:s25] =	ssyncset.done $0x0  }
.LBB2_10:
0xd1: {  	s30 =	sshra.s32 s28, $0x2  }
0xd2: {  	[sflag:s25] =	ssyncadd.s32 $0xFFFFC000;
	s28 =	smov.u32 s29;
	s31 =	sadd.s32 $0x400, s29  }
0xd3: {  	[spmem:s1] =	stream.indirect.scatter.add.f32 [tilespmem:s19], [sflag:$0x1], $0x80, s30, s23, $0xb8;
	[tilespmem:$0x19400] =	vst v63  }
0xd4: {  	p0 =	sne.s32 s29, $0x4C00;
	s29 =	sadd.s32 $0x80, s30  }
0xd5: {  	[spmem:s1] =	stream.indirect.scatter.add.f32 [tilespmem:s19], [sflag:$0x2], $0x80, s29, s23, $0xb8;
	[tilespmem:$0x19400] =	vst v63  }
.Ltmp4:
0xd6: {  	_ =	swait.ge [sflag:s24], $0x4000;
	(pc) =	sbr.rel @p0 .LBB2_10-.Ltmp4, $4  }
0xd7: {  	[sflag:s24] =	ssyncset.done $0x0  }
0xd8: {  	[sflag:s24] =	ssyncadd.s32 $0xFFFFC000  }
0xd9: {  	_ =	swait.ge [sflag:s25], $0x4000  }
0xda: {  	s29 =	smov.u32 s31;
	[sflag:s25] =	ssyncset.done $0x0  }
0xdb: {  	s28 =	sshra.s32 s28, $0x2;
	[sflag:s25] =	ssyncadd.s32 $0xFFFFC000  }
0xdc: {  	[spmem:s1] =	stream.indirect.scatter.add.f32 [tilespmem:s19], [sflag:$0x1], $0x80, s28, s23, $0xb8;
	[tilespmem:$0x19400] =	vst v63  }
0xdd: {  	s28 =	sadd.s32 $0x80, s28  }
0xde: {  	[spmem:s1] =	stream.indirect.scatter.add.f32 [tilespmem:s19], [sflag:$0x2], $0x80, s28, s23, $0xb8;
	[tilespmem:$0x19400] =	vst v63  }
0xdf: {  	_ =	swait.ge [sflag:s24], $0x4000  }
0xe0: {  	[sflag:s24] =	ssyncset.done $0x0  }
0xe1: {  	[sflag:s24] =	ssyncadd.s32 $0xFFFFC000  }
0xe2: {  	_ =	swait.ge [sflag:s25], $0x4000  }
0xe3: {  	[sflag:s25] =	ssyncset.done $0x0  }
0xe4: {  	[sflag:s25] =	ssyncadd.s32 $0xFFFFC000  }
0xe5: {  	[bflag:$0x0] =	sbarrier.arrive $0xFFFF  }
0xe6: {  	[hbm:s15], [sflag:s21] =	dma.local [spmem:s22], $0x2800  }
0xe7: {  	_ =	swait.ge [sflag:s20], $0x2800  }
0xe8: {  	[sflag:s20] =	ssyncset.done $0x0  }
0xe9: {  	[sflag:s20] =	ssyncadd.s32 $0xFFFFD800  }
0xea: {  	[spmem:s22], [sflag:s21] =	dma.local [hbm:s4], $0x2800  }
0xeb: {  	_ =	swait.ge [sflag:s20], $0x2800  }
0xec: {  	[sflag:s20] =	ssyncset.done $0x0  }
0xed: {  	s28 =	simm.s32 $0x0;
	[sflag:s20] =	ssyncadd.s32 $0xFFFFD800  }
0xee: {  	[tilespmem:s28], [sflag:$0x3] =	stream.linear.gather [hbm4b:s16+s28], $0x1400, $0x38;
	[tilespmem:$0x19400] =	vst v63  }
0xef: {  	_ =	swait.ge [sflag:s20], $0x1400  }
0xf0: {  	[sflag:s20] =	ssyncset.done $0x0  }
0xf1: {  	[sflag:s20] =	ssyncadd.s32 $0xFFFFEC00  }
0xf2: {  	s28 =	simm.s32 $0x0;
	[bflag:$0x0] =	sbarrier.arrive $0xFFFF  }
0xf3: {  	[spmem:s1] =	stream.indirect.scatter.add.f32 [tilespmem:s19], [sflag:$0x1], $0x80, s28, s23, $0xb8;
	[tilespmem:$0x19400] =	vst v63  }
0xf4: {  	s28 =	simm.s32 $0x80  }
0xf5: {  	[spmem:s1] =	stream.indirect.scatter.add.f32 [tilespmem:s19], [sflag:$0x2], $0x80, s28, s23, $0xb8;
	[tilespmem:$0x19400] =	vst v63  }
0xf6: {  	_ =	swait.ge [sflag:s24], $0x4000  }
0xf7: {  	[sflag:s24] =	ssyncset.done $0x0  }
0xf8: {  	[sflag:s24] =	ssyncadd.s32 $0xFFFFC000  }
0xf9: {  	_ =	swait.ge [sflag:s25], $0x4000  }
0xfa: {  	s29 =	simm.s32 $0x800;
	s28 =	simm.s32 $0x400;
	[sflag:s25] =	ssyncset.done $0x0  }
.LBB2_12:
0xfb: {  	s30 =	sshra.s32 s28, $0x2  }
0xfc: {  	[sflag:s25] =	ssyncadd.s32 $0xFFFFC000;
	s28 =	smov.u32 s29;
	s31 =	sadd.s32 $0x400, s29  }
0xfd: {  	[spmem:s1] =	stream.indirect.scatter.add.f32 [tilespmem:s19], [sflag:$0x1], $0x80, s30, s23, $0xb8;
	[tilespmem:$0x19400] =	vst v63  }
0xfe: {  	p0 =	sne.s32 s29, $0x4C00;
	s29 =	sadd.s32 $0x80, s30  }
0xff: {  	[spmem:s1] =	stream.indirect.scatter.add.f32 [tilespmem:s19], [sflag:$0x2], $0x80, s29, s23, $0xb8;
	[tilespmem:$0x19400] =	vst v63  }
.Ltmp5:
0x100: {  	_ =	swait.ge [sflag:s24], $0x4000;
	(pc) =	sbr.rel @p0 .LBB2_12-.Ltmp5, $4  }
0x101: {  	[sflag:s24] =	ssyncset.done $0x0  }
0x102: {  	[sflag:s24] =	ssyncadd.s32 $0xFFFFC000  }
0x103: {  	_ =	swait.ge [sflag:s25], $0x4000  }
0x104: {  	s29 =	smov.u32 s31;
	[sflag:s25] =	ssyncset.done $0x0  }
0x105: {  	s28 =	sshra.s32 s28, $0x2;
	[sflag:s25] =	ssyncadd.s32 $0xFFFFC000  }
0x106: {  	[spmem:s1] =	stream.indirect.scatter.add.f32 [tilespmem:s19], [sflag:$0x1], $0x80, s28, s23, $0xb8;
	[tilespmem:$0x19400] =	vst v63  }
0x107: {  	s28 =	sadd.s32 $0x80, s28  }
0x108: {  	[spmem:s1] =	stream.indirect.scatter.add.f32 [tilespmem:s19], [sflag:$0x2], $0x80, s28, s23, $0xb8;
	[tilespmem:$0x19400] =	vst v63  }
0x109: {  	_ =	swait.ge [sflag:s24], $0x4000  }
0x10a: {  	[sflag:s24] =	ssyncset.done $0x0  }
0x10b: {  	[sflag:s24] =	ssyncadd.s32 $0xFFFFC000  }
0x10c: {  	_ =	swait.ge [sflag:s25], $0x4000  }
0x10d: {  	s26 =	sadd.s32 $0x1, s26;
	[sflag:s25] =	ssyncset.done $0x0  }
0x10e: {  	p0 =	sne.s32 s26, s18;
	[sflag:s25] =	ssyncadd.s32 $0xFFFFC000  }
.Ltmp6:
0x10f: {  	[bflag:$0x0] =	sbarrier.arrive $0xFFFF;
	(pc) =	sbr.rel @p0 .LBB2_1-.Ltmp6, $4  }
0x110: {  	[hbm:s17], [sflag:s21] =	dma.local [spmem:s22], $0x2800  }
0x111: {  	_ =	swait.ge [sflag:s20], $0x2800  }
0x112: {  	[sflag:s20] =	ssyncset.done $0x0  }
0x113: {  	[sflag:s20] =	ssyncadd.s32 $0xFFFFD800  }
0x114: {  	_ =	sfence.sel $0x180000  }
0x115: {  	[bflag:$0x0] =	sbarrier.arrive $0xFFFF  }
0x116: {  	p0 =	sne.s32 s2, $0x0;
	_ =	strace $0x9000004A  }
0x117: {  	s0 =	sadd.s32 @!p0 $0x100000, s0;
	[bflag:$0x2] =	sbarrier.arrive $0xFFFF  }
0x118: {  	[sflag:s0] =	ssyncadd.tile.s32 @!p0 $0x1;
	_ =	shalt  }
.Lfunc_end2:
_tile_overlayer_lowered:
.L_overlay_start_2:
0x119: {  	(tag) =	ssettag $0x2  }
0x11a: {  	s0 =	rddreg [dreg:$0x0];
	s2 =	stileid.u32  }
0x11b: {  	s1 =	rddreg [dreg:$0x1];
	p0 =	sne.s32 s2, $0x0  }
0x11c: {  	s3 =	rddreg [dreg:$0x2];
	[bflag:$0x3] =	sbarrier.arrive $0xFFFF;
	s2 =	simm.s32 @!p0 $0x1C03  }
0x11d: {  	[timem:s3], [sflag:s2] =	dma.local @!p0 [hbm:s0], s1  }
0x11e: {  	s0 =	simm.s32 @!p0 $0x3  }
0x11f: {  	_ =	swait.ge @!p0 [sflag:s0], s1  }
0x120: {  	s1 =	ssub.s32 @!p0 $0x0, s1;
	[sflag:s0] =	ssyncset.done @!p0 $0x0  }
0x121: {  	[sflag:s0] =	ssyncadd.s32 @!p0 s1  }
0x122: {  	[bflag:$0x3] =	sbarrier.arrive $0xFFFF  }
0x123: {  	_ =	shalt  }

// kernel: kernel.15.cloned.1.call-start
scs
__scs_entry_jumppad:
0x0: {  	(pc) =	sbr.rel $0x88, $3  }
0x1: {  	(tag) =	ssettag $0x0;
	lr =	simm.s32 $0x1  }
0x2: {  	[smem:$0x3F7C] =	sst lr;
	_ =	strace $0xD0000000  }
0x3: {  	_ = 	snop  }
0x4: {  	_ = 	snop  }
0x5: {  	_ = 	snop  }
0x6: {  	_ = 	snop  }
0x7: {  	_ = 	snop  }
__scs_overlays_trampoline_lowered:
0x8: {  	[smem:$0x3F8B] =	sst s0  }
0x9: {  	[smem:$0x3F8C] =	sst s1  }
0xa: {  	[smem:$0x3F8D] =	sst s2  }
0xb: {  	[smem:$0x3F8E] =	sst s3  }
0xc: {  	[smem:$0x3F8F] =	sst s4  }
0xd: {  	[smem:$0x3F90] =	sst s5  }
0xe: {  	[smem:$0x3F91] =	sst s6  }
0xf: {  	[smem:$0x3F92] =	sst s7  }
0x10: {  	[smem:$0x3F93] =	sst s8  }
0x11: {  	[smem:$0x3F94] =	sst s9;
	s0 =	simm.s32 @!p0 $0x0  }
0x12: {  	s1 =	sld [smem:$0x3F7A];
	s0 =	simm.s32 @p0 $0x1  }
0x13: {  	[smem:$0x3F95] =	sst s0;
	s0 =	simm.s32 @!p1 $0x0  }
0x14: {  	s2 =	sld [smem:$0x3F79];
	s0 =	simm.s32 @p1 $0x1  }
0x15: {  	[smem:$0x3F96] =	sst s0;
	s0 =	simm.s32 @!p2 $0x0  }
0x16: {  	s3 =	sld [smem:$0x3FDB];
	s0 =	simm.s32 @p2 $0x1  }
0x17: {  	s4 =	simm.s32 $0x1BF5;
	[smem:$0x3F98] =	sst s0  }
0x18: {  	s0 =	sld [smem:$0x3F7B];
	_ =	swait.ge [sflag:s4], $0x0  }
0x19: {  	s7 =	sld [smem:$0x3F7C]  }
0x1a: {  	s8 =	sadd.s32 $0xFFFFE003, lr  }
0x1b: {  	s9 =	sadd.s32 $0xFFFFFEF7, lr;
	s5 =	simm.s32 $0xFFFFFFFF;
	p2 =	slt.u32 s8, $0xFFFFF086  }
0x1c: {  	p1 =	slt.u32 s9, $0xF7A;
	s5 =	simm.s32 @!p2 $0x0  }
0x1d: {  	s5 =	simm.s32 @p1 $0x1;
	p0 =	seq.s32 s7, s2  }
0x1e: {  	s7 =	smul.u32 @!p0 $0xF7A, s2;
	p2 =	seq.s32 @!p0 s5, $0x0  }
0x1f: {  	s9 =	smul.u32 $0xF7A, s1;
	s8 =	simm.s32 @!p0 $0x1BF5;
	p2 =	por !p2, p0  }
0x20: {  	[sflag:s8] =	ssyncset.s32 @!p0 $0xFFFFF086;
	s6 =	sadd.s32 @!p0 s3, s7;
	s7 =	simm.s32 @!p0 $0x108  }
0x21: {  	s3 =	sadd.s32 s3, s9;
	s6 =	sadd.s32 @!p0 $0x88, s6;
	s7 =	simm.s32 @p2 $0x1082  }
0x22: {  	[simem:s7], [sflag:s8] =	dma.local @!p0 [hbm:s6], $0xF7A  }
0x23: {  	s9 =	sor.u32 $0xD0000000, s2;
	s6 =	simm.s32 $0x108;
	_ =	swait.ge @!p0 [sflag:s8], $0x0  }
0x24: {  	s3 =	sadd.s32 $0x88, s3;
	s6 =	simm.s32 @!p1 $0x1082;
	[sflag:s4] =	ssyncset.s32 $0xFFFFF086  }
0x25: {  	[simem:s6], [sflag:s4] =	dma.local [hbm:s3], $0xF7A  }
0x26: {  	[smem:$0x3F7C] =	sst s1;
	(tag) =	ssettag s2;
	_ =	strace s9  }
0x27: {  	s1 =	sld [smem:$0x3F8C]  }
0x28: {  	s2 =	sld [smem:$0x3F8D]  }
0x29: {  	s4 =	sld [smem:$0x3F8F]  }
0x2a: {  	p0 =	seq.s32 s5, $0x0;
	s5 =	sld [smem:$0x3F90]  }
0x2b: {  	s6 =	sld [smem:$0x3F91]  }
0x2c: {  	s7 =	sld [smem:$0x3F92]  }
0x2d: {  	s3 =	simm.s32 $0x108;
	s8 =	sld [smem:$0x3F93]  }
0x2e: {  	s3 =	simm.s32 @!p0 $0x1082;
	s9 =	sld [smem:$0x3F94]  }
0x2f: {  	lr =	sadd.s32 s0, s3;
	s0 =	sld [smem:$0x3F8B]  }
0x30: {  	s3 =	sld [smem:$0x3F8E]  }
0x31: {  	[smem:$0x3F97] =	sst s10  }
0x32: {  	s10 =	sld [smem:$0x3F95];
	_ =	sdelay $0x3  }
0x33: {  	p0 =	seq.s32 s10, $0x1;
	s10 =	sld [smem:$0x3F97];
	_ =	sdelay $0x3  }
0x34: {  	[smem:$0x3F97] =	sst s10  }
0x35: {  	s10 =	sld [smem:$0x3F96];
	_ =	sdelay $0x3  }
0x36: {  	p1 =	seq.s32 s10, $0x1;
	s10 =	sld [smem:$0x3F97];
	_ =	sdelay $0x3  }
0x37: {  	[smem:$0x3F97] =	sst s10  }
0x38: {  	s10 =	sld [smem:$0x3F98]  }
0x39: {  	_ = 	snop;
	(pc) =	sbr.ind lr, $3  }
0x3a: {  	_ = 	snop  }
0x3b: {  	_ = 	snop  }
0x3c: {  	p2 =	seq.s32 s10, $0x1;
	s10 =	sld [smem:$0x3F97]  }
0x3d: {  	_ =	shalt  }
0x3e: {  	_ =	shalt  }
0x3f: {  	_ =	shalt  }
0x40: {  	_ =	shalt  }
0x41: {  	_ =	shalt  }
0x42: {  	_ =	shalt  }
0x43: {  	_ =	shalt  }
0x44: {  	_ =	shalt  }
0x45: {  	_ =	shalt  }
0x46: {  	_ =	shalt  }
0x47: {  	_ =	shalt  }
0x48: {  	_ =	shalt  }
0x49: {  	_ =	shalt  }
0x4a: {  	_ =	shalt  }
0x4b: {  	_ =	shalt  }
0x4c: {  	_ =	shalt  }
0x4d: {  	_ =	shalt  }
0x4e: {  	_ =	shalt  }
0x4f: {  	_ =	shalt  }
0x50: {  	_ =	shalt  }
0x51: {  	_ =	shalt  }
0x52: {  	_ =	shalt  }
0x53: {  	_ =	shalt  }
0x54: {  	_ =	shalt  }
0x55: {  	_ =	shalt  }
0x56: {  	_ =	shalt  }
0x57: {  	_ =	shalt  }
0x58: {  	_ =	shalt  }
0x59: {  	_ =	shalt  }
0x5a: {  	_ =	shalt  }
0x5b: {  	_ =	shalt  }
0x5c: {  	_ =	shalt  }
0x5d: {  	_ =	shalt  }
0x5e: {  	_ =	shalt  }
0x5f: {  	_ =	shalt  }
0x60: {  	_ =	shalt  }
0x61: {  	_ =	shalt  }
0x62: {  	_ =	shalt  }
0x63: {  	_ =	shalt  }
0x64: {  	_ =	shalt  }
0x65: {  	_ =	shalt  }
0x66: {  	_ =	shalt  }
0x67: {  	_ =	shalt  }
0x68: {  	_ =	shalt  }
0x69: {  	_ =	shalt  }
0x6a: {  	_ =	shalt  }
0x6b: {  	_ =	shalt  }
0x6c: {  	_ =	shalt  }
0x6d: {  	_ =	shalt  }
0x6e: {  	_ =	shalt  }
0x6f: {  	_ =	shalt  }
0x70: {  	_ =	shalt  }
0x71: {  	_ =	shalt  }
0x72: {  	_ =	shalt  }
0x73: {  	_ =	shalt  }
0x74: {  	_ =	shalt  }
0x75: {  	_ =	shalt  }
0x76: {  	_ =	shalt  }
0x77: {  	_ =	shalt  }
0x78: {  	_ =	shalt  }
0x79: {  	_ =	shalt  }
0x7a: {  	_ =	shalt  }
0x7b: {  	_ =	shalt  }
0x7c: {  	_ =	shalt  }
0x7d: {  	_ =	shalt  }
0x7e: {  	_ =	shalt  }
0x7f: {  	_ =	shalt  }
0x80: {  	_ =	shalt  }
0x81: {  	_ =	shalt  }
0x82: {  	_ =	shalt  }
0x83: {  	_ =	shalt  }
0x84: {  	_ =	shalt  }
0x85: {  	_ =	shalt  }
0x86: {  	_ =	shalt  }
0x87: {  	_ =	shalt  }
.Lfunc_end0:
.L_simem_size_0:
called_computation.1_lowered:
.L_overlay_start_0:
0x88: {  	s2 =	sld [smem:$0x3FD9]  }
0x89: {  	s3 =	sld [smem:$0x3FFE];
	_ =	sdelay $0x1  }
0x8a: {  	s1 =	srdreg.scid  }
0x8b: {  	s0 =	sand.u32 $0x1, s1  }
0x8c: {  	s16 =	sshll.u32 s0, $0xA;
	s2 =	sadd.s32 s3, s2  }
0x8d: {  	s2 =	sadd.s32 s2, s16  }
0x8e: {  	[smem:$0x3FA3] =	sst s2  }
0x8f: {  	_ = 	snop  }
0x90: {  	(tm) =	ssettm $0x1  }
0x91: {  	s17 =	sld [smem:$0x3FFB];
	_ =	sdelay $0x3  }
0x92: {  	_ =	strace s17  }
0x93: {  	s2 =	sld [smem:$0x3FFC];
	_ =	sdelay $0x3  }
0x94: {  	_ =	strace s2  }
0x95: {  	s2 =	sld [smem:$0x3FFD];
	_ =	sdelay $0x3  }
0x96: {  	_ =	strace s2  }
0x97: {  	_ =	strace $0x8FFFFFFF  }
0x98: {  	s18 =	sld [smem:$0x3FDB];
	_ =	sdelay $0x1  }
0x99: {  	s19 =	simm.s32 $_scs_section_size  }
0x9a: {  	s4 =	simm.s32 $_size__tile_overlayer_lowered;
	s5 =	simm.s32 $_tile_overlayer_lowered  }
0x9b: {  	s22 =	simm.s32 $0x1BFF;
	s21 =	sshll.u32 s5, $0x1;
	s2 =	sadd.s32 s19, s18  }
0x9c: {  	s6 =	simm.s32 $0x0;
	s20 =	sshll.u32 s4, $0x1;
	s4 =	sadd.s32 s21, s2  }
0x9d: {  	[timem:s6], [sflag:s22] =	dma.local [hbm:s4], s20  }
0x9e: {  	_ =	swait.ge [sflag:s22], s20  }
0x9f: {  	s3 =	ssub.s32 $0x0, s20;
	[sflag:s22] =	ssyncset.done $0x0  }
0xa0: {  	[sflag:s22] =	ssyncadd.s32 s3;
	_ =	sdelay $0x1  }
0xa1: {  	s23 =	simm.s32 $0x1B8B  }
0xa2: {  	_ =	swait.ge [sflag:s23], $0x1  }
0xa3: {  	[sflag:s23] =	ssyncset.done $0x0  }
0xa4: {  	s25 =	simm.s32 $0x1B8E;
	s24 =	sld [smem:$0x3FFE];
	[sflag:s23] =	ssyncadd.s32 $0xFFFFFFFF  }
0xa5: {  	s26 =	simm.s32 $execute0_lowered;
	[smem:$0x3FD2] =	sst s25  }
0xa6: {  	s4 =	sshll.u32 s26, $0x1;
	_ =	strace $0x80000046;
	[dreg:$0x1] =	wrdreg $0xFFFFFFFF  }
0xa7: {  	s28 =	simm.s32 $_size_execute0_lowered;
	s2 =	sadd.s32 s2, s4;
	[dreg:$0x0] =	wrdreg $0x0  }
0xa8: {  	s4 =	sshll.u32 s28, $0x1;
	[dreg:$0x2] =	wrdreg s2  }
0xa9: {  	[dreg:$0x3] =	wrdreg s4  }
0xaa: {  	[dreg:$0x4] =	wrdreg $0xC0  }
0xab: {  	_ =	task [dreg:s6], $0x5FFFF  }
0xac: {  	[dreg:$0x1] =	wrdreg $0xFFFFFFFF  }
0xad: {  	[dreg:$0x0] =	wrdreg $0x60  }
0xae: {  	[dreg:$0x2] =	wrdreg s24  }
0xaf: {  	[dreg:$0x3] =	wrdreg $0xA8000  }
0xb0: {  	[dreg:$0x4] =	wrdreg $0xA  }
0xb1: {  	_ =	task.clear_ibuf [dreg:s6], $0x5FFFF;
	_ =	strace $0x90000046  }
0xb2: {  	s29 =	simm.s32 $0xA;
	_ =	strace $0x80000048  }
0xb3: {  	_ =	swait.ge [sflag:s29], $0x1  }
0xb4: {  	[sflag:s29] =	ssyncadd.s32 $0xFFFFFFFF  }
0xb5: {  	_ =	strace $0x90000048  }
0xb6: {  	_ =	sfence  }
0xb7: {  	s30 =	sld [smem:$0x0];
	_ =	sdelay $0x2  }
0xb8: {  	s31 =	sshll.u32 s1, $0xD;
	s1 =	sshrl.u32 s1, $0x2  }
0xb9: {  	s3 =	sand.u32 $0x4000, s31;
	s1 =	sadd.s32 s1, s30  }
0xba: {  	s0 =	sor.u32 s3, s0;
	s1 =	sshll.u32 s1, $0x11  }
0xbb: {  	s0 =	sor.u32 s1, s0  }
0xbc: {  	s0 =	sadd.s32 $0x8F2B, s0  }
0xbd: {  	[sflag:s0] =	ssyncadd.remote.s32 $0x1  }
0xbe: {  	_ =	sfence.sel $0xFFFF  }
0xbf: {  	[dreg:$0x0] =	wrdreg $0xFFFFFFFF;
	(pc) =	sbr.abs _section_cstart, $3  }
0xc0: {  	[dreg:$0x1] =	wrdreg $0xFFFFFFFF  }
0xc1: {  	_ =	task.clear_ibuf [dreg:s6], $0x2FFFF;
	_ =	strace $0x9FFFFFFF  }
0xc2: {  	(tm) =	ssettm $0x7FFFFFFF  }
0xc3: {  	_ =	shalt  }
tec
execute0_lowered:
.L_overlay_start_1:
0x0: {  	(tag) =	ssettag $0x1  }
0x1: {  	s0 =	rddreg [dreg:$0x0]  }
0x2: {  	s2 =	rddreg [dreg:$0x1];
	s4 =	srdreg.scid  }
0x3: {  	s1 =	stileid.u32;
	s3 =	simm.s32 $0x0;
	s19 =	simm.s32 $0x5  }
0x4: {  	s20 =	simm.s32 $0x1400;
	s21 =	simm.s32 $0x80;
	s22 =	simm.s32 $0x2800  }
0x5: {  	s23 =	simm.s32 $0x6800;
	s28 =	simm.s32 $0x4;
	s29 =	simm.s32 $0x0  }
0x6: {  	s7 =	sand.u32 $0x1, s4;
	s6 =	smul.u32 $0x14000, s1;
	[smem:$0x7FF] =	sst s3  }
0x7: {  	s4 =	sadd.s32 $0x5000, s0;
	s5 =	sadd.s32 $0x2D000, s0;
	s14 =	sadd.s32 $0x55000, s0  }
0x8: {  	s15 =	sadd.s32 $0x64000, s0;
	s9 =	sshll.u32 s1, $0x1;
	s24 =	smul.u32 $0x50000, s1  }
0x9: {  	s8 =	smul.u32 $0x140000, s7;
	s10 =	ssub.s32 $0x2, s7;
	s7 =	sor.u32 s7, s9  }
0xa: {  	s31 =	sshll.u32 s1, $0x6;
	_ =	strace $0x80000047;
	s11 =	smul.u32 $0x1400, s7  }
0xb: {  	s25 =	sshrl.u32 s10, $0x1;
	s26 =	sshrl.u32 s24, $0x2;
	s30 =	smul.u32 $0x280, s7  }
0xc: {  	s7 =	sor.u32 $0x1C05, s31;
	s24 =	simm.s32 $0x1;
	s8 =	sadd.s32 s6, s8  }
0xd: {  	s6 =	sadd.s32 $0x73000, s0;
	s17 =	ssub.s32 s10, s25;
	s18 =	sadd.s32 s26, s2  }
0xe: {  	s25 =	simm.s32 $0x2;
	s26 =	simm.s32 $0x3;
	s8 =	sshrl.u32 s8, $0x3  }
0xf: {  	s16 =	sshrl.u32 s11, $0x3;
	s9 =	sadd.s32 s15, s30;
	s17 =	smax.u32 s17, $0x1  }
0x10: {  	s18 =	sshrl.u32 s18, $0x3;
	s0 =	sadd.s32 s8, s0;
	s8 =	sadd.s32 s14, s30  }
0x11: {  	s12 =	sadd.s32 $0x5000, s16;
	s16 =	sadd.s32 $0xA000, s16;
	s10 =	sadd.s32 $0x75800, s0  }
0x12: {  	s11 =	sadd.s32 s14, s12;
	s12 =	sadd.s32 s15, s12;
	s13 =	sadd.s32 $0xC5800, s0  }
0x13: {  	s14 =	sadd.s32 s14, s16;
	s15 =	sadd.s32 s15, s16;
	s16 =	sadd.s32 $0x115800, s0  }
.LBB2_1:
0x14: {  	[spmem:s18], [sflag:s7] =	dma.local [hbm:s6], $0x2800  }
0x15: {  	_ =	swait.ge [sflag:s19], $0x2800  }
0x16: {  	[sflag:s19] =	ssyncset.done $0x0  }
0x17: {  	[sflag:s19] =	ssyncadd.s32 $0xFFFFD800  }
0x18: {  	[tilespmem:s3], [sflag:$0x5] =	stream.linear.gather [hbm4b:s8+s3], $0x1400, $0x38;
	[tilespmem:$0x1E800] =	vst v63  }
0x19: {  	_ =	swait.ge [sflag:s19], $0x1400  }
0x1a: {  	[sflag:s19] =	ssyncset.done $0x0  }
0x1b: {  	[sflag:s19] =	ssyncadd.s32 $0xFFFFEC00  }
0x1c: {  	[tilespmem:s20], [sflag:$0x5] =	stream.linear.gather [hbm4b:s9+s3], $0x1400, $0x38;
	[tilespmem:$0x1E800] =	vst v63  }
0x1d: {  	_ =	swait.ge [sflag:s19], $0x1400  }
0x1e: {  	[sflag:s19] =	ssyncset.done $0x0  }
0x1f: {  	[sflag:s19] =	ssyncadd.s32 $0xFFFFEC00  }
0x20: {  	s0 =	simm.s32 $0x0;
	[bflag:$0x0] =	sbarrier.arrive $0xFFFF  }
0x21: {  	[tilespmem:s22], [sflag:$0x1] =	stream.indirect.gather [hbm4b:s5+s21], $0x80, s0, s21, $0xb8;
	[tilespmem:$0x1E800] =	vst v63  }
0x22: {  	s1 =	simm.s32 $0x80  }
0x23: {  	[tilespmem:s23], [sflag:$0x2] =	stream.indirect.gather [hbm4b:s5+s21], $0x80, s1, s21, $0xb8;
	[tilespmem:$0x1E800] =	vst v63  }
0x24: {  	_ =	swait.ge [sflag:s24], $0x4000  }
0x25: {  	[sflag:s24] =	ssyncset.done $0x0  }
0x26: {  	s1 =	simm.s32 $0x1400;
	[sflag:s24] =	ssyncadd.s32 $0xFFFFC000  }
0x27: {  	[spmem:s2] =	stream.indirect.scatter.add.f32 [tilespmem:s22], [sflag:$0x3], $0x80, s1, s21, $0xb8;
	[tilespmem:$0x1E800] =	vst v63  }
0x28: {  	_ =	swait.ge [sflag:s25], $0x4000  }
0x29: {  	[sflag:s25] =	ssyncset.done $0x0  }
0x2a: {  	s1 =	simm.s32 $0x1480;
	[sflag:s25] =	ssyncadd.s32 $0xFFFFC000  }
0x2b: {  	[spmem:s2] =	stream.indirect.scatter.add.f32 [tilespmem:s23], [sflag:$0x4], $0x80, s1, s21, $0xb8;
	[tilespmem:$0x1E800] =	vst v63  }
0x2c: {  	_ =	swait.ge [sflag:s26], $0x4000  }
0x2d: {  	[sflag:s26] =	ssyncset.done $0x0  }
0x2e: {  	s1 =	simm.s32 $0x100;
	[sflag:s26] =	ssyncadd.s32 $0xFFFFC000  }
0x2f: {  	[tilespmem:s22], [sflag:$0x1] =	stream.indirect.gather [hbm4b:s5+s21], $0x80, s1, s21, $0xb8;
	[tilespmem:$0x1E800] =	vst v63  }
0x30: {  	_ =	swait.ge [sflag:s28], $0x4000  }
0x31: {  	[sflag:s28] =	ssyncset.done $0x0  }
0x32: {  	s1 =	simm.s32 $0x180;
	[sflag:s28] =	ssyncadd.s32 $0xFFFFC000  }
0x33: {  	[tilespmem:s23], [sflag:$0x2] =	stream.indirect.gather [hbm4b:s5+s21], $0x80, s1, s21, $0xb8;
	[tilespmem:$0x1E800] =	vst v63  }
0x34: {  	_ =	swait.ge [sflag:s24], $0x4000  }
0x35: {  	[sflag:s24] =	ssyncset.done $0x0  }
0x36: {  	s1 =	simm.s32 $0x1500;
	[sflag:s24] =	ssyncadd.s32 $0xFFFFC000  }
0x37: {  	[spmem:s2] =	stream.indirect.scatter.add.f32 [tilespmem:s22], [sflag:$0x3], $0x80, s1, s21, $0xb8;
	[tilespmem:$0x1E800] =	vst v63  }
0x38: {  	_ =	swait.ge [sflag:s25], $0x4000  }
0x39: {  	[sflag:s25] =	ssyncset.done $0x0  }
0x3a: {  	s1 =	simm.s32 $0x1580;
	[sflag:s25] =	ssyncadd.s32 $0xFFFFC000  }
0x3b: {  	[spmem:s2] =	stream.indirect.scatter.add.f32 [tilespmem:s23], [sflag:$0x4], $0x80, s1, s21, $0xb8;
	[tilespmem:$0x1E800] =	vst v63  }
0x3c: {  	_ =	swait.ge [sflag:s26], $0x4000  }
0x3d: {  	[sflag:s26] =	ssyncset.done $0x0  }
0x3e: {  	[sflag:s26] =	ssyncadd.s32 $0xFFFFC000  }
0x3f: {  	_ =	swait.ge [sflag:s28], $0x4000  }
0x40: {  	s30 =	simm.s32 $0x800;
	s31 =	simm.s32 $0x1000;
	[sflag:s28] =	ssyncset.done $0x0  }
.LBB2_2:
0x41: {  	s1 =	sshra.s32 s30, $0x2  }
0x42: {  	[sflag:s28] =	ssyncadd.s32 $0xFFFFC000;
	s30 =	smov.u32 s31;
	s0 =	sadd.s32 $0x800, s31  }
0x43: {  	[tilespmem:s22], [sflag:$0x1] =	stream.indirect.gather [hbm4b:s5+s21], $0x80, s1, s21, $0xb8;
	[tilespmem:$0x1E800] =	vst v63  }
0x44: {  	p0 =	sne.s32 s31, $0x4800;
	s31 =	sadd.s32 $0x80, s1  }
0x45: {  	[tilespmem:s23], [sflag:$0x2] =	stream.indirect.gather [hbm4b:s5+s21], $0x80, s31, s21, $0xb8;
	[tilespmem:$0x1E800] =	vst v63  }
0x46: {  	_ =	swait.ge [sflag:s24], $0x4000  }
0x47: {  	[sflag:s24] =	ssyncset.done $0x0  }
0x48: {  	s31 =	sadd.s32 $0x1400, s1;
	[sflag:s24] =	ssyncadd.s32 $0xFFFFC000  }
0x49: {  	[spmem:s2] =	stream.indirect.scatter.add.f32 [tilespmem:s22], [sflag:$0x3], $0x80, s31, s21, $0xb8;
	[tilespmem:$0x1E800] =	vst v63  }
0x4a: {  	_ =	swait.ge [sflag:s25], $0x4000  }
0x4b: {  	[sflag:s25] =	ssyncset.done $0x0  }
0x4c: {  	s31 =	sadd.s32 $0x1480, s1;
	[sflag:s25] =	ssyncadd.s32 $0xFFFFC000  }
0x4d: {  	[spmem:s2] =	stream.indirect.scatter.add.f32 [tilespmem:s23], [sflag:$0x4], $0x80, s31, s21, $0xb8;
	[tilespmem:$0x1E800] =	vst v63  }
0x4e: {  	_ =	swait.ge [sflag:s26], $0x4000  }
0x4f: {  	[sflag:s26] =	ssyncset.done $0x0  }
0x50: {  	s31 =	sadd.s32 $0x100, s1;
	[sflag:s26] =	ssyncadd.s32 $0xFFFFC000  }
0x51: {  	[tilespmem:s22], [sflag:$0x1] =	stream.indirect.gather [hbm4b:s5+s21], $0x80, s31, s21, $0xb8;
	[tilespmem:$0x1E800] =	vst v63  }
0x52: {  	_ =	swait.ge [sflag:s28], $0x4000  }
0x53: {  	[sflag:s28] =	ssyncset.done $0x0  }
0x54: {  	s31 =	sadd.s32 $0x180, s1;
	[sflag:s28] =	ssyncadd.s32 $0xFFFFC000  }
0x55: {  	[tilespmem:s23], [sflag:$0x2] =	stream.indirect.gather [hbm4b:s5+s21], $0x80, s31, s21, $0xb8;
	[tilespmem:$0x1E800] =	vst v63  }
0x56: {  	_ =	swait.ge [sflag:s24], $0x4000  }
0x57: {  	[sflag:s24] =	ssyncset.done $0x0  }
0x58: {  	s31 =	sadd.s32 $0x1500, s1;
	[sflag:s24] =	ssyncadd.s32 $0xFFFFC000  }
0x59: {  	[spmem:s2] =	stream.indirect.scatter.add.f32 [tilespmem:s22], [sflag:$0x3], $0x80, s31, s21, $0xb8;
	[tilespmem:$0x1E800] =	vst v63  }
0x5a: {  	_ =	swait.ge [sflag:s25], $0x4000  }
0x5b: {  	[sflag:s25] =	ssyncset.done $0x0  }
0x5c: {  	s1 =	sadd.s32 $0x1580, s1;
	[sflag:s25] =	ssyncadd.s32 $0xFFFFC000  }
0x5d: {  	[spmem:s2] =	stream.indirect.scatter.add.f32 [tilespmem:s23], [sflag:$0x4], $0x80, s1, s21, $0xb8;
	[tilespmem:$0x1E800] =	vst v63  }
.Ltmp0:
0x5e: {  	_ =	swait.ge [sflag:s26], $0x4000;
	(pc) =	sbr.rel @p0 .LBB2_2-.Ltmp0, $4  }
0x5f: {  	[sflag:s26] =	ssyncset.done $0x0  }
0x60: {  	[sflag:s26] =	ssyncadd.s32 $0xFFFFC000  }
0x61: {  	_ =	swait.ge [sflag:s28], $0x4000  }
0x62: {  	s31 =	smov.u32 s0;
	[sflag:s28] =	ssyncset.done $0x0  }
0x63: {  	s0 =	sshra.s32 s30, $0x2;
	[sflag:s28] =	ssyncadd.s32 $0xFFFFC000  }
0x64: {  	[tilespmem:s22], [sflag:$0x1] =	stream.indirect.gather [hbm4b:s5+s21], $0x80, s0, s21, $0xb8;
	[tilespmem:$0x1E800] =	vst v63  }
0x65: {  	s1 =	sadd.s32 $0x80, s0  }
0x66: {  	[tilespmem:s23], [sflag:$0x2] =	stream.indirect.gather [hbm4b:s5+s21], $0x80, s1, s21, $0xb8;
	[tilespmem:$0x1E800] =	vst v63  }
0x67: {  	_ =	swait.ge [sflag:s24], $0x4000  }
0x68: {  	[sflag:s24] =	ssyncset.done $0x0  }
0x69: {  	s31 =	sadd.s32 $0x1400, s0;
	[sflag:s24] =	ssyncadd.s32 $0xFFFFC000  }
0x6a: {  	[spmem:s2] =	stream.indirect.scatter.add.f32 [tilespmem:s22], [sflag:$0x3], $0x80, s31, s21, $0xb8;
	[tilespmem:$0x1E800] =	vst v63  }
0x6b: {  	_ =	swait.ge [sflag:s25], $0x4000  }
0x6c: {  	[sflag:s25] =	ssyncset.done $0x0  }
0x6d: {  	s31 =	sadd.s32 $0x1480, s0;
	[sflag:s25] =	ssyncadd.s32 $0xFFFFC000  }
0x6e: {  	[spmem:s2] =	stream.indirect.scatter.add.f32 [tilespmem:s23], [sflag:$0x4], $0x80, s31, s21, $0xb8;
	[tilespmem:$0x1E800] =	vst v63  }
0x6f: {  	_ =	swait.ge [sflag:s26], $0x4000  }
0x70: {  	[sflag:s26] =	ssyncset.done $0x0  }
0x71: {  	s31 =	sadd.s32 $0x100, s0;
	[sflag:s26] =	ssyncadd.s32 $0xFFFFC000  }
0x72: {  	[tilespmem:s22], [sflag:$0x1] =	stream.indirect.gather [hbm4b:s5+s21], $0x80, s31, s21, $0xb8;
	[tilespmem:$0x1E800] =	vst v63  }
0x73: {  	_ =	swait.ge [sflag:s28], $0x4000  }
0x74: {  	[sflag:s28] =	ssyncset.done $0x0  }
0x75: {  	s31 =	sadd.s32 $0x180, s0;
	[sflag:s28] =	ssyncadd.s32 $0xFFFFC000  }
0x76: {  	[tilespmem:s23], [sflag:$0x2] =	stream.indirect.gather [hbm4b:s5+s21], $0x80, s31, s21, $0xb8;
	[tilespmem:$0x1E800] =	vst v63  }
0x77: {  	_ =	swait.ge [sflag:s24], $0x4000  }
0x78: {  	[sflag:s24] =	ssyncset.done $0x0  }
0x79: {  	s31 =	sadd.s32 $0x1500, s0;
	[sflag:s24] =	ssyncadd.s32 $0xFFFFC000  }
0x7a: {  	[spmem:s2] =	stream.indirect.scatter.add.f32 [tilespmem:s22], [sflag:$0x3], $0x80, s31, s21, $0xb8;
	[tilespmem:$0x1E800] =	vst v63  }
0x7b: {  	_ =	swait.ge [sflag:s25], $0x4000  }
0x7c: {  	[sflag:s25] =	ssyncset.done $0x0  }
0x7d: {  	s0 =	sadd.s32 $0x1580, s0;
	[sflag:s25] =	ssyncadd.s32 $0xFFFFC000  }
0x7e: {  	[spmem:s2] =	stream.indirect.scatter.add.f32 [tilespmem:s23], [sflag:$0x4], $0x80, s0, s21, $0xb8;
	[tilespmem:$0x1E800] =	vst v63  }
0x7f: {  	_ =	swait.ge [sflag:s26], $0x4000  }
0x80: {  	[sflag:s26] =	ssyncset.done $0x0  }
0x81: {  	[sflag:s26] =	ssyncadd.s32 $0xFFFFC000  }
0x82: {  	_ =	swait.ge [sflag:s28], $0x4000  }
0x83: {  	[sflag:s28] =	ssyncset.done $0x0  }
0x84: {  	[sflag:s28] =	ssyncadd.s32 $0xFFFFC000  }
0x85: {  	[bflag:$0x0] =	sbarrier.arrive $0xFFFF  }
0x86: {  	[hbm:s10], [sflag:s7] =	dma.local [spmem:s18], $0x2800  }
0x87: {  	_ =	swait.ge [sflag:s19], $0x2800  }
0x88: {  	[sflag:s19] =	ssyncset.done $0x0  }
0x89: {  	[sflag:s19] =	ssyncadd.s32 $0xFFFFD800  }
0x8a: {  	[spmem:s18], [sflag:s7] =	dma.local [hbm:s6], $0x2800  }
0x8b: {  	_ =	swait.ge [sflag:s19], $0x2800  }
0x8c: {  	[sflag:s19] =	ssyncset.done $0x0  }
0x8d: {  	s31 =	simm.s32 $0x0;
	[sflag:s19] =	ssyncadd.s32 $0xFFFFD800  }
0x8e: {  	[tilespmem:s31], [sflag:$0x5] =	stream.linear.gather [hbm4b:s11+s31], $0x1400, $0x38;
	[tilespmem:$0x1E800] =	vst v63  }
0x8f: {  	_ =	swait.ge [sflag:s19], $0x1400  }
0x90: {  	[sflag:s19] =	ssyncset.done $0x0  }
0x91: {  	[sflag:s19] =	ssyncadd.s32 $0xFFFFEC00  }
0x92: {  	[tilespmem:s20], [sflag:$0x5] =	stream.linear.gather [hbm4b:s12+s31], $0x1400, $0x38;
	[tilespmem:$0x1E800] =	vst v63  }
0x93: {  	_ =	swait.ge [sflag:s19], $0x1400  }
0x94: {  	[sflag:s19] =	ssyncset.done $0x0  }
0x95: {  	[sflag:s19] =	ssyncadd.s32 $0xFFFFEC00  }
0x96: {  	s1 =	simm.s32 $0x0;
	[bflag:$0x0] =	sbarrier.arrive $0xFFFF  }
0x97: {  	[tilespmem:s22], [sflag:$0x1] =	stream.indirect.gather [hbm4b:s4+s21], $0x80, s1, s21, $0xb8;
	[tilespmem:$0x1E800] =	vst v63  }
0x98: {  	s31 =	simm.s32 $0x80  }
0x99: {  	[tilespmem:s23], [sflag:$0x2] =	stream.indirect.gather [hbm4b:s4+s21], $0x80, s31, s21, $0xb8;
	[tilespmem:$0x1E800] =	vst v63  }
0x9a: {  	_ =	swait.ge [sflag:s24], $0x4000  }
0x9b: {  	[sflag:s24] =	ssyncset.done $0x0  }
0x9c: {  	s1 =	simm.s32 $0x1400;
	[sflag:s24] =	ssyncadd.s32 $0xFFFFC000  }
0x9d: {  	[spmem:s2] =	stream.indirect.scatter.add.f32 [tilespmem:s22], [sflag:$0x3], $0x80, s1, s21, $0xb8;
	[tilespmem:$0x1E800] =	vst v63  }
0x9e: {  	_ =	swait.ge [sflag:s25], $0x4000  }
0x9f: {  	[sflag:s25] =	ssyncset.done $0x0  }
0xa0: {  	s31 =	simm.s32 $0x1480;
	[sflag:s25] =	ssyncadd.s32 $0xFFFFC000  }
0xa1: {  	[spmem:s2] =	stream.indirect.scatter.add.f32 [tilespmem:s23], [sflag:$0x4], $0x80, s31, s21, $0xb8;
	[tilespmem:$0x1E800] =	vst v63  }
0xa2: {  	_ =	swait.ge [sflag:s26], $0x4000  }
0xa3: {  	[sflag:s26] =	ssyncset.done $0x0  }
0xa4: {  	s1 =	simm.s32 $0x100;
	[sflag:s26] =	ssyncadd.s32 $0xFFFFC000  }
0xa5: {  	[tilespmem:s22], [sflag:$0x1] =	stream.indirect.gather [hbm4b:s4+s21], $0x80, s1, s21, $0xb8;
	[tilespmem:$0x1E800] =	vst v63  }
0xa6: {  	_ =	swait.ge [sflag:s28], $0x4000  }
0xa7: {  	[sflag:s28] =	ssyncset.done $0x0  }
0xa8: {  	s31 =	simm.s32 $0x180;
	[sflag:s28] =	ssyncadd.s32 $0xFFFFC000  }
0xa9: {  	[tilespmem:s23], [sflag:$0x2] =	stream.indirect.gather [hbm4b:s4+s21], $0x80, s31, s21, $0xb8;
	[tilespmem:$0x1E800] =	vst v63  }
0xaa: {  	_ =	swait.ge [sflag:s24], $0x4000  }
0xab: {  	[sflag:s24] =	ssyncset.done $0x0  }
0xac: {  	s1 =	simm.s32 $0x1500;
	[sflag:s24] =	ssyncadd.s32 $0xFFFFC000  }
0xad: {  	[spmem:s2] =	stream.indirect.scatter.add.f32 [tilespmem:s22], [sflag:$0x3], $0x80, s1, s21, $0xb8;
	[tilespmem:$0x1E800] =	vst v63  }
0xae: {  	_ =	swait.ge [sflag:s25], $0x4000  }
0xaf: {  	[sflag:s25] =	ssyncset.done $0x0  }
0xb0: {  	s31 =	simm.s32 $0x1580;
	[sflag:s25] =	ssyncadd.s32 $0xFFFFC000  }
0xb1: {  	[spmem:s2] =	stream.indirect.scatter.add.f32 [tilespmem:s23], [sflag:$0x4], $0x80, s31, s21, $0xb8;
	[tilespmem:$0x1E800] =	vst v63  }
0xb2: {  	_ =	swait.ge [sflag:s26], $0x4000  }
0xb3: {  	[sflag:s26] =	ssyncset.done $0x0  }
0xb4: {  	[sflag:s26] =	ssyncadd.s32 $0xFFFFC000  }
0xb5: {  	_ =	swait.ge [sflag:s28], $0x4000  }
0xb6: {  	s30 =	simm.s32 $0x800;
	s0 =	simm.s32 $0x1000;
	[sflag:s28] =	ssyncset.done $0x0  }
.LBB2_4:
0xb7: {  	s1 =	sshra.s32 s30, $0x2  }
0xb8: {  	[sflag:s28] =	ssyncadd.s32 $0xFFFFC000;
	s30 =	smov.u32 s0;
	s31 =	sadd.s32 $0x800, s0  }
0xb9: {  	[tilespmem:s22], [sflag:$0x1] =	stream.indirect.gather [hbm4b:s4+s21], $0x80, s1, s21, $0xb8;
	[tilespmem:$0x1E800] =	vst v63  }
0xba: {  	p0 =	sne.s32 s0, $0x4800;
	s0 =	sadd.s32 $0x80, s1  }
0xbb: {  	[tilespmem:s23], [sflag:$0x2] =	stream.indirect.gather [hbm4b:s4+s21], $0x80, s0, s21, $0xb8;
	[tilespmem:$0x1E800] =	vst v63  }
0xbc: {  	_ =	swait.ge [sflag:s24], $0x4000  }
0xbd: {  	[sflag:s24] =	ssyncset.done $0x0  }
0xbe: {  	s0 =	sadd.s32 $0x1400, s1;
	[sflag:s24] =	ssyncadd.s32 $0xFFFFC000  }
0xbf: {  	[spmem:s2] =	stream.indirect.scatter.add.f32 [tilespmem:s22], [sflag:$0x3], $0x80, s0, s21, $0xb8;
	[tilespmem:$0x1E800] =	vst v63  }
0xc0: {  	_ =	swait.ge [sflag:s25], $0x4000  }
0xc1: {  	[sflag:s25] =	ssyncset.done $0x0  }
0xc2: {  	s0 =	sadd.s32 $0x1480, s1;
	[sflag:s25] =	ssyncadd.s32 $0xFFFFC000  }
0xc3: {  	[spmem:s2] =	stream.indirect.scatter.add.f32 [tilespmem:s23], [sflag:$0x4], $0x80, s0, s21, $0xb8;
	[tilespmem:$0x1E800] =	vst v63  }
0xc4: {  	_ =	swait.ge [sflag:s26], $0x4000  }
0xc5: {  	[sflag:s26] =	ssyncset.done $0x0  }
0xc6: {  	s0 =	sadd.s32 $0x100, s1;
	[sflag:s26] =	ssyncadd.s32 $0xFFFFC000  }
0xc7: {  	[tilespmem:s22], [sflag:$0x1] =	stream.indirect.gather [hbm4b:s4+s21], $0x80, s0, s21, $0xb8;
	[tilespmem:$0x1E800] =	vst v63  }
0xc8: {  	_ =	swait.ge [sflag:s28], $0x4000  }
0xc9: {  	[sflag:s28] =	ssyncset.done $0x0  }
0xca: {  	s0 =	sadd.s32 $0x180, s1;
	[sflag:s28] =	ssyncadd.s32 $0xFFFFC000  }
0xcb: {  	[tilespmem:s23], [sflag:$0x2] =	stream.indirect.gather [hbm4b:s4+s21], $0x80, s0, s21, $0xb8;
	[tilespmem:$0x1E800] =	vst v63  }
0xcc: {  	_ =	swait.ge [sflag:s24], $0x4000  }
0xcd: {  	[sflag:s24] =	ssyncset.done $0x0  }
0xce: {  	s0 =	sadd.s32 $0x1500, s1;
	[sflag:s24] =	ssyncadd.s32 $0xFFFFC000  }
0xcf: {  	[spmem:s2] =	stream.indirect.scatter.add.f32 [tilespmem:s22], [sflag:$0x3], $0x80, s0, s21, $0xb8;
	[tilespmem:$0x1E800] =	vst v63  }
0xd0: {  	_ =	swait.ge [sflag:s25], $0x4000  }
0xd1: {  	[sflag:s25] =	ssyncset.done $0x0  }
0xd2: {  	s0 =	sadd.s32 $0x1580, s1;
	[sflag:s25] =	ssyncadd.s32 $0xFFFFC000  }
0xd3: {  	[spmem:s2] =	stream.indirect.scatter.add.f32 [tilespmem:s23], [sflag:$0x4], $0x80, s0, s21, $0xb8;
	[tilespmem:$0x1E800] =	vst v63  }
.Ltmp1:
0xd4: {  	_ =	swait.ge [sflag:s26], $0x4000;
	(pc) =	sbr.rel @p0 .LBB2_4-.Ltmp1, $4  }
0xd5: {  	[sflag:s26] =	ssyncset.done $0x0  }
0xd6: {  	[sflag:s26] =	ssyncadd.s32 $0xFFFFC000  }
0xd7: {  	_ =	swait.ge [sflag:s28], $0x4000  }
0xd8: {  	s0 =	smov.u32 s31;
	[sflag:s28] =	ssyncset.done $0x0  }
0xd9: {  	s0 =	sshra.s32 s30, $0x2;
	[sflag:s28] =	ssyncadd.s32 $0xFFFFC000  }
0xda: {  	[tilespmem:s22], [sflag:$0x1] =	stream.indirect.gather [hbm4b:s4+s21], $0x80, s0, s21, $0xb8;
	[tilespmem:$0x1E800] =	vst v63  }
0xdb: {  	s1 =	sadd.s32 $0x80, s0  }
0xdc: {  	[tilespmem:s23], [sflag:$0x2] =	stream.indirect.gather [hbm4b:s4+s21], $0x80, s1, s21, $0xb8;
	[tilespmem:$0x1E800] =	vst v63  }
0xdd: {  	_ =	swait.ge [sflag:s24], $0x4000  }
0xde: {  	[sflag:s24] =	ssyncset.done $0x0  }
0xdf: {  	s31 =	sadd.s32 $0x1400, s0;
	[sflag:s24] =	ssyncadd.s32 $0xFFFFC000  }
0xe0: {  	[spmem:s2] =	stream.indirect.scatter.add.f32 [tilespmem:s22], [sflag:$0x3], $0x80, s31, s21, $0xb8;
	[tilespmem:$0x1E800] =	vst v63  }
0xe1: {  	_ =	swait.ge [sflag:s25], $0x4000  }
0xe2: {  	[sflag:s25] =	ssyncset.done $0x0  }
0xe3: {  	s31 =	sadd.s32 $0x1480, s0;
	[sflag:s25] =	ssyncadd.s32 $0xFFFFC000  }
0xe4: {  	[spmem:s2] =	stream.indirect.scatter.add.f32 [tilespmem:s23], [sflag:$0x4], $0x80, s31, s21, $0xb8;
	[tilespmem:$0x1E800] =	vst v63  }
0xe5: {  	_ =	swait.ge [sflag:s26], $0x4000  }
0xe6: {  	[sflag:s26] =	ssyncset.done $0x0  }
0xe7: {  	s31 =	sadd.s32 $0x100, s0;
	[sflag:s26] =	ssyncadd.s32 $0xFFFFC000  }
0xe8: {  	[tilespmem:s22], [sflag:$0x1] =	stream.indirect.gather [hbm4b:s4+s21], $0x80, s31, s21, $0xb8;
	[tilespmem:$0x1E800] =	vst v63  }
0xe9: {  	_ =	swait.ge [sflag:s28], $0x4000  }
0xea: {  	[sflag:s28] =	ssyncset.done $0x0  }
0xeb: {  	s31 =	sadd.s32 $0x180, s0;
	[sflag:s28] =	ssyncadd.s32 $0xFFFFC000  }
0xec: {  	[tilespmem:s23], [sflag:$0x2] =	stream.indirect.gather [hbm4b:s4+s21], $0x80, s31, s21, $0xb8;
	[tilespmem:$0x1E800] =	vst v63  }
0xed: {  	_ =	swait.ge [sflag:s24], $0x4000  }
0xee: {  	[sflag:s24] =	ssyncset.done $0x0  }
0xef: {  	s31 =	sadd.s32 $0x1500, s0;
	[sflag:s24] =	ssyncadd.s32 $0xFFFFC000  }
0xf0: {  	[spmem:s2] =	stream.indirect.scatter.add.f32 [tilespmem:s22], [sflag:$0x3], $0x80, s31, s21, $0xb8;
	[tilespmem:$0x1E800] =	vst v63  }
0xf1: {  	_ =	swait.ge [sflag:s25], $0x4000  }
0xf2: {  	[sflag:s25] =	ssyncset.done $0x0  }
0xf3: {  	s0 =	sadd.s32 $0x1580, s0;
	[sflag:s25] =	ssyncadd.s32 $0xFFFFC000  }
0xf4: {  	[spmem:s2] =	stream.indirect.scatter.add.f32 [tilespmem:s23], [sflag:$0x4], $0x80, s0, s21, $0xb8;
	[tilespmem:$0x1E800] =	vst v63  }
0xf5: {  	_ =	swait.ge [sflag:s26], $0x4000  }
0xf6: {  	[sflag:s26] =	ssyncset.done $0x0  }
0xf7: {  	[sflag:s26] =	ssyncadd.s32 $0xFFFFC000  }
0xf8: {  	_ =	swait.ge [sflag:s28], $0x4000  }
0xf9: {  	[sflag:s28] =	ssyncset.done $0x0  }
0xfa: {  	[sflag:s28] =	ssyncadd.s32 $0xFFFFC000  }
0xfb: {  	[bflag:$0x0] =	sbarrier.arrive $0xFFFF  }
0xfc: {  	[hbm:s13], [sflag:s7] =	dma.local [spmem:s18], $0x2800  }
0xfd: {  	_ =	swait.ge [sflag:s19], $0x2800  }
0xfe: {  	[sflag:s19] =	ssyncset.done $0x0  }
0xff: {  	[sflag:s19] =	ssyncadd.s32 $0xFFFFD800  }
0x100: {  	[spmem:s18], [sflag:s7] =	dma.local [hbm:s6], $0x2800  }
0x101: {  	_ =	swait.ge [sflag:s19], $0x2800  }
0x102: {  	[sflag:s19] =	ssyncset.done $0x0  }
0x103: {  	s31 =	simm.s32 $0x0;
	[sflag:s19] =	ssyncadd.s32 $0xFFFFD800  }
0x104: {  	[tilespmem:s31], [sflag:$0x5] =	stream.linear.gather [hbm4b:s14+s31], $0x1400, $0x38;
	[tilespmem:$0x1E800] =	vst v63  }
0x105: {  	_ =	swait.ge [sflag:s19], $0x1400  }
0x106: {  	[sflag:s19] =	ssyncset.done $0x0  }
0x107: {  	[sflag:s19] =	ssyncadd.s32 $0xFFFFEC00  }
0x108: {  	[tilespmem:s20], [sflag:$0x5] =	stream.linear.gather [hbm4b:s15+s31], $0x1400, $0x38;
	[tilespmem:$0x1E800] =	vst v63  }
0x109: {  	_ =	swait.ge [sflag:s19], $0x1400  }
0x10a: {  	[sflag:s19] =	ssyncset.done $0x0  }
0x10b: {  	[sflag:s19] =	ssyncadd.s32 $0xFFFFEC00  }
0x10c: {  	s1 =	simm.s32 $0x0;
	[bflag:$0x0] =	sbarrier.arrive $0xFFFF  }
0x10d: {  	[tilespmem:s22], [sflag:$0x1] =	stream.indirect.gather [hbm4b:s4+s21], $0x80, s1, s21, $0xb8;
	[tilespmem:$0x1E800] =	vst v63  }
0x10e: {  	s31 =	simm.s32 $0x80  }
0x10f: {  	[tilespmem:s23], [sflag:$0x2] =	stream.indirect.gather [hbm4b:s4+s21], $0x80, s31, s21, $0xb8;
	[tilespmem:$0x1E800] =	vst v63  }
0x110: {  	_ =	swait.ge [sflag:s24], $0x4000  }
0x111: {  	[sflag:s24] =	ssyncset.done $0x0  }
0x112: {  	s1 =	simm.s32 $0x1400;
	[sflag:s24] =	ssyncadd.s32 $0xFFFFC000  }
0x113: {  	[spmem:s2] =	stream.indirect.scatter.add.f32 [tilespmem:s22], [sflag:$0x3], $0x80, s1, s21, $0xb8;
	[tilespmem:$0x1E800] =	vst v63  }
0x114: {  	_ =	swait.ge [sflag:s25], $0x4000  }
0x115: {  	[sflag:s25] =	ssyncset.done $0x0  }
0x116: {  	s31 =	simm.s32 $0x1480;
	[sflag:s25] =	ssyncadd.s32 $0xFFFFC000  }
0x117: {  	[spmem:s2] =	stream.indirect.scatter.add.f32 [tilespmem:s23], [sflag:$0x4], $0x80, s31, s21, $0xb8;
	[tilespmem:$0x1E800] =	vst v63  }
0x118: {  	_ =	swait.ge [sflag:s26], $0x4000  }
0x119: {  	[sflag:s26] =	ssyncset.done $0x0  }
0x11a: {  	s1 =	simm.s32 $0x100;
	[sflag:s26] =	ssyncadd.s32 $0xFFFFC000  }
0x11b: {  	[tilespmem:s22], [sflag:$0x1] =	stream.indirect.gather [hbm4b:s4+s21], $0x80, s1, s21, $0xb8;
	[tilespmem:$0x1E800] =	vst v63  }
0x11c: {  	_ =	swait.ge [sflag:s28], $0x4000  }
0x11d: {  	[sflag:s28] =	ssyncset.done $0x0  }
0x11e: {  	s31 =	simm.s32 $0x180;
	[sflag:s28] =	ssyncadd.s32 $0xFFFFC000  }
0x11f: {  	[tilespmem:s23], [sflag:$0x2] =	stream.indirect.gather [hbm4b:s4+s21], $0x80, s31, s21, $0xb8;
	[tilespmem:$0x1E800] =	vst v63  }
0x120: {  	_ =	swait.ge [sflag:s24], $0x4000  }
0x121: {  	[sflag:s24] =	ssyncset.done $0x0  }
0x122: {  	s1 =	simm.s32 $0x1500;
	[sflag:s24] =	ssyncadd.s32 $0xFFFFC000  }
0x123: {  	[spmem:s2] =	stream.indirect.scatter.add.f32 [tilespmem:s22], [sflag:$0x3], $0x80, s1, s21, $0xb8;
	[tilespmem:$0x1E800] =	vst v63  }
0x124: {  	_ =	swait.ge [sflag:s25], $0x4000  }
0x125: {  	[sflag:s25] =	ssyncset.done $0x0  }
0x126: {  	s31 =	simm.s32 $0x1580;
	[sflag:s25] =	ssyncadd.s32 $0xFFFFC000  }
0x127: {  	[spmem:s2] =	stream.indirect.scatter.add.f32 [tilespmem:s23], [sflag:$0x4], $0x80, s31, s21, $0xb8;
	[tilespmem:$0x1E800] =	vst v63  }
0x128: {  	_ =	swait.ge [sflag:s26], $0x4000  }
0x129: {  	[sflag:s26] =	ssyncset.done $0x0  }
0x12a: {  	[sflag:s26] =	ssyncadd.s32 $0xFFFFC000  }
0x12b: {  	_ =	swait.ge [sflag:s28], $0x4000  }
0x12c: {  	s30 =	simm.s32 $0x800;
	s0 =	simm.s32 $0x1000;
	[sflag:s28] =	ssyncset.done $0x0  }
.LBB2_6:
0x12d: {  	s1 =	sshra.s32 s30, $0x2  }
0x12e: {  	[sflag:s28] =	ssyncadd.s32 $0xFFFFC000;
	s30 =	smov.u32 s0;
	s31 =	sadd.s32 $0x800, s0  }
0x12f: {  	[tilespmem:s22], [sflag:$0x1] =	stream.indirect.gather [hbm4b:s4+s21], $0x80, s1, s21, $0xb8;
	[tilespmem:$0x1E800] =	vst v63  }
0x130: {  	p0 =	sne.s32 s0, $0x4800;
	s0 =	sadd.s32 $0x80, s1  }
0x131: {  	[tilespmem:s23], [sflag:$0x2] =	stream.indirect.gather [hbm4b:s4+s21], $0x80, s0, s21, $0xb8;
	[tilespmem:$0x1E800] =	vst v63  }
0x132: {  	_ =	swait.ge [sflag:s24], $0x4000  }
0x133: {  	[sflag:s24] =	ssyncset.done $0x0  }
0x134: {  	s0 =	sadd.s32 $0x1400, s1;
	[sflag:s24] =	ssyncadd.s32 $0xFFFFC000  }
0x135: {  	[spmem:s2] =	stream.indirect.scatter.add.f32 [tilespmem:s22], [sflag:$0x3], $0x80, s0, s21, $0xb8;
	[tilespmem:$0x1E800] =	vst v63  }
0x136: {  	_ =	swait.ge [sflag:s25], $0x4000  }
0x137: {  	[sflag:s25] =	ssyncset.done $0x0  }
0x138: {  	s0 =	sadd.s32 $0x1480, s1;
	[sflag:s25] =	ssyncadd.s32 $0xFFFFC000  }
0x139: {  	[spmem:s2] =	stream.indirect.scatter.add.f32 [tilespmem:s23], [sflag:$0x4], $0x80, s0, s21, $0xb8;
	[tilespmem:$0x1E800] =	vst v63  }
0x13a: {  	_ =	swait.ge [sflag:s26], $0x4000  }
0x13b: {  	[sflag:s26] =	ssyncset.done $0x0  }
0x13c: {  	s0 =	sadd.s32 $0x100, s1;
	[sflag:s26] =	ssyncadd.s32 $0xFFFFC000  }
0x13d: {  	[tilespmem:s22], [sflag:$0x1] =	stream.indirect.gather [hbm4b:s4+s21], $0x80, s0, s21, $0xb8;
	[tilespmem:$0x1E800] =	vst v63  }
0x13e: {  	_ =	swait.ge [sflag:s28], $0x4000  }
0x13f: {  	[sflag:s28] =	ssyncset.done $0x0  }
0x140: {  	s0 =	sadd.s32 $0x180, s1;
	[sflag:s28] =	ssyncadd.s32 $0xFFFFC000  }
0x141: {  	[tilespmem:s23], [sflag:$0x2] =	stream.indirect.gather [hbm4b:s4+s21], $0x80, s0, s21, $0xb8;
	[tilespmem:$0x1E800] =	vst v63  }
0x142: {  	_ =	swait.ge [sflag:s24], $0x4000  }
0x143: {  	[sflag:s24] =	ssyncset.done $0x0  }
0x144: {  	s0 =	sadd.s32 $0x1500, s1;
	[sflag:s24] =	ssyncadd.s32 $0xFFFFC000  }
0x145: {  	[spmem:s2] =	stream.indirect.scatter.add.f32 [tilespmem:s22], [sflag:$0x3], $0x80, s0, s21, $0xb8;
	[tilespmem:$0x1E800] =	vst v63  }
0x146: {  	_ =	swait.ge [sflag:s25], $0x4000  }
0x147: {  	[sflag:s25] =	ssyncset.done $0x0  }
0x148: {  	s0 =	sadd.s32 $0x1580, s1;
	[sflag:s25] =	ssyncadd.s32 $0xFFFFC000  }
0x149: {  	[spmem:s2] =	stream.indirect.scatter.add.f32 [tilespmem:s23], [sflag:$0x4], $0x80, s0, s21, $0xb8;
	[tilespmem:$0x1E800] =	vst v63  }
.Ltmp2:
0x14a: {  	_ =	swait.ge [sflag:s26], $0x4000;
	(pc) =	sbr.rel @p0 .LBB2_6-.Ltmp2, $4  }
0x14b: {  	[sflag:s26] =	ssyncset.done $0x0  }
0x14c: {  	[sflag:s26] =	ssyncadd.s32 $0xFFFFC000  }
0x14d: {  	_ =	swait.ge [sflag:s28], $0x4000  }
0x14e: {  	s0 =	smov.u32 s31;
	[sflag:s28] =	ssyncset.done $0x0  }
0x14f: {  	s0 =	sshra.s32 s30, $0x2;
	[sflag:s28] =	ssyncadd.s32 $0xFFFFC000  }
0x150: {  	[tilespmem:s22], [sflag:$0x1] =	stream.indirect.gather [hbm4b:s4+s21], $0x80, s0, s21, $0xb8;
	[tilespmem:$0x1E800] =	vst v63  }
0x151: {  	s1 =	sadd.s32 $0x80, s0  }
0x152: {  	[tilespmem:s23], [sflag:$0x2] =	stream.indirect.gather [hbm4b:s4+s21], $0x80, s1, s21, $0xb8;
	[tilespmem:$0x1E800] =	vst v63  }
0x153: {  	_ =	swait.ge [sflag:s24], $0x4000  }
0x154: {  	[sflag:s24] =	ssyncset.done $0x0  }
0x155: {  	s31 =	sadd.s32 $0x1400, s0;
	[sflag:s24] =	ssyncadd.s32 $0xFFFFC000  }
0x156: {  	[spmem:s2] =	stream.indirect.scatter.add.f32 [tilespmem:s22], [sflag:$0x3], $0x80, s31, s21, $0xb8;
	[tilespmem:$0x1E800] =	vst v63  }
0x157: {  	_ =	swait.ge [sflag:s25], $0x4000  }
0x158: {  	[sflag:s25] =	ssyncset.done $0x0  }
0x159: {  	s30 =	sadd.s32 $0x1480, s0;
	[sflag:s25] =	ssyncadd.s32 $0xFFFFC000  }
0x15a: {  	[spmem:s2] =	stream.indirect.scatter.add.f32 [tilespmem:s23], [sflag:$0x4], $0x80, s30, s21, $0xb8;
	[tilespmem:$0x1E800] =	vst v63  }
0x15b: {  	_ =	swait.ge [sflag:s26], $0x4000  }
0x15c: {  	[sflag:s26] =	ssyncset.done $0x0  }
0x15d: {  	s31 =	sadd.s32 $0x100, s0;
	[sflag:s26] =	ssyncadd.s32 $0xFFFFC000  }
0x15e: {  	[tilespmem:s22], [sflag:$0x1] =	stream.indirect.gather [hbm4b:s4+s21], $0x80, s31, s21, $0xb8;
	[tilespmem:$0x1E800] =	vst v63  }
0x15f: {  	_ =	swait.ge [sflag:s28], $0x4000  }
0x160: {  	[sflag:s28] =	ssyncset.done $0x0  }
0x161: {  	s30 =	sadd.s32 $0x180, s0;
	[sflag:s28] =	ssyncadd.s32 $0xFFFFC000  }
0x162: {  	[tilespmem:s23], [sflag:$0x2] =	stream.indirect.gather [hbm4b:s4+s21], $0x80, s30, s21, $0xb8;
	[tilespmem:$0x1E800] =	vst v63  }
0x163: {  	_ =	swait.ge [sflag:s24], $0x4000  }
0x164: {  	[sflag:s24] =	ssyncset.done $0x0  }
0x165: {  	s31 =	sadd.s32 $0x1500, s0;
	[sflag:s24] =	ssyncadd.s32 $0xFFFFC000  }
0x166: {  	[spmem:s2] =	stream.indirect.scatter.add.f32 [tilespmem:s22], [sflag:$0x3], $0x80, s31, s21, $0xb8;
	[tilespmem:$0x1E800] =	vst v63  }
0x167: {  	_ =	swait.ge [sflag:s25], $0x4000  }
0x168: {  	[sflag:s25] =	ssyncset.done $0x0  }
0x169: {  	s0 =	sadd.s32 $0x1580, s0;
	[sflag:s25] =	ssyncadd.s32 $0xFFFFC000  }
0x16a: {  	[spmem:s2] =	stream.indirect.scatter.add.f32 [tilespmem:s23], [sflag:$0x4], $0x80, s0, s21, $0xb8;
	[tilespmem:$0x1E800] =	vst v63  }
0x16b: {  	_ =	swait.ge [sflag:s26], $0x4000  }
0x16c: {  	[sflag:s26] =	ssyncset.done $0x0  }
0x16d: {  	[sflag:s26] =	ssyncadd.s32 $0xFFFFC000  }
0x16e: {  	_ =	swait.ge [sflag:s28], $0x4000  }
0x16f: {  	s29 =	sadd.s32 $0x1, s29;
	[sflag:s28] =	ssyncset.done $0x0  }
0x170: {  	p0 =	sne.s32 s29, s17;
	[sflag:s28] =	ssyncadd.s32 $0xFFFFC000  }
.Ltmp3:
0x171: {  	[bflag:$0x0] =	sbarrier.arrive $0xFFFF;
	(pc) =	sbr.rel @p0 .LBB2_1-.Ltmp3, $4  }
0x172: {  	[hbm:s16], [sflag:s7] =	dma.local [spmem:s18], $0x2800  }
0x173: {  	_ =	swait.ge [sflag:s19], $0x2800  }
0x174: {  	[sflag:s19] =	ssyncset.done $0x0  }
0x175: {  	[sflag:s19] =	ssyncadd.s32 $0xFFFFD800  }
0x176: {  	_ =	sfence.sel $0x180000  }
0x177: {  	[bflag:$0x0] =	sbarrier.arrive $0xFFFF  }
0x178: {  	_ =	strace $0x90000047  }
0x179: {  	s0 =	stileid.u32;
	[bflag:$0x2] =	sbarrier.arrive $0xFFFF  }
0x17a: {  	p0 =	sne.s32 s0, $0x0;
	s0 =	rddreg [dreg:$0x2]  }
0x17b: {  	s0 =	sadd.s32 @!p0 $0x100000, s0  }
0x17c: {  	[sflag:s0] =	ssyncadd.tile.s32 @!p0 $0x1;
	_ =	shalt  }
.Lfunc_end2:
_tile_overlayer_lowered:
.L_overlay_start_2:
0x17d: {  	(tag) =	ssettag $0x2  }
0x17e: {  	s0 =	rddreg [dreg:$0x0];
	s2 =	stileid.u32  }
0x17f: {  	s1 =	rddreg [dreg:$0x1];
	p0 =	sne.s32 s2, $0x0  }
0x180: {  	s3 =	rddreg [dreg:$0x2];
	[bflag:$0x3] =	sbarrier.arrive $0xFFFF;
	s2 =	simm.s32 @!p0 $0x1C05  }
0x181: {  	[timem:s3], [sflag:s2] =	dma.local @!p0 [hbm:s0], s1  }
0x182: {  	s0 =	simm.s32 @!p0 $0x5  }
0x183: {  	_ =	swait.ge @!p0 [sflag:s0], s1  }
0x184: {  	s1 =	ssub.s32 @!p0 $0x0, s1;
	[sflag:s0] =	ssyncset.done @!p0 $0x0  }
0x185: {  	[sflag:s0] =	ssyncadd.s32 @!p0 s1  }
0x186: {  	[bflag:$0x3] =	sbarrier.arrive $0xFFFF  }
0x187: {  	_ =	shalt  }

// kernel: kernel.18.cloned.1.call-start
scs
__scs_entry_jumppad:
0x0: {  	(pc) =	sbr.rel $0x88, $3  }
0x1: {  	(tag) =	ssettag $0x0;
	lr =	simm.s32 $0x1  }
0x2: {  	[smem:$0x3F7C] =	sst lr;
	_ =	strace $0xD0000000  }
0x3: {  	_ = 	snop  }
0x4: {  	_ = 	snop  }
0x5: {  	_ = 	snop  }
0x6: {  	_ = 	snop  }
0x7: {  	_ = 	snop  }
__scs_overlays_trampoline_lowered:
0x8: {  	[smem:$0x3F8B] =	sst s0  }
0x9: {  	[smem:$0x3F8C] =	sst s1  }
0xa: {  	[smem:$0x3F8D] =	sst s2  }
0xb: {  	[smem:$0x3F8E] =	sst s3  }
0xc: {  	[smem:$0x3F8F] =	sst s4  }
0xd: {  	[smem:$0x3F90] =	sst s5  }
0xe: {  	[smem:$0x3F91] =	sst s6  }
0xf: {  	[smem:$0x3F92] =	sst s7  }
0x10: {  	[smem:$0x3F93] =	sst s8  }
0x11: {  	[smem:$0x3F94] =	sst s9;
	s0 =	simm.s32 @!p0 $0x0  }
0x12: {  	s1 =	sld [smem:$0x3F7A];
	s0 =	simm.s32 @p0 $0x1  }
0x13: {  	[smem:$0x3F95] =	sst s0;
	s0 =	simm.s32 @!p1 $0x0  }
0x14: {  	s2 =	sld [smem:$0x3F79];
	s0 =	simm.s32 @p1 $0x1  }
0x15: {  	[smem:$0x3F96] =	sst s0;
	s0 =	simm.s32 @!p2 $0x0  }
0x16: {  	s3 =	sld [smem:$0x3FDB];
	s0 =	simm.s32 @p2 $0x1  }
0x17: {  	s4 =	simm.s32 $0x1BF5;
	[smem:$0x3F98] =	sst s0  }
0x18: {  	s0 =	sld [smem:$0x3F7B];
	_ =	swait.ge [sflag:s4], $0x0  }
0x19: {  	s7 =	sld [smem:$0x3F7C]  }
0x1a: {  	s8 =	sadd.s32 $0xFFFFE003, lr  }
0x1b: {  	s9 =	sadd.s32 $0xFFFFFEF7, lr;
	s5 =	simm.s32 $0xFFFFFFFF;
	p2 =	slt.u32 s8, $0xFFFFF086  }
0x1c: {  	p1 =	slt.u32 s9, $0xF7A;
	s5 =	simm.s32 @!p2 $0x0  }
0x1d: {  	s5 =	simm.s32 @p1 $0x1;
	p0 =	seq.s32 s7, s2  }
0x1e: {  	s7 =	smul.u32 @!p0 $0xF7A, s2;
	p2 =	seq.s32 @!p0 s5, $0x0  }
0x1f: {  	s9 =	smul.u32 $0xF7A, s1;
	s8 =	simm.s32 @!p0 $0x1BF5;
	p2 =	por !p2, p0  }
0x20: {  	[sflag:s8] =	ssyncset.s32 @!p0 $0xFFFFF086;
	s6 =	sadd.s32 @!p0 s3, s7;
	s7 =	simm.s32 @!p0 $0x108  }
0x21: {  	s3 =	sadd.s32 s3, s9;
	s6 =	sadd.s32 @!p0 $0x88, s6;
	s7 =	simm.s32 @p2 $0x1082  }
0x22: {  	[simem:s7], [sflag:s8] =	dma.local @!p0 [hbm:s6], $0xF7A  }
0x23: {  	s9 =	sor.u32 $0xD0000000, s2;
	s6 =	simm.s32 $0x108;
	_ =	swait.ge @!p0 [sflag:s8], $0x0  }
0x24: {  	s3 =	sadd.s32 $0x88, s3;
	s6 =	simm.s32 @!p1 $0x1082;
	[sflag:s4] =	ssyncset.s32 $0xFFFFF086  }
0x25: {  	[simem:s6], [sflag:s4] =	dma.local [hbm:s3], $0xF7A  }
0x26: {  	[smem:$0x3F7C] =	sst s1;
	(tag) =	ssettag s2;
	_ =	strace s9  }
0x27: {  	s1 =	sld [smem:$0x3F8C]  }
0x28: {  	s2 =	sld [smem:$0x3F8D]  }
0x29: {  	s4 =	sld [smem:$0x3F8F]  }
0x2a: {  	p0 =	seq.s32 s5, $0x0;
	s5 =	sld [smem:$0x3F90]  }
0x2b: {  	s6 =	sld [smem:$0x3F91]  }
0x2c: {  	s7 =	sld [smem:$0x3F92]  }
0x2d: {  	s3 =	simm.s32 $0x108;
	s8 =	sld [smem:$0x3F93]  }
0x2e: {  	s3 =	simm.s32 @!p0 $0x1082;
	s9 =	sld [smem:$0x3F94]  }
0x2f: {  	lr =	sadd.s32 s0, s3;
	s0 =	sld [smem:$0x3F8B]  }
0x30: {  	s3 =	sld [smem:$0x3F8E]  }
0x31: {  	[smem:$0x3F97] =	sst s10  }
0x32: {  	s10 =	sld [smem:$0x3F95];
	_ =	sdelay $0x3  }
0x33: {  	p0 =	seq.s32 s10, $0x1;
	s10 =	sld [smem:$0x3F97];
	_ =	sdelay $0x3  }
0x34: {  	[smem:$0x3F97] =	sst s10  }
0x35: {  	s10 =	sld [smem:$0x3F96];
	_ =	sdelay $0x3  }
0x36: {  	p1 =	seq.s32 s10, $0x1;
	s10 =	sld [smem:$0x3F97];
	_ =	sdelay $0x3  }
0x37: {  	[smem:$0x3F97] =	sst s10  }
0x38: {  	s10 =	sld [smem:$0x3F98]  }
0x39: {  	_ = 	snop;
	(pc) =	sbr.ind lr, $3  }
0x3a: {  	_ = 	snop  }
0x3b: {  	_ = 	snop  }
0x3c: {  	p2 =	seq.s32 s10, $0x1;
	s10 =	sld [smem:$0x3F97]  }
0x3d: {  	_ =	shalt  }
0x3e: {  	_ =	shalt  }
0x3f: {  	_ =	shalt  }
0x40: {  	_ =	shalt  }
0x41: {  	_ =	shalt  }
0x42: {  	_ =	shalt  }
0x43: {  	_ =	shalt  }
0x44: {  	_ =	shalt  }
0x45: {  	_ =	shalt  }
0x46: {  	_ =	shalt  }
0x47: {  	_ =	shalt  }
0x48: {  	_ =	shalt  }
0x49: {  	_ =	shalt  }
0x4a: {  	_ =	shalt  }
0x4b: {  	_ =	shalt  }
0x4c: {  	_ =	shalt  }
0x4d: {  	_ =	shalt  }
0x4e: {  	_ =	shalt  }
0x4f: {  	_ =	shalt  }
0x50: {  	_ =	shalt  }
0x51: {  	_ =	shalt  }
0x52: {  	_ =	shalt  }
0x53: {  	_ =	shalt  }
0x54: {  	_ =	shalt  }
0x55: {  	_ =	shalt  }
0x56: {  	_ =	shalt  }
0x57: {  	_ =	shalt  }
0x58: {  	_ =	shalt  }
0x59: {  	_ =	shalt  }
0x5a: {  	_ =	shalt  }
0x5b: {  	_ =	shalt  }
0x5c: {  	_ =	shalt  }
0x5d: {  	_ =	shalt  }
0x5e: {  	_ =	shalt  }
0x5f: {  	_ =	shalt  }
0x60: {  	_ =	shalt  }
0x61: {  	_ =	shalt  }
0x62: {  	_ =	shalt  }
0x63: {  	_ =	shalt  }
0x64: {  	_ =	shalt  }
0x65: {  	_ =	shalt  }
0x66: {  	_ =	shalt  }
0x67: {  	_ =	shalt  }
0x68: {  	_ =	shalt  }
0x69: {  	_ =	shalt  }
0x6a: {  	_ =	shalt  }
0x6b: {  	_ =	shalt  }
0x6c: {  	_ =	shalt  }
0x6d: {  	_ =	shalt  }
0x6e: {  	_ =	shalt  }
0x6f: {  	_ =	shalt  }
0x70: {  	_ =	shalt  }
0x71: {  	_ =	shalt  }
0x72: {  	_ =	shalt  }
0x73: {  	_ =	shalt  }
0x74: {  	_ =	shalt  }
0x75: {  	_ =	shalt  }
0x76: {  	_ =	shalt  }
0x77: {  	_ =	shalt  }
0x78: {  	_ =	shalt  }
0x79: {  	_ =	shalt  }
0x7a: {  	_ =	shalt  }
0x7b: {  	_ =	shalt  }
0x7c: {  	_ =	shalt  }
0x7d: {  	_ =	shalt  }
0x7e: {  	_ =	shalt  }
0x7f: {  	_ =	shalt  }
0x80: {  	_ =	shalt  }
0x81: {  	_ =	shalt  }
0x82: {  	_ =	shalt  }
0x83: {  	_ =	shalt  }
0x84: {  	_ =	shalt  }
0x85: {  	_ =	shalt  }
0x86: {  	_ =	shalt  }
0x87: {  	_ =	shalt  }
.Lfunc_end0:
.L_simem_size_0:
called_computation.2_lowered:
.L_overlay_start_0:
0x88: {  	s2 =	sld [smem:$0x3FD9]  }
0x89: {  	s3 =	sld [smem:$0x3FFE];
	_ =	sdelay $0x1  }
0x8a: {  	s1 =	srdreg.scid  }
0x8b: {  	s0 =	sand.u32 $0x1, s1  }
0x8c: {  	s17 =	sshll.u32 s0, $0xA;
	s2 =	sadd.s32 s3, s2  }
0x8d: {  	s2 =	sadd.s32 s2, s17  }
0x8e: {  	[smem:$0x3FA3] =	sst s2  }
0x8f: {  	_ = 	snop  }
0x90: {  	(tm) =	ssettm $0x1  }
0x91: {  	s18 =	sld [smem:$0x3FFB];
	_ =	sdelay $0x3  }
0x92: {  	_ =	strace s18  }
0x93: {  	s2 =	sld [smem:$0x3FFC];
	_ =	sdelay $0x3  }
0x94: {  	_ =	strace s2  }
0x95: {  	s2 =	sld [smem:$0x3FFD];
	_ =	sdelay $0x3  }
0x96: {  	_ =	strace s2  }
0x97: {  	_ =	strace $0x8FFFFFFF  }
0x98: {  	s19 =	sld [smem:$0x3FDB];
	_ =	sdelay $0x1  }
0x99: {  	s20 =	simm.s32 $_scs_section_size  }
0x9a: {  	s4 =	simm.s32 $_size__tile_overlayer_lowered;
	s5 =	simm.s32 $_tile_overlayer_lowered  }
0x9b: {  	s6 =	simm.s32 $0x1BFF;
	s21 =	sshll.u32 s5, $0x1;
	s3 =	sadd.s32 s20, s19  }
0x9c: {  	s22 =	simm.s32 $0x0;
	s4 =	sshll.u32 s4, $0x1;
	s5 =	sadd.s32 s21, s3  }
0x9d: {  	[timem:s22], [sflag:s6] =	dma.local [hbm:s5], s4  }
0x9e: {  	_ =	swait.ge [sflag:s6], s4  }
0x9f: {  	s4 =	ssub.s32 $0x0, s4;
	[sflag:s6] =	ssyncset.done $0x0  }
0xa0: {  	[sflag:s6] =	ssyncadd.s32 s4;
	_ =	sdelay $0x1  }
0xa1: {  	s23 =	simm.s32 $0x1B8B  }
0xa2: {  	_ =	swait.ge [sflag:s23], $0x1  }
0xa3: {  	[sflag:s23] =	ssyncset.done $0x0  }
0xa4: {  	[sflag:s23] =	ssyncadd.s32 $0xFFFFFFFF  }
0xa5: {  	s4 =	sld [smem:$0x0]  }
0xa6: {  	s5 =	sand.u32 $0xFFFFFFFE, s1  }
0xa7: {  	p0 =	sne.s32 s1, s5  }
0xa8: {  	s5 =	sshll.u32 @p0 s5, $0xE  }
0xa9: {  	s5 =	sadd.s32 @p0 $0x11B8D, s5;
	s6 =	sshll.u32 @p0 s4, $0x11  }
0xaa: {  	s5 =	sor.u32 @p0 s6, s5  }
0xab: {  	[sflag:s5] =	ssyncadd.remote.s32 @p0 $0x1;
	_ =	sdelay $0x1  }
0xac: {  	s5 =	simm.s32 @p0 $0x1B8D  }
0xad: {  	_ =	swait.eq @p0 [sflag:s5], $0x1  }
0xae: {  	[sflag:s5] =	ssyncadd.s32 @p0 $0xFFFFFFFF  }
0xaf: {  	s6 =	sshll.u32 @!p0 s1, $0xE  }
0xb0: {  	s6 =	sor.u32 @!p0 $0x4000, s6;
	s5 =	simm.s32 @!p0 $0x1B8D  }
0xb1: {  	s4 =	sshll.u32 @!p0 s4, $0x11;
	s6 =	sadd.s32 @!p0 $0x11B8D, s6;
	_ =	swait.eq @!p0 [sflag:s5], $0x1  }
0xb2: {  	s4 =	sor.u32 @!p0 s4, s6;
	[sflag:s5] =	ssyncadd.s32 @!p0 $0xFFFFFFFF  }
0xb3: {  	s25 =	simm.s32 $0x1B8E;
	s24 =	sld [smem:$0x3FFE];
	[sflag:s4] =	ssyncadd.remote.s32 @!p0 $0x1  }
0xb4: {  	s26 =	simm.s32 $execute0_lowered;
	[smem:$0x3FD2] =	sst s25  }
0xb5: {  	s5 =	sshll.u32 s26, $0x1;
	_ =	strace $0x8000004C;
	[dreg:$0x1] =	wrdreg $0xFFFFFFFF  }
0xb6: {  	s28 =	simm.s32 $_size_execute0_lowered;
	s3 =	sadd.s32 s3, s5;
	[dreg:$0x0] =	wrdreg $0x0  }
0xb7: {  	s5 =	sshll.u32 s28, $0x1;
	[dreg:$0x2] =	wrdreg s3  }
0xb8: {  	[dreg:$0x3] =	wrdreg s5  }
0xb9: {  	[dreg:$0x4] =	wrdreg $0xC0  }
0xba: {  	_ =	task [dreg:s22], $0x5FFFF  }
0xbb: {  	[dreg:$0x1] =	wrdreg $0xFFFFFFFF  }
0xbc: {  	[dreg:$0x0] =	wrdreg $0x60  }
0xbd: {  	[dreg:$0x2] =	wrdreg s24  }
0xbe: {  	[dreg:$0x3] =	wrdreg $0xA8000  }
0xbf: {  	[dreg:$0x4] =	wrdreg $0xB  }
0xc0: {  	_ =	task.clear_ibuf [dreg:s22], $0x5FFFF;
	_ =	strace $0x9000004C  }
0xc1: {  	s29 =	simm.s32 $0xB;
	_ =	strace $0x8000004E  }
0xc2: {  	_ =	swait.ge [sflag:s29], $0x1  }
0xc3: {  	[sflag:s29] =	ssyncadd.s32 $0xFFFFFFFF  }
0xc4: {  	_ =	strace $0x9000004E  }
0xc5: {  	_ =	sfence  }
0xc6: {  	s30 =	sld [smem:$0x0];
	_ =	sdelay $0x2  }
0xc7: {  	s31 =	sshll.u32 s1, $0xD;
	s1 =	sshrl.u32 s1, $0x2  }
0xc8: {  	s4 =	sand.u32 $0x4000, s31;
	s1 =	sadd.s32 s1, s30  }
0xc9: {  	s0 =	sor.u32 s4, s0;
	s1 =	sshll.u32 s1, $0x11  }
0xca: {  	s0 =	sor.u32 s1, s0  }
0xcb: {  	s0 =	sadd.s32 $0x8F2B, s0  }
0xcc: {  	[sflag:s0] =	ssyncadd.remote.s32 $0x1  }
0xcd: {  	_ =	sfence.sel $0xFFFF  }
0xce: {  	[dreg:$0x0] =	wrdreg $0xFFFFFFFF;
	(pc) =	sbr.abs _section_cstart, $3  }
0xcf: {  	[dreg:$0x1] =	wrdreg $0xFFFFFFFF  }
0xd0: {  	_ =	task.clear_ibuf [dreg:s22], $0x2FFFF;
	_ =	strace $0x9FFFFFFF  }
0xd1: {  	(tm) =	ssettm $0x7FFFFFFF  }
tec
execute0_lowered:
.L_overlay_start_1:
0x0: {  	(tag) =	ssettag $0x1  }
0x1: {  	s0 =	rddreg [dreg:$0x0]  }
0x2: {  	s2 =	rddreg [dreg:$0x1];
	s4 =	srdreg.scid  }
0x3: {  	s1 =	stileid.u32;
	s3 =	simm.s32 $0x0;
	s19 =	simm.s32 $0x5  }
0x4: {  	s20 =	simm.s32 $0x1400;
	s21 =	simm.s32 $0x80;
	s22 =	simm.s32 $0x2800  }
0x5: {  	s23 =	simm.s32 $0x6800;
	s28 =	simm.s32 $0x4;
	s29 =	simm.s32 $0x0  }
0x6: {  	s7 =	sand.u32 $0x1, s4;
	s6 =	smul.u32 $0x14000, s1;
	[smem:$0x7FF] =	sst s3  }
0x7: {  	s4 =	sadd.s32 $0x364000, s0;
	s5 =	sadd.s32 $0x38C000, s0;
	s14 =	sadd.s32 $0x3C3000, s0  }
0x8: {  	s15 =	sadd.s32 $0x3B4000, s0;
	s9 =	sshll.u32 s1, $0x1;
	s24 =	smul.u32 $0x50000, s1  }
0x9: {  	s8 =	smul.u32 $0x140000, s7;
	s10 =	ssub.s32 $0x2, s7;
	s7 =	sor.u32 s7, s9  }
0xa: {  	s31 =	sshll.u32 s1, $0x6;
	_ =	strace $0x8000004D;
	s11 =	smul.u32 $0x1400, s7  }
0xb: {  	s25 =	sshrl.u32 s10, $0x1;
	s26 =	sshrl.u32 s24, $0x2;
	s30 =	smul.u32 $0x280, s7  }
0xc: {  	s7 =	sor.u32 $0x1C05, s31;
	s24 =	simm.s32 $0x1;
	s8 =	sadd.s32 s6, s8  }
0xd: {  	s6 =	sadd.s32 $0x73000, s0;
	s17 =	ssub.s32 s10, s25;
	s18 =	sadd.s32 s26, s2  }
0xe: {  	s25 =	simm.s32 $0x2;
	s26 =	simm.s32 $0x3;
	s8 =	sshrl.u32 s8, $0x3  }
0xf: {  	s16 =	sshrl.u32 s11, $0x3;
	s9 =	sadd.s32 s15, s30;
	s17 =	smax.u32 s17, $0x1  }
0x10: {  	s18 =	sshrl.u32 s18, $0x3;
	s0 =	sadd.s32 s8, s0;
	s8 =	sadd.s32 s14, s30  }
0x11: {  	s12 =	sadd.s32 $0x5000, s16;
	s16 =	sadd.s32 $0xA000, s16;
	s10 =	sadd.s32 $0x3D2000, s0  }
0x12: {  	s11 =	sadd.s32 s14, s12;
	s12 =	sadd.s32 s15, s12;
	s13 =	sadd.s32 $0x422000, s0  }
0x13: {  	s14 =	sadd.s32 s14, s16;
	s15 =	sadd.s32 s15, s16;
	s16 =	sadd.s32 $0x472000, s0  }
.LBB2_1:
0x14: {  	[spmem:s18], [sflag:s7] =	dma.local [hbm:s6], $0x2800  }
0x15: {  	_ =	swait.ge [sflag:s19], $0x2800  }
0x16: {  	[sflag:s19] =	ssyncset.done $0x0  }
0x17: {  	[sflag:s19] =	ssyncadd.s32 $0xFFFFD800  }
0x18: {  	[tilespmem:s3], [sflag:$0x5] =	stream.linear.gather [hbm4b:s8+s3], $0x1400, $0x38;
	[tilespmem:$0x1E800] =	vst v63  }
0x19: {  	_ =	swait.ge [sflag:s19], $0x1400  }
0x1a: {  	[sflag:s19] =	ssyncset.done $0x0  }
0x1b: {  	[sflag:s19] =	ssyncadd.s32 $0xFFFFEC00  }
0x1c: {  	[tilespmem:s20], [sflag:$0x5] =	stream.linear.gather [hbm4b:s9+s3], $0x1400, $0x38;
	[tilespmem:$0x1E800] =	vst v63  }
0x1d: {  	_ =	swait.ge [sflag:s19], $0x1400  }
0x1e: {  	[sflag:s19] =	ssyncset.done $0x0  }
0x1f: {  	[sflag:s19] =	ssyncadd.s32 $0xFFFFEC00  }
0x20: {  	s0 =	simm.s32 $0x0;
	[bflag:$0x0] =	sbarrier.arrive $0xFFFF  }
0x21: {  	[tilespmem:s22], [sflag:$0x1] =	stream.indirect.gather [hbm4b:s5+s21], $0x80, s0, s21, $0xb8;
	[tilespmem:$0x1E800] =	vst v63  }
0x22: {  	s1 =	simm.s32 $0x80  }
0x23: {  	[tilespmem:s23], [sflag:$0x2] =	stream.indirect.gather [hbm4b:s5+s21], $0x80, s1, s21, $0xb8;
	[tilespmem:$0x1E800] =	vst v63  }
0x24: {  	_ =	swait.ge [sflag:s24], $0x4000  }
0x25: {  	[sflag:s24] =	ssyncset.done $0x0  }
0x26: {  	s1 =	simm.s32 $0x1400;
	[sflag:s24] =	ssyncadd.s32 $0xFFFFC000  }
0x27: {  	[spmem:s2] =	stream.indirect.scatter.add.f32 [tilespmem:s22], [sflag:$0x3], $0x80, s1, s21, $0xb8;
	[tilespmem:$0x1E800] =	vst v63  }
0x28: {  	_ =	swait.ge [sflag:s25], $0x4000  }
0x29: {  	[sflag:s25] =	ssyncset.done $0x0  }
0x2a: {  	s1 =	simm.s32 $0x1480;
	[sflag:s25] =	ssyncadd.s32 $0xFFFFC000  }
0x2b: {  	[spmem:s2] =	stream.indirect.scatter.add.f32 [tilespmem:s23], [sflag:$0x4], $0x80, s1, s21, $0xb8;
	[tilespmem:$0x1E800] =	vst v63  }
0x2c: {  	_ =	swait.ge [sflag:s26], $0x4000  }
0x2d: {  	[sflag:s26] =	ssyncset.done $0x0  }
0x2e: {  	s1 =	simm.s32 $0x100;
	[sflag:s26] =	ssyncadd.s32 $0xFFFFC000  }
0x2f: {  	[tilespmem:s22], [sflag:$0x1] =	stream.indirect.gather [hbm4b:s5+s21], $0x80, s1, s21, $0xb8;
	[tilespmem:$0x1E800] =	vst v63  }
0x30: {  	_ =	swait.ge [sflag:s28], $0x4000  }
0x31: {  	[sflag:s28] =	ssyncset.done $0x0  }
0x32: {  	s1 =	simm.s32 $0x180;
	[sflag:s28] =	ssyncadd.s32 $0xFFFFC000  }
0x33: {  	[tilespmem:s23], [sflag:$0x2] =	stream.indirect.gather [hbm4b:s5+s21], $0x80, s1, s21, $0xb8;
	[tilespmem:$0x1E800] =	vst v63  }
0x34: {  	_ =	swait.ge [sflag:s24], $0x4000  }
0x35: {  	[sflag:s24] =	ssyncset.done $0x0  }
0x36: {  	s1 =	simm.s32 $0x1500;
	[sflag:s24] =	ssyncadd.s32 $0xFFFFC000  }
0x37: {  	[spmem:s2] =	stream.indirect.scatter.add.f32 [tilespmem:s22], [sflag:$0x3], $0x80, s1, s21, $0xb8;
	[tilespmem:$0x1E800] =	vst v63  }
0x38: {  	_ =	swait.ge [sflag:s25], $0x4000  }
0x39: {  	[sflag:s25] =	ssyncset.done $0x0  }
0x3a: {  	s1 =	simm.s32 $0x1580;
	[sflag:s25] =	ssyncadd.s32 $0xFFFFC000  }
0x3b: {  	[spmem:s2] =	stream.indirect.scatter.add.f32 [tilespmem:s23], [sflag:$0x4], $0x80, s1, s21, $0xb8;
	[tilespmem:$0x1E800] =	vst v63  }
0x3c: {  	_ =	swait.ge [sflag:s26], $0x4000  }
0x3d: {  	[sflag:s26] =	ssyncset.done $0x0  }
0x3e: {  	[sflag:s26] =	ssyncadd.s32 $0xFFFFC000  }
0x3f: {  	_ =	swait.ge [sflag:s28], $0x4000  }
0x40: {  	s30 =	simm.s32 $0x800;
	s31 =	simm.s32 $0x1000;
	[sflag:s28] =	ssyncset.done $0x0  }
.LBB2_2:
0x41: {  	s1 =	sshra.s32 s30, $0x2  }
0x42: {  	[sflag:s28] =	ssyncadd.s32 $0xFFFFC000;
	s30 =	smov.u32 s31;
	s0 =	sadd.s32 $0x800, s31  }
0x43: {  	[tilespmem:s22], [sflag:$0x1] =	stream.indirect.gather [hbm4b:s5+s21], $0x80, s1, s21, $0xb8;
	[tilespmem:$0x1E800] =	vst v63  }
0x44: {  	p0 =	sne.s32 s31, $0x4800;
	s31 =	sadd.s32 $0x80, s1  }
0x45: {  	[tilespmem:s23], [sflag:$0x2] =	stream.indirect.gather [hbm4b:s5+s21], $0x80, s31, s21, $0xb8;
	[tilespmem:$0x1E800] =	vst v63  }
0x46: {  	_ =	swait.ge [sflag:s24], $0x4000  }
0x47: {  	[sflag:s24] =	ssyncset.done $0x0  }
0x48: {  	s31 =	sadd.s32 $0x1400, s1;
	[sflag:s24] =	ssyncadd.s32 $0xFFFFC000  }
0x49: {  	[spmem:s2] =	stream.indirect.scatter.add.f32 [tilespmem:s22], [sflag:$0x3], $0x80, s31, s21, $0xb8;
	[tilespmem:$0x1E800] =	vst v63  }
0x4a: {  	_ =	swait.ge [sflag:s25], $0x4000  }
0x4b: {  	[sflag:s25] =	ssyncset.done $0x0  }
0x4c: {  	s31 =	sadd.s32 $0x1480, s1;
	[sflag:s25] =	ssyncadd.s32 $0xFFFFC000  }
0x4d: {  	[spmem:s2] =	stream.indirect.scatter.add.f32 [tilespmem:s23], [sflag:$0x4], $0x80, s31, s21, $0xb8;
	[tilespmem:$0x1E800] =	vst v63  }
0x4e: {  	_ =	swait.ge [sflag:s26], $0x4000  }
0x4f: {  	[sflag:s26] =	ssyncset.done $0x0  }
0x50: {  	s31 =	sadd.s32 $0x100, s1;
	[sflag:s26] =	ssyncadd.s32 $0xFFFFC000  }
0x51: {  	[tilespmem:s22], [sflag:$0x1] =	stream.indirect.gather [hbm4b:s5+s21], $0x80, s31, s21, $0xb8;
	[tilespmem:$0x1E800] =	vst v63  }
0x52: {  	_ =	swait.ge [sflag:s28], $0x4000  }
0x53: {  	[sflag:s28] =	ssyncset.done $0x0  }
0x54: {  	s31 =	sadd.s32 $0x180, s1;
	[sflag:s28] =	ssyncadd.s32 $0xFFFFC000  }
0x55: {  	[tilespmem:s23], [sflag:$0x2] =	stream.indirect.gather [hbm4b:s5+s21], $0x80, s31, s21, $0xb8;
	[tilespmem:$0x1E800] =	vst v63  }
0x56: {  	_ =	swait.ge [sflag:s24], $0x4000  }
0x57: {  	[sflag:s24] =	ssyncset.done $0x0  }
0x58: {  	s31 =	sadd.s32 $0x1500, s1;
	[sflag:s24] =	ssyncadd.s32 $0xFFFFC000  }
0x59: {  	[spmem:s2] =	stream.indirect.scatter.add.f32 [tilespmem:s22], [sflag:$0x3], $0x80, s31, s21, $0xb8;
	[tilespmem:$0x1E800] =	vst v63  }
0x5a: {  	_ =	swait.ge [sflag:s25], $0x4000  }
0x5b: {  	[sflag:s25] =	ssyncset.done $0x0  }
0x5c: {  	s1 =	sadd.s32 $0x1580, s1;
	[sflag:s25] =	ssyncadd.s32 $0xFFFFC000  }
0x5d: {  	[spmem:s2] =	stream.indirect.scatter.add.f32 [tilespmem:s23], [sflag:$0x4], $0x80, s1, s21, $0xb8;
	[tilespmem:$0x1E800] =	vst v63  }
.Ltmp0:
0x5e: {  	_ =	swait.ge [sflag:s26], $0x4000;
	(pc) =	sbr.rel @p0 .LBB2_2-.Ltmp0, $4  }
0x5f: {  	[sflag:s26] =	ssyncset.done $0x0  }
0x60: {  	[sflag:s26] =	ssyncadd.s32 $0xFFFFC000  }
0x61: {  	_ =	swait.ge [sflag:s28], $0x4000  }
0x62: {  	s31 =	smov.u32 s0;
	[sflag:s28] =	ssyncset.done $0x0  }
0x63: {  	s0 =	sshra.s32 s30, $0x2;
	[sflag:s28] =	ssyncadd.s32 $0xFFFFC000  }
0x64: {  	[tilespmem:s22], [sflag:$0x1] =	stream.indirect.gather [hbm4b:s5+s21], $0x80, s0, s21, $0xb8;
	[tilespmem:$0x1E800] =	vst v63  }
0x65: {  	s1 =	sadd.s32 $0x80, s0  }
0x66: {  	[tilespmem:s23], [sflag:$0x2] =	stream.indirect.gather [hbm4b:s5+s21], $0x80, s1, s21, $0xb8;
	[tilespmem:$0x1E800] =	vst v63  }
0x67: {  	_ =	swait.ge [sflag:s24], $0x4000  }
0x68: {  	[sflag:s24] =	ssyncset.done $0x0  }
0x69: {  	s31 =	sadd.s32 $0x1400, s0;
	[sflag:s24] =	ssyncadd.s32 $0xFFFFC000  }
0x6a: {  	[spmem:s2] =	stream.indirect.scatter.add.f32 [tilespmem:s22], [sflag:$0x3], $0x80, s31, s21, $0xb8;
	[tilespmem:$0x1E800] =	vst v63  }
0x6b: {  	_ =	swait.ge [sflag:s25], $0x4000  }
0x6c: {  	[sflag:s25] =	ssyncset.done $0x0  }
0x6d: {  	s31 =	sadd.s32 $0x1480, s0;
	[sflag:s25] =	ssyncadd.s32 $0xFFFFC000  }
0x6e: {  	[spmem:s2] =	stream.indirect.scatter.add.f32 [tilespmem:s23], [sflag:$0x4], $0x80, s31, s21, $0xb8;
	[tilespmem:$0x1E800] =	vst v63  }
0x6f: {  	_ =	swait.ge [sflag:s26], $0x4000  }
0x70: {  	[sflag:s26] =	ssyncset.done $0x0  }
0x71: {  	s31 =	sadd.s32 $0x100, s0;
	[sflag:s26] =	ssyncadd.s32 $0xFFFFC000  }
0x72: {  	[tilespmem:s22], [sflag:$0x1] =	stream.indirect.gather [hbm4b:s5+s21], $0x80, s31, s21, $0xb8;
	[tilespmem:$0x1E800] =	vst v63  }
0x73: {  	_ =	swait.ge [sflag:s28], $0x4000  }
0x74: {  	[sflag:s28] =	ssyncset.done $0x0  }
0x75: {  	s31 =	sadd.s32 $0x180, s0;
	[sflag:s28] =	ssyncadd.s32 $0xFFFFC000  }
0x76: {  	[tilespmem:s23], [sflag:$0x2] =	stream.indirect.gather [hbm4b:s5+s21], $0x80, s31, s21, $0xb8;
	[tilespmem:$0x1E800] =	vst v63  }
0x77: {  	_ =	swait.ge [sflag:s24], $0x4000  }
0x78: {  	[sflag:s24] =	ssyncset.done $0x0  }
0x79: {  	s31 =	sadd.s32 $0x1500, s0;
	[sflag:s24] =	ssyncadd.s32 $0xFFFFC000  }
0x7a: {  	[spmem:s2] =	stream.indirect.scatter.add.f32 [tilespmem:s22], [sflag:$0x3], $0x80, s31, s21, $0xb8;
	[tilespmem:$0x1E800] =	vst v63  }
0x7b: {  	_ =	swait.ge [sflag:s25], $0x4000  }
0x7c: {  	[sflag:s25] =	ssyncset.done $0x0  }
0x7d: {  	s0 =	sadd.s32 $0x1580, s0;
	[sflag:s25] =	ssyncadd.s32 $0xFFFFC000  }
0x7e: {  	[spmem:s2] =	stream.indirect.scatter.add.f32 [tilespmem:s23], [sflag:$0x4], $0x80, s0, s21, $0xb8;
	[tilespmem:$0x1E800] =	vst v63  }
0x7f: {  	_ =	swait.ge [sflag:s26], $0x4000  }
0x80: {  	[sflag:s26] =	ssyncset.done $0x0  }
0x81: {  	[sflag:s26] =	ssyncadd.s32 $0xFFFFC000  }
0x82: {  	_ =	swait.ge [sflag:s28], $0x4000  }
0x83: {  	[sflag:s28] =	ssyncset.done $0x0  }
0x84: {  	[sflag:s28] =	ssyncadd.s32 $0xFFFFC000  }
0x85: {  	[bflag:$0x0] =	sbarrier.arrive $0xFFFF  }
0x86: {  	[hbm:s10], [sflag:s7] =	dma.local [spmem:s18], $0x2800  }
0x87: {  	_ =	swait.ge [sflag:s19], $0x2800  }
0x88: {  	[sflag:s19] =	ssyncset.done $0x0  }
0x89: {  	[sflag:s19] =	ssyncadd.s32 $0xFFFFD800  }
0x8a: {  	[spmem:s18], [sflag:s7] =	dma.local [hbm:s6], $0x2800  }
0x8b: {  	_ =	swait.ge [sflag:s19], $0x2800  }
0x8c: {  	[sflag:s19] =	ssyncset.done $0x0  }
0x8d: {  	s31 =	simm.s32 $0x0;
	[sflag:s19] =	ssyncadd.s32 $0xFFFFD800  }
0x8e: {  	[tilespmem:s31], [sflag:$0x5] =	stream.linear.gather [hbm4b:s11+s31], $0x1400, $0x38;
	[tilespmem:$0x1E800] =	vst v63  }
0x8f: {  	_ =	swait.ge [sflag:s19], $0x1400  }
0x90: {  	[sflag:s19] =	ssyncset.done $0x0  }
0x91: {  	[sflag:s19] =	ssyncadd.s32 $0xFFFFEC00  }
0x92: {  	[tilespmem:s20], [sflag:$0x5] =	stream.linear.gather [hbm4b:s12+s31], $0x1400, $0x38;
	[tilespmem:$0x1E800] =	vst v63  }
0x93: {  	_ =	swait.ge [sflag:s19], $0x1400  }
0x94: {  	[sflag:s19] =	ssyncset.done $0x0  }
0x95: {  	[sflag:s19] =	ssyncadd.s32 $0xFFFFEC00  }
0x96: {  	s1 =	simm.s32 $0x0;
	[bflag:$0x0] =	sbarrier.arrive $0xFFFF  }
0x97: {  	[tilespmem:s22], [sflag:$0x1] =	stream.indirect.gather [hbm4b:s4+s21], $0x80, s1, s21, $0xb8;
	[tilespmem:$0x1E800] =	vst v63  }
0x98: {  	s31 =	simm.s32 $0x80  }
0x99: {  	[tilespmem:s23], [sflag:$0x2] =	stream.indirect.gather [hbm4b:s4+s21], $0x80, s31, s21, $0xb8;
	[tilespmem:$0x1E800] =	vst v63  }
0x9a: {  	_ =	swait.ge [sflag:s24], $0x4000  }
0x9b: {  	[sflag:s24] =	ssyncset.done $0x0  }
0x9c: {  	s1 =	simm.s32 $0x1400;
	[sflag:s24] =	ssyncadd.s32 $0xFFFFC000  }
0x9d: {  	[spmem:s2] =	stream.indirect.scatter.add.f32 [tilespmem:s22], [sflag:$0x3], $0x80, s1, s21, $0xb8;
	[tilespmem:$0x1E800] =	vst v63  }
0x9e: {  	_ =	swait.ge [sflag:s25], $0x4000  }
0x9f: {  	[sflag:s25] =	ssyncset.done $0x0  }
0xa0: {  	s31 =	simm.s32 $0x1480;
	[sflag:s25] =	ssyncadd.s32 $0xFFFFC000  }
0xa1: {  	[spmem:s2] =	stream.indirect.scatter.add.f32 [tilespmem:s23], [sflag:$0x4], $0x80, s31, s21, $0xb8;
	[tilespmem:$0x1E800] =	vst v63  }
0xa2: {  	_ =	swait.ge [sflag:s26], $0x4000  }
0xa3: {  	[sflag:s26] =	ssyncset.done $0x0  }
0xa4: {  	s1 =	simm.s32 $0x100;
	[sflag:s26] =	ssyncadd.s32 $0xFFFFC000  }
0xa5: {  	[tilespmem:s22], [sflag:$0x1] =	stream.indirect.gather [hbm4b:s4+s21], $0x80, s1, s21, $0xb8;
	[tilespmem:$0x1E800] =	vst v63  }
0xa6: {  	_ =	swait.ge [sflag:s28], $0x4000  }
0xa7: {  	[sflag:s28] =	ssyncset.done $0x0  }
0xa8: {  	s31 =	simm.s32 $0x180;
	[sflag:s28] =	ssyncadd.s32 $0xFFFFC000  }
0xa9: {  	[tilespmem:s23], [sflag:$0x2] =	stream.indirect.gather [hbm4b:s4+s21], $0x80, s31, s21, $0xb8;
	[tilespmem:$0x1E800] =	vst v63  }
0xaa: {  	_ =	swait.ge [sflag:s24], $0x4000  }
0xab: {  	[sflag:s24] =	ssyncset.done $0x0  }
0xac: {  	s1 =	simm.s32 $0x1500;
	[sflag:s24] =	ssyncadd.s32 $0xFFFFC000  }
0xad: {  	[spmem:s2] =	stream.indirect.scatter.add.f32 [tilespmem:s22], [sflag:$0x3], $0x80, s1, s21, $0xb8;
	[tilespmem:$0x1E800] =	vst v63  }
0xae: {  	_ =	swait.ge [sflag:s25], $0x4000  }
0xaf: {  	[sflag:s25] =	ssyncset.done $0x0  }
0xb0: {  	s31 =	simm.s32 $0x1580;
	[sflag:s25] =	ssyncadd.s32 $0xFFFFC000  }
0xb1: {  	[spmem:s2] =	stream.indirect.scatter.add.f32 [tilespmem:s23], [sflag:$0x4], $0x80, s31, s21, $0xb8;
	[tilespmem:$0x1E800] =	vst v63  }
0xb2: {  	_ =	swait.ge [sflag:s26], $0x4000  }
0xb3: {  	[sflag:s26] =	ssyncset.done $0x0  }
0xb4: {  	[sflag:s26] =	ssyncadd.s32 $0xFFFFC000  }
0xb5: {  	_ =	swait.ge [sflag:s28], $0x4000  }
0xb6: {  	s30 =	simm.s32 $0x800;
	s0 =	simm.s32 $0x1000;
	[sflag:s28] =	ssyncset.done $0x0  }
.LBB2_4:
0xb7: {  	s1 =	sshra.s32 s30, $0x2  }
0xb8: {  	[sflag:s28] =	ssyncadd.s32 $0xFFFFC000;
	s30 =	smov.u32 s0;
	s31 =	sadd.s32 $0x800, s0  }
0xb9: {  	[tilespmem:s22], [sflag:$0x1] =	stream.indirect.gather [hbm4b:s4+s21], $0x80, s1, s21, $0xb8;
	[tilespmem:$0x1E800] =	vst v63  }
0xba: {  	p0 =	sne.s32 s0, $0x4800;
	s0 =	sadd.s32 $0x80, s1  }
0xbb: {  	[tilespmem:s23], [sflag:$0x2] =	stream.indirect.gather [hbm4b:s4+s21], $0x80, s0, s21, $0xb8;
	[tilespmem:$0x1E800] =	vst v63  }
0xbc: {  	_ =	swait.ge [sflag:s24], $0x4000  }
0xbd: {  	[sflag:s24] =	ssyncset.done $0x0  }
0xbe: {  	s0 =	sadd.s32 $0x1400, s1;
	[sflag:s24] =	ssyncadd.s32 $0xFFFFC000  }
0xbf: {  	[spmem:s2] =	stream.indirect.scatter.add.f32 [tilespmem:s22], [sflag:$0x3], $0x80, s0, s21, $0xb8;
	[tilespmem:$0x1E800] =	vst v63  }
0xc0: {  	_ =	swait.ge [sflag:s25], $0x4000  }
0xc1: {  	[sflag:s25] =	ssyncset.done $0x0  }
0xc2: {  	s0 =	sadd.s32 $0x1480, s1;
	[sflag:s25] =	ssyncadd.s32 $0xFFFFC000  }
0xc3: {  	[spmem:s2] =	stream.indirect.scatter.add.f32 [tilespmem:s23], [sflag:$0x4], $0x80, s0, s21, $0xb8;
	[tilespmem:$0x1E800] =	vst v63  }
0xc4: {  	_ =	swait.ge [sflag:s26], $0x4000  }
0xc5: {  	[sflag:s26] =	ssyncset.done $0x0  }
0xc6: {  	s0 =	sadd.s32 $0x100, s1;
	[sflag:s26] =	ssyncadd.s32 $0xFFFFC000  }
0xc7: {  	[tilespmem:s22], [sflag:$0x1] =	stream.indirect.gather [hbm4b:s4+s21], $0x80, s0, s21, $0xb8;
	[tilespmem:$0x1E800] =	vst v63  }
0xc8: {  	_ =	swait.ge [sflag:s28], $0x4000  }
0xc9: {  	[sflag:s28] =	ssyncset.done $0x0  }
0xca: {  	s0 =	sadd.s32 $0x180, s1;
	[sflag:s28] =	ssyncadd.s32 $0xFFFFC000  }
0xcb: {  	[tilespmem:s23], [sflag:$0x2] =	stream.indirect.gather [hbm4b:s4+s21], $0x80, s0, s21, $0xb8;
	[tilespmem:$0x1E800] =	vst v63  }
0xcc: {  	_ =	swait.ge [sflag:s24], $0x4000  }
0xcd: {  	[sflag:s24] =	ssyncset.done $0x0  }
0xce: {  	s0 =	sadd.s32 $0x1500, s1;
	[sflag:s24] =	ssyncadd.s32 $0xFFFFC000  }
0xcf: {  	[spmem:s2] =	stream.indirect.scatter.add.f32 [tilespmem:s22], [sflag:$0x3], $0x80, s0, s21, $0xb8;
	[tilespmem:$0x1E800] =	vst v63  }
0xd0: {  	_ =	swait.ge [sflag:s25], $0x4000  }
0xd1: {  	[sflag:s25] =	ssyncset.done $0x0  }
0xd2: {  	s0 =	sadd.s32 $0x1580, s1;
	[sflag:s25] =	ssyncadd.s32 $0xFFFFC000  }
0xd3: {  	[spmem:s2] =	stream.indirect.scatter.add.f32 [tilespmem:s23], [sflag:$0x4], $0x80, s0, s21, $0xb8;
	[tilespmem:$0x1E800] =	vst v63  }
.Ltmp1:
0xd4: {  	_ =	swait.ge [sflag:s26], $0x4000;
	(pc) =	sbr.rel @p0 .LBB2_4-.Ltmp1, $4  }
0xd5: {  	[sflag:s26] =	ssyncset.done $0x0  }
0xd6: {  	[sflag:s26] =	ssyncadd.s32 $0xFFFFC000  }
0xd7: {  	_ =	swait.ge [sflag:s28], $0x4000  }
0xd8: {  	s0 =	smov.u32 s31;
	[sflag:s28] =	ssyncset.done $0x0  }
0xd9: {  	s0 =	sshra.s32 s30, $0x2;
	[sflag:s28] =	ssyncadd.s32 $0xFFFFC000  }
0xda: {  	[tilespmem:s22], [sflag:$0x1] =	stream.indirect.gather [hbm4b:s4+s21], $0x80, s0, s21, $0xb8;
	[tilespmem:$0x1E800] =	vst v63  }
0xdb: {  	s1 =	sadd.s32 $0x80, s0  }
0xdc: {  	[tilespmem:s23], [sflag:$0x2] =	stream.indirect.gather [hbm4b:s4+s21], $0x80, s1, s21, $0xb8;
	[tilespmem:$0x1E800] =	vst v63  }
0xdd: {  	_ =	swait.ge [sflag:s24], $0x4000  }
0xde: {  	[sflag:s24] =	ssyncset.done $0x0  }
0xdf: {  	s31 =	sadd.s32 $0x1400, s0;
	[sflag:s24] =	ssyncadd.s32 $0xFFFFC000  }
0xe0: {  	[spmem:s2] =	stream.indirect.scatter.add.f32 [tilespmem:s22], [sflag:$0x3], $0x80, s31, s21, $0xb8;
	[tilespmem:$0x1E800] =	vst v63  }
0xe1: {  	_ =	swait.ge [sflag:s25], $0x4000  }
0xe2: {  	[sflag:s25] =	ssyncset.done $0x0  }
0xe3: {  	s31 =	sadd.s32 $0x1480, s0;
	[sflag:s25] =	ssyncadd.s32 $0xFFFFC000  }
0xe4: {  	[spmem:s2] =	stream.indirect.scatter.add.f32 [tilespmem:s23], [sflag:$0x4], $0x80, s31, s21, $0xb8;
	[tilespmem:$0x1E800] =	vst v63  }
0xe5: {  	_ =	swait.ge [sflag:s26], $0x4000  }
0xe6: {  	[sflag:s26] =	ssyncset.done $0x0  }
0xe7: {  	s31 =	sadd.s32 $0x100, s0;
	[sflag:s26] =	ssyncadd.s32 $0xFFFFC000  }
0xe8: {  	[tilespmem:s22], [sflag:$0x1] =	stream.indirect.gather [hbm4b:s4+s21], $0x80, s31, s21, $0xb8;
	[tilespmem:$0x1E800] =	vst v63  }
0xe9: {  	_ =	swait.ge [sflag:s28], $0x4000  }
0xea: {  	[sflag:s28] =	ssyncset.done $0x0  }
0xeb: {  	s31 =	sadd.s32 $0x180, s0;
	[sflag:s28] =	ssyncadd.s32 $0xFFFFC000  }
0xec: {  	[tilespmem:s23], [sflag:$0x2] =	stream.indirect.gather [hbm4b:s4+s21], $0x80, s31, s21, $0xb8;
	[tilespmem:$0x1E800] =	vst v63  }
0xed: {  	_ =	swait.ge [sflag:s24], $0x4000  }
0xee: {  	[sflag:s24] =	ssyncset.done $0x0  }
0xef: {  	s31 =	sadd.s32 $0x1500, s0;
	[sflag:s24] =	ssyncadd.s32 $0xFFFFC000  }
0xf0: {  	[spmem:s2] =	stream.indirect.scatter.add.f32 [tilespmem:s22], [sflag:$0x3], $0x80, s31, s21, $0xb8;
	[tilespmem:$0x1E800] =	vst v63  }
0xf1: {  	_ =	swait.ge [sflag:s25], $0x4000  }
0xf2: {  	[sflag:s25] =	ssyncset.done $0x0  }
0xf3: {  	s0 =	sadd.s32 $0x1580, s0;
	[sflag:s25] =	ssyncadd.s32 $0xFFFFC000  }
0xf4: {  	[spmem:s2] =	stream.indirect.scatter.add.f32 [tilespmem:s23], [sflag:$0x4], $0x80, s0, s21, $0xb8;
	[tilespmem:$0x1E800] =	vst v63  }
0xf5: {  	_ =	swait.ge [sflag:s26], $0x4000  }
0xf6: {  	[sflag:s26] =	ssyncset.done $0x0  }
0xf7: {  	[sflag:s26] =	ssyncadd.s32 $0xFFFFC000  }
0xf8: {  	_ =	swait.ge [sflag:s28], $0x4000  }
0xf9: {  	[sflag:s28] =	ssyncset.done $0x0  }
0xfa: {  	[sflag:s28] =	ssyncadd.s32 $0xFFFFC000  }
0xfb: {  	[bflag:$0x0] =	sbarrier.arrive $0xFFFF  }
0xfc: {  	[hbm:s13], [sflag:s7] =	dma.local [spmem:s18], $0x2800  }
0xfd: {  	_ =	swait.ge [sflag:s19], $0x2800  }
0xfe: {  	[sflag:s19] =	ssyncset.done $0x0  }
0xff: {  	[sflag:s19] =	ssyncadd.s32 $0xFFFFD800  }
0x100: {  	[spmem:s18], [sflag:s7] =	dma.local [hbm:s6], $0x2800  }
0x101: {  	_ =	swait.ge [sflag:s19], $0x2800  }
0x102: {  	[sflag:s19] =	ssyncset.done $0x0  }
0x103: {  	s31 =	simm.s32 $0x0;
	[sflag:s19] =	ssyncadd.s32 $0xFFFFD800  }
0x104: {  	[tilespmem:s31], [sflag:$0x5] =	stream.linear.gather [hbm4b:s14+s31], $0x1400, $0x38;
	[tilespmem:$0x1E800] =	vst v63  }
0x105: {  	_ =	swait.ge [sflag:s19], $0x1400  }
0x106: {  	[sflag:s19] =	ssyncset.done $0x0  }
0x107: {  	[sflag:s19] =	ssyncadd.s32 $0xFFFFEC00  }
0x108: {  	[tilespmem:s20], [sflag:$0x5] =	stream.linear.gather [hbm4b:s15+s31], $0x1400, $0x38;
	[tilespmem:$0x1E800] =	vst v63  }
0x109: {  	_ =	swait.ge [sflag:s19], $0x1400  }
0x10a: {  	[sflag:s19] =	ssyncset.done $0x0  }
0x10b: {  	[sflag:s19] =	ssyncadd.s32 $0xFFFFEC00  }
0x10c: {  	s1 =	simm.s32 $0x0;
	[bflag:$0x0] =	sbarrier.arrive $0xFFFF  }
0x10d: {  	[tilespmem:s22], [sflag:$0x1] =	stream.indirect.gather [hbm4b:s4+s21], $0x80, s1, s21, $0xb8;
	[tilespmem:$0x1E800] =	vst v63  }
0x10e: {  	s31 =	simm.s32 $0x80  }
0x10f: {  	[tilespmem:s23], [sflag:$0x2] =	stream.indirect.gather [hbm4b:s4+s21], $0x80, s31, s21, $0xb8;
	[tilespmem:$0x1E800] =	vst v63  }
0x110: {  	_ =	swait.ge [sflag:s24], $0x4000  }
0x111: {  	[sflag:s24] =	ssyncset.done $0x0  }
0x112: {  	s1 =	simm.s32 $0x1400;
	[sflag:s24] =	ssyncadd.s32 $0xFFFFC000  }
0x113: {  	[spmem:s2] =	stream.indirect.scatter.add.f32 [tilespmem:s22], [sflag:$0x3], $0x80, s1, s21, $0xb8;
	[tilespmem:$0x1E800] =	vst v63  }
0x114: {  	_ =	swait.ge [sflag:s25], $0x4000  }
0x115: {  	[sflag:s25] =	ssyncset.done $0x0  }
0x116: {  	s31 =	simm.s32 $0x1480;
	[sflag:s25] =	ssyncadd.s32 $0xFFFFC000  }
0x117: {  	[spmem:s2] =	stream.indirect.scatter.add.f32 [tilespmem:s23], [sflag:$0x4], $0x80, s31, s21, $0xb8;
	[tilespmem:$0x1E800] =	vst v63  }
0x118: {  	_ =	swait.ge [sflag:s26], $0x4000  }
0x119: {  	[sflag:s26] =	ssyncset.done $0x0  }
0x11a: {  	s1 =	simm.s32 $0x100;
	[sflag:s26] =	ssyncadd.s32 $0xFFFFC000  }
0x11b: {  	[tilespmem:s22], [sflag:$0x1] =	stream.indirect.gather [hbm4b:s4+s21], $0x80, s1, s21, $0xb8;
	[tilespmem:$0x1E800] =	vst v63  }
0x11c: {  	_ =	swait.ge [sflag:s28], $0x4000  }
0x11d: {  	[sflag:s28] =	ssyncset.done $0x0  }
0x11e: {  	s31 =	simm.s32 $0x180;
	[sflag:s28] =	ssyncadd.s32 $0xFFFFC000  }
0x11f: {  	[tilespmem:s23], [sflag:$0x2] =	stream.indirect.gather [hbm4b:s4+s21], $0x80, s31, s21, $0xb8;
	[tilespmem:$0x1E800] =	vst v63  }
0x120: {  	_ =	swait.ge [sflag:s24], $0x4000  }
0x121: {  	[sflag:s24] =	ssyncset.done $0x0  }
0x122: {  	s1 =	simm.s32 $0x1500;
	[sflag:s24] =	ssyncadd.s32 $0xFFFFC000  }
0x123: {  	[spmem:s2] =	stream.indirect.scatter.add.f32 [tilespmem:s22], [sflag:$0x3], $0x80, s1, s21, $0xb8;
	[tilespmem:$0x1E800] =	vst v63  }
0x124: {  	_ =	swait.ge [sflag:s25], $0x4000  }
0x125: {  	[sflag:s25] =	ssyncset.done $0x0  }
0x126: {  	s31 =	simm.s32 $0x1580;
	[sflag:s25] =	ssyncadd.s32 $0xFFFFC000  }
0x127: {  	[spmem:s2] =	stream.indirect.scatter.add.f32 [tilespmem:s23], [sflag:$0x4], $0x80, s31, s21, $0xb8;
	[tilespmem:$0x1E800] =	vst v63  }
0x128: {  	_ =	swait.ge [sflag:s26], $0x4000  }
0x129: {  	[sflag:s26] =	ssyncset.done $0x0  }
0x12a: {  	[sflag:s26] =	ssyncadd.s32 $0xFFFFC000  }
0x12b: {  	_ =	swait.ge [sflag:s28], $0x4000  }
0x12c: {  	s30 =	simm.s32 $0x800;
	s0 =	simm.s32 $0x1000;
	[sflag:s28] =	ssyncset.done $0x0  }
.LBB2_6:
0x12d: {  	s1 =	sshra.s32 s30, $0x2  }
0x12e: {  	[sflag:s28] =	ssyncadd.s32 $0xFFFFC000;
	s30 =	smov.u32 s0;
	s31 =	sadd.s32 $0x800, s0  }
0x12f: {  	[tilespmem:s22], [sflag:$0x1] =	stream.indirect.gather [hbm4b:s4+s21], $0x80, s1, s21, $0xb8;
	[tilespmem:$0x1E800] =	vst v63  }
0x130: {  	p0 =	sne.s32 s0, $0x4800;
	s0 =	sadd.s32 $0x80, s1  }
0x131: {  	[tilespmem:s23], [sflag:$0x2] =	stream.indirect.gather [hbm4b:s4+s21], $0x80, s0, s21, $0xb8;
	[tilespmem:$0x1E800] =	vst v63  }
0x132: {  	_ =	swait.ge [sflag:s24], $0x4000  }
0x133: {  	[sflag:s24] =	ssyncset.done $0x0  }
0x134: {  	s0 =	sadd.s32 $0x1400, s1;
	[sflag:s24] =	ssyncadd.s32 $0xFFFFC000  }
0x135: {  	[spmem:s2] =	stream.indirect.scatter.add.f32 [tilespmem:s22], [sflag:$0x3], $0x80, s0, s21, $0xb8;
	[tilespmem:$0x1E800] =	vst v63  }
0x136: {  	_ =	swait.ge [sflag:s25], $0x4000  }
0x137: {  	[sflag:s25] =	ssyncset.done $0x0  }
0x138: {  	s0 =	sadd.s32 $0x1480, s1;
	[sflag:s25] =	ssyncadd.s32 $0xFFFFC000  }
0x139: {  	[spmem:s2] =	stream.indirect.scatter.add.f32 [tilespmem:s23], [sflag:$0x4], $0x80, s0, s21, $0xb8;
	[tilespmem:$0x1E800] =	vst v63  }
0x13a: {  	_ =	swait.ge [sflag:s26], $0x4000  }
0x13b: {  	[sflag:s26] =	ssyncset.done $0x0  }
0x13c: {  	s0 =	sadd.s32 $0x100, s1;
	[sflag:s26] =	ssyncadd.s32 $0xFFFFC000  }
0x13d: {  	[tilespmem:s22], [sflag:$0x1] =	stream.indirect.gather [hbm4b:s4+s21], $0x80, s0, s21, $0xb8;
	[tilespmem:$0x1E800] =	vst v63  }
0x13e: {  	_ =	swait.ge [sflag:s28], $0x4000  }
0x13f: {  	[sflag:s28] =	ssyncset.done $0x0  }
0x140: {  	s0 =	sadd.s32 $0x180, s1;
	[sflag:s28] =	ssyncadd.s32 $0xFFFFC000  }
0x141: {  	[tilespmem:s23], [sflag:$0x2] =	stream.indirect.gather [hbm4b:s4+s21], $0x80, s0, s21, $0xb8;
	[tilespmem:$0x1E800] =	vst v63  }
0x142: {  	_ =	swait.ge [sflag:s24], $0x4000  }
0x143: {  	[sflag:s24] =	ssyncset.done $0x0  }
0x144: {  	s0 =	sadd.s32 $0x1500, s1;
	[sflag:s24] =	ssyncadd.s32 $0xFFFFC000  }
0x145: {  	[spmem:s2] =	stream.indirect.scatter.add.f32 [tilespmem:s22], [sflag:$0x3], $0x80, s0, s21, $0xb8;
	[tilespmem:$0x1E800] =	vst v63  }
0x146: {  	_ =	swait.ge [sflag:s25], $0x4000  }
0x147: {  	[sflag:s25] =	ssyncset.done $0x0  }
0x148: {  	s0 =	sadd.s32 $0x1580, s1;
	[sflag:s25] =	ssyncadd.s32 $0xFFFFC000  }
0x149: {  	[spmem:s2] =	stream.indirect.scatter.add.f32 [tilespmem:s23], [sflag:$0x4], $0x80, s0, s21, $0xb8;
	[tilespmem:$0x1E800] =	vst v63  }
.Ltmp2:
0x14a: {  	_ =	swait.ge [sflag:s26], $0x4000;
	(pc) =	sbr.rel @p0 .LBB2_6-.Ltmp2, $4  }
0x14b: {  	[sflag:s26] =	ssyncset.done $0x0  }
0x14c: {  	[sflag:s26] =	ssyncadd.s32 $0xFFFFC000  }
0x14d: {  	_ =	swait.ge [sflag:s28], $0x4000  }
0x14e: {  	s0 =	smov.u32 s31;
	[sflag:s28] =	ssyncset.done $0x0  }
0x14f: {  	s0 =	sshra.s32 s30, $0x2;
	[sflag:s28] =	ssyncadd.s32 $0xFFFFC000  }
0x150: {  	[tilespmem:s22], [sflag:$0x1] =	stream.indirect.gather [hbm4b:s4+s21], $0x80, s0, s21, $0xb8;
	[tilespmem:$0x1E800] =	vst v63  }
0x151: {  	s1 =	sadd.s32 $0x80, s0  }
0x152: {  	[tilespmem:s23], [sflag:$0x2] =	stream.indirect.gather [hbm4b:s4+s21], $0x80, s1, s21, $0xb8;
	[tilespmem:$0x1E800] =	vst v63  }
0x153: {  	_ =	swait.ge [sflag:s24], $0x4000  }
0x154: {  	[sflag:s24] =	ssyncset.done $0x0  }
0x155: {  	s31 =	sadd.s32 $0x1400, s0;
	[sflag:s24] =	ssyncadd.s32 $0xFFFFC000  }
0x156: {  	[spmem:s2] =	stream.indirect.scatter.add.f32 [tilespmem:s22], [sflag:$0x3], $0x80, s31, s21, $0xb8;
	[tilespmem:$0x1E800] =	vst v63  }
0x157: {  	_ =	swait.ge [sflag:s25], $0x4000  }
0x158: {  	[sflag:s25] =	ssyncset.done $0x0  }
0x159: {  	s30 =	sadd.s32 $0x1480, s0;
	[sflag:s25] =	ssyncadd.s32 $0xFFFFC000  }
0x15a: {  	[spmem:s2] =	stream.indirect.scatter.add.f32 [tilespmem:s23], [sflag:$0x4], $0x80, s30, s21, $0xb8;
	[tilespmem:$0x1E800] =	vst v63  }
0x15b: {  	_ =	swait.ge [sflag:s26], $0x4000  }
0x15c: {  	[sflag:s26] =	ssyncset.done $0x0  }
0x15d: {  	s31 =	sadd.s32 $0x100, s0;
	[sflag:s26] =	ssyncadd.s32 $0xFFFFC000  }
0x15e: {  	[tilespmem:s22], [sflag:$0x1] =	stream.indirect.gather [hbm4b:s4+s21], $0x80, s31, s21, $0xb8;
	[tilespmem:$0x1E800] =	vst v63  }
0x15f: {  	_ =	swait.ge [sflag:s28], $0x4000  }
0x160: {  	[sflag:s28] =	ssyncset.done $0x0  }
0x161: {  	s30 =	sadd.s32 $0x180, s0;
	[sflag:s28] =	ssyncadd.s32 $0xFFFFC000  }
0x162: {  	[tilespmem:s23], [sflag:$0x2] =	stream.indirect.gather [hbm4b:s4+s21], $0x80, s30, s21, $0xb8;
	[tilespmem:$0x1E800] =	vst v63  }
0x163: {  	_ =	swait.ge [sflag:s24], $0x4000  }
0x164: {  	[sflag:s24] =	ssyncset.done $0x0  }
0x165: {  	s31 =	sadd.s32 $0x1500, s0;
	[sflag:s24] =	ssyncadd.s32 $0xFFFFC000  }
0x166: {  	[spmem:s2] =	stream.indirect.scatter.add.f32 [tilespmem:s22], [sflag:$0x3], $0x80, s31, s21, $0xb8;
	[tilespmem:$0x1E800] =	vst v63  }
0x167: {  	_ =	swait.ge [sflag:s25], $0x4000  }
0x168: {  	[sflag:s25] =	ssyncset.done $0x0  }
0x169: {  	s0 =	sadd.s32 $0x1580, s0;
	[sflag:s25] =	ssyncadd.s32 $0xFFFFC000  }
0x16a: {  	[spmem:s2] =	stream.indirect.scatter.add.f32 [tilespmem:s23], [sflag:$0x4], $0x80, s0, s21, $0xb8;
	[tilespmem:$0x1E800] =	vst v63  }
0x16b: {  	_ =	swait.ge [sflag:s26], $0x4000  }
0x16c: {  	[sflag:s26] =	ssyncset.done $0x0  }
0x16d: {  	[sflag:s26] =	ssyncadd.s32 $0xFFFFC000  }
0x16e: {  	_ =	swait.ge [sflag:s28], $0x4000  }
0x16f: {  	s29 =	sadd.s32 $0x1, s29;
	[sflag:s28] =	ssyncset.done $0x0  }
0x170: {  	p0 =	sne.s32 s29, s17;
	[sflag:s28] =	ssyncadd.s32 $0xFFFFC000  }
.Ltmp3:
0x171: {  	[bflag:$0x0] =	sbarrier.arrive $0xFFFF;
	(pc) =	sbr.rel @p0 .LBB2_1-.Ltmp3, $4  }
0x172: {  	[hbm:s16], [sflag:s7] =	dma.local [spmem:s18], $0x2800  }
0x173: {  	_ =	swait.ge [sflag:s19], $0x2800  }
0x174: {  	[sflag:s19] =	ssyncset.done $0x0  }
0x175: {  	[sflag:s19] =	ssyncadd.s32 $0xFFFFD800  }
0x176: {  	_ =	sfence.sel $0x180000  }
0x177: {  	[bflag:$0x0] =	sbarrier.arrive $0xFFFF  }
0x178: {  	_ =	strace $0x9000004D  }
0x179: {  	s0 =	stileid.u32;
	[bflag:$0x2] =	sbarrier.arrive $0xFFFF  }
0x17a: {  	p0 =	sne.s32 s0, $0x0;
	s0 =	rddreg [dreg:$0x2]  }
0x17b: {  	s0 =	sadd.s32 @!p0 $0x100000, s0  }
0x17c: {  	[sflag:s0] =	ssyncadd.tile.s32 @!p0 $0x1;
	_ =	shalt  }
.Lfunc_end2:
_tile_overlayer_lowered:
.L_overlay_start_2:
0x17d: {  	(tag) =	ssettag $0x2  }
0x17e: {  	s0 =	rddreg [dreg:$0x0];
	s2 =	stileid.u32  }
0x17f: {  	s1 =	rddreg [dreg:$0x1];
	p0 =	sne.s32 s2, $0x0  }
0x180: {  	s3 =	rddreg [dreg:$0x2];
	[bflag:$0x3] =	sbarrier.arrive $0xFFFF;
	s2 =	simm.s32 @!p0 $0x1C05  }
0x181: {  	[timem:s3], [sflag:s2] =	dma.local @!p0 [hbm:s0], s1  }
0x182: {  	s0 =	simm.s32 @!p0 $0x5  }
0x183: {  	_ =	swait.ge @!p0 [sflag:s0], s1  }
0x184: {  	s1 =	ssub.s32 @!p0 $0x0, s1;
	[sflag:s0] =	ssyncset.done @!p0 $0x0  }
0x185: {  	[sflag:s0] =	ssyncadd.s32 @!p0 s1  }
0x186: {  	[bflag:$0x3] =	sbarrier.arrive $0xFFFF  }
0x187: {  	_ =	shalt  }

</sc_bundles>
